<compile_context>
chip_gen: v7x
topology: tpu7x:2x2x1
jax: 0.10.2.dev20260603
libtpu: 0.0.44.dev20260713+nightly
codegen_flags: <defaults>
</compile_context>

<pallas_src>
import functools

import jax
import jax.numpy as jnp
from jax import lax
from jax.experimental import pallas as pl
from jax.experimental.pallas import tpu as pltpu
from jax.experimental.pallas import tpu_sc as plsc

B, C, N, K = 8, 64, 2048, 20
OUT = 64
MID = 16
EPS = 1e-5
NEG = 0.2
PTS = B * N
M_EDGES = PTS * K
HN = N // 2
PK = PTS // 2

NC, NS, L = 2, 16, 16
NW = NC * NS
PPW = PTS // NW
CP = 32
NCH = PPW // CP
RPC = CP * K
GW = 128
NSUB = RPC // GW
CVECS = OUT // L



def _proj_body(x_ref, wa_ref, wd_ref, p_ref, q_ref):
    xb = x_ref[0]
    dn = (((0,), (1,)), ((), ()))
    pb = lax.dot_general(xb, wa_ref[...], dn,
                         preferred_element_type=jnp.float32)
    qb = lax.dot_general(xb, wd_ref[...], dn,
                         preferred_element_type=jnp.float32)
    p_ref[...] = jnp.concatenate(
        [lax.slice(pb, (0, 0), (HN, OUT)),
         lax.slice(pb, (HN, 0), (N, OUT))], axis=1)
    q_ref[...] = jnp.concatenate(
        [lax.slice(qb, (0, 0), (HN, OUT)),
         lax.slice(qb, (HN, 0), (N, OUT))], axis=1)


def _project(x, wa, wd):
    return pl.pallas_call(
        _proj_body,
        grid=(B,),
        in_specs=[
            pl.BlockSpec((1, C, N), lambda b: (b, 0, 0)),
            pl.BlockSpec((OUT, C), lambda b: (0, 0)),
            pl.BlockSpec((OUT, C), lambda b: (0, 0)),
        ],
        out_specs=[
            pl.BlockSpec((HN, 2 * OUT), lambda b: (b, 0)),
            pl.BlockSpec((HN, 2 * OUT), lambda b: (b, 0)),
        ],
        out_shape=[
            jax.ShapeDtypeStruct((PK, 2 * OUT), jnp.float32),
            jax.ShapeDtypeStruct((PK, 2 * OUT), jnp.float32),
        ],
    )(x, wa, wd)



def _sc_body(p_hbm, idx_hbm, mx_hbm, s_hbm, ssw_hbm,
             idx_v, rows_v, mx_v, s_v, ss_acc, sem0, sem1):
    wid = lax.axis_index("s") * NC + lax.axis_index("c")
    sems = (sem0, sem1)
    for c in range(CVECS):
        ss_acc[0, pl.ds(c * L, L)] = jnp.zeros((L,), jnp.float32)

    def fire(ci, buf):
        pltpu.sync_copy(idx_hbm.at[wid * NCH + ci], idx_v.at[buf])
        for j in range(NSUB):
            pltpu.async_copy(p_hbm.at[idx_v.at[buf, j]],
                             rows_v.at[buf, pl.ds(j * GW, GW)], sems[buf])

    def drain(buf):
        pltpu.make_async_copy(p_hbm.at[pl.ds(0, RPC)],
                              rows_v.at[buf], sems[buf]).wait()

    def compute(ci, buf):
        pk0 = wid * (PPW // 2) + ci * (CP // 2)

        def pt(p2, carry):
            r0 = p2 * (2 * K)
            mxa = [None] * CVECS
            saa = [None] * CVECS
            mxb = [None] * CVECS
            sab = [None] * CVECS
            qa = list(carry)
            for c in range(CVECS):
                va = rows_v[buf, r0, pl.ds(c * L, L)]
                vb = rows_v[buf, r0 + K, pl.ds(c * L, L)]
                mxa[c] = va
                saa[c] = va
                mxb[c] = vb
                sab[c] = vb
                qa[c] = qa[c] + va * va + vb * vb
            for k in range(1, K):
                for c in range(CVECS):
                    va = rows_v[buf, r0 + k, pl.ds(c * L, L)]
                    vb = rows_v[buf, r0 + K + k, pl.ds(c * L, L)]
                    mxa[c] = jnp.maximum(mxa[c], va)
                    saa[c] = saa[c] + va
                    mxb[c] = jnp.maximum(mxb[c], vb)
                    sab[c] = sab[c] + vb
                    qa[c] = qa[c] + va * va + vb * vb
            for c in range(CVECS):
                mx_v[p2, pl.ds(c * L, L)] = mxa[c]
                mx_v[p2, pl.ds(OUT + c * L, L)] = mxb[c]
                s_v[p2, pl.ds(c * L, L)] = saa[c]
                s_v[p2, pl.ds(OUT + c * L, L)] = sab[c]
            return tuple(qa)

        acc = lax.fori_loop(
            0, CP // 2, pt, tuple(jnp.zeros((L,), jnp.float32)
                                  for _ in range(CVECS)))
        for c in range(CVECS):
            ss_acc[0, pl.ds(c * L, L)] = ss_acc[0, pl.ds(c * L, L)] + acc[c]
        pltpu.sync_copy(mx_v, mx_hbm.at[pl.ds(pk0, CP // 2)])
        pltpu.sync_copy(s_v, s_hbm.at[pl.ds(pk0, CP // 2)])

    fire(0, 0)

    def body2(m, carry):
        ci = m * 2
        drain(0)
        fire(ci + 1, 1)
        compute(ci, 0)
        drain(1)

        @pl.when(ci + 2 < NCH)
        def _fire_next():
            fire(ci + 2, 0)

        compute(ci + 1, 1)
        return carry

    lax.fori_loop(0, NCH // 2, body2, 0)
    pltpu.sync_copy(ss_acc, ssw_hbm.at[pl.ds(wid, 1)])


@functools.lru_cache(maxsize=1)
def _sc_gather_reduce():
    mesh = plsc.VectorSubcoreMesh(core_axis_name="c", subcore_axis_name="s",
                                  num_cores=NC, num_subcores=NS)
    return pl.kernel(
        _sc_body,
        out_type=(
            jax.ShapeDtypeStruct((PK, 2 * OUT), jnp.float32),
            jax.ShapeDtypeStruct((PK, 2 * OUT), jnp.float32),
            jax.ShapeDtypeStruct((NW, OUT), jnp.float32),
        ),
        mesh=mesh,
        scratch_types=[
            pltpu.VMEM((2, NSUB, GW), jnp.int32),
            pltpu.VMEM((2, RPC, OUT), jnp.float32),
            pltpu.VMEM((CP // 2, 2 * OUT), jnp.float32),
            pltpu.VMEM((CP // 2, 2 * OUT), jnp.float32),
            pltpu.VMEM((1, OUT), jnp.float32),
            pltpu.SemaphoreType.DMA,
            pltpu.SemaphoreType.DMA,
        ],
        compiler_params=pltpu.CompilerParams(use_tc_tiling_on_sc=False),
    )




def _fold(v):
    return (lax.slice(v, (0, 0), (1, OUT))
            + lax.slice(v, (0, OUT), (1, 2 * OUT)))


def _fin_body(q_ref, mx_ref, s_ref, ssw_ref, g_ref, b_ref, w1_ref, w2_ref,
              eye_ref, o_ref):
    q = q_ref[...]
    s = s_ref[...]
    sum_s = _fold(jnp.sum(s, axis=0, keepdims=True))
    sum_ss = jnp.sum(ssw_ref[...], axis=0, keepdims=True)
    cross = _fold(jnp.sum(s * q, axis=0, keepdims=True))
    sum_q = _fold(jnp.sum(q, axis=0, keepdims=True))
    sum_qq = _fold(jnp.sum(q * q, axis=0, keepdims=True))
    inv = 1.0 / M_EDGES
    mean = (sum_s + K * sum_q) * inv
    e2 = (sum_ss + 2.0 * cross + K * sum_qq) * inv
    var = e2 - mean * mean
    scale = g_ref[...] * lax.rsqrt(var + EPS)
    shift = b_ref[...] - mean * scale
    scale2 = jnp.concatenate([scale, scale], axis=1)
    shift2 = jnp.concatenate([shift, shift], axis=1)
    act = (q + mx_ref[...]) * scale2 + shift2
    act = jnp.where(act >= 0, act, NEG * act)

    dn = (((1,), (1,)), ((), ()))
    wm = jnp.concatenate(
        [_fold(jnp.sum(lax.slice(act, (b * HN, 0), ((b + 1) * HN, 2 * OUT)),
                       axis=0, keepdims=True)) * (1.0 / N)
         for b in range(B)], axis=0)
    h1 = jnp.maximum(
        lax.dot_general(wm, w1_ref[...], dn,
                        preferred_element_type=jnp.float32), 0.0)
    gate = jax.nn.sigmoid(
        lax.dot_general(h1, w2_ref[...], dn,
                        preferred_element_type=jnp.float32))
    gate2 = jnp.concatenate([gate, gate], axis=1)
    eye = eye_ref[...]
    for b in range(B):
        ab = lax.slice(act, (b * HN, 0), ((b + 1) * HN, 2 * OUT))
        gb = lax.slice(gate2, (b, 0), (b + 1, 2 * OUT))
        t = lax.dot_general(eye, ab * gb, dn,
                            preferred_element_type=jnp.float32)
        o_ref[b] = jnp.concatenate(
            [lax.slice(t, (0, 0), (OUT, HN)),
             lax.slice(t, (OUT, 0), (2 * OUT, HN))], axis=1)


def _finalize(q2, mx2, s2, ssw, gamma, beta, w1, w2, eye):
    return pl.pallas_call(
        _fin_body,
        out_shape=jax.ShapeDtypeStruct((B, OUT, N), jnp.float32),
    )(q2, mx2, s2, ssw, gamma, beta, w1, w2, eye)




def kernel(x, idx, W_conv, bn_gamma, bn_beta, W1, W2):
    wa = W_conv[:, :C]
    wd = W_conv[:, C:] - wa
    p2, q2 = _project(x, wa, wd)
    offs = (jnp.arange(B, dtype=jnp.int32) * N).reshape(B, 1, 1)
    idxi = idx.astype(jnp.int32)
    idxr = 2 * (idxi & (HN - 1)) + (idxi >> 10) + offs
    idx_sc = idxr.reshape(B, 2, HN, K).transpose(0, 2, 1, 3)
    idx2 = idx_sc.reshape(NW * NCH, NSUB, GW)
    mx2, s2, ssw = _sc_gather_reduce()(p2.reshape(PTS, OUT), idx2)
    return _finalize(q2, mx2, s2, ssw,
                     bn_gamma.reshape(1, OUT), bn_beta.reshape(1, OUT),
                     W1, W2, jnp.eye(2 * OUT, dtype=jnp.float32))

# --- scband reference (transcript-rebuilt; emitter-appended) ---
"""Pipeline reference for scband-edge-conv-88450556494199 (READ-ONLY COPY).

The authoritative reference and input builder live on the scoring server;
editing this copy changes nothing except your own understanding.
"""

import jax, jax.numpy as jnp
import numpy as np

B, C, N, K = 8, 64, 2048, 20
OUT_CH = 64
MID = max(OUT_CH // 4, 8)  # SE hidden dim = 16
EPS = 1e-5
NEG_SLOPE = 0.2


def setup_inputs(seed: int = 0) -> dict:
    key = jax.random.key(seed)
    k1, k2, k3, k4, k5 = jax.random.split(key, 5)
    x = jax.random.normal(k1, (B, C, N), dtype=jnp.float32)
    idx = jax.random.randint(k2, (B, N, K), 0, N, dtype=jnp.int64)
    W_conv = jax.random.normal(k3, (OUT_CH, 2 * C), dtype=jnp.float32) * 0.05
    bn_gamma = jnp.ones((OUT_CH,), dtype=jnp.float32)
    bn_beta = jnp.zeros((OUT_CH,), dtype=jnp.float32)
    W1 = jax.random.normal(k4, (MID, OUT_CH), dtype=jnp.float32) * 0.1
    W2 = jax.random.normal(k5, (OUT_CH, MID), dtype=jnp.float32) * 0.1
    return {"x": x, "idx": idx, "W_conv": W_conv, "bn_gamma": bn_gamma,
            "bn_beta": bn_beta, "W1": W1, "W2": W2}


def reference(x, idx, W_conv, bn_gamma, bn_beta, W1, W2):
    b, c, n = x.shape
    k = idx.shape[-1]
    # _build_edge_features: gather neighbors, cat(x_j - x_i, x_i)
    offset = (jnp.arange(b, dtype=idx.dtype) * n).reshape(b, 1, 1)
    idx_flat = (idx + offset).reshape(-1)
    x_t = jnp.transpose(x, (0, 2, 1)).reshape(b * n, c)       # (B*N, C)
    neighbors = jnp.take(x_t, idx_flat, axis=0).reshape(b, n, k, c)
    center = x_t.reshape(b, n, c)[:, :, None, :]               # (B, N, 1, C)
    center = jnp.broadcast_to(center, (b, n, k, c))
    feat = jnp.concatenate([neighbors - center, center], axis=-1)  # (B, N, K, 2C)
    # 1x1 Conv2d (no bias): channel matmul
    h = feat @ W_conv.T                                        # (B, N, K, OUT_CH)
    # BatchNorm2d in training mode: batch stats over (B, N, K)
    mean = jnp.mean(h, axis=(0, 1, 2))
    var = jnp.var(h, axis=(0, 1, 2))
    h = (h - mean) / jnp.sqrt(var + EPS) * bn_gamma + bn_beta
    # LeakyReLU(0.2)
    h = jnp.where(h >= 0, h, NEG_SLOPE * h)
    # max over neighbors
    out = jnp.max(h, axis=2)                                   # (B, N, OUT_CH)
    # SEBlock: squeeze over points, FC gates
    w = jnp.mean(out, axis=1)                                  # (B, OUT_CH)
    w = jnp.maximum(w @ W1.T, 0.0)                             # (B, MID)
    w = jax.nn.sigmoid(w @ W2.T)                               # (B, OUT_CH)
    out = out * w[:, None, :]
    return jnp.transpose(out, (0, 2, 1))                       # (B, OUT_CH, N)

if __name__ == "__main__":
    import jax
    _d = setup_inputs()
    print(jax.jit(kernel)(*tuple(_d.values())))

</pallas_src>

<mosaic_0001>
#map = affine_map<(d0, d1) -> (0, 0)>
#map1 = affine_map<(d0, d1) -> (0, 0, 0)>
module attributes {stable_mosaic.version = 14 : i64} {
  func.func @_sc_body(%arg0: i32, %arg1: i32, %arg2: memref<16384x64xf32, #tpu.memory_space<hbm>>, %arg3: memref<512x5x128xi32, #tpu.memory_space<hbm>>, %arg4: memref<8192x128xf32, #tpu.memory_space<hbm>>, %arg5: memref<8192x128xf32, #tpu.memory_space<hbm>>, %arg6: memref<32x64xf32, #tpu.memory_space<hbm>>, %arg7: memref<2x5x128xi32, #tpu.memory_space<vmem>>, %arg8: memref<2x640x64xf32, #tpu.memory_space<vmem>>, %arg9: memref<16x128xf32, #tpu.memory_space<vmem>>, %arg10: memref<16x128xf32, #tpu.memory_space<vmem>>, %arg11: memref<1x64xf32, #tpu.memory_space<vmem>>, %arg12: memref<!tpu.dma_semaphore, #tpu.memory_space<semaphore_mem>>, %arg13: memref<!tpu.dma_semaphore, #tpu.memory_space<semaphore_mem>>) attributes {dimension_semantics = [#tpu.dimension_semantics<core_parallel>, #tpu.dimension_semantics<subcore_parallel>], iteration_bounds = array<i64: 2, 16>, scalar_prefetch = 0 : i64, scratch_operands = 7 : i64, tpu.core_type = #tpu.core_type<sc_vector_subcore>, window_params = [{transform_indices = #map}, {transform_indices = #map1}, {transform_indices = #map}, {transform_indices = #map}, {transform_indices = #map}]} {
    %mul3A = arith.constant 2 : i32
    %mul3A_0 = arith.muli %arg1, %mul3A : i32
    %add3A = arith.addi %mul3A_0, %arg0 : i32
    %broadcast_in_dim3A = arith.constant 0.000000e+00 : f32
    %broadcast_in_dim3A_1 = vector.broadcast %broadcast_in_dim3A : f32 to vector<16xf32>
    %swap3A = arith.constant 0 : i32
    %swap3A_2 = arith.index_cast %swap3A : i32 to index
    %swap3A_3 = arith.constant 0 : index
    %swap3A_4 = tpu.vector_load %arg11[%swap3A_2, %swap3A_3] {strides = array<i32>} : memref<1x64xf32, #tpu.memory_space<vmem>>, vector<1x16xf32>,
    %swap3A_5 = vector.shape_cast %swap3A_4 : vector<1x16xf32> to vector<16xf32>
    %swap3A_6 = vector.shape_cast %broadcast_in_dim3A_1 : vector<16xf32> to vector<1x16xf32>
    tpu.vector_store %arg11[%swap3A_2, %swap3A_3], %swap3A_6 {strides = array<i32>} : memref<1x64xf32, #tpu.memory_space<vmem>>, vector<1x16xf32>,
    %broadcast_in_dim3A_7 = arith.constant 0.000000e+00 : f32
    %broadcast_in_dim3A_8 = vector.broadcast %broadcast_in_dim3A_7 : f32 to vector<16xf32>
    %swap3A_9 = arith.constant 0 : i32
    %swap3A_10 = arith.index_cast %swap3A_9 : i32 to index
    %swap3A_11 = arith.constant 16 : index
    %swap3A_12 = tpu.vector_load %arg11[%swap3A_10, %swap3A_11] {strides = array<i32>} : memref<1x64xf32, #tpu.memory_space<vmem>>, vector<1x16xf32>,
    %swap3A_13 = vector.shape_cast %swap3A_12 : vector<1x16xf32> to vector<16xf32>
    %swap3A_14 = vector.shape_cast %broadcast_in_dim3A_8 : vector<16xf32> to vector<1x16xf32>
    tpu.vector_store %arg11[%swap3A_10, %swap3A_11], %swap3A_14 {strides = array<i32>} : memref<1x64xf32, #tpu.memory_space<vmem>>, vector<1x16xf32>,
    %broadcast_in_dim3A_15 = arith.constant 0.000000e+00 : f32
    %broadcast_in_dim3A_16 = vector.broadcast %broadcast_in_dim3A_15 : f32 to vector<16xf32>
    %swap3A_17 = arith.constant 0 : i32
    %swap3A_18 = arith.index_cast %swap3A_17 : i32 to index
    %swap3A_19 = arith.constant 32 : index
    %swap3A_20 = tpu.vector_load %arg11[%swap3A_18, %swap3A_19] {strides = array<i32>} : memref<1x64xf32, #tpu.memory_space<vmem>>, vector<1x16xf32>,
    %swap3A_21 = vector.shape_cast %swap3A_20 : vector<1x16xf32> to vector<16xf32>
    %swap3A_22 = vector.shape_cast %broadcast_in_dim3A_16 : vector<16xf32> to vector<1x16xf32>
    tpu.vector_store %arg11[%swap3A_18, %swap3A_19], %swap3A_22 {strides = array<i32>} : memref<1x64xf32, #tpu.memory_space<vmem>>, vector<1x16xf32>,
    %broadcast_in_dim3A_23 = arith.constant 0.000000e+00 : f32
    %broadcast_in_dim3A_24 = vector.broadcast %broadcast_in_dim3A_23 : f32 to vector<16xf32>
    %swap3A_25 = arith.constant 0 : i32
    %swap3A_26 = arith.index_cast %swap3A_25 : i32 to index
    %swap3A_27 = arith.constant 48 : index
    %swap3A_28 = tpu.vector_load %arg11[%swap3A_26, %swap3A_27] {strides = array<i32>} : memref<1x64xf32, #tpu.memory_space<vmem>>, vector<1x16xf32>,
    %swap3A_29 = vector.shape_cast %swap3A_28 : vector<1x16xf32> to vector<16xf32>
    %swap3A_30 = vector.shape_cast %broadcast_in_dim3A_24 : vector<16xf32> to vector<1x16xf32>
    tpu.vector_store %arg11[%swap3A_26, %swap3A_27], %swap3A_30 {strides = array<i32>} : memref<1x64xf32, #tpu.memory_space<vmem>>, vector<1x16xf32>,
    %mul3A_31 = arith.constant 16 : i32
    %mul3A_32 = arith.muli %add3A, %mul3A_31 : i32
    %add3A_33 = arith.constant 0 : i32
    %add3A_34 = arith.addi %mul3A_32, %add3A_33 : i32
    %run_scoped3A = arith.constant 0 : i32
    "tpu.region"() ({
      %run_scoped3A_104 = tpu.sem_alloc : memref<!tpu.dma_semaphore, #tpu.memory_space<semaphore_mem>>
      %dma_start3A_105 = arith.constant 0 : i32
      %dma_start3A_106 = arith.constant 0 : i32
      %dma_start3A_107 = tpu.memref_slice %arg7[%run_scoped3A, %dma_start3A_105, %dma_start3A_106] : memref<2x5x128xi32, #tpu.memory_space<vmem>> -> memref<1x5x128xi32, #tpu.memory_space<vmem>>
      %dma_start3A_108 = tpu.memref_squeeze %dma_start3A_107 : memref<1x5x128xi32, #tpu.memory_space<vmem>> -> memref<5x128xi32, #tpu.memory_space<vmem>>
      %dma_start3A_109 = arith.constant 0 : i32
      %dma_start3A_110 = arith.constant 0 : i32
      %dma_start3A_111 = tpu.memref_slice %arg3[%add3A_34, %dma_start3A_109, %dma_start3A_110] : memref<512x5x128xi32, #tpu.memory_space<hbm>> -> memref<1x5x128xi32, #tpu.memory_space<hbm>>
      %dma_start3A_112 = tpu.memref_squeeze %dma_start3A_111 : memref<1x5x128xi32, #tpu.memory_space<hbm>> -> memref<5x128xi32, #tpu.memory_space<hbm>>
      %dma_start3A_113 = arith.constant 0 : i32
      %dma_start3A_114 = arith.constant 0 : i32
      %dma_start3A_115 = tpu.memref_slice %arg7[%run_scoped3A, %dma_start3A_113, %dma_start3A_114] : memref<2x5x128xi32, #tpu.memory_space<vmem>> -> memref<1x5x128xi32, #tpu.memory_space<vmem>>
      %dma_start3A_116 = tpu.memref_squeeze %dma_start3A_115 : memref<1x5x128xi32, #tpu.memory_space<vmem>> -> memref<5x128xi32, #tpu.memory_space<vmem>>
      %dma_start3A_117 = arith.constant 0 : i32
      %dma_start3A_118 = arith.constant 0 : i32
      %dma_start3A_119 = tpu.memref_slice %arg3[%add3A_34, %dma_start3A_117, %dma_start3A_118] : memref<512x5x128xi32, #tpu.memory_space<hbm>> -> memref<1x5x128xi32, #tpu.memory_space<hbm>>
      %dma_start3A_120 = tpu.memref_squeeze %dma_start3A_119 : memref<1x5x128xi32, #tpu.memory_space<hbm>> -> memref<5x128xi32, #tpu.memory_space<hbm>>
      tpu.enqueue_dma source(%dma_start3A_120 : memref<5x128xi32, #tpu.memory_space<hbm>>) target(%dma_start3A_116 : memref<5x128xi32, #tpu.memory_space<vmem>>) target_semaphore(%run_scoped3A_104 : memref<!tpu.dma_semaphore, #tpu.memory_space<semaphore_mem>>)
      %dma_wait3A = arith.constant 0 : i32
      %dma_wait3A_121 = arith.constant 0 : i32
      %dma_wait3A_122 = tpu.memref_slice %arg7[%run_scoped3A, %dma_wait3A, %dma_wait3A_121] : memref<2x5x128xi32, #tpu.memory_space<vmem>> -> memref<1x5x128xi32, #tpu.memory_space<vmem>>
      %dma_wait3A_123 = tpu.memref_squeeze %dma_wait3A_122 : memref<1x5x128xi32, #tpu.memory_space<vmem>> -> memref<5x128xi32, #tpu.memory_space<vmem>>
      %dma_wait3A_124 = arith.constant 0 : i32
      %dma_wait3A_125 = arith.constant 0 : i32
      %dma_wait3A_126 = tpu.memref_slice %arg3[%add3A_34, %dma_wait3A_124, %dma_wait3A_125] : memref<512x5x128xi32, #tpu.memory_space<hbm>> -> memref<1x5x128xi32, #tpu.memory_space<hbm>>
      %dma_wait3A_127 = tpu.memref_squeeze %dma_wait3A_126 : memref<1x5x128xi32, #tpu.memory_space<hbm>> -> memref<5x128xi32, #tpu.memory_space<hbm>>
      %dma_wait3A_128 = arith.constant 0 : i32
      %dma_wait3A_129 = arith.constant 0 : i32
      %dma_wait3A_130 = tpu.memref_slice %arg7[%run_scoped3A, %dma_wait3A_128, %dma_wait3A_129] : memref<2x5x128xi32, #tpu.memory_space<vmem>> -> memref<1x5x128xi32, #tpu.memory_space<vmem>>
      %dma_wait3A_131 = tpu.memref_squeeze %dma_wait3A_130 : memref<1x5x128xi32, #tpu.memory_space<vmem>> -> memref<5x128xi32, #tpu.memory_space<vmem>>
      %dma_wait3A_132 = arith.constant 0 : i32
      %dma_wait3A_133 = arith.constant 0 : i32
      %dma_wait3A_134 = tpu.memref_slice %arg3[%add3A_34, %dma_wait3A_132, %dma_wait3A_133] : memref<512x5x128xi32, #tpu.memory_space<hbm>> -> memref<1x5x128xi32, #tpu.memory_space<hbm>>
      %dma_wait3A_135 = tpu.memref_squeeze %dma_wait3A_134 : memref<1x5x128xi32, #tpu.memory_space<hbm>> -> memref<5x128xi32, #tpu.memory_space<hbm>>
      tpu.wait_dma2 semaphore(%run_scoped3A_104 : memref<!tpu.dma_semaphore, #tpu.memory_space<semaphore_mem>>) src(%dma_wait3A_135 : memref<5x128xi32, #tpu.memory_space<hbm>>) dst(%dma_wait3A_131 : memref<5x128xi32, #tpu.memory_space<vmem>>)
      tpu.yield
    }) : () -> ()
    %dma_start3A = arith.constant 0 : i32
    %dma_start3A_35 = arith.constant 0 : i32
    %dma_start3A_36 = arith.constant 0 : i32
    %dma_start3A_37 = arith.constant 0 : i32
    %dma_start3A_38 = arith.constant 0 : i32
    %dma_start3A_39 = tpu.memref_slice %arg8[%dma_start3A_36, %dma_start3A_37, %dma_start3A_38] : memref<2x640x64xf32, #tpu.memory_space<vmem>> -> memref<1x128x64xf32, #tpu.memory_space<vmem>>
    %dma_start3A_40 = tpu.memref_squeeze %dma_start3A_39 : memref<1x128x64xf32, #tpu.memory_space<vmem>> -> memref<128x64xf32, #tpu.memory_space<vmem>>
    %dma_start3A_41 = arith.constant 0 : i32
    %dma_start3A_42 = tpu.memref_slice %arg7[%dma_start3A, %dma_start3A_35, %dma_start3A_41] : memref<2x5x128xi32, #tpu.memory_space<vmem>> -> memref<1x1x128xi32, #tpu.memory_space<vmem>>
    %dma_start3A_43 = tpu.memref_squeeze %dma_start3A_42 : memref<1x1x128xi32, #tpu.memory_space<vmem>> -> memref<128xi32, #tpu.memory_space<vmem>>
    %dma_start3A_44 = arith.constant 0 : i32
    %dma_start3A_45 = arith.constant 0 : i32
    %dma_start3A_46 = tpu.memref_slice %arg2[%dma_start3A_44, %dma_start3A_45] : memref<16384x64xf32, #tpu.memory_space<hbm>> -> memref<16384x64xf32, #tpu.memory_space<hbm>>
    tpu.enqueue_indirect_dma source(%dma_start3A_46 : memref<16384x64xf32, #tpu.memory_space<hbm>>) target(%dma_start3A_40 : memref<128x64xf32, #tpu.memory_space<vmem>>) offsets(%dma_start3A_43 : memref<128xi32, #tpu.memory_space<vmem>>) semaphore(%arg12 : memref<!tpu.dma_semaphore, #tpu.memory_space<semaphore_mem>>)
    %dma_start3A_47 = arith.constant 0 : i32
    %dma_start3A_48 = arith.constant 1 : i32
    %dma_start3A_49 = arith.constant 0 : i32
    %dma_start3A_50 = arith.constant 128 : i32
    %dma_start3A_51 = arith.constant 0 : i32
    %dma_start3A_52 = tpu.memref_slice %arg8[%dma_start3A_49, %dma_start3A_50, %dma_start3A_51] : memref<2x640x64xf32, #tpu.memory_space<vmem>> -> memref<1x128x64xf32, #tpu.memory_space<vmem>>
    %dma_start3A_53 = tpu.memref_squeeze %dma_start3A_52 : memref<1x128x64xf32, #tpu.memory_space<vmem>> -> memref<128x64xf32, #tpu.memory_space<vmem>>
    %dma_start3A_54 = arith.constant 0 : i32
    %dma_start3A_55 = tpu.memref_slice %arg7[%dma_start3A_47, %dma_start3A_48, %dma_start3A_54] : memref<2x5x128xi32, #tpu.memory_space<vmem>> -> memref<1x1x128xi32, #tpu.memory_space<vmem>>
    %dma_start3A_56 = tpu.memref_squeeze %dma_start3A_55 : memref<1x1x128xi32, #tpu.memory_space<vmem>> -> memref<128xi32, #tpu.memory_space<vmem>>
    %dma_start3A_57 = arith.constant 0 : i32
    %dma_start3A_58 = arith.constant 0 : i32
    %dma_start3A_59 = tpu.memref_slice %arg2[%dma_start3A_57, %dma_start3A_58] : memref<16384x64xf32, #tpu.memory_space<hbm>> -> memref<16384x64xf32, #tpu.memory_space<hbm>>
    tpu.enqueue_indirect_dma source(%dma_start3A_59 : memref<16384x64xf32, #tpu.memory_space<hbm>>) target(%dma_start3A_53 : memref<128x64xf32, #tpu.memory_space<vmem>>) offsets(%dma_start3A_56 : memref<128xi32, #tpu.memory_space<vmem>>) semaphore(%arg12 : memref<!tpu.dma_semaphore, #tpu.memory_space<semaphore_mem>>)
    %dma_start3A_60 = arith.constant 0 : i32
    %dma_start3A_61 = arith.constant 2 : i32
    %dma_start3A_62 = arith.constant 0 : i32
    %dma_start3A_63 = arith.constant 256 : i32
    %dma_start3A_64 = arith.constant 0 : i32
    %dma_start3A_65 = tpu.memref_slice %arg8[%dma_start3A_62, %dma_start3A_63, %dma_start3A_64] : memref<2x640x64xf32, #tpu.memory_space<vmem>> -> memref<1x128x64xf32, #tpu.memory_space<vmem>>
    %dma_start3A_66 = tpu.memref_squeeze %dma_start3A_65 : memref<1x128x64xf32, #tpu.memory_space<vmem>> -> memref<128x64xf32, #tpu.memory_space<vmem>>
    %dma_start3A_67 = arith.constant 0 : i32
    %dma_start3A_68 = tpu.memref_slice %arg7[%dma_start3A_60, %dma_start3A_61, %dma_start3A_67] : memref<2x5x128xi32, #tpu.memory_space<vmem>> -> memref<1x1x128xi32, #tpu.memory_space<vmem>>
    %dma_start3A_69 = tpu.memref_squeeze %dma_start3A_68 : memref<1x1x128xi32, #tpu.memory_space<vmem>> -> memref<128xi32, #tpu.memory_space<vmem>>
    %dma_start3A_70 = arith.constant 0 : i32
    %dma_start3A_71 = arith.constant 0 : i32
    %dma_start3A_72 = tpu.memref_slice %arg2[%dma_start3A_70, %dma_start3A_71] : memref<16384x64xf32, #tpu.memory_space<hbm>> -> memref<16384x64xf32, #tpu.memory_space<hbm>>
    tpu.enqueue_indirect_dma source(%dma_start3A_72 : memref<16384x64xf32, #tpu.memory_space<hbm>>) target(%dma_start3A_66 : memref<128x64xf32, #tpu.memory_space<vmem>>) offsets(%dma_start3A_69 : memref<128xi32, #tpu.memory_space<vmem>>) semaphore(%arg12 : memref<!tpu.dma_semaphore, #tpu.memory_space<semaphore_mem>>)
    %dma_start3A_73 = arith.constant 0 : i32
    %dma_start3A_74 = arith.constant 3 : i32
    %dma_start3A_75 = arith.constant 0 : i32
    %dma_start3A_76 = arith.constant 384 : i32
    %dma_start3A_77 = arith.constant 0 : i32
    %dma_start3A_78 = tpu.memref_slice %arg8[%dma_start3A_75, %dma_start3A_76, %dma_start3A_77] : memref<2x640x64xf32, #tpu.memory_space<vmem>> -> memref<1x128x64xf32, #tpu.memory_space<vmem>>
    %dma_start3A_79 = tpu.memref_squeeze %dma_start3A_78 : memref<1x128x64xf32, #tpu.memory_space<vmem>> -> memref<128x64xf32, #tpu.memory_space<vmem>>
    %dma_start3A_80 = arith.constant 0 : i32
    %dma_start3A_81 = tpu.memref_slice %arg7[%dma_start3A_73, %dma_start3A_74, %dma_start3A_80] : memref<2x5x128xi32, #tpu.memory_space<vmem>> -> memref<1x1x128xi32, #tpu.memory_space<vmem>>
    %dma_start3A_82 = tpu.memref_squeeze %dma_start3A_81 : memref<1x1x128xi32, #tpu.memory_space<vmem>> -> memref<128xi32, #tpu.memory_space<vmem>>
    %dma_start3A_83 = arith.constant 0 : i32
    %dma_start3A_84 = arith.constant 0 : i32
    %dma_start3A_85 = tpu.memref_slice %arg2[%dma_start3A_83, %dma_start3A_84] : memref<16384x64xf32, #tpu.memory_space<hbm>> -> memref<16384x64xf32, #tpu.memory_space<hbm>>
    tpu.enqueue_indirect_dma source(%dma_start3A_85 : memref<16384x64xf32, #tpu.memory_space<hbm>>) target(%dma_start3A_79 : memref<128x64xf32, #tpu.memory_space<vmem>>) offsets(%dma_start3A_82 : memref<128xi32, #tpu.memory_space<vmem>>) semaphore(%arg12 : memref<!tpu.dma_semaphore, #tpu.memory_space<semaphore_mem>>)
    %dma_start3A_86 = arith.constant 0 : i32
    %dma_start3A_87 = arith.constant 4 : i32
    %dma_start3A_88 = arith.constant 0 : i32
    %dma_start3A_89 = arith.constant 512 : i32
    %dma_start3A_90 = arith.constant 0 : i32
    %dma_start3A_91 = tpu.memref_slice %arg8[%dma_start3A_88, %dma_start3A_89, %dma_start3A_90] : memref<2x640x64xf32, #tpu.memory_space<vmem>> -> memref<1x128x64xf32, #tpu.memory_space<vmem>>
    %dma_start3A_92 = tpu.memref_squeeze %dma_start3A_91 : memref<1x128x64xf32, #tpu.memory_space<vmem>> -> memref<128x64xf32, #tpu.memory_space<vmem>>
    %dma_start3A_93 = arith.constant 0 : i32
    %dma_start3A_94 = tpu.memref_slice %arg7[%dma_start3A_86, %dma_start3A_87, %dma_start3A_93] : memref<2x5x128xi32, #tpu.memory_space<vmem>> -> memref<1x1x128xi32, #tpu.memory_space<vmem>>
    %dma_start3A_95 = tpu.memref_squeeze %dma_start3A_94 : memref<1x1x128xi32, #tpu.memory_space<vmem>> -> memref<128xi32, #tpu.memory_space<vmem>>
    %dma_start3A_96 = arith.constant 0 : i32
    %dma_start3A_97 = arith.constant 0 : i32
    %dma_start3A_98 = tpu.memref_slice %arg2[%dma_start3A_96, %dma_start3A_97] : memref<16384x64xf32, #tpu.memory_space<hbm>> -> memref<16384x64xf32, #tpu.memory_space<hbm>>
    tpu.enqueue_indirect_dma source(%dma_start3A_98 : memref<16384x64xf32, #tpu.memory_space<hbm>>) target(%dma_start3A_92 : memref<128x64xf32, #tpu.memory_space<vmem>>) offsets(%dma_start3A_95 : memref<128xi32, #tpu.memory_space<vmem>>) semaphore(%arg12 : memref<!tpu.dma_semaphore, #tpu.memory_space<semaphore_mem>>)
    %scan3A = arith.constant 0 : i32
    %scan3A_99 = arith.constant 0 : i32
    %scan3A_100 = arith.constant 8 : i32
    %scan3A_101 = arith.addi %scan3A_99, %scan3A_100 : i32
    %scan3A_102 = arith.constant 1 : i32
    scf.for %scan3A_104 = %scan3A_99 to %scan3A_101 step %scan3A_102  : i32 {
      %mul3A_105 = arith.constant 2 : i32
      %mul3A_106 = arith.muli %scan3A_104, %mul3A_105 : i32
      %dma_wait3A = arith.constant 0 : i32
      %dma_wait3A_107 = arith.constant 0 : i32
      %dma_wait3A_108 = arith.constant 0 : i32
      %dma_wait3A_109 = tpu.memref_slice %arg8[%dma_wait3A, %dma_wait3A_107, %dma_wait3A_108] : memref<2x640x64xf32, #tpu.memory_space<vmem>> -> memref<1x640x64xf32, #tpu.memory_space<vmem>>
      %dma_wait3A_110 = tpu.memref_squeeze %dma_wait3A_109 : memref<1x640x64xf32, #tpu.memory_space<vmem>> -> memref<640x64xf32, #tpu.memory_space<vmem>>
      %dma_wait3A_111 = arith.constant 0 : i32
      %dma_wait3A_112 = arith.constant 0 : i32
      %dma_wait3A_113 = tpu.memref_slice %arg2[%dma_wait3A_111, %dma_wait3A_112] : memref<16384x64xf32, #tpu.memory_space<hbm>> -> memref<640x64xf32, #tpu.memory_space<hbm>>
      %dma_wait3A_114 = arith.constant 0 : i32
      %dma_wait3A_115 = arith.constant 0 : i32
      %dma_wait3A_116 = tpu.memref_slice %arg8[%dma_wait3A, %dma_wait3A_114, %dma_wait3A_115] : memref<2x640x64xf32, #tpu.memory_space<vmem>> -> memref<1x640x64xf32, #tpu.memory_space<vmem>>
      %dma_wait3A_117 = tpu.memref_squeeze %dma_wait3A_116 : memref<1x640x64xf32, #tpu.memory_space<vmem>> -> memref<640x64xf32, #tpu.memory_space<vmem>>
      %dma_wait3A_118 = arith.constant 0 : i32
      %dma_wait3A_119 = arith.constant 0 : i32
      %dma_wait3A_120 = tpu.memref_slice %arg2[%dma_wait3A_118, %dma_wait3A_119] : memref<16384x64xf32, #tpu.memory_space<hbm>> -> memref<640x64xf32, #tpu.memory_space<hbm>>
      tpu.wait_dma2 semaphore(%arg12 : memref<!tpu.dma_semaphore, #tpu.memory_space<semaphore_mem>>) src(%dma_wait3A_120 : memref<640x64xf32, #tpu.memory_space<hbm>>) dst(%dma_wait3A_117 : memref<640x64xf32, #tpu.memory_space<vmem>>)
      %add3A_121 = arith.constant 1 : i32
      %add3A_122 = arith.addi %mul3A_106, %add3A_121 : i32
      %mul3A_123 = arith.constant 16 : i32
      %mul3A_124 = arith.muli %add3A, %mul3A_123 : i32
      %add3A_125 = arith.addi %mul3A_124, %add3A_122 : i32
      %run_scoped3A_126 = arith.constant 1 : i32
      "tpu.region"() ({
        %run_scoped3A_346 = tpu.sem_alloc : memref<!tpu.dma_semaphore, #tpu.memory_space<semaphore_mem>>
        %dma_start3A_347 = arith.constant 0 : i32
        %dma_start3A_348 = arith.constant 0 : i32
        %dma_start3A_349 = tpu.memref_slice %arg7[%run_scoped3A_126, %dma_start3A_347, %dma_start3A_348] : memref<2x5x128xi32, #tpu.memory_space<vmem>> -> memref<1x5x128xi32, #tpu.memory_space<vmem>>
        %dma_start3A_350 = tpu.memref_squeeze %dma_start3A_349 : memref<1x5x128xi32, #tpu.memory_space<vmem>> -> memref<5x128xi32, #tpu.memory_space<vmem>>
        %dma_start3A_351 = arith.constant 0 : i32
        %dma_start3A_352 = arith.constant 0 : i32
        %dma_start3A_353 = tpu.memref_slice %arg3[%add3A_125, %dma_start3A_351, %dma_start3A_352] : memref<512x5x128xi32, #tpu.memory_space<hbm>> -> memref<1x5x128xi32, #tpu.memory_space<hbm>>
        %dma_start3A_354 = tpu.memref_squeeze %dma_start3A_353 : memref<1x5x128xi32, #tpu.memory_space<hbm>> -> memref<5x128xi32, #tpu.memory_space<hbm>>
        %dma_start3A_355 = arith.constant 0 : i32
        %dma_start3A_356 = arith.constant 0 : i32
        %dma_start3A_357 = tpu.memref_slice %arg7[%run_scoped3A_126, %dma_start3A_355, %dma_start3A_356] : memref<2x5x128xi32, #tpu.memory_space<vmem>> -> memref<1x5x128xi32, #tpu.memory_space<vmem>>
        %dma_start3A_358 = tpu.memref_squeeze %dma_start3A_357 : memref<1x5x128xi32, #tpu.memory_space<vmem>> -> memref<5x128xi32, #tpu.memory_space<vmem>>
        %dma_start3A_359 = arith.constant 0 : i32
        %dma_start3A_360 = arith.constant 0 : i32
        %dma_start3A_361 = tpu.memref_slice %arg3[%add3A_125, %dma_start3A_359, %dma_start3A_360] : memref<512x5x128xi32, #tpu.memory_space<hbm>> -> memref<1x5x128xi32, #tpu.memory_space<hbm>>
        %dma_start3A_362 = tpu.memref_squeeze %dma_start3A_361 : memref<1x5x128xi32, #tpu.memory_space<hbm>> -> memref<5x128xi32, #tpu.memory_space<hbm>>
        tpu.enqueue_dma source(%dma_start3A_362 : memref<5x128xi32, #tpu.memory_space<hbm>>) target(%dma_start3A_358 : memref<5x128xi32, #tpu.memory_space<vmem>>) target_semaphore(%run_scoped3A_346 : memref<!tpu.dma_semaphore, #tpu.memory_space<semaphore_mem>>)
        %dma_wait3A_363 = arith.constant 0 : i32
        %dma_wait3A_364 = arith.constant 0 : i32
        %dma_wait3A_365 = tpu.memref_slice %arg7[%run_scoped3A_126, %dma_wait3A_363, %dma_wait3A_364] : memref<2x5x128xi32, #tpu.memory_space<vmem>> -> memref<1x5x128xi32, #tpu.memory_space<vmem>>
        %dma_wait3A_366 = tpu.memref_squeeze %dma_wait3A_365 : memref<1x5x128xi32, #tpu.memory_space<vmem>> -> memref<5x128xi32, #tpu.memory_space<vmem>>
        %dma_wait3A_367 = arith.constant 0 : i32
        %dma_wait3A_368 = arith.constant 0 : i32
        %dma_wait3A_369 = tpu.memref_slice %arg3[%add3A_125, %dma_wait3A_367, %dma_wait3A_368] : memref<512x5x128xi32, #tpu.memory_space<hbm>> -> memref<1x5x128xi32, #tpu.memory_space<hbm>>
        %dma_wait3A_370 = tpu.memref_squeeze %dma_wait3A_369 : memref<1x5x128xi32, #tpu.memory_space<hbm>> -> memref<5x128xi32, #tpu.memory_space<hbm>>
        %dma_wait3A_371 = arith.constant 0 : i32
        %dma_wait3A_372 = arith.constant 0 : i32
        %dma_wait3A_373 = tpu.memref_slice %arg7[%run_scoped3A_126, %dma_wait3A_371, %dma_wait3A_372] : memref<2x5x128xi32, #tpu.memory_space<vmem>> -> memref<1x5x128xi32, #tpu.memory_space<vmem>>
        %dma_wait3A_374 = tpu.memref_squeeze %dma_wait3A_373 : memref<1x5x128xi32, #tpu.memory_space<vmem>> -> memref<5x128xi32, #tpu.memory_space<vmem>>
        %dma_wait3A_375 = arith.constant 0 : i32
        %dma_wait3A_376 = arith.constant 0 : i32
        %dma_wait3A_377 = tpu.memref_slice %arg3[%add3A_125, %dma_wait3A_375, %dma_wait3A_376] : memref<512x5x128xi32, #tpu.memory_space<hbm>> -> memref<1x5x128xi32, #tpu.memory_space<hbm>>
        %dma_wait3A_378 = tpu.memref_squeeze %dma_wait3A_377 : memref<1x5x128xi32, #tpu.memory_space<hbm>> -> memref<5x128xi32, #tpu.memory_space<hbm>>
        tpu.wait_dma2 semaphore(%run_scoped3A_346 : memref<!tpu.dma_semaphore, #tpu.memory_space<semaphore_mem>>) src(%dma_wait3A_378 : memref<5x128xi32, #tpu.memory_space<hbm>>) dst(%dma_wait3A_374 : memref<5x128xi32, #tpu.memory_space<vmem>>)
        tpu.yield
      }) : () -> ()
      %dma_start3A_127 = arith.constant 1 : i32
      %dma_start3A_128 = arith.constant 0 : i32
      %dma_start3A_129 = arith.constant 1 : i32
      %dma_start3A_130 = arith.constant 0 : i32
      %dma_start3A_131 = arith.constant 0 : i32
      %dma_start3A_132 = tpu.memref_slice %arg8[%dma_start3A_129, %dma_start3A_130, %dma_start3A_131] : memref<2x640x64xf32, #tpu.memory_space<vmem>> -> memref<1x128x64xf32, #tpu.memory_space<vmem>>
      %dma_start3A_133 = tpu.memref_squeeze %dma_start3A_132 : memref<1x128x64xf32, #tpu.memory_space<vmem>> -> memref<128x64xf32, #tpu.memory_space<vmem>>
      %dma_start3A_134 = arith.constant 0 : i32
      %dma_start3A_135 = tpu.memref_slice %arg7[%dma_start3A_127, %dma_start3A_128, %dma_start3A_134] : memref<2x5x128xi32, #tpu.memory_space<vmem>> -> memref<1x1x128xi32, #tpu.memory_space<vmem>>
      %dma_start3A_136 = tpu.memref_squeeze %dma_start3A_135 : memref<1x1x128xi32, #tpu.memory_space<vmem>> -> memref<128xi32, #tpu.memory_space<vmem>>
      %dma_start3A_137 = arith.constant 0 : i32
      %dma_start3A_138 = arith.constant 0 : i32
      %dma_start3A_139 = tpu.memref_slice %arg2[%dma_start3A_137, %dma_start3A_138] : memref<16384x64xf32, #tpu.memory_space<hbm>> -> memref<16384x64xf32, #tpu.memory_space<hbm>>
      tpu.enqueue_indirect_dma source(%dma_start3A_139 : memref<16384x64xf32, #tpu.memory_space<hbm>>) target(%dma_start3A_133 : memref<128x64xf32, #tpu.memory_space<vmem>>) offsets(%dma_start3A_136 : memref<128xi32, #tpu.memory_space<vmem>>) semaphore(%arg13 : memref<!tpu.dma_semaphore, #tpu.memory_space<semaphore_mem>>)
      %dma_start3A_140 = arith.constant 1 : i32
      %dma_start3A_141 = arith.constant 1 : i32
      %dma_start3A_142 = arith.constant 1 : i32
      %dma_start3A_143 = arith.constant 128 : i32
      %dma_start3A_144 = arith.constant 0 : i32
      %dma_start3A_145 = tpu.memref_slice %arg8[%dma_start3A_142, %dma_start3A_143, %dma_start3A_144] : memref<2x640x64xf32, #tpu.memory_space<vmem>> -> memref<1x128x64xf32, #tpu.memory_space<vmem>>
      %dma_start3A_146 = tpu.memref_squeeze %dma_start3A_145 : memref<1x128x64xf32, #tpu.memory_space<vmem>> -> memref<128x64xf32, #tpu.memory_space<vmem>>
      %dma_start3A_147 = arith.constant 0 : i32
      %dma_start3A_148 = tpu.memref_slice %arg7[%dma_start3A_140, %dma_start3A_141, %dma_start3A_147] : memref<2x5x128xi32, #tpu.memory_space<vmem>> -> memref<1x1x128xi32, #tpu.memory_space<vmem>>
      %dma_start3A_149 = tpu.memref_squeeze %dma_start3A_148 : memref<1x1x128xi32, #tpu.memory_space<vmem>> -> memref<128xi32, #tpu.memory_space<vmem>>
      %dma_start3A_150 = arith.constant 0 : i32
      %dma_start3A_151 = arith.constant 0 : i32
      %dma_start3A_152 = tpu.memref_slice %arg2[%dma_start3A_150, %dma_start3A_151] : memref<16384x64xf32, #tpu.memory_space<hbm>> -> memref<16384x64xf32, #tpu.memory_space<hbm>>
      tpu.enqueue_indirect_dma source(%dma_start3A_152 : memref<16384x64xf32, #tpu.memory_space<hbm>>) target(%dma_start3A_146 : memref<128x64xf32, #tpu.memory_space<vmem>>) offsets(%dma_start3A_149 : memref<128xi32, #tpu.memory_space<vmem>>) semaphore(%arg13 : memref<!tpu.dma_semaphore, #tpu.memory_space<semaphore_mem>>)
      %dma_start3A_153 = arith.constant 1 : i32
      %dma_start3A_154 = arith.constant 2 : i32
      %dma_start3A_155 = arith.constant 1 : i32
      %dma_start3A_156 = arith.constant 256 : i32
      %dma_start3A_157 = arith.constant 0 : i32
      %dma_start3A_158 = tpu.memref_slice %arg8[%dma_start3A_155, %dma_start3A_156, %dma_start3A_157] : memref<2x640x64xf32, #tpu.memory_space<vmem>> -> memref<1x128x64xf32, #tpu.memory_space<vmem>>
      %dma_start3A_159 = tpu.memref_squeeze %dma_start3A_158 : memref<1x128x64xf32, #tpu.memory_space<vmem>> -> memref<128x64xf32, #tpu.memory_space<vmem>>
      %dma_start3A_160 = arith.constant 0 : i32
      %dma_start3A_161 = tpu.memref_slice %arg7[%dma_start3A_153, %dma_start3A_154, %dma_start3A_160] : memref<2x5x128xi32, #tpu.memory_space<vmem>> -> memref<1x1x128xi32, #tpu.memory_space<vmem>>
      %dma_start3A_162 = tpu.memref_squeeze %dma_start3A_161 : memref<1x1x128xi32, #tpu.memory_space<vmem>> -> memref<128xi32, #tpu.memory_space<vmem>>
      %dma_start3A_163 = arith.constant 0 : i32
      %dma_start3A_164 = arith.constant 0 : i32
      %dma_start3A_165 = tpu.memref_slice %arg2[%dma_start3A_163, %dma_start3A_164] : memref<16384x64xf32, #tpu.memory_space<hbm>> -> memref<16384x64xf32, #tpu.memory_space<hbm>>
      tpu.enqueue_indirect_dma source(%dma_start3A_165 : memref<16384x64xf32, #tpu.memory_space<hbm>>) target(%dma_start3A_159 : memref<128x64xf32, #tpu.memory_space<vmem>>) offsets(%dma_start3A_162 : memref<128xi32, #tpu.memory_space<vmem>>) semaphore(%arg13 : memref<!tpu.dma_semaphore, #tpu.memory_space<semaphore_mem>>)
      %dma_start3A_166 = arith.constant 1 : i32
      %dma_start3A_167 = arith.constant 3 : i32
      %dma_start3A_168 = arith.constant 1 : i32
      %dma_start3A_169 = arith.constant 384 : i32
      %dma_start3A_170 = arith.constant 0 : i32
      %dma_start3A_171 = tpu.memref_slice %arg8[%dma_start3A_168, %dma_start3A_169, %dma_start3A_170] : memref<2x640x64xf32, #tpu.memory_space<vmem>> -> memref<1x128x64xf32, #tpu.memory_space<vmem>>
      %dma_start3A_172 = tpu.memref_squeeze %dma_start3A_171 : memref<1x128x64xf32, #tpu.memory_space<vmem>> -> memref<128x64xf32, #tpu.memory_space<vmem>>
      %dma_start3A_173 = arith.constant 0 : i32
      %dma_start3A_174 = tpu.memref_slice %arg7[%dma_start3A_166, %dma_start3A_167, %dma_start3A_173] : memref<2x5x128xi32, #tpu.memory_space<vmem>> -> memref<1x1x128xi32, #tpu.memory_space<vmem>>
      %dma_start3A_175 = tpu.memref_squeeze %dma_start3A_174 : memref<1x1x128xi32, #tpu.memory_space<vmem>> -> memref<128xi32, #tpu.memory_space<vmem>>
      %dma_start3A_176 = arith.constant 0 : i32
      %dma_start3A_177 = arith.constant 0 : i32
      %dma_start3A_178 = tpu.memref_slice %arg2[%dma_start3A_176, %dma_start3A_177] : memref<16384x64xf32, #tpu.memory_space<hbm>> -> memref<16384x64xf32, #tpu.memory_space<hbm>>
      tpu.enqueue_indirect_dma source(%dma_start3A_178 : memref<16384x64xf32, #tpu.memory_space<hbm>>) target(%dma_start3A_172 : memref<128x64xf32, #tpu.memory_space<vmem>>) offsets(%dma_start3A_175 : memref<128xi32, #tpu.memory_space<vmem>>) semaphore(%arg13 : memref<!tpu.dma_semaphore, #tpu.memory_space<semaphore_mem>>)
      %dma_start3A_179 = arith.constant 1 : i32
      %dma_start3A_180 = arith.constant 4 : i32
      %dma_start3A_181 = arith.constant 1 : i32
      %dma_start3A_182 = arith.constant 512 : i32
      %dma_start3A_183 = arith.constant 0 : i32
      %dma_start3A_184 = tpu.memref_slice %arg8[%dma_start3A_181, %dma_start3A_182, %dma_start3A_183] : memref<2x640x64xf32, #tpu.memory_space<vmem>> -> memref<1x128x64xf32, #tpu.memory_space<vmem>>
      %dma_start3A_185 = tpu.memref_squeeze %dma_start3A_184 : memref<1x128x64xf32, #tpu.memory_space<vmem>> -> memref<128x64xf32, #tpu.memory_space<vmem>>
      %dma_start3A_186 = arith.constant 0 : i32
      %dma_start3A_187 = tpu.memref_slice %arg7[%dma_start3A_179, %dma_start3A_180, %dma_start3A_186] : memref<2x5x128xi32, #tpu.memory_space<vmem>> -> memref<1x1x128xi32, #tpu.memory_space<vmem>>
      %dma_start3A_188 = tpu.memref_squeeze %dma_start3A_187 : memref<1x1x128xi32, #tpu.memory_space<vmem>> -> memref<128xi32, #tpu.memory_space<vmem>>
      %dma_start3A_189 = arith.constant 0 : i32
      %dma_start3A_190 = arith.constant 0 : i32
      %dma_start3A_191 = tpu.memref_slice %arg2[%dma_start3A_189, %dma_start3A_190] : memref<16384x64xf32, #tpu.memory_space<hbm>> -> memref<16384x64xf32, #tpu.memory_space<hbm>>
      tpu.enqueue_indirect_dma source(%dma_start3A_191 : memref<16384x64xf32, #tpu.memory_space<hbm>>) target(%dma_start3A_185 : memref<128x64xf32, #tpu.memory_space<vmem>>) offsets(%dma_start3A_188 : memref<128xi32, #tpu.memory_space<vmem>>) semaphore(%arg13 : memref<!tpu.dma_semaphore, #tpu.memory_space<semaphore_mem>>)
      %mul3A_192 = arith.constant 256 : i32
      %mul3A_193 = arith.muli %add3A, %mul3A_192 : i32
      %mul3A_194 = arith.constant 16 : i32
      %mul3A_195 = arith.muli %mul3A_106, %mul3A_194 : i32
      %add3A_196 = arith.addi %mul3A_193, %mul3A_195 : i32
      %broadcast_in_dim3A_197 = arith.constant 0.000000e+00 : f32
      %broadcast_in_dim3A_198 = vector.broadcast %broadcast_in_dim3A_197 : f32 to vector<16xf32>
      %broadcast_in_dim3A_199 = arith.constant 0.000000e+00 : f32
      %broadcast_in_dim3A_200 = vector.broadcast %broadcast_in_dim3A_199 : f32 to vector<16xf32>
      %broadcast_in_dim3A_201 = arith.constant 0.000000e+00 : f32
      %broadcast_in_dim3A_202 = vector.broadcast %broadcast_in_dim3A_201 : f32 to vector<16xf32>
      %broadcast_in_dim3A_203 = arith.constant 0.000000e+00 : f32
      %broadcast_in_dim3A_204 = vector.broadcast %broadcast_in_dim3A_203 : f32 to vector<16xf32>
      %scan3A_205 = arith.constant 0 : i32
      %scan3A_206 = arith.constant 16 : i32
      %scan3A_207 = arith.addi %scan3A_205, %scan3A_206 : i32
      %scan3A_208 = arith.constant 1 : i32
      %scan3A_209:4 = scf.for %scan3A_346 = %scan3A_205 to %scan3A_207 step %scan3A_208 iter_args(%scan3A_347 = %broadcast_in_dim3A_198, %scan3A_348 = %broadcast_in_dim3A_200, %scan3A_349 = %broadcast_in_dim3A_202, %scan3A_350 = %broadcast_in_dim3A_204) -> (vector<16xf32>, vector<16xf32>, vector<16xf32>, vector<16xf32>)  : i32 {
        %mul3A_351 = arith.constant 40 : i32
        %mul3A_352 = arith.muli %scan3A_346, %mul3A_351 : i32
        %get3A_353 = arith.constant 0 : i32
        %get3A_354 = arith.index_cast %get3A_353 : i32 to index
        %get3A_355 = arith.index_cast %mul3A_352 : i32 to index
        %get3A_356 = arith.constant 0 : index
        %get3A_357 = tpu.vector_load %arg8[%get3A_354, %get3A_355, %get3A_356] {strides = array<i32>} : memref<2x640x64xf32, #tpu.memory_space<vmem>>, vector<1x1x16xf32>,
        %get3A_358 = vector.shape_cast %get3A_357 : vector<1x1x16xf32> to vector<16xf32>
        %add3A_359 = arith.constant 20 : i32
        %add3A_360 = arith.addi %mul3A_352, %add3A_359 : i32
        %get3A_361 = arith.constant 0 : i32
        %get3A_362 = arith.index_cast %get3A_361 : i32 to index
        %get3A_363 = arith.index_cast %add3A_360 : i32 to index
        %get3A_364 = arith.constant 0 : index
        %get3A_365 = tpu.vector_load %arg8[%get3A_362, %get3A_363, %get3A_364] {strides = array<i32>} : memref<2x640x64xf32, #tpu.memory_space<vmem>>, vector<1x1x16xf32>,
        %get3A_366 = vector.shape_cast %get3A_365 : vector<1x1x16xf32> to vector<16xf32>
        %mul3A_367 = arith.mulf %get3A_358, %get3A_358 : vector<16xf32>
        %add3A_368 = arith.addf %scan3A_347, %mul3A_367 : vector<16xf32>
        %mul3A_369 = arith.mulf %get3A_366, %get3A_366 : vector<16xf32>
        %add3A_370 = arith.addf %add3A_368, %mul3A_369 : vector<16xf32>
        %get3A_371 = arith.constant 0 : i32
        %get3A_372 = arith.index_cast %get3A_371 : i32 to index
        %get3A_373 = arith.index_cast %mul3A_352 : i32 to index
        %get3A_374 = arith.constant 16 : index
        %get3A_375 = tpu.vector_load %arg8[%get3A_372, %get3A_373, %get3A_374] {strides = array<i32>} : memref<2x640x64xf32, #tpu.memory_space<vmem>>, vector<1x1x16xf32>,
        %get3A_376 = vector.shape_cast %get3A_375 : vector<1x1x16xf32> to vector<16xf32>
        %add3A_377 = arith.constant 20 : i32
        %add3A_378 = arith.addi %mul3A_352, %add3A_377 : i32
        %get3A_379 = arith.constant 0 : i32
        %get3A_380 = arith.index_cast %get3A_379 : i32 to index
        %get3A_381 = arith.index_cast %add3A_378 : i32 to index
        %get3A_382 = arith.constant 16 : index
        %get3A_383 = tpu.vector_load %arg8[%get3A_380, %get3A_381, %get3A_382] {strides = array<i32>} : memref<2x640x64xf32, #tpu.memory_space<vmem>>, vector<1x1x16xf32>,
        %get3A_384 = vector.shape_cast %get3A_383 : vector<1x1x16xf32> to vector<16xf32>
        %mul3A_385 = arith.mulf %get3A_376, %get3A_376 : vector<16xf32>
        %add3A_386 = arith.addf %scan3A_348, %mul3A_385 : vector<16xf32>
        %mul3A_387 = arith.mulf %get3A_384, %get3A_384 : vector<16xf32>
        %add3A_388 = arith.addf %add3A_386, %mul3A_387 : vector<16xf32>
        %get3A_389 = arith.constant 0 : i32
        %get3A_390 = arith.index_cast %get3A_389 : i32 to index
        %get3A_391 = arith.index_cast %mul3A_352 : i32 to index
        %get3A_392 = arith.constant 32 : index
        %get3A_393 = tpu.vector_load %arg8[%get3A_390, %get3A_391, %get3A_392] {strides = array<i32>} : memref<2x640x64xf32, #tpu.memory_space<vmem>>, vector<1x1x16xf32>,
        %get3A_394 = vector.shape_cast %get3A_393 : vector<1x1x16xf32> to vector<16xf32>
        %add3A_395 = arith.constant 20 : i32
        %add3A_396 = arith.addi %mul3A_352, %add3A_395 : i32
        %get3A_397 = arith.constant 0 : i32
        %get3A_398 = arith.index_cast %get3A_397 : i32 to index
        %get3A_399 = arith.index_cast %add3A_396 : i32 to index
        %get3A_400 = arith.constant 32 : index
        %get3A_401 = tpu.vector_load %arg8[%get3A_398, %get3A_399, %get3A_400] {strides = array<i32>} : memref<2x640x64xf32, #tpu.memory_space<vmem>>, vector<1x1x16xf32>,
        %get3A_402 = vector.shape_cast %get3A_401 : vector<1x1x16xf32> to vector<16xf32>
        %mul3A_403 = arith.mulf %get3A_394, %get3A_394 : vector<16xf32>
        %add3A_404 = arith.addf %scan3A_349, %mul3A_403 : vector<16xf32>
        %mul3A_405 = arith.mulf %get3A_402, %get3A_402 : vector<16xf32>
        %add3A_406 = arith.addf %add3A_404, %mul3A_405 : vector<16xf32>
        %get3A_407 = arith.constant 0 : i32
        %get3A_408 = arith.index_cast %get3A_407 : i32 to index
        %get3A_409 = arith.index_cast %mul3A_352 : i32 to index
        %get3A_410 = arith.constant 48 : index
        %get3A_411 = tpu.vector_load %arg8[%get3A_408, %get3A_409, %get3A_410] {strides = array<i32>} : memref<2x640x64xf32, #tpu.memory_space<vmem>>, vector<1x1x16xf32>,
        %get3A_412 = vector.shape_cast %get3A_411 : vector<1x1x16xf32> to vector<16xf32>
        %add3A_413 = arith.constant 20 : i32
        %add3A_414 = arith.addi %mul3A_352, %add3A_413 : i32
        %get3A_415 = arith.constant 0 : i32
        %get3A_416 = arith.index_cast %get3A_415 : i32 to index
        %get3A_417 = arith.index_cast %add3A_414 : i32 to index
        %get3A_418 = arith.constant 48 : index
        %get3A_419 = tpu.vector_load %arg8[%get3A_416, %get3A_417, %get3A_418] {strides = array<i32>} : memref<2x640x64xf32, #tpu.memory_space<vmem>>, vector<1x1x16xf32>,
        %get3A_420 = vector.shape_cast %get3A_419 : vector<1x1x16xf32> to vector<16xf32>
        %mul3A_421 = arith.mulf %get3A_412, %get3A_412 : vector<16xf32>
        %add3A_422 = arith.addf %scan3A_350, %mul3A_421 : vector<16xf32>
        %mul3A_423 = arith.mulf %get3A_420, %get3A_420 : vector<16xf32>
        %add3A_424 = arith.addf %add3A_422, %mul3A_423 : vector<16xf32>
        %add3A_425 = arith.constant 1 : i32
        %add3A_426 = arith.addi %mul3A_352, %add3A_425 : i32
        %get3A_427 = arith.constant 0 : i32
        %get3A_428 = arith.index_cast %get3A_427 : i32 to index
        %get3A_429 = arith.index_cast %add3A_426 : i32 to index
        %get3A_430 = arith.constant 0 : index
        %get3A_431 = tpu.vector_load %arg8[%get3A_428, %get3A_429, %get3A_430] {strides = array<i32>} : memref<2x640x64xf32, #tpu.memory_space<vmem>>, vector<1x1x16xf32>,
        %get3A_432 = vector.shape_cast %get3A_431 : vector<1x1x16xf32> to vector<16xf32>
        %add3A_433 = arith.constant 20 : i32
        %add3A_434 = arith.addi %mul3A_352, %add3A_433 : i32
        %add3A_435 = arith.constant 1 : i32
        %add3A_436 = arith.addi %add3A_434, %add3A_435 : i32
        %get3A_437 = arith.constant 0 : i32
        %get3A_438 = arith.index_cast %get3A_437 : i32 to index
        %get3A_439 = arith.index_cast %add3A_436 : i32 to index
        %get3A_440 = arith.constant 0 : index
        %get3A_441 = tpu.vector_load %arg8[%get3A_438, %get3A_439, %get3A_440] {strides = array<i32>} : memref<2x640x64xf32, #tpu.memory_space<vmem>>, vector<1x1x16xf32>,
        %get3A_442 = vector.shape_cast %get3A_441 : vector<1x1x16xf32> to vector<16xf32>
        %max3A = arith.maximumf %get3A_358, %get3A_432 : vector<16xf32>
        %add3A_443 = arith.addf %get3A_358, %get3A_432 : vector<16xf32>
        %max3A_444 = arith.maximumf %get3A_366, %get3A_442 : vector<16xf32>
        %add3A_445 = arith.addf %get3A_366, %get3A_442 : vector<16xf32>
        %mul3A_446 = arith.mulf %get3A_432, %get3A_432 : vector<16xf32>
        %add3A_447 = arith.addf %add3A_370, %mul3A_446 : vector<16xf32>
        %mul3A_448 = arith.mulf %get3A_442, %get3A_442 : vector<16xf32>
        %add3A_449 = arith.addf %add3A_447, %mul3A_448 : vector<16xf32>
        %add3A_450 = arith.constant 1 : i32
        %add3A_451 = arith.addi %mul3A_352, %add3A_450 : i32
        %get3A_452 = arith.constant 0 : i32
        %get3A_453 = arith.index_cast %get3A_452 : i32 to index
        %get3A_454 = arith.index_cast %add3A_451 : i32 to index
        %get3A_455 = arith.constant 16 : index
        %get3A_456 = tpu.vector_load %arg8[%get3A_453, %get3A_454, %get3A_455] {strides = array<i32>} : memref<2x640x64xf32, #tpu.memory_space<vmem>>, vector<1x1x16xf32>,
        %get3A_457 = vector.shape_cast %get3A_456 : vector<1x1x16xf32> to vector<16xf32>
        %add3A_458 = arith.constant 20 : i32
        %add3A_459 = arith.addi %mul3A_352, %add3A_458 : i32
        %add3A_460 = arith.constant 1 : i32
        %add3A_461 = arith.addi %add3A_459, %add3A_460 : i32
        %get3A_462 = arith.constant 0 : i32
        %get3A_463 = arith.index_cast %get3A_462 : i32 to index
        %get3A_464 = arith.index_cast %add3A_461 : i32 to index
        %get3A_465 = arith.constant 16 : index
        %get3A_466 = tpu.vector_load %arg8[%get3A_463, %get3A_464, %get3A_465] {strides = array<i32>} : memref<2x640x64xf32, #tpu.memory_space<vmem>>, vector<1x1x16xf32>,
        %get3A_467 = vector.shape_cast %get3A_466 : vector<1x1x16xf32> to vector<16xf32>
        %max3A_468 = arith.maximumf %get3A_376, %get3A_457 : vector<16xf32>
        %add3A_469 = arith.addf %get3A_376, %get3A_457 : vector<16xf32>
        %max3A_470 = arith.maximumf %get3A_384, %get3A_467 : vector<16xf32>
        %add3A_471 = arith.addf %get3A_384, %get3A_467 : vector<16xf32>
        %mul3A_472 = arith.mulf %get3A_457, %get3A_457 : vector<16xf32>
        %add3A_473 = arith.addf %add3A_388, %mul3A_472 : vector<16xf32>
        %mul3A_474 = arith.mulf %get3A_467, %get3A_467 : vector<16xf32>
        %add3A_475 = arith.addf %add3A_473, %mul3A_474 : vector<16xf32>
        %add3A_476 = arith.constant 1 : i32
        %add3A_477 = arith.addi %mul3A_352, %add3A_476 : i32
        %get3A_478 = arith.constant 0 : i32
        %get3A_479 = arith.index_cast %get3A_478 : i32 to index
        %get3A_480 = arith.index_cast %add3A_477 : i32 to index
        %get3A_481 = arith.constant 32 : index
        %get3A_482 = tpu.vector_load %arg8[%get3A_479, %get3A_480, %get3A_481] {strides = array<i32>} : memref<2x640x64xf32, #tpu.memory_space<vmem>>, vector<1x1x16xf32>,
        %get3A_483 = vector.shape_cast %get3A_482 : vector<1x1x16xf32> to vector<16xf32>
        %add3A_484 = arith.constant 20 : i32
        %add3A_485 = arith.addi %mul3A_352, %add3A_484 : i32
        %add3A_486 = arith.constant 1 : i32
        %add3A_487 = arith.addi %add3A_485, %add3A_486 : i32
        %get3A_488 = arith.constant 0 : i32
        %get3A_489 = arith.index_cast %get3A_488 : i32 to index
        %get3A_490 = arith.index_cast %add3A_487 : i32 to index
        %get3A_491 = arith.constant 32 : index
        %get3A_492 = tpu.vector_load %arg8[%get3A_489, %get3A_490, %get3A_491] {strides = array<i32>} : memref<2x640x64xf32, #tpu.memory_space<vmem>>, vector<1x1x16xf32>,
        %get3A_493 = vector.shape_cast %get3A_492 : vector<1x1x16xf32> to vector<16xf32>
        %max3A_494 = arith.maximumf %get3A_394, %get3A_483 : vector<16xf32>
        %add3A_495 = arith.addf %get3A_394, %get3A_483 : vector<16xf32>
        %max3A_496 = arith.maximumf %get3A_402, %get3A_493 : vector<16xf32>
        %add3A_497 = arith.addf %get3A_402, %get3A_493 : vector<16xf32>
        %mul3A_498 = arith.mulf %get3A_483, %get3A_483 : vector<16xf32>
        %add3A_499 = arith.addf %add3A_406, %mul3A_498 : vector<16xf32>
        %mul3A_500 = arith.mulf %get3A_493, %get3A_493 : vector<16xf32>
        %add3A_501 = arith.addf %add3A_499, %mul3A_500 : vector<16xf32>
        %add3A_502 = arith.constant 1 : i32
        %add3A_503 = arith.addi %mul3A_352, %add3A_502 : i32
        %get3A_504 = arith.constant 0 : i32
        %get3A_505 = arith.index_cast %get3A_504 : i32 to index
        %get3A_506 = arith.index_cast %add3A_503 : i32 to index
        %get3A_507 = arith.constant 48 : index
        %get3A_508 = tpu.vector_load %arg8[%get3A_505, %get3A_506, %get3A_507] {strides = array<i32>} : memref<2x640x64xf32, #tpu.memory_space<vmem>>, vector<1x1x16xf32>,
        %get3A_509 = vector.shape_cast %get3A_508 : vector<1x1x16xf32> to vector<16xf32>
        %add3A_510 = arith.constant 20 : i32
        %add3A_511 = arith.addi %mul3A_352, %add3A_510 : i32
        %add3A_512 = arith.constant 1 : i32
        %add3A_513 = arith.addi %add3A_511, %add3A_512 : i32
        %get3A_514 = arith.constant 0 : i32
        %get3A_515 = arith.index_cast %get3A_514 : i32 to index
        %get3A_516 = arith.index_cast %add3A_513 : i32 to index
        %get3A_517 = arith.constant 48 : index
        %get3A_518 = tpu.vector_load %arg8[%get3A_515, %get3A_516, %get3A_517] {strides = array<i32>} : memref<2x640x64xf32, #tpu.memory_space<vmem>>, vector<1x1x16xf32>,
        %get3A_519 = vector.shape_cast %get3A_518 : vector<1x1x16xf32> to vector<16xf32>
        %max3A_520 = arith.maximumf %get3A_412, %get3A_509 : vector<16xf32>
        %add3A_521 = arith.addf %get3A_412, %get3A_509 : vector<16xf32>
        %max3A_522 = arith.maximumf %get3A_420, %get3A_519 : vector<16xf32>
        %add3A_523 = arith.addf %get3A_420, %get3A_519 : vector<16xf32>
        %mul3A_524 = arith.mulf %get3A_509, %get3A_509 : vector<16xf32>
        %add3A_525 = arith.addf %add3A_424, %mul3A_524 : vector<16xf32>
        %mul3A_526 = arith.mulf %get3A_519, %get3A_519 : vector<16xf32>
        %add3A_527 = arith.addf %add3A_525, %mul3A_526 : vector<16xf32>
        %add3A_528 = arith.constant 2 : i32
        %add3A_529 = arith.addi %mul3A_352, %add3A_528 : i32
        %get3A_530 = arith.constant 0 : i32
        %get3A_531 = arith.index_cast %get3A_530 : i32 to index
        %get3A_532 = arith.index_cast %add3A_529 : i32 to index
        %get3A_533 = arith.constant 0 : index
        %get3A_534 = tpu.vector_load %arg8[%get3A_531, %get3A_532, %get3A_533] {strides = array<i32>} : memref<2x640x64xf32, #tpu.memory_space<vmem>>, vector<1x1x16xf32>,
        %get3A_535 = vector.shape_cast %get3A_534 : vector<1x1x16xf32> to vector<16xf32>
        %add3A_536 = arith.constant 20 : i32
        %add3A_537 = arith.addi %mul3A_352, %add3A_536 : i32
        %add3A_538 = arith.constant 2 : i32
        %add3A_539 = arith.addi %add3A_537, %add3A_538 : i32
        %get3A_540 = arith.constant 0 : i32
        %get3A_541 = arith.index_cast %get3A_540 : i32 to index
        %get3A_542 = arith.index_cast %add3A_539 : i32 to index
        %get3A_543 = arith.constant 0 : index
        %get3A_544 = tpu.vector_load %arg8[%get3A_541, %get3A_542, %get3A_543] {strides = array<i32>} : memref<2x640x64xf32, #tpu.memory_space<vmem>>, vector<1x1x16xf32>,
        %get3A_545 = vector.shape_cast %get3A_544 : vector<1x1x16xf32> to vector<16xf32>
        %max3A_546 = arith.maximumf %max3A, %get3A_535 : vector<16xf32>
        %add3A_547 = arith.addf %add3A_443, %get3A_535 : vector<16xf32>
        %max3A_548 = arith.maximumf %max3A_444, %get3A_545 : vector<16xf32>
        %add3A_549 = arith.addf %add3A_445, %get3A_545 : vector<16xf32>
        %mul3A_550 = arith.mulf %get3A_535, %get3A_535 : vector<16xf32>
        %add3A_551 = arith.addf %add3A_449, %mul3A_550 : vector<16xf32>
        %mul3A_552 = arith.mulf %get3A_545, %get3A_545 : vector<16xf32>
        %add3A_553 = arith.addf %add3A_551, %mul3A_552 : vector<16xf32>
        %add3A_554 = arith.constant 2 : i32
        %add3A_555 = arith.addi %mul3A_352, %add3A_554 : i32
        %get3A_556 = arith.constant 0 : i32
        %get3A_557 = arith.index_cast %get3A_556 : i32 to index
        %get3A_558 = arith.index_cast %add3A_555 : i32 to index
        %get3A_559 = arith.constant 16 : index
        %get3A_560 = tpu.vector_load %arg8[%get3A_557, %get3A_558, %get3A_559] {strides = array<i32>} : memref<2x640x64xf32, #tpu.memory_space<vmem>>, vector<1x1x16xf32>,
        %get3A_561 = vector.shape_cast %get3A_560 : vector<1x1x16xf32> to vector<16xf32>
        %add3A_562 = arith.constant 20 : i32
        %add3A_563 = arith.addi %mul3A_352, %add3A_562 : i32
        %add3A_564 = arith.constant 2 : i32
        %add3A_565 = arith.addi %add3A_563, %add3A_564 : i32
        %get3A_566 = arith.constant 0 : i32
        %get3A_567 = arith.index_cast %get3A_566 : i32 to index
        %get3A_568 = arith.index_cast %add3A_565 : i32 to index
        %get3A_569 = arith.constant 16 : index
        %get3A_570 = tpu.vector_load %arg8[%get3A_567, %get3A_568, %get3A_569] {strides = array<i32>} : memref<2x640x64xf32, #tpu.memory_space<vmem>>, vector<1x1x16xf32>,
        %get3A_571 = vector.shape_cast %get3A_570 : vector<1x1x16xf32> to vector<16xf32>
        %max3A_572 = arith.maximumf %max3A_468, %get3A_561 : vector<16xf32>
        %add3A_573 = arith.addf %add3A_469, %get3A_561 : vector<16xf32>
        %max3A_574 = arith.maximumf %max3A_470, %get3A_571 : vector<16xf32>
        %add3A_575 = arith.addf %add3A_471, %get3A_571 : vector<16xf32>
        %mul3A_576 = arith.mulf %get3A_561, %get3A_561 : vector<16xf32>
        %add3A_577 = arith.addf %add3A_475, %mul3A_576 : vector<16xf32>
        %mul3A_578 = arith.mulf %get3A_571, %get3A_571 : vector<16xf32>
        %add3A_579 = arith.addf %add3A_577, %mul3A_578 : vector<16xf32>
        %add3A_580 = arith.constant 2 : i32
        %add3A_581 = arith.addi %mul3A_352, %add3A_580 : i32
        %get3A_582 = arith.constant 0 : i32
        %get3A_583 = arith.index_cast %get3A_582 : i32 to index
        %get3A_584 = arith.index_cast %add3A_581 : i32 to index
        %get3A_585 = arith.constant 32 : index
        %get3A_586 = tpu.vector_load %arg8[%get3A_583, %get3A_584, %get3A_585] {strides = array<i32>} : memref<2x640x64xf32, #tpu.memory_space<vmem>>, vector<1x1x16xf32>,
        %get3A_587 = vector.shape_cast %get3A_586 : vector<1x1x16xf32> to vector<16xf32>
        %add3A_588 = arith.constant 20 : i32
        %add3A_589 = arith.addi %mul3A_352, %add3A_588 : i32
        %add3A_590 = arith.constant 2 : i32
        %add3A_591 = arith.addi %add3A_589, %add3A_590 : i32
        %get3A_592 = arith.constant 0 : i32
        %get3A_593 = arith.index_cast %get3A_592 : i32 to index
        %get3A_594 = arith.index_cast %add3A_591 : i32 to index
        %get3A_595 = arith.constant 32 : index
        %get3A_596 = tpu.vector_load %arg8[%get3A_593, %get3A_594, %get3A_595] {strides = array<i32>} : memref<2x640x64xf32, #tpu.memory_space<vmem>>, vector<1x1x16xf32>,
        %get3A_597 = vector.shape_cast %get3A_596 : vector<1x1x16xf32> to vector<16xf32>
        %max3A_598 = arith.maximumf %max3A_494, %get3A_587 : vector<16xf32>
        %add3A_599 = arith.addf %add3A_495, %get3A_587 : vector<16xf32>
        %max3A_600 = arith.maximumf %max3A_496, %get3A_597 : vector<16xf32>
        %add3A_601 = arith.addf %add3A_497, %get3A_597 : vector<16xf32>
        %mul3A_602 = arith.mulf %get3A_587, %get3A_587 : vector<16xf32>
        %add3A_603 = arith.addf %add3A_501, %mul3A_602 : vector<16xf32>
        %mul3A_604 = arith.mulf %get3A_597, %get3A_597 : vector<16xf32>
        %add3A_605 = arith.addf %add3A_603, %mul3A_604 : vector<16xf32>
        %add3A_606 = arith.constant 2 : i32
        %add3A_607 = arith.addi %mul3A_352, %add3A_606 : i32
        %get3A_608 = arith.constant 0 : i32
        %get3A_609 = arith.index_cast %get3A_608 : i32 to index
        %get3A_610 = arith.index_cast %add3A_607 : i32 to index
        %get3A_611 = arith.constant 48 : index
        %get3A_612 = tpu.vector_load %arg8[%get3A_609, %get3A_610, %get3A_611] {strides = array<i32>} : memref<2x640x64xf32, #tpu.memory_space<vmem>>, vector<1x1x16xf32>,
        %get3A_613 = vector.shape_cast %get3A_612 : vector<1x1x16xf32> to vector<16xf32>
        %add3A_614 = arith.constant 20 : i32
        %add3A_615 = arith.addi %mul3A_352, %add3A_614 : i32
        %add3A_616 = arith.constant 2 : i32
        %add3A_617 = arith.addi %add3A_615, %add3A_616 : i32
        %get3A_618 = arith.constant 0 : i32
        %get3A_619 = arith.index_cast %get3A_618 : i32 to index
        %get3A_620 = arith.index_cast %add3A_617 : i32 to index
        %get3A_621 = arith.constant 48 : index
        %get3A_622 = tpu.vector_load %arg8[%get3A_619, %get3A_620, %get3A_621] {strides = array<i32>} : memref<2x640x64xf32, #tpu.memory_space<vmem>>, vector<1x1x16xf32>,
        %get3A_623 = vector.shape_cast %get3A_622 : vector<1x1x16xf32> to vector<16xf32>
        %max3A_624 = arith.maximumf %max3A_520, %get3A_613 : vector<16xf32>
        %add3A_625 = arith.addf %add3A_521, %get3A_613 : vector<16xf32>
        %max3A_626 = arith.maximumf %max3A_522, %get3A_623 : vector<16xf32>
        %add3A_627 = arith.addf %add3A_523, %get3A_623 : vector<16xf32>
        %mul3A_628 = arith.mulf %get3A_613, %get3A_613 : vector<16xf32>
        %add3A_629 = arith.addf %add3A_527, %mul3A_628 : vector<16xf32>
        %mul3A_630 = arith.mulf %get3A_623, %get3A_623 : vector<16xf32>
        %add3A_631 = arith.addf %add3A_629, %mul3A_630 : vector<16xf32>
        %add3A_632 = arith.constant 3 : i32
        %add3A_633 = arith.addi %mul3A_352, %add3A_632 : i32
        %get3A_634 = arith.constant 0 : i32
        %get3A_635 = arith.index_cast %get3A_634 : i32 to index
        %get3A_636 = arith.index_cast %add3A_633 : i32 to index
        %get3A_637 = arith.constant 0 : index
        %get3A_638 = tpu.vector_load %arg8[%get3A_635, %get3A_636, %get3A_637] {strides = array<i32>} : memref<2x640x64xf32, #tpu.memory_space<vmem>>, vector<1x1x16xf32>,
        %get3A_639 = vector.shape_cast %get3A_638 : vector<1x1x16xf32> to vector<16xf32>
        %add3A_640 = arith.constant 20 : i32
        %add3A_641 = arith.addi %mul3A_352, %add3A_640 : i32
        %add3A_642 = arith.constant 3 : i32
        %add3A_643 = arith.addi %add3A_641, %add3A_642 : i32
        %get3A_644 = arith.constant 0 : i32
        %get3A_645 = arith.index_cast %get3A_644 : i32 to index
        %get3A_646 = arith.index_cast %add3A_643 : i32 to index
        %get3A_647 = arith.constant 0 : index
        %get3A_648 = tpu.vector_load %arg8[%get3A_645, %get3A_646, %get3A_647] {strides = array<i32>} : memref<2x640x64xf32, #tpu.memory_space<vmem>>, vector<1x1x16xf32>,
        %get3A_649 = vector.shape_cast %get3A_648 : vector<1x1x16xf32> to vector<16xf32>
        %max3A_650 = arith.maximumf %max3A_546, %get3A_639 : vector<16xf32>
        %add3A_651 = arith.addf %add3A_547, %get3A_639 : vector<16xf32>
        %max3A_652 = arith.maximumf %max3A_548, %get3A_649 : vector<16xf32>
        %add3A_653 = arith.addf %add3A_549, %get3A_649 : vector<16xf32>
        %mul3A_654 = arith.mulf %get3A_639, %get3A_639 : vector<16xf32>
        %add3A_655 = arith.addf %add3A_553, %mul3A_654 : vector<16xf32>
        %mul3A_656 = arith.mulf %get3A_649, %get3A_649 : vector<16xf32>
        %add3A_657 = arith.addf %add3A_655, %mul3A_656 : vector<16xf32>
        %add3A_658 = arith.constant 3 : i32
        %add3A_659 = arith.addi %mul3A_352, %add3A_658 : i32
        %get3A_660 = arith.constant 0 : i32
        %get3A_661 = arith.index_cast %get3A_660 : i32 to index
        %get3A_662 = arith.index_cast %add3A_659 : i32 to index
        %get3A_663 = arith.constant 16 : index
        %get3A_664 = tpu.vector_load %arg8[%get3A_661, %get3A_662, %get3A_663] {strides = array<i32>} : memref<2x640x64xf32, #tpu.memory_space<vmem>>, vector<1x1x16xf32>,
        %get3A_665 = vector.shape_cast %get3A_664 : vector<1x1x16xf32> to vector<16xf32>
        %add3A_666 = arith.constant 20 : i32
        %add3A_667 = arith.addi %mul3A_352, %add3A_666 : i32
        %add3A_668 = arith.constant 3 : i32
        %add3A_669 = arith.addi %add3A_667, %add3A_668 : i32
        %get3A_670 = arith.constant 0 : i32
        %get3A_671 = arith.index_cast %get3A_670 : i32 to index
        %get3A_672 = arith.index_cast %add3A_669 : i32 to index
        %get3A_673 = arith.constant 16 : index
        %get3A_674 = tpu.vector_load %arg8[%get3A_671, %get3A_672, %get3A_673] {strides = array<i32>} : memref<2x640x64xf32, #tpu.memory_space<vmem>>, vector<1x1x16xf32>,
        %get3A_675 = vector.shape_cast %get3A_674 : vector<1x1x16xf32> to vector<16xf32>
        %max3A_676 = arith.maximumf %max3A_572, %get3A_665 : vector<16xf32>
        %add3A_677 = arith.addf %add3A_573, %get3A_665 : vector<16xf32>
        %max3A_678 = arith.maximumf %max3A_574, %get3A_675 : vector<16xf32>
        %add3A_679 = arith.addf %add3A_575, %get3A_675 : vector<16xf32>
        %mul3A_680 = arith.mulf %get3A_665, %get3A_665 : vector<16xf32>
        %add3A_681 = arith.addf %add3A_579, %mul3A_680 : vector<16xf32>
        %mul3A_682 = arith.mulf %get3A_675, %get3A_675 : vector<16xf32>
        %add3A_683 = arith.addf %add3A_681, %mul3A_682 : vector<16xf32>
        %add3A_684 = arith.constant 3 : i32
        %add3A_685 = arith.addi %mul3A_352, %add3A_684 : i32
        %get3A_686 = arith.constant 0 : i32
        %get3A_687 = arith.index_cast %get3A_686 : i32 to index
        %get3A_688 = arith.index_cast %add3A_685 : i32 to index
        %get3A_689 = arith.constant 32 : index
        %get3A_690 = tpu.vector_load %arg8[%get3A_687, %get3A_688, %get3A_689] {strides = array<i32>} : memref<2x640x64xf32, #tpu.memory_space<vmem>>, vector<1x1x16xf32>,
        %get3A_691 = vector.shape_cast %get3A_690 : vector<1x1x16xf32> to vector<16xf32>
        %add3A_692 = arith.constant 20 : i32
        %add3A_693 = arith.addi %mul3A_352, %add3A_692 : i32
        %add3A_694 = arith.constant 3 : i32
        %add3A_695 = arith.addi %add3A_693, %add3A_694 : i32
        %get3A_696 = arith.constant 0 : i32
        %get3A_697 = arith.index_cast %get3A_696 : i32 to index
        %get3A_698 = arith.index_cast %add3A_695 : i32 to index
        %get3A_699 = arith.constant 32 : index
        %get3A_700 = tpu.vector_load %arg8[%get3A_697, %get3A_698, %get3A_699] {strides = array<i32>} : memref<2x640x64xf32, #tpu.memory_space<vmem>>, vector<1x1x16xf32>,
        %get3A_701 = vector.shape_cast %get3A_700 : vector<1x1x16xf32> to vector<16xf32>
        %max3A_702 = arith.maximumf %max3A_598, %get3A_691 : vector<16xf32>
        %add3A_703 = arith.addf %add3A_599, %get3A_691 : vector<16xf32>
        %max3A_704 = arith.maximumf %max3A_600, %get3A_701 : vector<16xf32>
        %add3A_705 = arith.addf %add3A_601, %get3A_701 : vector<16xf32>
        %mul3A_706 = arith.mulf %get3A_691, %get3A_691 : vector<16xf32>
        %add3A_707 = arith.addf %add3A_605, %mul3A_706 : vector<16xf32>
        %mul3A_708 = arith.mulf %get3A_701, %get3A_701 : vector<16xf32>
        %add3A_709 = arith.addf %add3A_707, %mul3A_708 : vector<16xf32>
        %add3A_710 = arith.constant 3 : i32
        %add3A_711 = arith.addi %mul3A_352, %add3A_710 : i32
        %get3A_712 = arith.constant 0 : i32
        %get3A_713 = arith.index_cast %get3A_712 : i32 to index
        %get3A_714 = arith.index_cast %add3A_711 : i32 to index
        %get3A_715 = arith.constant 48 : index
        %get3A_716 = tpu.vector_load %arg8[%get3A_713, %get3A_714, %get3A_715] {strides = array<i32>} : memref<2x640x64xf32, #tpu.memory_space<vmem>>, vector<1x1x16xf32>,
        %get3A_717 = vector.shape_cast %get3A_716 : vector<1x1x16xf32> to vector<16xf32>
        %add3A_718 = arith.constant 20 : i32
        %add3A_719 = arith.addi %mul3A_352, %add3A_718 : i32
        %add3A_720 = arith.constant 3 : i32
        %add3A_721 = arith.addi %add3A_719, %add3A_720 : i32
        %get3A_722 = arith.constant 0 : i32
        %get3A_723 = arith.index_cast %get3A_722 : i32 to index
        %get3A_724 = arith.index_cast %add3A_721 : i32 to index
        %get3A_725 = arith.constant 48 : index
        %get3A_726 = tpu.vector_load %arg8[%get3A_723, %get3A_724, %get3A_725] {strides = array<i32>} : memref<2x640x64xf32, #tpu.memory_space<vmem>>, vector<1x1x16xf32>,
        %get3A_727 = vector.shape_cast %get3A_726 : vector<1x1x16xf32> to vector<16xf32>
        %max3A_728 = arith.maximumf %max3A_624, %get3A_717 : vector<16xf32>
        %add3A_729 = arith.addf %add3A_625, %get3A_717 : vector<16xf32>
        %max3A_730 = arith.maximumf %max3A_626, %get3A_727 : vector<16xf32>
        %add3A_731 = arith.addf %add3A_627, %get3A_727 : vector<16xf32>
        %mul3A_732 = arith.mulf %get3A_717, %get3A_717 : vector<16xf32>
        %add3A_733 = arith.addf %add3A_631, %mul3A_732 : vector<16xf32>
        %mul3A_734 = arith.mulf %get3A_727, %get3A_727 : vector<16xf32>
        %add3A_735 = arith.addf %add3A_733, %mul3A_734 : vector<16xf32>
        %add3A_736 = arith.constant 4 : i32
        %add3A_737 = arith.addi %mul3A_352, %add3A_736 : i32
        %get3A_738 = arith.constant 0 : i32
        %get3A_739 = arith.index_cast %get3A_738 : i32 to index
        %get3A_740 = arith.index_cast %add3A_737 : i32 to index
        %get3A_741 = arith.constant 0 : index
        %get3A_742 = tpu.vector_load %arg8[%get3A_739, %get3A_740, %get3A_741] {strides = array<i32>} : memref<2x640x64xf32, #tpu.memory_space<vmem>>, vector<1x1x16xf32>,
        %get3A_743 = vector.shape_cast %get3A_742 : vector<1x1x16xf32> to vector<16xf32>
        %add3A_744 = arith.constant 20 : i32
        %add3A_745 = arith.addi %mul3A_352, %add3A_744 : i32
        %add3A_746 = arith.constant 4 : i32
        %add3A_747 = arith.addi %add3A_745, %add3A_746 : i32
        %get3A_748 = arith.constant 0 : i32
        %get3A_749 = arith.index_cast %get3A_748 : i32 to index
        %get3A_750 = arith.index_cast %add3A_747 : i32 to index
        %get3A_751 = arith.constant 0 : index
        %get3A_752 = tpu.vector_load %arg8[%get3A_749, %get3A_750, %get3A_751] {strides = array<i32>} : memref<2x640x64xf32, #tpu.memory_space<vmem>>, vector<1x1x16xf32>,
        %get3A_753 = vector.shape_cast %get3A_752 : vector<1x1x16xf32> to vector<16xf32>
        %max3A_754 = arith.maximumf %max3A_650, %get3A_743 : vector<16xf32>
        %add3A_755 = arith.addf %add3A_651, %get3A_743 : vector<16xf32>
        %max3A_756 = arith.maximumf %max3A_652, %get3A_753 : vector<16xf32>
        %add3A_757 = arith.addf %add3A_653, %get3A_753 : vector<16xf32>
        %mul3A_758 = arith.mulf %get3A_743, %get3A_743 : vector<16xf32>
        %add3A_759 = arith.addf %add3A_657, %mul3A_758 : vector<16xf32>
        %mul3A_760 = arith.mulf %get3A_753, %get3A_753 : vector<16xf32>
        %add3A_761 = arith.addf %add3A_759, %mul3A_760 : vector<16xf32>
        %add3A_762 = arith.constant 4 : i32
        %add3A_763 = arith.addi %mul3A_352, %add3A_762 : i32
        %get3A_764 = arith.constant 0 : i32
        %get3A_765 = arith.index_cast %get3A_764 : i32 to index
        %get3A_766 = arith.index_cast %add3A_763 : i32 to index
        %get3A_767 = arith.constant 16 : index
        %get3A_768 = tpu.vector_load %arg8[%get3A_765, %get3A_766, %get3A_767] {strides = array<i32>} : memref<2x640x64xf32, #tpu.memory_space<vmem>>, vector<1x1x16xf32>,
        %get3A_769 = vector.shape_cast %get3A_768 : vector<1x1x16xf32> to vector<16xf32>
        %add3A_770 = arith.constant 20 : i32
        %add3A_771 = arith.addi %mul3A_352, %add3A_770 : i32
        %add3A_772 = arith.constant 4 : i32
        %add3A_773 = arith.addi %add3A_771, %add3A_772 : i32
        %get3A_774 = arith.constant 0 : i32
        %get3A_775 = arith.index_cast %get3A_774 : i32 to index
        %get3A_776 = arith.index_cast %add3A_773 : i32 to index
        %get3A_777 = arith.constant 16 : index
        %get3A_778 = tpu.vector_load %arg8[%get3A_775, %get3A_776, %get3A_777] {strides = array<i32>} : memref<2x640x64xf32, #tpu.memory_space<vmem>>, vector<1x1x16xf32>,
        %get3A_779 = vector.shape_cast %get3A_778 : vector<1x1x16xf32> to vector<16xf32>
        %max3A_780 = arith.maximumf %max3A_676, %get3A_769 : vector<16xf32>
        %add3A_781 = arith.addf %add3A_677, %get3A_769 : vector<16xf32>
        %max3A_782 = arith.maximumf %max3A_678, %get3A_779 : vector<16xf32>
        %add3A_783 = arith.addf %add3A_679, %get3A_779 : vector<16xf32>
        %mul3A_784 = arith.mulf %get3A_769, %get3A_769 : vector<16xf32>
        %add3A_785 = arith.addf %add3A_683, %mul3A_784 : vector<16xf32>
        %mul3A_786 = arith.mulf %get3A_779, %get3A_779 : vector<16xf32>
        %add3A_787 = arith.addf %add3A_785, %mul3A_786 : vector<16xf32>
        %add3A_788 = arith.constant 4 : i32
        %add3A_789 = arith.addi %mul3A_352, %add3A_788 : i32
        %get3A_790 = arith.constant 0 : i32
        %get3A_791 = arith.index_cast %get3A_790 : i32 to index
        %get3A_792 = arith.index_cast %add3A_789 : i32 to index
        %get3A_793 = arith.constant 32 : index
        %get3A_794 = tpu.vector_load %arg8[%get3A_791, %get3A_792, %get3A_793] {strides = array<i32>} : memref<2x640x64xf32, #tpu.memory_space<vmem>>, vector<1x1x16xf32>,
        %get3A_795 = vector.shape_cast %get3A_794 : vector<1x1x16xf32> to vector<16xf32>
        %add3A_796 = arith.constant 20 : i32
        %add3A_797 = arith.addi %mul3A_352, %add3A_796 : i32
        %add3A_798 = arith.constant 4 : i32
        %add3A_799 = arith.addi %add3A_797, %add3A_798 : i32
        %get3A_800 = arith.constant 0 : i32
        %get3A_801 = arith.index_cast %get3A_800 : i32 to index
        %get3A_802 = arith.index_cast %add3A_799 : i32 to index
        %get3A_803 = arith.constant 32 : index
        %get3A_804 = tpu.vector_load %arg8[%get3A_801, %get3A_802, %get3A_803] {strides = array<i32>} : memref<2x640x64xf32, #tpu.memory_space<vmem>>, vector<1x1x16xf32>,
        %get3A_805 = vector.shape_cast %get3A_804 : vector<1x1x16xf32> to vector<16xf32>
        %max3A_806 = arith.maximumf %max3A_702, %get3A_795 : vector<16xf32>
        %add3A_807 = arith.addf %add3A_703, %get3A_795 : vector<16xf32>
        %max3A_808 = arith.maximumf %max3A_704, %get3A_805 : vector<16xf32>
        %add3A_809 = arith.addf %add3A_705, %get3A_805 : vector<16xf32>
        %mul3A_810 = arith.mulf %get3A_795, %get3A_795 : vector<16xf32>
        %add3A_811 = arith.addf %add3A_709, %mul3A_810 : vector<16xf32>
        %mul3A_812 = arith.mulf %get3A_805, %get3A_805 : vector<16xf32>
        %add3A_813 = arith.addf %add3A_811, %mul3A_812 : vector<16xf32>
        %add3A_814 = arith.constant 4 : i32
        %add3A_815 = arith.addi %mul3A_352, %add3A_814 : i32
        %get3A_816 = arith.constant 0 : i32
        %get3A_817 = arith.index_cast %get3A_816 : i32 to index
        %get3A_818 = arith.index_cast %add3A_815 : i32 to index
        %get3A_819 = arith.constant 48 : index
        %get3A_820 = tpu.vector_load %arg8[%get3A_817, %get3A_818, %get3A_819] {strides = array<i32>} : memref<2x640x64xf32, #tpu.memory_space<vmem>>, vector<1x1x16xf32>,
        %get3A_821 = vector.shape_cast %get3A_820 : vector<1x1x16xf32> to vector<16xf32>
        %add3A_822 = arith.constant 20 : i32
        %add3A_823 = arith.addi %mul3A_352, %add3A_822 : i32
        %add3A_824 = arith.constant 4 : i32
        %add3A_825 = arith.addi %add3A_823, %add3A_824 : i32
        %get3A_826 = arith.constant 0 : i32
        %get3A_827 = arith.index_cast %get3A_826 : i32 to index
        %get3A_828 = arith.index_cast %add3A_825 : i32 to index
        %get3A_829 = arith.constant 48 : index
        %get3A_830 = tpu.vector_load %arg8[%get3A_827, %get3A_828, %get3A_829] {strides = array<i32>} : memref<2x640x64xf32, #tpu.memory_space<vmem>>, vector<1x1x16xf32>,
        %get3A_831 = vector.shape_cast %get3A_830 : vector<1x1x16xf32> to vector<16xf32>
        %max3A_832 = arith.maximumf %max3A_728, %get3A_821 : vector<16xf32>
        %add3A_833 = arith.addf %add3A_729, %get3A_821 : vector<16xf32>
        %max3A_834 = arith.maximumf %max3A_730, %get3A_831 : vector<16xf32>
        %add3A_835 = arith.addf %add3A_731, %get3A_831 : vector<16xf32>
        %mul3A_836 = arith.mulf %get3A_821, %get3A_821 : vector<16xf32>
        %add3A_837 = arith.addf %add3A_735, %mul3A_836 : vector<16xf32>
        %mul3A_838 = arith.mulf %get3A_831, %get3A_831 : vector<16xf32>
        %add3A_839 = arith.addf %add3A_837, %mul3A_838 : vector<16xf32>
        %add3A_840 = arith.constant 5 : i32
        %add3A_841 = arith.addi %mul3A_352, %add3A_840 : i32
        %get3A_842 = arith.constant 0 : i32
        %get3A_843 = arith.index_cast %get3A_842 : i32 to index
        %get3A_844 = arith.index_cast %add3A_841 : i32 to index
        %get3A_845 = arith.constant 0 : index
        %get3A_846 = tpu.vector_load %arg8[%get3A_843, %get3A_844, %get3A_845] {strides = array<i32>} : memref<2x640x64xf32, #tpu.memory_space<vmem>>, vector<1x1x16xf32>,
        %get3A_847 = vector.shape_cast %get3A_846 : vector<1x1x16xf32> to vector<16xf32>
        %add3A_848 = arith.constant 20 : i32
        %add3A_849 = arith.addi %mul3A_352, %add3A_848 : i32
        %add3A_850 = arith.constant 5 : i32
        %add3A_851 = arith.addi %add3A_849, %add3A_850 : i32
        %get3A_852 = arith.constant 0 : i32
        %get3A_853 = arith.index_cast %get3A_852 : i32 to index
        %get3A_854 = arith.index_cast %add3A_851 : i32 to index
        %get3A_855 = arith.constant 0 : index
        %get3A_856 = tpu.vector_load %arg8[%get3A_853, %get3A_854, %get3A_855] {strides = array<i32>} : memref<2x640x64xf32, #tpu.memory_space<vmem>>, vector<1x1x16xf32>,
        %get3A_857 = vector.shape_cast %get3A_856 : vector<1x1x16xf32> to vector<16xf32>
        %max3A_858 = arith.maximumf %max3A_754, %get3A_847 : vector<16xf32>
        %add3A_859 = arith.addf %add3A_755, %get3A_847 : vector<16xf32>
        %max3A_860 = arith.maximumf %max3A_756, %get3A_857 : vector<16xf32>
        %add3A_861 = arith.addf %add3A_757, %get3A_857 : vector<16xf32>
        %mul3A_862 = arith.mulf %get3A_847, %get3A_847 : vector<16xf32>
        %add3A_863 = arith.addf %add3A_761, %mul3A_862 : vector<16xf32>
        %mul3A_864 = arith.mulf %get3A_857, %get3A_857 : vector<16xf32>
        %add3A_865 = arith.addf %add3A_863, %mul3A_864 : vector<16xf32>
        %add3A_866 = arith.constant 5 : i32
        %add3A_867 = arith.addi %mul3A_352, %add3A_866 : i32
        %get3A_868 = arith.constant 0 : i32
        %get3A_869 = arith.index_cast %get3A_868 : i32 to index
        %get3A_870 = arith.index_cast %add3A_867 : i32 to index
        %get3A_871 = arith.constant 16 : index
        %get3A_872 = tpu.vector_load %arg8[%get3A_869, %get3A_870, %get3A_871] {strides = array<i32>} : memref<2x640x64xf32, #tpu.memory_space<vmem>>, vector<1x1x16xf32>,
        %get3A_873 = vector.shape_cast %get3A_872 : vector<1x1x16xf32> to vector<16xf32>
        %add3A_874 = arith.constant 20 : i32
        %add3A_875 = arith.addi %mul3A_352, %add3A_874 : i32
        %add3A_876 = arith.constant 5 : i32
        %add3A_877 = arith.addi %add3A_875, %add3A_876 : i32
        %get3A_878 = arith.constant 0 : i32
        %get3A_879 = arith.index_cast %get3A_878 : i32 to index
        %get3A_880 = arith.index_cast %add3A_877 : i32 to index
        %get3A_881 = arith.constant 16 : index
        %get3A_882 = tpu.vector_load %arg8[%get3A_879, %get3A_880, %get3A_881] {strides = array<i32>} : memref<2x640x64xf32, #tpu.memory_space<vmem>>, vector<1x1x16xf32>,
        %get3A_883 = vector.shape_cast %get3A_882 : vector<1x1x16xf32> to vector<16xf32>
        %max3A_884 = arith.maximumf %max3A_780, %get3A_873 : vector<16xf32>
        %add3A_885 = arith.addf %add3A_781, %get3A_873 : vector<16xf32>
        %max3A_886 = arith.maximumf %max3A_782, %get3A_883 : vector<16xf32>
        %add3A_887 = arith.addf %add3A_783, %get3A_883 : vector<16xf32>
        %mul3A_888 = arith.mulf %get3A_873, %get3A_873 : vector<16xf32>
        %add3A_889 = arith.addf %add3A_787, %mul3A_888 : vector<16xf32>
        %mul3A_890 = arith.mulf %get3A_883, %get3A_883 : vector<16xf32>
        %add3A_891 = arith.addf %add3A_889, %mul3A_890 : vector<16xf32>
        %add3A_892 = arith.constant 5 : i32
        %add3A_893 = arith.addi %mul3A_352, %add3A_892 : i32
        %get3A_894 = arith.constant 0 : i32
        %get3A_895 = arith.index_cast %get3A_894 : i32 to index
        %get3A_896 = arith.index_cast %add3A_893 : i32 to index
        %get3A_897 = arith.constant 32 : index
        %get3A_898 = tpu.vector_load %arg8[%get3A_895, %get3A_896, %get3A_897] {strides = array<i32>} : memref<2x640x64xf32, #tpu.memory_space<vmem>>, vector<1x1x16xf32>,
        %get3A_899 = vector.shape_cast %get3A_898 : vector<1x1x16xf32> to vector<16xf32>
        %add3A_900 = arith.constant 20 : i32
        %add3A_901 = arith.addi %mul3A_352, %add3A_900 : i32
        %add3A_902 = arith.constant 5 : i32
        %add3A_903 = arith.addi %add3A_901, %add3A_902 : i32
        %get3A_904 = arith.constant 0 : i32
        %get3A_905 = arith.index_cast %get3A_904 : i32 to index
        %get3A_906 = arith.index_cast %add3A_903 : i32 to index
        %get3A_907 = arith.constant 32 : index
        %get3A_908 = tpu.vector_load %arg8[%get3A_905, %get3A_906, %get3A_907] {strides = array<i32>} : memref<2x640x64xf32, #tpu.memory_space<vmem>>, vector<1x1x16xf32>,
        %get3A_909 = vector.shape_cast %get3A_908 : vector<1x1x16xf32> to vector<16xf32>
        %max3A_910 = arith.maximumf %max3A_806, %get3A_899 : vector<16xf32>
        %add3A_911 = arith.addf %add3A_807, %get3A_899 : vector<16xf32>
        %max3A_912 = arith.maximumf %max3A_808, %get3A_909 : vector<16xf32>
        %add3A_913 = arith.addf %add3A_809, %get3A_909 : vector<16xf32>
        %mul3A_914 = arith.mulf %get3A_899, %get3A_899 : vector<16xf32>
        %add3A_915 = arith.addf %add3A_813, %mul3A_914 : vector<16xf32>
        %mul3A_916 = arith.mulf %get3A_909, %get3A_909 : vector<16xf32>
        %add3A_917 = arith.addf %add3A_915, %mul3A_916 : vector<16xf32>
        %add3A_918 = arith.constant 5 : i32
        %add3A_919 = arith.addi %mul3A_352, %add3A_918 : i32
        %get3A_920 = arith.constant 0 : i32
        %get3A_921 = arith.index_cast %get3A_920 : i32 to index
        %get3A_922 = arith.index_cast %add3A_919 : i32 to index
        %get3A_923 = arith.constant 48 : index
        %get3A_924 = tpu.vector_load %arg8[%get3A_921, %get3A_922, %get3A_923] {strides = array<i32>} : memref<2x640x64xf32, #tpu.memory_space<vmem>>, vector<1x1x16xf32>,
        %get3A_925 = vector.shape_cast %get3A_924 : vector<1x1x16xf32> to vector<16xf32>
        %add3A_926 = arith.constant 20 : i32
        %add3A_927 = arith.addi %mul3A_352, %add3A_926 : i32
        %add3A_928 = arith.constant 5 : i32
        %add3A_929 = arith.addi %add3A_927, %add3A_928 : i32
        %get3A_930 = arith.constant 0 : i32
        %get3A_931 = arith.index_cast %get3A_930 : i32 to index
        %get3A_932 = arith.index_cast %add3A_929 : i32 to index
        %get3A_933 = arith.constant 48 : index
        %get3A_934 = tpu.vector_load %arg8[%get3A_931, %get3A_932, %get3A_933] {strides = array<i32>} : memref<2x640x64xf32, #tpu.memory_space<vmem>>, vector<1x1x16xf32>,
        %get3A_935 = vector.shape_cast %get3A_934 : vector<1x1x16xf32> to vector<16xf32>
        %max3A_936 = arith.maximumf %max3A_832, %get3A_925 : vector<16xf32>
        %add3A_937 = arith.addf %add3A_833, %get3A_925 : vector<16xf32>
        %max3A_938 = arith.maximumf %max3A_834, %get3A_935 : vector<16xf32>
        %add3A_939 = arith.addf %add3A_835, %get3A_935 : vector<16xf32>
        %mul3A_940 = arith.mulf %get3A_925, %get3A_925 : vector<16xf32>
        %add3A_941 = arith.addf %add3A_839, %mul3A_940 : vector<16xf32>
        %mul3A_942 = arith.mulf %get3A_935, %get3A_935 : vector<16xf32>
        %add3A_943 = arith.addf %add3A_941, %mul3A_942 : vector<16xf32>
        %add3A_944 = arith.constant 6 : i32
        %add3A_945 = arith.addi %mul3A_352, %add3A_944 : i32
        %get3A_946 = arith.constant 0 : i32
        %get3A_947 = arith.index_cast %get3A_946 : i32 to index
        %get3A_948 = arith.index_cast %add3A_945 : i32 to index
        %get3A_949 = arith.constant 0 : index
        %get3A_950 = tpu.vector_load %arg8[%get3A_947, %get3A_948, %get3A_949] {strides = array<i32>} : memref<2x640x64xf32, #tpu.memory_space<vmem>>, vector<1x1x16xf32>,
        %get3A_951 = vector.shape_cast %get3A_950 : vector<1x1x16xf32> to vector<16xf32>
        %add3A_952 = arith.constant 20 : i32
        %add3A_953 = arith.addi %mul3A_352, %add3A_952 : i32
        %add3A_954 = arith.constant 6 : i32
        %add3A_955 = arith.addi %add3A_953, %add3A_954 : i32
        %get3A_956 = arith.constant 0 : i32
        %get3A_957 = arith.index_cast %get3A_956 : i32 to index
        %get3A_958 = arith.index_cast %add3A_955 : i32 to index
        %get3A_959 = arith.constant 0 : index
        %get3A_960 = tpu.vector_load %arg8[%get3A_957, %get3A_958, %get3A_959] {strides = array<i32>} : memref<2x640x64xf32, #tpu.memory_space<vmem>>, vector<1x1x16xf32>,
        %get3A_961 = vector.shape_cast %get3A_960 : vector<1x1x16xf32> to vector<16xf32>
        %max3A_962 = arith.maximumf %max3A_858, %get3A_951 : vector<16xf32>
        %add3A_963 = arith.addf %add3A_859, %get3A_951 : vector<16xf32>
        %max3A_964 = arith.maximumf %max3A_860, %get3A_961 : vector<16xf32>
        %add3A_965 = arith.addf %add3A_861, %get3A_961 : vector<16xf32>
        %mul3A_966 = arith.mulf %get3A_951, %get3A_951 : vector<16xf32>
        %add3A_967 = arith.addf %add3A_865, %mul3A_966 : vector<16xf32>
        %mul3A_968 = arith.mulf %get3A_961, %get3A_961 : vector<16xf32>
        %add3A_969 = arith.addf %add3A_967, %mul3A_968 : vector<16xf32>
        %add3A_970 = arith.constant 6 : i32
        %add3A_971 = arith.addi %mul3A_352, %add3A_970 : i32
        %get3A_972 = arith.constant 0 : i32
        %get3A_973 = arith.index_cast %get3A_972 : i32 to index
        %get3A_974 = arith.index_cast %add3A_971 : i32 to index
        %get3A_975 = arith.constant 16 : index
        %get3A_976 = tpu.vector_load %arg8[%get3A_973, %get3A_974, %get3A_975] {strides = array<i32>} : memref<2x640x64xf32, #tpu.memory_space<vmem>>, vector<1x1x16xf32>,
        %get3A_977 = vector.shape_cast %get3A_976 : vector<1x1x16xf32> to vector<16xf32>
        %add3A_978 = arith.constant 20 : i32
        %add3A_979 = arith.addi %mul3A_352, %add3A_978 : i32
        %add3A_980 = arith.constant 6 : i32
        %add3A_981 = arith.addi %add3A_979, %add3A_980 : i32
        %get3A_982 = arith.constant 0 : i32
        %get3A_983 = arith.index_cast %get3A_982 : i32 to index
        %get3A_984 = arith.index_cast %add3A_981 : i32 to index
        %get3A_985 = arith.constant 16 : index
        %get3A_986 = tpu.vector_load %arg8[%get3A_983, %get3A_984, %get3A_985] {strides = array<i32>} : memref<2x640x64xf32, #tpu.memory_space<vmem>>, vector<1x1x16xf32>,
        %get3A_987 = vector.shape_cast %get3A_986 : vector<1x1x16xf32> to vector<16xf32>
        %max3A_988 = arith.maximumf %max3A_884, %get3A_977 : vector<16xf32>
        %add3A_989 = arith.addf %add3A_885, %get3A_977 : vector<16xf32>
        %max3A_990 = arith.maximumf %max3A_886, %get3A_987 : vector<16xf32>
        %add3A_991 = arith.addf %add3A_887, %get3A_987 : vector<16xf32>
        %mul3A_992 = arith.mulf %get3A_977, %get3A_977 : vector<16xf32>
        %add3A_993 = arith.addf %add3A_891, %mul3A_992 : vector<16xf32>
        %mul3A_994 = arith.mulf %get3A_987, %get3A_987 : vector<16xf32>
        %add3A_995 = arith.addf %add3A_993, %mul3A_994 : vector<16xf32>
        %add3A_996 = arith.constant 6 : i32
        %add3A_997 = arith.addi %mul3A_352, %add3A_996 : i32
        %get3A_998 = arith.constant 0 : i32
        %get3A_999 = arith.index_cast %get3A_998 : i32 to index
        %get3A_1000 = arith.index_cast %add3A_997 : i32 to index
        %get3A_1001 = arith.constant 32 : index
        %get3A_1002 = tpu.vector_load %arg8[%get3A_999, %get3A_1000, %get3A_1001] {strides = array<i32>} : memref<2x640x64xf32, #tpu.memory_space<vmem>>, vector<1x1x16xf32>,
        %get3A_1003 = vector.shape_cast %get3A_1002 : vector<1x1x16xf32> to vector<16xf32>
        %add3A_1004 = arith.constant 20 : i32
        %add3A_1005 = arith.addi %mul3A_352, %add3A_1004 : i32
        %add3A_1006 = arith.constant 6 : i32
        %add3A_1007 = arith.addi %add3A_1005, %add3A_1006 : i32
        %get3A_1008 = arith.constant 0 : i32
        %get3A_1009 = arith.index_cast %get3A_1008 : i32 to index
        %get3A_1010 = arith.index_cast %add3A_1007 : i32 to index
        %get3A_1011 = arith.constant 32 : index
        %get3A_1012 = tpu.vector_load %arg8[%get3A_1009, %get3A_1010, %get3A_1011] {strides = array<i32>} : memref<2x640x64xf32, #tpu.memory_space<vmem>>, vector<1x1x16xf32>,
        %get3A_1013 = vector.shape_cast %get3A_1012 : vector<1x1x16xf32> to vector<16xf32>
        %max3A_1014 = arith.maximumf %max3A_910, %get3A_1003 : vector<16xf32>
        %add3A_1015 = arith.addf %add3A_911, %get3A_1003 : vector<16xf32>
        %max3A_1016 = arith.maximumf %max3A_912, %get3A_1013 : vector<16xf32>
        %add3A_1017 = arith.addf %add3A_913, %get3A_1013 : vector<16xf32>
        %mul3A_1018 = arith.mulf %get3A_1003, %get3A_1003 : vector<16xf32>
        %add3A_1019 = arith.addf %add3A_917, %mul3A_1018 : vector<16xf32>
        %mul3A_1020 = arith.mulf %get3A_1013, %get3A_1013 : vector<16xf32>
        %add3A_1021 = arith.addf %add3A_1019, %mul3A_1020 : vector<16xf32>
        %add3A_1022 = arith.constant 6 : i32
        %add3A_1023 = arith.addi %mul3A_352, %add3A_1022 : i32
        %get3A_1024 = arith.constant 0 : i32
        %get3A_1025 = arith.index_cast %get3A_1024 : i32 to index
        %get3A_1026 = arith.index_cast %add3A_1023 : i32 to index
        %get3A_1027 = arith.constant 48 : index
        %get3A_1028 = tpu.vector_load %arg8[%get3A_1025, %get3A_1026, %get3A_1027] {strides = array<i32>} : memref<2x640x64xf32, #tpu.memory_space<vmem>>, vector<1x1x16xf32>,
        %get3A_1029 = vector.shape_cast %get3A_1028 : vector<1x1x16xf32> to vector<16xf32>
        %add3A_1030 = arith.constant 20 : i32
        %add3A_1031 = arith.addi %mul3A_352, %add3A_1030 : i32
        %add3A_1032 = arith.constant 6 : i32
        %add3A_1033 = arith.addi %add3A_1031, %add3A_1032 : i32
        %get3A_1034 = arith.constant 0 : i32
        %get3A_1035 = arith.index_cast %get3A_1034 : i32 to index
        %get3A_1036 = arith.index_cast %add3A_1033 : i32 to index
        %get3A_1037 = arith.constant 48 : index
        %get3A_1038 = tpu.vector_load %arg8[%get3A_1035, %get3A_1036, %get3A_1037] {strides = array<i32>} : memref<2x640x64xf32, #tpu.memory_space<vmem>>, vector<1x1x16xf32>,
        %get3A_1039 = vector.shape_cast %get3A_1038 : vector<1x1x16xf32> to vector<16xf32>
        %max3A_1040 = arith.maximumf %max3A_936, %get3A_1029 : vector<16xf32>
        %add3A_1041 = arith.addf %add3A_937, %get3A_1029 : vector<16xf32>
        %max3A_1042 = arith.maximumf %max3A_938, %get3A_1039 : vector<16xf32>
        %add3A_1043 = arith.addf %add3A_939, %get3A_1039 : vector<16xf32>
        %mul3A_1044 = arith.mulf %get3A_1029, %get3A_1029 : vector<16xf32>
        %add3A_1045 = arith.addf %add3A_943, %mul3A_1044 : vector<16xf32>
        %mul3A_1046 = arith.mulf %get3A_1039, %get3A_1039 : vector<16xf32>
        %add3A_1047 = arith.addf %add3A_1045, %mul3A_1046 : vector<16xf32>
        %add3A_1048 = arith.constant 7 : i32
        %add3A_1049 = arith.addi %mul3A_352, %add3A_1048 : i32
        %get3A_1050 = arith.constant 0 : i32
        %get3A_1051 = arith.index_cast %get3A_1050 : i32 to index
        %get3A_1052 = arith.index_cast %add3A_1049 : i32 to index
        %get3A_1053 = arith.constant 0 : index
        %get3A_1054 = tpu.vector_load %arg8[%get3A_1051, %get3A_1052, %get3A_1053] {strides = array<i32>} : memref<2x640x64xf32, #tpu.memory_space<vmem>>, vector<1x1x16xf32>,
        %get3A_1055 = vector.shape_cast %get3A_1054 : vector<1x1x16xf32> to vector<16xf32>
        %add3A_1056 = arith.constant 20 : i32
        %add3A_1057 = arith.addi %mul3A_352, %add3A_1056 : i32
        %add3A_1058 = arith.constant 7 : i32
        %add3A_1059 = arith.addi %add3A_1057, %add3A_1058 : i32
        %get3A_1060 = arith.constant 0 : i32
        %get3A_1061 = arith.index_cast %get3A_1060 : i32 to index
        %get3A_1062 = arith.index_cast %add3A_1059 : i32 to index
        %get3A_1063 = arith.constant 0 : index
        %get3A_1064 = tpu.vector_load %arg8[%get3A_1061, %get3A_1062, %get3A_1063] {strides = array<i32>} : memref<2x640x64xf32, #tpu.memory_space<vmem>>, vector<1x1x16xf32>,
        %get3A_1065 = vector.shape_cast %get3A_1064 : vector<1x1x16xf32> to vector<16xf32>
        %max3A_1066 = arith.maximumf %max3A_962, %get3A_1055 : vector<16xf32>
        %add3A_1067 = arith.addf %add3A_963, %get3A_1055 : vector<16xf32>
        %max3A_1068 = arith.maximumf %max3A_964, %get3A_1065 : vector<16xf32>
        %add3A_1069 = arith.addf %add3A_965, %get3A_1065 : vector<16xf32>
        %mul3A_1070 = arith.mulf %get3A_1055, %get3A_1055 : vector<16xf32>
        %add3A_1071 = arith.addf %add3A_969, %mul3A_1070 : vector<16xf32>
        %mul3A_1072 = arith.mulf %get3A_1065, %get3A_1065 : vector<16xf32>
        %add3A_1073 = arith.addf %add3A_1071, %mul3A_1072 : vector<16xf32>
        %add3A_1074 = arith.constant 7 : i32
        %add3A_1075 = arith.addi %mul3A_352, %add3A_1074 : i32
        %get3A_1076 = arith.constant 0 : i32
        %get3A_1077 = arith.index_cast %get3A_1076 : i32 to index
        %get3A_1078 = arith.index_cast %add3A_1075 : i32 to index
        %get3A_1079 = arith.constant 16 : index
        %get3A_1080 = tpu.vector_load %arg8[%get3A_1077, %get3A_1078, %get3A_1079] {strides = array<i32>} : memref<2x640x64xf32, #tpu.memory_space<vmem>>, vector<1x1x16xf32>,
        %get3A_1081 = vector.shape_cast %get3A_1080 : vector<1x1x16xf32> to vector<16xf32>
        %add3A_1082 = arith.constant 20 : i32
        %add3A_1083 = arith.addi %mul3A_352, %add3A_1082 : i32
        %add3A_1084 = arith.constant 7 : i32
        %add3A_1085 = arith.addi %add3A_1083, %add3A_1084 : i32
        %get3A_1086 = arith.constant 0 : i32
        %get3A_1087 = arith.index_cast %get3A_1086 : i32 to index
        %get3A_1088 = arith.index_cast %add3A_1085 : i32 to index
        %get3A_1089 = arith.constant 16 : index
        %get3A_1090 = tpu.vector_load %arg8[%get3A_1087, %get3A_1088, %get3A_1089] {strides = array<i32>} : memref<2x640x64xf32, #tpu.memory_space<vmem>>, vector<1x1x16xf32>,
        %get3A_1091 = vector.shape_cast %get3A_1090 : vector<1x1x16xf32> to vector<16xf32>
        %max3A_1092 = arith.maximumf %max3A_988, %get3A_1081 : vector<16xf32>
        %add3A_1093 = arith.addf %add3A_989, %get3A_1081 : vector<16xf32>
        %max3A_1094 = arith.maximumf %max3A_990, %get3A_1091 : vector<16xf32>
        %add3A_1095 = arith.addf %add3A_991, %get3A_1091 : vector<16xf32>
        %mul3A_1096 = arith.mulf %get3A_1081, %get3A_1081 : vector<16xf32>
        %add3A_1097 = arith.addf %add3A_995, %mul3A_1096 : vector<16xf32>
        %mul3A_1098 = arith.mulf %get3A_1091, %get3A_1091 : vector<16xf32>
        %add3A_1099 = arith.addf %add3A_1097, %mul3A_1098 : vector<16xf32>
        %add3A_1100 = arith.constant 7 : i32
        %add3A_1101 = arith.addi %mul3A_352, %add3A_1100 : i32
        %get3A_1102 = arith.constant 0 : i32
        %get3A_1103 = arith.index_cast %get3A_1102 : i32 to index
        %get3A_1104 = arith.index_cast %add3A_1101 : i32 to index
        %get3A_1105 = arith.constant 32 : index
        %get3A_1106 = tpu.vector_load %arg8[%get3A_1103, %get3A_1104, %get3A_1105] {strides = array<i32>} : memref<2x640x64xf32, #tpu.memory_space<vmem>>, vector<1x1x16xf32>,
        %get3A_1107 = vector.shape_cast %get3A_1106 : vector<1x1x16xf32> to vector<16xf32>
        %add3A_1108 = arith.constant 20 : i32
        %add3A_1109 = arith.addi %mul3A_352, %add3A_1108 : i32
        %add3A_1110 = arith.constant 7 : i32
        %add3A_1111 = arith.addi %add3A_1109, %add3A_1110 : i32
        %get3A_1112 = arith.constant 0 : i32
        %get3A_1113 = arith.index_cast %get3A_1112 : i32 to index
        %get3A_1114 = arith.index_cast %add3A_1111 : i32 to index
        %get3A_1115 = arith.constant 32 : index
        %get3A_1116 = tpu.vector_load %arg8[%get3A_1113, %get3A_1114, %get3A_1115] {strides = array<i32>} : memref<2x640x64xf32, #tpu.memory_space<vmem>>, vector<1x1x16xf32>,
        %get3A_1117 = vector.shape_cast %get3A_1116 : vector<1x1x16xf32> to vector<16xf32>
        %max3A_1118 = arith.maximumf %max3A_1014, %get3A_1107 : vector<16xf32>
        %add3A_1119 = arith.addf %add3A_1015, %get3A_1107 : vector<16xf32>
        %max3A_1120 = arith.maximumf %max3A_1016, %get3A_1117 : vector<16xf32>
        %add3A_1121 = arith.addf %add3A_1017, %get3A_1117 : vector<16xf32>
        %mul3A_1122 = arith.mulf %get3A_1107, %get3A_1107 : vector<16xf32>
        %add3A_1123 = arith.addf %add3A_1021, %mul3A_1122 : vector<16xf32>
        %mul3A_1124 = arith.mulf %get3A_1117, %get3A_1117 : vector<16xf32>
        %add3A_1125 = arith.addf %add3A_1123, %mul3A_1124 : vector<16xf32>
        %add3A_1126 = arith.constant 7 : i32
        %add3A_1127 = arith.addi %mul3A_352, %add3A_1126 : i32
        %get3A_1128 = arith.constant 0 : i32
        %get3A_1129 = arith.index_cast %get3A_1128 : i32 to index
        %get3A_1130 = arith.index_cast %add3A_1127 : i32 to index
        %get3A_1131 = arith.constant 48 : index
        %get3A_1132 = tpu.vector_load %arg8[%get3A_1129, %get3A_1130, %get3A_1131] {strides = array<i32>} : memref<2x640x64xf32, #tpu.memory_space<vmem>>, vector<1x1x16xf32>,
        %get3A_1133 = vector.shape_cast %get3A_1132 : vector<1x1x16xf32> to vector<16xf32>
        %add3A_1134 = arith.constant 20 : i32
        %add3A_1135 = arith.addi %mul3A_352, %add3A_1134 : i32
        %add3A_1136 = arith.constant 7 : i32
        %add3A_1137 = arith.addi %add3A_1135, %add3A_1136 : i32
        %get3A_1138 = arith.constant 0 : i32
        %get3A_1139 = arith.index_cast %get3A_1138 : i32 to index
        %get3A_1140 = arith.index_cast %add3A_1137 : i32 to index
        %get3A_1141 = arith.constant 48 : index
        %get3A_1142 = tpu.vector_load %arg8[%get3A_1139, %get3A_1140, %get3A_1141] {strides = array<i32>} : memref<2x640x64xf32, #tpu.memory_space<vmem>>, vector<1x1x16xf32>,
        %get3A_1143 = vector.shape_cast %get3A_1142 : vector<1x1x16xf32> to vector<16xf32>
        %max3A_1144 = arith.maximumf %max3A_1040, %get3A_1133 : vector<16xf32>
        %add3A_1145 = arith.addf %add3A_1041, %get3A_1133 : vector<16xf32>
        %max3A_1146 = arith.maximumf %max3A_1042, %get3A_1143 : vector<16xf32>
        %add3A_1147 = arith.addf %add3A_1043, %get3A_1143 : vector<16xf32>
        %mul3A_1148 = arith.mulf %get3A_1133, %get3A_1133 : vector<16xf32>
        %add3A_1149 = arith.addf %add3A_1047, %mul3A_1148 : vector<16xf32>
        %mul3A_1150 = arith.mulf %get3A_1143, %get3A_1143 : vector<16xf32>
        %add3A_1151 = arith.addf %add3A_1149, %mul3A_1150 : vector<16xf32>
        %add3A_1152 = arith.constant 8 : i32
        %add3A_1153 = arith.addi %mul3A_352, %add3A_1152 : i32
        %get3A_1154 = arith.constant 0 : i32
        %get3A_1155 = arith.index_cast %get3A_1154 : i32 to index
        %get3A_1156 = arith.index_cast %add3A_1153 : i32 to index
        %get3A_1157 = arith.constant 0 : index
        %get3A_1158 = tpu.vector_load %arg8[%get3A_1155, %get3A_1156, %get3A_1157] {strides = array<i32>} : memref<2x640x64xf32, #tpu.memory_space<vmem>>, vector<1x1x16xf32>,
        %get3A_1159 = vector.shape_cast %get3A_1158 : vector<1x1x16xf32> to vector<16xf32>
        %add3A_1160 = arith.constant 20 : i32
        %add3A_1161 = arith.addi %mul3A_352, %add3A_1160 : i32
        %add3A_1162 = arith.constant 8 : i32
        %add3A_1163 = arith.addi %add3A_1161, %add3A_1162 : i32
        %get3A_1164 = arith.constant 0 : i32
        %get3A_1165 = arith.index_cast %get3A_1164 : i32 to index
        %get3A_1166 = arith.index_cast %add3A_1163 : i32 to index
        %get3A_1167 = arith.constant 0 : index
        %get3A_1168 = tpu.vector_load %arg8[%get3A_1165, %get3A_1166, %get3A_1167] {strides = array<i32>} : memref<2x640x64xf32, #tpu.memory_space<vmem>>, vector<1x1x16xf32>,
        %get3A_1169 = vector.shape_cast %get3A_1168 : vector<1x1x16xf32> to vector<16xf32>
        %max3A_1170 = arith.maximumf %max3A_1066, %get3A_1159 : vector<16xf32>
        %add3A_1171 = arith.addf %add3A_1067, %get3A_1159 : vector<16xf32>
        %max3A_1172 = arith.maximumf %max3A_1068, %get3A_1169 : vector<16xf32>
        %add3A_1173 = arith.addf %add3A_1069, %get3A_1169 : vector<16xf32>
        %mul3A_1174 = arith.mulf %get3A_1159, %get3A_1159 : vector<16xf32>
        %add3A_1175 = arith.addf %add3A_1073, %mul3A_1174 : vector<16xf32>
        %mul3A_1176 = arith.mulf %get3A_1169, %get3A_1169 : vector<16xf32>
        %add3A_1177 = arith.addf %add3A_1175, %mul3A_1176 : vector<16xf32>
        %add3A_1178 = arith.constant 8 : i32
        %add3A_1179 = arith.addi %mul3A_352, %add3A_1178 : i32
        %get3A_1180 = arith.constant 0 : i32
        %get3A_1181 = arith.index_cast %get3A_1180 : i32 to index
        %get3A_1182 = arith.index_cast %add3A_1179 : i32 to index
        %get3A_1183 = arith.constant 16 : index
        %get3A_1184 = tpu.vector_load %arg8[%get3A_1181, %get3A_1182, %get3A_1183] {strides = array<i32>} : memref<2x640x64xf32, #tpu.memory_space<vmem>>, vector<1x1x16xf32>,
        %get3A_1185 = vector.shape_cast %get3A_1184 : vector<1x1x16xf32> to vector<16xf32>
        %add3A_1186 = arith.constant 20 : i32
        %add3A_1187 = arith.addi %mul3A_352, %add3A_1186 : i32
        %add3A_1188 = arith.constant 8 : i32
        %add3A_1189 = arith.addi %add3A_1187, %add3A_1188 : i32
        %get3A_1190 = arith.constant 0 : i32
        %get3A_1191 = arith.index_cast %get3A_1190 : i32 to index
        %get3A_1192 = arith.index_cast %add3A_1189 : i32 to index
        %get3A_1193 = arith.constant 16 : index
        %get3A_1194 = tpu.vector_load %arg8[%get3A_1191, %get3A_1192, %get3A_1193] {strides = array<i32>} : memref<2x640x64xf32, #tpu.memory_space<vmem>>, vector<1x1x16xf32>,
        %get3A_1195 = vector.shape_cast %get3A_1194 : vector<1x1x16xf32> to vector<16xf32>
        %max3A_1196 = arith.maximumf %max3A_1092, %get3A_1185 : vector<16xf32>
        %add3A_1197 = arith.addf %add3A_1093, %get3A_1185 : vector<16xf32>
        %max3A_1198 = arith.maximumf %max3A_1094, %get3A_1195 : vector<16xf32>
        %add3A_1199 = arith.addf %add3A_1095, %get3A_1195 : vector<16xf32>
        %mul3A_1200 = arith.mulf %get3A_1185, %get3A_1185 : vector<16xf32>
        %add3A_1201 = arith.addf %add3A_1099, %mul3A_1200 : vector<16xf32>
        %mul3A_1202 = arith.mulf %get3A_1195, %get3A_1195 : vector<16xf32>
        %add3A_1203 = arith.addf %add3A_1201, %mul3A_1202 : vector<16xf32>
        %add3A_1204 = arith.constant 8 : i32
        %add3A_1205 = arith.addi %mul3A_352, %add3A_1204 : i32
        %get3A_1206 = arith.constant 0 : i32
        %get3A_1207 = arith.index_cast %get3A_1206 : i32 to index
        %get3A_1208 = arith.index_cast %add3A_1205 : i32 to index
        %get3A_1209 = arith.constant 32 : index
        %get3A_1210 = tpu.vector_load %arg8[%get3A_1207, %get3A_1208, %get3A_1209] {strides = array<i32>} : memref<2x640x64xf32, #tpu.memory_space<vmem>>, vector<1x1x16xf32>,
        %get3A_1211 = vector.shape_cast %get3A_1210 : vector<1x1x16xf32> to vector<16xf32>
        %add3A_1212 = arith.constant 20 : i32
        %add3A_1213 = arith.addi %mul3A_352, %add3A_1212 : i32
        %add3A_1214 = arith.constant 8 : i32
        %add3A_1215 = arith.addi %add3A_1213, %add3A_1214 : i32
        %get3A_1216 = arith.constant 0 : i32
        %get3A_1217 = arith.index_cast %get3A_1216 : i32 to index
        %get3A_1218 = arith.index_cast %add3A_1215 : i32 to index
        %get3A_1219 = arith.constant 32 : index
        %get3A_1220 = tpu.vector_load %arg8[%get3A_1217, %get3A_1218, %get3A_1219] {strides = array<i32>} : memref<2x640x64xf32, #tpu.memory_space<vmem>>, vector<1x1x16xf32>,
        %get3A_1221 = vector.shape_cast %get3A_1220 : vector<1x1x16xf32> to vector<16xf32>
        %max3A_1222 = arith.maximumf %max3A_1118, %get3A_1211 : vector<16xf32>
        %add3A_1223 = arith.addf %add3A_1119, %get3A_1211 : vector<16xf32>
        %max3A_1224 = arith.maximumf %max3A_1120, %get3A_1221 : vector<16xf32>
        %add3A_1225 = arith.addf %add3A_1121, %get3A_1221 : vector<16xf32>
        %mul3A_1226 = arith.mulf %get3A_1211, %get3A_1211 : vector<16xf32>
        %add3A_1227 = arith.addf %add3A_1125, %mul3A_1226 : vector<16xf32>
        %mul3A_1228 = arith.mulf %get3A_1221, %get3A_1221 : vector<16xf32>
        %add3A_1229 = arith.addf %add3A_1227, %mul3A_1228 : vector<16xf32>
        %add3A_1230 = arith.constant 8 : i32
        %add3A_1231 = arith.addi %mul3A_352, %add3A_1230 : i32
        %get3A_1232 = arith.constant 0 : i32
        %get3A_1233 = arith.index_cast %get3A_1232 : i32 to index
        %get3A_1234 = arith.index_cast %add3A_1231 : i32 to index
        %get3A_1235 = arith.constant 48 : index
        %get3A_1236 = tpu.vector_load %arg8[%get3A_1233, %get3A_1234, %get3A_1235] {strides = array<i32>} : memref<2x640x64xf32, #tpu.memory_space<vmem>>, vector<1x1x16xf32>,
        %get3A_1237 = vector.shape_cast %get3A_1236 : vector<1x1x16xf32> to vector<16xf32>
        %add3A_1238 = arith.constant 20 : i32
        %add3A_1239 = arith.addi %mul3A_352, %add3A_1238 : i32
        %add3A_1240 = arith.constant 8 : i32
        %add3A_1241 = arith.addi %add3A_1239, %add3A_1240 : i32
        %get3A_1242 = arith.constant 0 : i32
        %get3A_1243 = arith.index_cast %get3A_1242 : i32 to index
        %get3A_1244 = arith.index_cast %add3A_1241 : i32 to index
        %get3A_1245 = arith.constant 48 : index
        %get3A_1246 = tpu.vector_load %arg8[%get3A_1243, %get3A_1244, %get3A_1245] {strides = array<i32>} : memref<2x640x64xf32, #tpu.memory_space<vmem>>, vector<1x1x16xf32>,
        %get3A_1247 = vector.shape_cast %get3A_1246 : vector<1x1x16xf32> to vector<16xf32>
        %max3A_1248 = arith.maximumf %max3A_1144, %get3A_1237 : vector<16xf32>
        %add3A_1249 = arith.addf %add3A_1145, %get3A_1237 : vector<16xf32>
        %max3A_1250 = arith.maximumf %max3A_1146, %get3A_1247 : vector<16xf32>
        %add3A_1251 = arith.addf %add3A_1147, %get3A_1247 : vector<16xf32>
        %mul3A_1252 = arith.mulf %get3A_1237, %get3A_1237 : vector<16xf32>
        %add3A_1253 = arith.addf %add3A_1151, %mul3A_1252 : vector<16xf32>
        %mul3A_1254 = arith.mulf %get3A_1247, %get3A_1247 : vector<16xf32>
        %add3A_1255 = arith.addf %add3A_1253, %mul3A_1254 : vector<16xf32>
        %add3A_1256 = arith.constant 9 : i32
        %add3A_1257 = arith.addi %mul3A_352, %add3A_1256 : i32
        %get3A_1258 = arith.constant 0 : i32
        %get3A_1259 = arith.index_cast %get3A_1258 : i32 to index
        %get3A_1260 = arith.index_cast %add3A_1257 : i32 to index
        %get3A_1261 = arith.constant 0 : index
        %get3A_1262 = tpu.vector_load %arg8[%get3A_1259, %get3A_1260, %get3A_1261] {strides = array<i32>} : memref<2x640x64xf32, #tpu.memory_space<vmem>>, vector<1x1x16xf32>,
        %get3A_1263 = vector.shape_cast %get3A_1262 : vector<1x1x16xf32> to vector<16xf32>
        %add3A_1264 = arith.constant 20 : i32
        %add3A_1265 = arith.addi %mul3A_352, %add3A_1264 : i32
        %add3A_1266 = arith.constant 9 : i32
        %add3A_1267 = arith.addi %add3A_1265, %add3A_1266 : i32
        %get3A_1268 = arith.constant 0 : i32
        %get3A_1269 = arith.index_cast %get3A_1268 : i32 to index
        %get3A_1270 = arith.index_cast %add3A_1267 : i32 to index
        %get3A_1271 = arith.constant 0 : index
        %get3A_1272 = tpu.vector_load %arg8[%get3A_1269, %get3A_1270, %get3A_1271] {strides = array<i32>} : memref<2x640x64xf32, #tpu.memory_space<vmem>>, vector<1x1x16xf32>,
        %get3A_1273 = vector.shape_cast %get3A_1272 : vector<1x1x16xf32> to vector<16xf32>
        %max3A_1274 = arith.maximumf %max3A_1170, %get3A_1263 : vector<16xf32>
        %add3A_1275 = arith.addf %add3A_1171, %get3A_1263 : vector<16xf32>
        %max3A_1276 = arith.maximumf %max3A_1172, %get3A_1273 : vector<16xf32>
        %add3A_1277 = arith.addf %add3A_1173, %get3A_1273 : vector<16xf32>
        %mul3A_1278 = arith.mulf %get3A_1263, %get3A_1263 : vector<16xf32>
        %add3A_1279 = arith.addf %add3A_1177, %mul3A_1278 : vector<16xf32>
        %mul3A_1280 = arith.mulf %get3A_1273, %get3A_1273 : vector<16xf32>
        %add3A_1281 = arith.addf %add3A_1279, %mul3A_1280 : vector<16xf32>
        %add3A_1282 = arith.constant 9 : i32
        %add3A_1283 = arith.addi %mul3A_352, %add3A_1282 : i32
        %get3A_1284 = arith.constant 0 : i32
        %get3A_1285 = arith.index_cast %get3A_1284 : i32 to index
        %get3A_1286 = arith.index_cast %add3A_1283 : i32 to index
        %get3A_1287 = arith.constant 16 : index
        %get3A_1288 = tpu.vector_load %arg8[%get3A_1285, %get3A_1286, %get3A_1287] {strides = array<i32>} : memref<2x640x64xf32, #tpu.memory_space<vmem>>, vector<1x1x16xf32>,
        %get3A_1289 = vector.shape_cast %get3A_1288 : vector<1x1x16xf32> to vector<16xf32>
        %add3A_1290 = arith.constant 20 : i32
        %add3A_1291 = arith.addi %mul3A_352, %add3A_1290 : i32
        %add3A_1292 = arith.constant 9 : i32
        %add3A_1293 = arith.addi %add3A_1291, %add3A_1292 : i32
        %get3A_1294 = arith.constant 0 : i32
        %get3A_1295 = arith.index_cast %get3A_1294 : i32 to index
        %get3A_1296 = arith.index_cast %add3A_1293 : i32 to index
        %get3A_1297 = arith.constant 16 : index
        %get3A_1298 = tpu.vector_load %arg8[%get3A_1295, %get3A_1296, %get3A_1297] {strides = array<i32>} : memref<2x640x64xf32, #tpu.memory_space<vmem>>, vector<1x1x16xf32>,
        %get3A_1299 = vector.shape_cast %get3A_1298 : vector<1x1x16xf32> to vector<16xf32>
        %max3A_1300 = arith.maximumf %max3A_1196, %get3A_1289 : vector<16xf32>
        %add3A_1301 = arith.addf %add3A_1197, %get3A_1289 : vector<16xf32>
        %max3A_1302 = arith.maximumf %max3A_1198, %get3A_1299 : vector<16xf32>
        %add3A_1303 = arith.addf %add3A_1199, %get3A_1299 : vector<16xf32>
        %mul3A_1304 = arith.mulf %get3A_1289, %get3A_1289 : vector<16xf32>
        %add3A_1305 = arith.addf %add3A_1203, %mul3A_1304 : vector<16xf32>
        %mul3A_1306 = arith.mulf %get3A_1299, %get3A_1299 : vector<16xf32>
        %add3A_1307 = arith.addf %add3A_1305, %mul3A_1306 : vector<16xf32>
        %add3A_1308 = arith.constant 9 : i32
        %add3A_1309 = arith.addi %mul3A_352, %add3A_1308 : i32
        %get3A_1310 = arith.constant 0 : i32
        %get3A_1311 = arith.index_cast %get3A_1310 : i32 to index
        %get3A_1312 = arith.index_cast %add3A_1309 : i32 to index
        %get3A_1313 = arith.constant 32 : index
        %get3A_1314 = tpu.vector_load %arg8[%get3A_1311, %get3A_1312, %get3A_1313] {strides = array<i32>} : memref<2x640x64xf32, #tpu.memory_space<vmem>>, vector<1x1x16xf32>,
        %get3A_1315 = vector.shape_cast %get3A_1314 : vector<1x1x16xf32> to vector<16xf32>
        %add3A_1316 = arith.constant 20 : i32
        %add3A_1317 = arith.addi %mul3A_352, %add3A_1316 : i32
        %add3A_1318 = arith.constant 9 : i32
        %add3A_1319 = arith.addi %add3A_1317, %add3A_1318 : i32
        %get3A_1320 = arith.constant 0 : i32
        %get3A_1321 = arith.index_cast %get3A_1320 : i32 to index
        %get3A_1322 = arith.index_cast %add3A_1319 : i32 to index
        %get3A_1323 = arith.constant 32 : index
        %get3A_1324 = tpu.vector_load %arg8[%get3A_1321, %get3A_1322, %get3A_1323] {strides = array<i32>} : memref<2x640x64xf32, #tpu.memory_space<vmem>>, vector<1x1x16xf32>,
        %get3A_1325 = vector.shape_cast %get3A_1324 : vector<1x1x16xf32> to vector<16xf32>
        %max3A_1326 = arith.maximumf %max3A_1222, %get3A_1315 : vector<16xf32>
        %add3A_1327 = arith.addf %add3A_1223, %get3A_1315 : vector<16xf32>
        %max3A_1328 = arith.maximumf %max3A_1224, %get3A_1325 : vector<16xf32>
        %add3A_1329 = arith.addf %add3A_1225, %get3A_1325 : vector<16xf32>
        %mul3A_1330 = arith.mulf %get3A_1315, %get3A_1315 : vector<16xf32>
        %add3A_1331 = arith.addf %add3A_1229, %mul3A_1330 : vector<16xf32>
        %mul3A_1332 = arith.mulf %get3A_1325, %get3A_1325 : vector<16xf32>
        %add3A_1333 = arith.addf %add3A_1331, %mul3A_1332 : vector<16xf32>
        %add3A_1334 = arith.constant 9 : i32
        %add3A_1335 = arith.addi %mul3A_352, %add3A_1334 : i32
        %get3A_1336 = arith.constant 0 : i32
        %get3A_1337 = arith.index_cast %get3A_1336 : i32 to index
        %get3A_1338 = arith.index_cast %add3A_1335 : i32 to index
        %get3A_1339 = arith.constant 48 : index
        %get3A_1340 = tpu.vector_load %arg8[%get3A_1337, %get3A_1338, %get3A_1339] {strides = array<i32>} : memref<2x640x64xf32, #tpu.memory_space<vmem>>, vector<1x1x16xf32>,
        %get3A_1341 = vector.shape_cast %get3A_1340 : vector<1x1x16xf32> to vector<16xf32>
        %add3A_1342 = arith.constant 20 : i32
        %add3A_1343 = arith.addi %mul3A_352, %add3A_1342 : i32
        %add3A_1344 = arith.constant 9 : i32
        %add3A_1345 = arith.addi %add3A_1343, %add3A_1344 : i32
        %get3A_1346 = arith.constant 0 : i32
        %get3A_1347 = arith.index_cast %get3A_1346 : i32 to index
        %get3A_1348 = arith.index_cast %add3A_1345 : i32 to index
        %get3A_1349 = arith.constant 48 : index
        %get3A_1350 = tpu.vector_load %arg8[%get3A_1347, %get3A_1348, %get3A_1349] {strides = array<i32>} : memref<2x640x64xf32, #tpu.memory_space<vmem>>, vector<1x1x16xf32>,
        %get3A_1351 = vector.shape_cast %get3A_1350 : vector<1x1x16xf32> to vector<16xf32>
        %max3A_1352 = arith.maximumf %max3A_1248, %get3A_1341 : vector<16xf32>
        %add3A_1353 = arith.addf %add3A_1249, %get3A_1341 : vector<16xf32>
        %max3A_1354 = arith.maximumf %max3A_1250, %get3A_1351 : vector<16xf32>
        %add3A_1355 = arith.addf %add3A_1251, %get3A_1351 : vector<16xf32>
        %mul3A_1356 = arith.mulf %get3A_1341, %get3A_1341 : vector<16xf32>
        %add3A_1357 = arith.addf %add3A_1255, %mul3A_1356 : vector<16xf32>
        %mul3A_1358 = arith.mulf %get3A_1351, %get3A_1351 : vector<16xf32>
        %add3A_1359 = arith.addf %add3A_1357, %mul3A_1358 : vector<16xf32>
        %add3A_1360 = arith.constant 10 : i32
        %add3A_1361 = arith.addi %mul3A_352, %add3A_1360 : i32
        %get3A_1362 = arith.constant 0 : i32
        %get3A_1363 = arith.index_cast %get3A_1362 : i32 to index
        %get3A_1364 = arith.index_cast %add3A_1361 : i32 to index
        %get3A_1365 = arith.constant 0 : index
        %get3A_1366 = tpu.vector_load %arg8[%get3A_1363, %get3A_1364, %get3A_1365] {strides = array<i32>} : memref<2x640x64xf32, #tpu.memory_space<vmem>>, vector<1x1x16xf32>,
        %get3A_1367 = vector.shape_cast %get3A_1366 : vector<1x1x16xf32> to vector<16xf32>
        %add3A_1368 = arith.constant 20 : i32
        %add3A_1369 = arith.addi %mul3A_352, %add3A_1368 : i32
        %add3A_1370 = arith.constant 10 : i32
        %add3A_1371 = arith.addi %add3A_1369, %add3A_1370 : i32
        %get3A_1372 = arith.constant 0 : i32
        %get3A_1373 = arith.index_cast %get3A_1372 : i32 to index
        %get3A_1374 = arith.index_cast %add3A_1371 : i32 to index
        %get3A_1375 = arith.constant 0 : index
        %get3A_1376 = tpu.vector_load %arg8[%get3A_1373, %get3A_1374, %get3A_1375] {strides = array<i32>} : memref<2x640x64xf32, #tpu.memory_space<vmem>>, vector<1x1x16xf32>,
        %get3A_1377 = vector.shape_cast %get3A_1376 : vector<1x1x16xf32> to vector<16xf32>
        %max3A_1378 = arith.maximumf %max3A_1274, %get3A_1367 : vector<16xf32>
        %add3A_1379 = arith.addf %add3A_1275, %get3A_1367 : vector<16xf32>
        %max3A_1380 = arith.maximumf %max3A_1276, %get3A_1377 : vector<16xf32>
        %add3A_1381 = arith.addf %add3A_1277, %get3A_1377 : vector<16xf32>
        %mul3A_1382 = arith.mulf %get3A_1367, %get3A_1367 : vector<16xf32>
        %add3A_1383 = arith.addf %add3A_1281, %mul3A_1382 : vector<16xf32>
        %mul3A_1384 = arith.mulf %get3A_1377, %get3A_1377 : vector<16xf32>
        %add3A_1385 = arith.addf %add3A_1383, %mul3A_1384 : vector<16xf32>
        %add3A_1386 = arith.constant 10 : i32
        %add3A_1387 = arith.addi %mul3A_352, %add3A_1386 : i32
        %get3A_1388 = arith.constant 0 : i32
        %get3A_1389 = arith.index_cast %get3A_1388 : i32 to index
        %get3A_1390 = arith.index_cast %add3A_1387 : i32 to index
        %get3A_1391 = arith.constant 16 : index
        %get3A_1392 = tpu.vector_load %arg8[%get3A_1389, %get3A_1390, %get3A_1391] {strides = array<i32>} : memref<2x640x64xf32, #tpu.memory_space<vmem>>, vector<1x1x16xf32>,
        %get3A_1393 = vector.shape_cast %get3A_1392 : vector<1x1x16xf32> to vector<16xf32>
        %add3A_1394 = arith.constant 20 : i32
        %add3A_1395 = arith.addi %mul3A_352, %add3A_1394 : i32
        %add3A_1396 = arith.constant 10 : i32
        %add3A_1397 = arith.addi %add3A_1395, %add3A_1396 : i32
        %get3A_1398 = arith.constant 0 : i32
        %get3A_1399 = arith.index_cast %get3A_1398 : i32 to index
        %get3A_1400 = arith.index_cast %add3A_1397 : i32 to index
        %get3A_1401 = arith.constant 16 : index
        %get3A_1402 = tpu.vector_load %arg8[%get3A_1399, %get3A_1400, %get3A_1401] {strides = array<i32>} : memref<2x640x64xf32, #tpu.memory_space<vmem>>, vector<1x1x16xf32>,
        %get3A_1403 = vector.shape_cast %get3A_1402 : vector<1x1x16xf32> to vector<16xf32>
        %max3A_1404 = arith.maximumf %max3A_1300, %get3A_1393 : vector<16xf32>
        %add3A_1405 = arith.addf %add3A_1301, %get3A_1393 : vector<16xf32>
        %max3A_1406 = arith.maximumf %max3A_1302, %get3A_1403 : vector<16xf32>
        %add3A_1407 = arith.addf %add3A_1303, %get3A_1403 : vector<16xf32>
        %mul3A_1408 = arith.mulf %get3A_1393, %get3A_1393 : vector<16xf32>
        %add3A_1409 = arith.addf %add3A_1307, %mul3A_1408 : vector<16xf32>
        %mul3A_1410 = arith.mulf %get3A_1403, %get3A_1403 : vector<16xf32>
        %add3A_1411 = arith.addf %add3A_1409, %mul3A_1410 : vector<16xf32>
        %add3A_1412 = arith.constant 10 : i32
        %add3A_1413 = arith.addi %mul3A_352, %add3A_1412 : i32
        %get3A_1414 = arith.constant 0 : i32
        %get3A_1415 = arith.index_cast %get3A_1414 : i32 to index
        %get3A_1416 = arith.index_cast %add3A_1413 : i32 to index
        %get3A_1417 = arith.constant 32 : index
        %get3A_1418 = tpu.vector_load %arg8[%get3A_1415, %get3A_1416, %get3A_1417] {strides = array<i32>} : memref<2x640x64xf32, #tpu.memory_space<vmem>>, vector<1x1x16xf32>,
        %get3A_1419 = vector.shape_cast %get3A_1418 : vector<1x1x16xf32> to vector<16xf32>
        %add3A_1420 = arith.constant 20 : i32
        %add3A_1421 = arith.addi %mul3A_352, %add3A_1420 : i32
        %add3A_1422 = arith.constant 10 : i32
        %add3A_1423 = arith.addi %add3A_1421, %add3A_1422 : i32
        %get3A_1424 = arith.constant 0 : i32
        %get3A_1425 = arith.index_cast %get3A_1424 : i32 to index
        %get3A_1426 = arith.index_cast %add3A_1423 : i32 to index
        %get3A_1427 = arith.constant 32 : index
        %get3A_1428 = tpu.vector_load %arg8[%get3A_1425, %get3A_1426, %get3A_1427] {strides = array<i32>} : memref<2x640x64xf32, #tpu.memory_space<vmem>>, vector<1x1x16xf32>,
        %get3A_1429 = vector.shape_cast %get3A_1428 : vector<1x1x16xf32> to vector<16xf32>
        %max3A_1430 = arith.maximumf %max3A_1326, %get3A_1419 : vector<16xf32>
        %add3A_1431 = arith.addf %add3A_1327, %get3A_1419 : vector<16xf32>
        %max3A_1432 = arith.maximumf %max3A_1328, %get3A_1429 : vector<16xf32>
        %add3A_1433 = arith.addf %add3A_1329, %get3A_1429 : vector<16xf32>
        %mul3A_1434 = arith.mulf %get3A_1419, %get3A_1419 : vector<16xf32>
        %add3A_1435 = arith.addf %add3A_1333, %mul3A_1434 : vector<16xf32>
        %mul3A_1436 = arith.mulf %get3A_1429, %get3A_1429 : vector<16xf32>
        %add3A_1437 = arith.addf %add3A_1435, %mul3A_1436 : vector<16xf32>
        %add3A_1438 = arith.constant 10 : i32
        %add3A_1439 = arith.addi %mul3A_352, %add3A_1438 : i32
        %get3A_1440 = arith.constant 0 : i32
        %get3A_1441 = arith.index_cast %get3A_1440 : i32 to index
        %get3A_1442 = arith.index_cast %add3A_1439 : i32 to index
        %get3A_1443 = arith.constant 48 : index
        %get3A_1444 = tpu.vector_load %arg8[%get3A_1441, %get3A_1442, %get3A_1443] {strides = array<i32>} : memref<2x640x64xf32, #tpu.memory_space<vmem>>, vector<1x1x16xf32>,
        %get3A_1445 = vector.shape_cast %get3A_1444 : vector<1x1x16xf32> to vector<16xf32>
        %add3A_1446 = arith.constant 20 : i32
        %add3A_1447 = arith.addi %mul3A_352, %add3A_1446 : i32
        %add3A_1448 = arith.constant 10 : i32
        %add3A_1449 = arith.addi %add3A_1447, %add3A_1448 : i32
        %get3A_1450 = arith.constant 0 : i32
        %get3A_1451 = arith.index_cast %get3A_1450 : i32 to index
        %get3A_1452 = arith.index_cast %add3A_1449 : i32 to index
        %get3A_1453 = arith.constant 48 : index
        %get3A_1454 = tpu.vector_load %arg8[%get3A_1451, %get3A_1452, %get3A_1453] {strides = array<i32>} : memref<2x640x64xf32, #tpu.memory_space<vmem>>, vector<1x1x16xf32>,
        %get3A_1455 = vector.shape_cast %get3A_1454 : vector<1x1x16xf32> to vector<16xf32>
        %max3A_1456 = arith.maximumf %max3A_1352, %get3A_1445 : vector<16xf32>
        %add3A_1457 = arith.addf %add3A_1353, %get3A_1445 : vector<16xf32>
        %max3A_1458 = arith.maximumf %max3A_1354, %get3A_1455 : vector<16xf32>
        %add3A_1459 = arith.addf %add3A_1355, %get3A_1455 : vector<16xf32>
        %mul3A_1460 = arith.mulf %get3A_1445, %get3A_1445 : vector<16xf32>
        %add3A_1461 = arith.addf %add3A_1359, %mul3A_1460 : vector<16xf32>
        %mul3A_1462 = arith.mulf %get3A_1455, %get3A_1455 : vector<16xf32>
        %add3A_1463 = arith.addf %add3A_1461, %mul3A_1462 : vector<16xf32>
        %add3A_1464 = arith.constant 11 : i32
        %add3A_1465 = arith.addi %mul3A_352, %add3A_1464 : i32
        %get3A_1466 = arith.constant 0 : i32
        %get3A_1467 = arith.index_cast %get3A_1466 : i32 to index
        %get3A_1468 = arith.index_cast %add3A_1465 : i32 to index
        %get3A_1469 = arith.constant 0 : index
        %get3A_1470 = tpu.vector_load %arg8[%get3A_1467, %get3A_1468, %get3A_1469] {strides = array<i32>} : memref<2x640x64xf32, #tpu.memory_space<vmem>>, vector<1x1x16xf32>,
        %get3A_1471 = vector.shape_cast %get3A_1470 : vector<1x1x16xf32> to vector<16xf32>
        %add3A_1472 = arith.constant 20 : i32
        %add3A_1473 = arith.addi %mul3A_352, %add3A_1472 : i32
        %add3A_1474 = arith.constant 11 : i32
        %add3A_1475 = arith.addi %add3A_1473, %add3A_1474 : i32
        %get3A_1476 = arith.constant 0 : i32
        %get3A_1477 = arith.index_cast %get3A_1476 : i32 to index
        %get3A_1478 = arith.index_cast %add3A_1475 : i32 to index
        %get3A_1479 = arith.constant 0 : index
        %get3A_1480 = tpu.vector_load %arg8[%get3A_1477, %get3A_1478, %get3A_1479] {strides = array<i32>} : memref<2x640x64xf32, #tpu.memory_space<vmem>>, vector<1x1x16xf32>,
        %get3A_1481 = vector.shape_cast %get3A_1480 : vector<1x1x16xf32> to vector<16xf32>
        %max3A_1482 = arith.maximumf %max3A_1378, %get3A_1471 : vector<16xf32>
        %add3A_1483 = arith.addf %add3A_1379, %get3A_1471 : vector<16xf32>
        %max3A_1484 = arith.maximumf %max3A_1380, %get3A_1481 : vector<16xf32>
        %add3A_1485 = arith.addf %add3A_1381, %get3A_1481 : vector<16xf32>
        %mul3A_1486 = arith.mulf %get3A_1471, %get3A_1471 : vector<16xf32>
        %add3A_1487 = arith.addf %add3A_1385, %mul3A_1486 : vector<16xf32>
        %mul3A_1488 = arith.mulf %get3A_1481, %get3A_1481 : vector<16xf32>
        %add3A_1489 = arith.addf %add3A_1487, %mul3A_1488 : vector<16xf32>
        %add3A_1490 = arith.constant 11 : i32
        %add3A_1491 = arith.addi %mul3A_352, %add3A_1490 : i32
        %get3A_1492 = arith.constant 0 : i32
        %get3A_1493 = arith.index_cast %get3A_1492 : i32 to index
        %get3A_1494 = arith.index_cast %add3A_1491 : i32 to index
        %get3A_1495 = arith.constant 16 : index
        %get3A_1496 = tpu.vector_load %arg8[%get3A_1493, %get3A_1494, %get3A_1495] {strides = array<i32>} : memref<2x640x64xf32, #tpu.memory_space<vmem>>, vector<1x1x16xf32>,
        %get3A_1497 = vector.shape_cast %get3A_1496 : vector<1x1x16xf32> to vector<16xf32>
        %add3A_1498 = arith.constant 20 : i32
        %add3A_1499 = arith.addi %mul3A_352, %add3A_1498 : i32
        %add3A_1500 = arith.constant 11 : i32
        %add3A_1501 = arith.addi %add3A_1499, %add3A_1500 : i32
        %get3A_1502 = arith.constant 0 : i32
        %get3A_1503 = arith.index_cast %get3A_1502 : i32 to index
        %get3A_1504 = arith.index_cast %add3A_1501 : i32 to index
        %get3A_1505 = arith.constant 16 : index
        %get3A_1506 = tpu.vector_load %arg8[%get3A_1503, %get3A_1504, %get3A_1505] {strides = array<i32>} : memref<2x640x64xf32, #tpu.memory_space<vmem>>, vector<1x1x16xf32>,
        %get3A_1507 = vector.shape_cast %get3A_1506 : vector<1x1x16xf32> to vector<16xf32>
        %max3A_1508 = arith.maximumf %max3A_1404, %get3A_1497 : vector<16xf32>
        %add3A_1509 = arith.addf %add3A_1405, %get3A_1497 : vector<16xf32>
        %max3A_1510 = arith.maximumf %max3A_1406, %get3A_1507 : vector<16xf32>
        %add3A_1511 = arith.addf %add3A_1407, %get3A_1507 : vector<16xf32>
        %mul3A_1512 = arith.mulf %get3A_1497, %get3A_1497 : vector<16xf32>
        %add3A_1513 = arith.addf %add3A_1411, %mul3A_1512 : vector<16xf32>
        %mul3A_1514 = arith.mulf %get3A_1507, %get3A_1507 : vector<16xf32>
        %add3A_1515 = arith.addf %add3A_1513, %mul3A_1514 : vector<16xf32>
        %add3A_1516 = arith.constant 11 : i32
        %add3A_1517 = arith.addi %mul3A_352, %add3A_1516 : i32
        %get3A_1518 = arith.constant 0 : i32
        %get3A_1519 = arith.index_cast %get3A_1518 : i32 to index
        %get3A_1520 = arith.index_cast %add3A_1517 : i32 to index
        %get3A_1521 = arith.constant 32 : index
        %get3A_1522 = tpu.vector_load %arg8[%get3A_1519, %get3A_1520, %get3A_1521] {strides = array<i32>} : memref<2x640x64xf32, #tpu.memory_space<vmem>>, vector<1x1x16xf32>,
        %get3A_1523 = vector.shape_cast %get3A_1522 : vector<1x1x16xf32> to vector<16xf32>
        %add3A_1524 = arith.constant 20 : i32
        %add3A_1525 = arith.addi %mul3A_352, %add3A_1524 : i32
        %add3A_1526 = arith.constant 11 : i32
        %add3A_1527 = arith.addi %add3A_1525, %add3A_1526 : i32
        %get3A_1528 = arith.constant 0 : i32
        %get3A_1529 = arith.index_cast %get3A_1528 : i32 to index
        %get3A_1530 = arith.index_cast %add3A_1527 : i32 to index
        %get3A_1531 = arith.constant 32 : index
        %get3A_1532 = tpu.vector_load %arg8[%get3A_1529, %get3A_1530, %get3A_1531] {strides = array<i32>} : memref<2x640x64xf32, #tpu.memory_space<vmem>>, vector<1x1x16xf32>,
        %get3A_1533 = vector.shape_cast %get3A_1532 : vector<1x1x16xf32> to vector<16xf32>
        %max3A_1534 = arith.maximumf %max3A_1430, %get3A_1523 : vector<16xf32>
        %add3A_1535 = arith.addf %add3A_1431, %get3A_1523 : vector<16xf32>
        %max3A_1536 = arith.maximumf %max3A_1432, %get3A_1533 : vector<16xf32>
        %add3A_1537 = arith.addf %add3A_1433, %get3A_1533 : vector<16xf32>
        %mul3A_1538 = arith.mulf %get3A_1523, %get3A_1523 : vector<16xf32>
        %add3A_1539 = arith.addf %add3A_1437, %mul3A_1538 : vector<16xf32>
        %mul3A_1540 = arith.mulf %get3A_1533, %get3A_1533 : vector<16xf32>
        %add3A_1541 = arith.addf %add3A_1539, %mul3A_1540 : vector<16xf32>
        %add3A_1542 = arith.constant 11 : i32
        %add3A_1543 = arith.addi %mul3A_352, %add3A_1542 : i32
        %get3A_1544 = arith.constant 0 : i32
        %get3A_1545 = arith.index_cast %get3A_1544 : i32 to index
        %get3A_1546 = arith.index_cast %add3A_1543 : i32 to index
        %get3A_1547 = arith.constant 48 : index
        %get3A_1548 = tpu.vector_load %arg8[%get3A_1545, %get3A_1546, %get3A_1547] {strides = array<i32>} : memref<2x640x64xf32, #tpu.memory_space<vmem>>, vector<1x1x16xf32>,
        %get3A_1549 = vector.shape_cast %get3A_1548 : vector<1x1x16xf32> to vector<16xf32>
        %add3A_1550 = arith.constant 20 : i32
        %add3A_1551 = arith.addi %mul3A_352, %add3A_1550 : i32
        %add3A_1552 = arith.constant 11 : i32
        %add3A_1553 = arith.addi %add3A_1551, %add3A_1552 : i32
        %get3A_1554 = arith.constant 0 : i32
        %get3A_1555 = arith.index_cast %get3A_1554 : i32 to index
        %get3A_1556 = arith.index_cast %add3A_1553 : i32 to index
        %get3A_1557 = arith.constant 48 : index
        %get3A_1558 = tpu.vector_load %arg8[%get3A_1555, %get3A_1556, %get3A_1557] {strides = array<i32>} : memref<2x640x64xf32, #tpu.memory_space<vmem>>, vector<1x1x16xf32>,
        %get3A_1559 = vector.shape_cast %get3A_1558 : vector<1x1x16xf32> to vector<16xf32>
        %max3A_1560 = arith.maximumf %max3A_1456, %get3A_1549 : vector<16xf32>
        %add3A_1561 = arith.addf %add3A_1457, %get3A_1549 : vector<16xf32>
        %max3A_1562 = arith.maximumf %max3A_1458, %get3A_1559 : vector<16xf32>
        %add3A_1563 = arith.addf %add3A_1459, %get3A_1559 : vector<16xf32>
        %mul3A_1564 = arith.mulf %get3A_1549, %get3A_1549 : vector<16xf32>
        %add3A_1565 = arith.addf %add3A_1463, %mul3A_1564 : vector<16xf32>
        %mul3A_1566 = arith.mulf %get3A_1559, %get3A_1559 : vector<16xf32>
        %add3A_1567 = arith.addf %add3A_1565, %mul3A_1566 : vector<16xf32>
        %add3A_1568 = arith.constant 12 : i32
        %add3A_1569 = arith.addi %mul3A_352, %add3A_1568 : i32
        %get3A_1570 = arith.constant 0 : i32
        %get3A_1571 = arith.index_cast %get3A_1570 : i32 to index
        %get3A_1572 = arith.index_cast %add3A_1569 : i32 to index
        %get3A_1573 = arith.constant 0 : index
        %get3A_1574 = tpu.vector_load %arg8[%get3A_1571, %get3A_1572, %get3A_1573] {strides = array<i32>} : memref<2x640x64xf32, #tpu.memory_space<vmem>>, vector<1x1x16xf32>,
        %get3A_1575 = vector.shape_cast %get3A_1574 : vector<1x1x16xf32> to vector<16xf32>
        %add3A_1576 = arith.constant 20 : i32
        %add3A_1577 = arith.addi %mul3A_352, %add3A_1576 : i32
        %add3A_1578 = arith.constant 12 : i32
        %add3A_1579 = arith.addi %add3A_1577, %add3A_1578 : i32
        %get3A_1580 = arith.constant 0 : i32
        %get3A_1581 = arith.index_cast %get3A_1580 : i32 to index
        %get3A_1582 = arith.index_cast %add3A_1579 : i32 to index
        %get3A_1583 = arith.constant 0 : index
        %get3A_1584 = tpu.vector_load %arg8[%get3A_1581, %get3A_1582, %get3A_1583] {strides = array<i32>} : memref<2x640x64xf32, #tpu.memory_space<vmem>>, vector<1x1x16xf32>,
        %get3A_1585 = vector.shape_cast %get3A_1584 : vector<1x1x16xf32> to vector<16xf32>
        %max3A_1586 = arith.maximumf %max3A_1482, %get3A_1575 : vector<16xf32>
        %add3A_1587 = arith.addf %add3A_1483, %get3A_1575 : vector<16xf32>
        %max3A_1588 = arith.maximumf %max3A_1484, %get3A_1585 : vector<16xf32>
        %add3A_1589 = arith.addf %add3A_1485, %get3A_1585 : vector<16xf32>
        %mul3A_1590 = arith.mulf %get3A_1575, %get3A_1575 : vector<16xf32>
        %add3A_1591 = arith.addf %add3A_1489, %mul3A_1590 : vector<16xf32>
        %mul3A_1592 = arith.mulf %get3A_1585, %get3A_1585 : vector<16xf32>
        %add3A_1593 = arith.addf %add3A_1591, %mul3A_1592 : vector<16xf32>
        %add3A_1594 = arith.constant 12 : i32
        %add3A_1595 = arith.addi %mul3A_352, %add3A_1594 : i32
        %get3A_1596 = arith.constant 0 : i32
        %get3A_1597 = arith.index_cast %get3A_1596 : i32 to index
        %get3A_1598 = arith.index_cast %add3A_1595 : i32 to index
        %get3A_1599 = arith.constant 16 : index
        %get3A_1600 = tpu.vector_load %arg8[%get3A_1597, %get3A_1598, %get3A_1599] {strides = array<i32>} : memref<2x640x64xf32, #tpu.memory_space<vmem>>, vector<1x1x16xf32>,
        %get3A_1601 = vector.shape_cast %get3A_1600 : vector<1x1x16xf32> to vector<16xf32>
        %add3A_1602 = arith.constant 20 : i32
        %add3A_1603 = arith.addi %mul3A_352, %add3A_1602 : i32
        %add3A_1604 = arith.constant 12 : i32
        %add3A_1605 = arith.addi %add3A_1603, %add3A_1604 : i32
        %get3A_1606 = arith.constant 0 : i32
        %get3A_1607 = arith.index_cast %get3A_1606 : i32 to index
        %get3A_1608 = arith.index_cast %add3A_1605 : i32 to index
        %get3A_1609 = arith.constant 16 : index
        %get3A_1610 = tpu.vector_load %arg8[%get3A_1607, %get3A_1608, %get3A_1609] {strides = array<i32>} : memref<2x640x64xf32, #tpu.memory_space<vmem>>, vector<1x1x16xf32>,
        %get3A_1611 = vector.shape_cast %get3A_1610 : vector<1x1x16xf32> to vector<16xf32>
        %max3A_1612 = arith.maximumf %max3A_1508, %get3A_1601 : vector<16xf32>
        %add3A_1613 = arith.addf %add3A_1509, %get3A_1601 : vector<16xf32>
        %max3A_1614 = arith.maximumf %max3A_1510, %get3A_1611 : vector<16xf32>
        %add3A_1615 = arith.addf %add3A_1511, %get3A_1611 : vector<16xf32>
        %mul3A_1616 = arith.mulf %get3A_1601, %get3A_1601 : vector<16xf32>
        %add3A_1617 = arith.addf %add3A_1515, %mul3A_1616 : vector<16xf32>
        %mul3A_1618 = arith.mulf %get3A_1611, %get3A_1611 : vector<16xf32>
        %add3A_1619 = arith.addf %add3A_1617, %mul3A_1618 : vector<16xf32>
        %add3A_1620 = arith.constant 12 : i32
        %add3A_1621 = arith.addi %mul3A_352, %add3A_1620 : i32
        %get3A_1622 = arith.constant 0 : i32
        %get3A_1623 = arith.index_cast %get3A_1622 : i32 to index
        %get3A_1624 = arith.index_cast %add3A_1621 : i32 to index
        %get3A_1625 = arith.constant 32 : index
        %get3A_1626 = tpu.vector_load %arg8[%get3A_1623, %get3A_1624, %get3A_1625] {strides = array<i32>} : memref<2x640x64xf32, #tpu.memory_space<vmem>>, vector<1x1x16xf32>,
        %get3A_1627 = vector.shape_cast %get3A_1626 : vector<1x1x16xf32> to vector<16xf32>
        %add3A_1628 = arith.constant 20 : i32
        %add3A_1629 = arith.addi %mul3A_352, %add3A_1628 : i32
        %add3A_1630 = arith.constant 12 : i32
        %add3A_1631 = arith.addi %add3A_1629, %add3A_1630 : i32
        %get3A_1632 = arith.constant 0 : i32
        %get3A_1633 = arith.index_cast %get3A_1632 : i32 to index
        %get3A_1634 = arith.index_cast %add3A_1631 : i32 to index
        %get3A_1635 = arith.constant 32 : index
        %get3A_1636 = tpu.vector_load %arg8[%get3A_1633, %get3A_1634, %get3A_1635] {strides = array<i32>} : memref<2x640x64xf32, #tpu.memory_space<vmem>>, vector<1x1x16xf32>,
        %get3A_1637 = vector.shape_cast %get3A_1636 : vector<1x1x16xf32> to vector<16xf32>
        %max3A_1638 = arith.maximumf %max3A_1534, %get3A_1627 : vector<16xf32>
        %add3A_1639 = arith.addf %add3A_1535, %get3A_1627 : vector<16xf32>
        %max3A_1640 = arith.maximumf %max3A_1536, %get3A_1637 : vector<16xf32>
        %add3A_1641 = arith.addf %add3A_1537, %get3A_1637 : vector<16xf32>
        %mul3A_1642 = arith.mulf %get3A_1627, %get3A_1627 : vector<16xf32>
        %add3A_1643 = arith.addf %add3A_1541, %mul3A_1642 : vector<16xf32>
        %mul3A_1644 = arith.mulf %get3A_1637, %get3A_1637 : vector<16xf32>
        %add3A_1645 = arith.addf %add3A_1643, %mul3A_1644 : vector<16xf32>
        %add3A_1646 = arith.constant 12 : i32
        %add3A_1647 = arith.addi %mul3A_352, %add3A_1646 : i32
        %get3A_1648 = arith.constant 0 : i32
        %get3A_1649 = arith.index_cast %get3A_1648 : i32 to index
        %get3A_1650 = arith.index_cast %add3A_1647 : i32 to index
        %get3A_1651 = arith.constant 48 : index
        %get3A_1652 = tpu.vector_load %arg8[%get3A_1649, %get3A_1650, %get3A_1651] {strides = array<i32>} : memref<2x640x64xf32, #tpu.memory_space<vmem>>, vector<1x1x16xf32>,
        %get3A_1653 = vector.shape_cast %get3A_1652 : vector<1x1x16xf32> to vector<16xf32>
        %add3A_1654 = arith.constant 20 : i32
        %add3A_1655 = arith.addi %mul3A_352, %add3A_1654 : i32
        %add3A_1656 = arith.constant 12 : i32
        %add3A_1657 = arith.addi %add3A_1655, %add3A_1656 : i32
        %get3A_1658 = arith.constant 0 : i32
        %get3A_1659 = arith.index_cast %get3A_1658 : i32 to index
        %get3A_1660 = arith.index_cast %add3A_1657 : i32 to index
        %get3A_1661 = arith.constant 48 : index
        %get3A_1662 = tpu.vector_load %arg8[%get3A_1659, %get3A_1660, %get3A_1661] {strides = array<i32>} : memref<2x640x64xf32, #tpu.memory_space<vmem>>, vector<1x1x16xf32>,
        %get3A_1663 = vector.shape_cast %get3A_1662 : vector<1x1x16xf32> to vector<16xf32>
        %max3A_1664 = arith.maximumf %max3A_1560, %get3A_1653 : vector<16xf32>
        %add3A_1665 = arith.addf %add3A_1561, %get3A_1653 : vector<16xf32>
        %max3A_1666 = arith.maximumf %max3A_1562, %get3A_1663 : vector<16xf32>
        %add3A_1667 = arith.addf %add3A_1563, %get3A_1663 : vector<16xf32>
        %mul3A_1668 = arith.mulf %get3A_1653, %get3A_1653 : vector<16xf32>
        %add3A_1669 = arith.addf %add3A_1567, %mul3A_1668 : vector<16xf32>
        %mul3A_1670 = arith.mulf %get3A_1663, %get3A_1663 : vector<16xf32>
        %add3A_1671 = arith.addf %add3A_1669, %mul3A_1670 : vector<16xf32>
        %add3A_1672 = arith.constant 13 : i32
        %add3A_1673 = arith.addi %mul3A_352, %add3A_1672 : i32
        %get3A_1674 = arith.constant 0 : i32
        %get3A_1675 = arith.index_cast %get3A_1674 : i32 to index
        %get3A_1676 = arith.index_cast %add3A_1673 : i32 to index
        %get3A_1677 = arith.constant 0 : index
        %get3A_1678 = tpu.vector_load %arg8[%get3A_1675, %get3A_1676, %get3A_1677] {strides = array<i32>} : memref<2x640x64xf32, #tpu.memory_space<vmem>>, vector<1x1x16xf32>,
        %get3A_1679 = vector.shape_cast %get3A_1678 : vector<1x1x16xf32> to vector<16xf32>
        %add3A_1680 = arith.constant 20 : i32
        %add3A_1681 = arith.addi %mul3A_352, %add3A_1680 : i32
        %add3A_1682 = arith.constant 13 : i32
        %add3A_1683 = arith.addi %add3A_1681, %add3A_1682 : i32
        %get3A_1684 = arith.constant 0 : i32
        %get3A_1685 = arith.index_cast %get3A_1684 : i32 to index
        %get3A_1686 = arith.index_cast %add3A_1683 : i32 to index
        %get3A_1687 = arith.constant 0 : index
        %get3A_1688 = tpu.vector_load %arg8[%get3A_1685, %get3A_1686, %get3A_1687] {strides = array<i32>} : memref<2x640x64xf32, #tpu.memory_space<vmem>>, vector<1x1x16xf32>,
        %get3A_1689 = vector.shape_cast %get3A_1688 : vector<1x1x16xf32> to vector<16xf32>
        %max3A_1690 = arith.maximumf %max3A_1586, %get3A_1679 : vector<16xf32>
        %add3A_1691 = arith.addf %add3A_1587, %get3A_1679 : vector<16xf32>
        %max3A_1692 = arith.maximumf %max3A_1588, %get3A_1689 : vector<16xf32>
        %add3A_1693 = arith.addf %add3A_1589, %get3A_1689 : vector<16xf32>
        %mul3A_1694 = arith.mulf %get3A_1679, %get3A_1679 : vector<16xf32>
        %add3A_1695 = arith.addf %add3A_1593, %mul3A_1694 : vector<16xf32>
        %mul3A_1696 = arith.mulf %get3A_1689, %get3A_1689 : vector<16xf32>
        %add3A_1697 = arith.addf %add3A_1695, %mul3A_1696 : vector<16xf32>
        %add3A_1698 = arith.constant 13 : i32
        %add3A_1699 = arith.addi %mul3A_352, %add3A_1698 : i32
        %get3A_1700 = arith.constant 0 : i32
        %get3A_1701 = arith.index_cast %get3A_1700 : i32 to index
        %get3A_1702 = arith.index_cast %add3A_1699 : i32 to index
        %get3A_1703 = arith.constant 16 : index
        %get3A_1704 = tpu.vector_load %arg8[%get3A_1701, %get3A_1702, %get3A_1703] {strides = array<i32>} : memref<2x640x64xf32, #tpu.memory_space<vmem>>, vector<1x1x16xf32>,
        %get3A_1705 = vector.shape_cast %get3A_1704 : vector<1x1x16xf32> to vector<16xf32>
        %add3A_1706 = arith.constant 20 : i32
        %add3A_1707 = arith.addi %mul3A_352, %add3A_1706 : i32
        %add3A_1708 = arith.constant 13 : i32
        %add3A_1709 = arith.addi %add3A_1707, %add3A_1708 : i32
        %get3A_1710 = arith.constant 0 : i32
        %get3A_1711 = arith.index_cast %get3A_1710 : i32 to index
        %get3A_1712 = arith.index_cast %add3A_1709 : i32 to index
        %get3A_1713 = arith.constant 16 : index
        %get3A_1714 = tpu.vector_load %arg8[%get3A_1711, %get3A_1712, %get3A_1713] {strides = array<i32>} : memref<2x640x64xf32, #tpu.memory_space<vmem>>, vector<1x1x16xf32>,
        %get3A_1715 = vector.shape_cast %get3A_1714 : vector<1x1x16xf32> to vector<16xf32>
        %max3A_1716 = arith.maximumf %max3A_1612, %get3A_1705 : vector<16xf32>
        %add3A_1717 = arith.addf %add3A_1613, %get3A_1705 : vector<16xf32>
        %max3A_1718 = arith.maximumf %max3A_1614, %get3A_1715 : vector<16xf32>
        %add3A_1719 = arith.addf %add3A_1615, %get3A_1715 : vector<16xf32>
        %mul3A_1720 = arith.mulf %get3A_1705, %get3A_1705 : vector<16xf32>
        %add3A_1721 = arith.addf %add3A_1619, %mul3A_1720 : vector<16xf32>
        %mul3A_1722 = arith.mulf %get3A_1715, %get3A_1715 : vector<16xf32>
        %add3A_1723 = arith.addf %add3A_1721, %mul3A_1722 : vector<16xf32>
        %add3A_1724 = arith.constant 13 : i32
        %add3A_1725 = arith.addi %mul3A_352, %add3A_1724 : i32
        %get3A_1726 = arith.constant 0 : i32
        %get3A_1727 = arith.index_cast %get3A_1726 : i32 to index
        %get3A_1728 = arith.index_cast %add3A_1725 : i32 to index
        %get3A_1729 = arith.constant 32 : index
        %get3A_1730 = tpu.vector_load %arg8[%get3A_1727, %get3A_1728, %get3A_1729] {strides = array<i32>} : memref<2x640x64xf32, #tpu.memory_space<vmem>>, vector<1x1x16xf32>,
        %get3A_1731 = vector.shape_cast %get3A_1730 : vector<1x1x16xf32> to vector<16xf32>
        %add3A_1732 = arith.constant 20 : i32
        %add3A_1733 = arith.addi %mul3A_352, %add3A_1732 : i32
        %add3A_1734 = arith.constant 13 : i32
        %add3A_1735 = arith.addi %add3A_1733, %add3A_1734 : i32
        %get3A_1736 = arith.constant 0 : i32
        %get3A_1737 = arith.index_cast %get3A_1736 : i32 to index
        %get3A_1738 = arith.index_cast %add3A_1735 : i32 to index
        %get3A_1739 = arith.constant 32 : index
        %get3A_1740 = tpu.vector_load %arg8[%get3A_1737, %get3A_1738, %get3A_1739] {strides = array<i32>} : memref<2x640x64xf32, #tpu.memory_space<vmem>>, vector<1x1x16xf32>,
        %get3A_1741 = vector.shape_cast %get3A_1740 : vector<1x1x16xf32> to vector<16xf32>
        %max3A_1742 = arith.maximumf %max3A_1638, %get3A_1731 : vector<16xf32>
        %add3A_1743 = arith.addf %add3A_1639, %get3A_1731 : vector<16xf32>
        %max3A_1744 = arith.maximumf %max3A_1640, %get3A_1741 : vector<16xf32>
        %add3A_1745 = arith.addf %add3A_1641, %get3A_1741 : vector<16xf32>
        %mul3A_1746 = arith.mulf %get3A_1731, %get3A_1731 : vector<16xf32>
        %add3A_1747 = arith.addf %add3A_1645, %mul3A_1746 : vector<16xf32>
        %mul3A_1748 = arith.mulf %get3A_1741, %get3A_1741 : vector<16xf32>
        %add3A_1749 = arith.addf %add3A_1747, %mul3A_1748 : vector<16xf32>
        %add3A_1750 = arith.constant 13 : i32
        %add3A_1751 = arith.addi %mul3A_352, %add3A_1750 : i32
        %get3A_1752 = arith.constant 0 : i32
        %get3A_1753 = arith.index_cast %get3A_1752 : i32 to index
        %get3A_1754 = arith.index_cast %add3A_1751 : i32 to index
        %get3A_1755 = arith.constant 48 : index
        %get3A_1756 = tpu.vector_load %arg8[%get3A_1753, %get3A_1754, %get3A_1755] {strides = array<i32>} : memref<2x640x64xf32, #tpu.memory_space<vmem>>, vector<1x1x16xf32>,
        %get3A_1757 = vector.shape_cast %get3A_1756 : vector<1x1x16xf32> to vector<16xf32>
        %add3A_1758 = arith.constant 20 : i32
        %add3A_1759 = arith.addi %mul3A_352, %add3A_1758 : i32
        %add3A_1760 = arith.constant 13 : i32
        %add3A_1761 = arith.addi %add3A_1759, %add3A_1760 : i32
        %get3A_1762 = arith.constant 0 : i32
        %get3A_1763 = arith.index_cast %get3A_1762 : i32 to index
        %get3A_1764 = arith.index_cast %add3A_1761 : i32 to index
        %get3A_1765 = arith.constant 48 : index
        %get3A_1766 = tpu.vector_load %arg8[%get3A_1763, %get3A_1764, %get3A_1765] {strides = array<i32>} : memref<2x640x64xf32, #tpu.memory_space<vmem>>, vector<1x1x16xf32>,
        %get3A_1767 = vector.shape_cast %get3A_1766 : vector<1x1x16xf32> to vector<16xf32>
        %max3A_1768 = arith.maximumf %max3A_1664, %get3A_1757 : vector<16xf32>
        %add3A_1769 = arith.addf %add3A_1665, %get3A_1757 : vector<16xf32>
        %max3A_1770 = arith.maximumf %max3A_1666, %get3A_1767 : vector<16xf32>
        %add3A_1771 = arith.addf %add3A_1667, %get3A_1767 : vector<16xf32>
        %mul3A_1772 = arith.mulf %get3A_1757, %get3A_1757 : vector<16xf32>
        %add3A_1773 = arith.addf %add3A_1671, %mul3A_1772 : vector<16xf32>
        %mul3A_1774 = arith.mulf %get3A_1767, %get3A_1767 : vector<16xf32>
        %add3A_1775 = arith.addf %add3A_1773, %mul3A_1774 : vector<16xf32>
        %add3A_1776 = arith.constant 14 : i32
        %add3A_1777 = arith.addi %mul3A_352, %add3A_1776 : i32
        %get3A_1778 = arith.constant 0 : i32
        %get3A_1779 = arith.index_cast %get3A_1778 : i32 to index
        %get3A_1780 = arith.index_cast %add3A_1777 : i32 to index
        %get3A_1781 = arith.constant 0 : index
        %get3A_1782 = tpu.vector_load %arg8[%get3A_1779, %get3A_1780, %get3A_1781] {strides = array<i32>} : memref<2x640x64xf32, #tpu.memory_space<vmem>>, vector<1x1x16xf32>,
        %get3A_1783 = vector.shape_cast %get3A_1782 : vector<1x1x16xf32> to vector<16xf32>
        %add3A_1784 = arith.constant 20 : i32
        %add3A_1785 = arith.addi %mul3A_352, %add3A_1784 : i32
        %add3A_1786 = arith.constant 14 : i32
        %add3A_1787 = arith.addi %add3A_1785, %add3A_1786 : i32
        %get3A_1788 = arith.constant 0 : i32
        %get3A_1789 = arith.index_cast %get3A_1788 : i32 to index
        %get3A_1790 = arith.index_cast %add3A_1787 : i32 to index
        %get3A_1791 = arith.constant 0 : index
        %get3A_1792 = tpu.vector_load %arg8[%get3A_1789, %get3A_1790, %get3A_1791] {strides = array<i32>} : memref<2x640x64xf32, #tpu.memory_space<vmem>>, vector<1x1x16xf32>,
        %get3A_1793 = vector.shape_cast %get3A_1792 : vector<1x1x16xf32> to vector<16xf32>
        %max3A_1794 = arith.maximumf %max3A_1690, %get3A_1783 : vector<16xf32>
        %add3A_1795 = arith.addf %add3A_1691, %get3A_1783 : vector<16xf32>
        %max3A_1796 = arith.maximumf %max3A_1692, %get3A_1793 : vector<16xf32>
        %add3A_1797 = arith.addf %add3A_1693, %get3A_1793 : vector<16xf32>
        %mul3A_1798 = arith.mulf %get3A_1783, %get3A_1783 : vector<16xf32>
        %add3A_1799 = arith.addf %add3A_1697, %mul3A_1798 : vector<16xf32>
        %mul3A_1800 = arith.mulf %get3A_1793, %get3A_1793 : vector<16xf32>
        %add3A_1801 = arith.addf %add3A_1799, %mul3A_1800 : vector<16xf32>
        %add3A_1802 = arith.constant 14 : i32
        %add3A_1803 = arith.addi %mul3A_352, %add3A_1802 : i32
        %get3A_1804 = arith.constant 0 : i32
        %get3A_1805 = arith.index_cast %get3A_1804 : i32 to index
        %get3A_1806 = arith.index_cast %add3A_1803 : i32 to index
        %get3A_1807 = arith.constant 16 : index
        %get3A_1808 = tpu.vector_load %arg8[%get3A_1805, %get3A_1806, %get3A_1807] {strides = array<i32>} : memref<2x640x64xf32, #tpu.memory_space<vmem>>, vector<1x1x16xf32>,
        %get3A_1809 = vector.shape_cast %get3A_1808 : vector<1x1x16xf32> to vector<16xf32>
        %add3A_1810 = arith.constant 20 : i32
        %add3A_1811 = arith.addi %mul3A_352, %add3A_1810 : i32
        %add3A_1812 = arith.constant 14 : i32
        %add3A_1813 = arith.addi %add3A_1811, %add3A_1812 : i32
        %get3A_1814 = arith.constant 0 : i32
        %get3A_1815 = arith.index_cast %get3A_1814 : i32 to index
        %get3A_1816 = arith.index_cast %add3A_1813 : i32 to index
        %get3A_1817 = arith.constant 16 : index
        %get3A_1818 = tpu.vector_load %arg8[%get3A_1815, %get3A_1816, %get3A_1817] {strides = array<i32>} : memref<2x640x64xf32, #tpu.memory_space<vmem>>, vector<1x1x16xf32>,
        %get3A_1819 = vector.shape_cast %get3A_1818 : vector<1x1x16xf32> to vector<16xf32>
        %max3A_1820 = arith.maximumf %max3A_1716, %get3A_1809 : vector<16xf32>
        %add3A_1821 = arith.addf %add3A_1717, %get3A_1809 : vector<16xf32>
        %max3A_1822 = arith.maximumf %max3A_1718, %get3A_1819 : vector<16xf32>
        %add3A_1823 = arith.addf %add3A_1719, %get3A_1819 : vector<16xf32>
        %mul3A_1824 = arith.mulf %get3A_1809, %get3A_1809 : vector<16xf32>
        %add3A_1825 = arith.addf %add3A_1723, %mul3A_1824 : vector<16xf32>
        %mul3A_1826 = arith.mulf %get3A_1819, %get3A_1819 : vector<16xf32>
        %add3A_1827 = arith.addf %add3A_1825, %mul3A_1826 : vector<16xf32>
        %add3A_1828 = arith.constant 14 : i32
        %add3A_1829 = arith.addi %mul3A_352, %add3A_1828 : i32
        %get3A_1830 = arith.constant 0 : i32
        %get3A_1831 = arith.index_cast %get3A_1830 : i32 to index
        %get3A_1832 = arith.index_cast %add3A_1829 : i32 to index
        %get3A_1833 = arith.constant 32 : index
        %get3A_1834 = tpu.vector_load %arg8[%get3A_1831, %get3A_1832, %get3A_1833] {strides = array<i32>} : memref<2x640x64xf32, #tpu.memory_space<vmem>>, vector<1x1x16xf32>,
        %get3A_1835 = vector.shape_cast %get3A_1834 : vector<1x1x16xf32> to vector<16xf32>
        %add3A_1836 = arith.constant 20 : i32
        %add3A_1837 = arith.addi %mul3A_352, %add3A_1836 : i32
        %add3A_1838 = arith.constant 14 : i32
        %add3A_1839 = arith.addi %add3A_1837, %add3A_1838 : i32
        %get3A_1840 = arith.constant 0 : i32
        %get3A_1841 = arith.index_cast %get3A_1840 : i32 to index
        %get3A_1842 = arith.index_cast %add3A_1839 : i32 to index
        %get3A_1843 = arith.constant 32 : index
        %get3A_1844 = tpu.vector_load %arg8[%get3A_1841, %get3A_1842, %get3A_1843] {strides = array<i32>} : memref<2x640x64xf32, #tpu.memory_space<vmem>>, vector<1x1x16xf32>,
        %get3A_1845 = vector.shape_cast %get3A_1844 : vector<1x1x16xf32> to vector<16xf32>
        %max3A_1846 = arith.maximumf %max3A_1742, %get3A_1835 : vector<16xf32>
        %add3A_1847 = arith.addf %add3A_1743, %get3A_1835 : vector<16xf32>
        %max3A_1848 = arith.maximumf %max3A_1744, %get3A_1845 : vector<16xf32>
        %add3A_1849 = arith.addf %add3A_1745, %get3A_1845 : vector<16xf32>
        %mul3A_1850 = arith.mulf %get3A_1835, %get3A_1835 : vector<16xf32>
        %add3A_1851 = arith.addf %add3A_1749, %mul3A_1850 : vector<16xf32>
        %mul3A_1852 = arith.mulf %get3A_1845, %get3A_1845 : vector<16xf32>
        %add3A_1853 = arith.addf %add3A_1851, %mul3A_1852 : vector<16xf32>
        %add3A_1854 = arith.constant 14 : i32
        %add3A_1855 = arith.addi %mul3A_352, %add3A_1854 : i32
        %get3A_1856 = arith.constant 0 : i32
        %get3A_1857 = arith.index_cast %get3A_1856 : i32 to index
        %get3A_1858 = arith.index_cast %add3A_1855 : i32 to index
        %get3A_1859 = arith.constant 48 : index
        %get3A_1860 = tpu.vector_load %arg8[%get3A_1857, %get3A_1858, %get3A_1859] {strides = array<i32>} : memref<2x640x64xf32, #tpu.memory_space<vmem>>, vector<1x1x16xf32>,
        %get3A_1861 = vector.shape_cast %get3A_1860 : vector<1x1x16xf32> to vector<16xf32>
        %add3A_1862 = arith.constant 20 : i32
        %add3A_1863 = arith.addi %mul3A_352, %add3A_1862 : i32
        %add3A_1864 = arith.constant 14 : i32
        %add3A_1865 = arith.addi %add3A_1863, %add3A_1864 : i32
        %get3A_1866 = arith.constant 0 : i32
        %get3A_1867 = arith.index_cast %get3A_1866 : i32 to index
        %get3A_1868 = arith.index_cast %add3A_1865 : i32 to index
        %get3A_1869 = arith.constant 48 : index
        %get3A_1870 = tpu.vector_load %arg8[%get3A_1867, %get3A_1868, %get3A_1869] {strides = array<i32>} : memref<2x640x64xf32, #tpu.memory_space<vmem>>, vector<1x1x16xf32>,
        %get3A_1871 = vector.shape_cast %get3A_1870 : vector<1x1x16xf32> to vector<16xf32>
        %max3A_1872 = arith.maximumf %max3A_1768, %get3A_1861 : vector<16xf32>
        %add3A_1873 = arith.addf %add3A_1769, %get3A_1861 : vector<16xf32>
        %max3A_1874 = arith.maximumf %max3A_1770, %get3A_1871 : vector<16xf32>
        %add3A_1875 = arith.addf %add3A_1771, %get3A_1871 : vector<16xf32>
        %mul3A_1876 = arith.mulf %get3A_1861, %get3A_1861 : vector<16xf32>
        %add3A_1877 = arith.addf %add3A_1775, %mul3A_1876 : vector<16xf32>
        %mul3A_1878 = arith.mulf %get3A_1871, %get3A_1871 : vector<16xf32>
        %add3A_1879 = arith.addf %add3A_1877, %mul3A_1878 : vector<16xf32>
        %add3A_1880 = arith.constant 15 : i32
        %add3A_1881 = arith.addi %mul3A_352, %add3A_1880 : i32
        %get3A_1882 = arith.constant 0 : i32
        %get3A_1883 = arith.index_cast %get3A_1882 : i32 to index
        %get3A_1884 = arith.index_cast %add3A_1881 : i32 to index
        %get3A_1885 = arith.constant 0 : index
        %get3A_1886 = tpu.vector_load %arg8[%get3A_1883, %get3A_1884, %get3A_1885] {strides = array<i32>} : memref<2x640x64xf32, #tpu.memory_space<vmem>>, vector<1x1x16xf32>,
        %get3A_1887 = vector.shape_cast %get3A_1886 : vector<1x1x16xf32> to vector<16xf32>
        %add3A_1888 = arith.constant 20 : i32
        %add3A_1889 = arith.addi %mul3A_352, %add3A_1888 : i32
        %add3A_1890 = arith.constant 15 : i32
        %add3A_1891 = arith.addi %add3A_1889, %add3A_1890 : i32
        %get3A_1892 = arith.constant 0 : i32
        %get3A_1893 = arith.index_cast %get3A_1892 : i32 to index
        %get3A_1894 = arith.index_cast %add3A_1891 : i32 to index
        %get3A_1895 = arith.constant 0 : index
        %get3A_1896 = tpu.vector_load %arg8[%get3A_1893, %get3A_1894, %get3A_1895] {strides = array<i32>} : memref<2x640x64xf32, #tpu.memory_space<vmem>>, vector<1x1x16xf32>,
        %get3A_1897 = vector.shape_cast %get3A_1896 : vector<1x1x16xf32> to vector<16xf32>
        %max3A_1898 = arith.maximumf %max3A_1794, %get3A_1887 : vector<16xf32>
        %add3A_1899 = arith.addf %add3A_1795, %get3A_1887 : vector<16xf32>
        %max3A_1900 = arith.maximumf %max3A_1796, %get3A_1897 : vector<16xf32>
        %add3A_1901 = arith.addf %add3A_1797, %get3A_1897 : vector<16xf32>
        %mul3A_1902 = arith.mulf %get3A_1887, %get3A_1887 : vector<16xf32>
        %add3A_1903 = arith.addf %add3A_1801, %mul3A_1902 : vector<16xf32>
        %mul3A_1904 = arith.mulf %get3A_1897, %get3A_1897 : vector<16xf32>
        %add3A_1905 = arith.addf %add3A_1903, %mul3A_1904 : vector<16xf32>
        %add3A_1906 = arith.constant 15 : i32
        %add3A_1907 = arith.addi %mul3A_352, %add3A_1906 : i32
        %get3A_1908 = arith.constant 0 : i32
        %get3A_1909 = arith.index_cast %get3A_1908 : i32 to index
        %get3A_1910 = arith.index_cast %add3A_1907 : i32 to index
        %get3A_1911 = arith.constant 16 : index
        %get3A_1912 = tpu.vector_load %arg8[%get3A_1909, %get3A_1910, %get3A_1911] {strides = array<i32>} : memref<2x640x64xf32, #tpu.memory_space<vmem>>, vector<1x1x16xf32>,
        %get3A_1913 = vector.shape_cast %get3A_1912 : vector<1x1x16xf32> to vector<16xf32>
        %add3A_1914 = arith.constant 20 : i32
        %add3A_1915 = arith.addi %mul3A_352, %add3A_1914 : i32
        %add3A_1916 = arith.constant 15 : i32
        %add3A_1917 = arith.addi %add3A_1915, %add3A_1916 : i32
        %get3A_1918 = arith.constant 0 : i32
        %get3A_1919 = arith.index_cast %get3A_1918 : i32 to index
        %get3A_1920 = arith.index_cast %add3A_1917 : i32 to index
        %get3A_1921 = arith.constant 16 : index
        %get3A_1922 = tpu.vector_load %arg8[%get3A_1919, %get3A_1920, %get3A_1921] {strides = array<i32>} : memref<2x640x64xf32, #tpu.memory_space<vmem>>, vector<1x1x16xf32>,
        %get3A_1923 = vector.shape_cast %get3A_1922 : vector<1x1x16xf32> to vector<16xf32>
        %max3A_1924 = arith.maximumf %max3A_1820, %get3A_1913 : vector<16xf32>
        %add3A_1925 = arith.addf %add3A_1821, %get3A_1913 : vector<16xf32>
        %max3A_1926 = arith.maximumf %max3A_1822, %get3A_1923 : vector<16xf32>
        %add3A_1927 = arith.addf %add3A_1823, %get3A_1923 : vector<16xf32>
        %mul3A_1928 = arith.mulf %get3A_1913, %get3A_1913 : vector<16xf32>
        %add3A_1929 = arith.addf %add3A_1827, %mul3A_1928 : vector<16xf32>
        %mul3A_1930 = arith.mulf %get3A_1923, %get3A_1923 : vector<16xf32>
        %add3A_1931 = arith.addf %add3A_1929, %mul3A_1930 : vector<16xf32>
        %add3A_1932 = arith.constant 15 : i32
        %add3A_1933 = arith.addi %mul3A_352, %add3A_1932 : i32
        %get3A_1934 = arith.constant 0 : i32
        %get3A_1935 = arith.index_cast %get3A_1934 : i32 to index
        %get3A_1936 = arith.index_cast %add3A_1933 : i32 to index
        %get3A_1937 = arith.constant 32 : index
        %get3A_1938 = tpu.vector_load %arg8[%get3A_1935, %get3A_1936, %get3A_1937] {strides = array<i32>} : memref<2x640x64xf32, #tpu.memory_space<vmem>>, vector<1x1x16xf32>,
        %get3A_1939 = vector.shape_cast %get3A_1938 : vector<1x1x16xf32> to vector<16xf32>
        %add3A_1940 = arith.constant 20 : i32
        %add3A_1941 = arith.addi %mul3A_352, %add3A_1940 : i32
        %add3A_1942 = arith.constant 15 : i32
        %add3A_1943 = arith.addi %add3A_1941, %add3A_1942 : i32
        %get3A_1944 = arith.constant 0 : i32
        %get3A_1945 = arith.index_cast %get3A_1944 : i32 to index
        %get3A_1946 = arith.index_cast %add3A_1943 : i32 to index
        %get3A_1947 = arith.constant 32 : index
        %get3A_1948 = tpu.vector_load %arg8[%get3A_1945, %get3A_1946, %get3A_1947] {strides = array<i32>} : memref<2x640x64xf32, #tpu.memory_space<vmem>>, vector<1x1x16xf32>,
        %get3A_1949 = vector.shape_cast %get3A_1948 : vector<1x1x16xf32> to vector<16xf32>
        %max3A_1950 = arith.maximumf %max3A_1846, %get3A_1939 : vector<16xf32>
        %add3A_1951 = arith.addf %add3A_1847, %get3A_1939 : vector<16xf32>
        %max3A_1952 = arith.maximumf %max3A_1848, %get3A_1949 : vector<16xf32>
        %add3A_1953 = arith.addf %add3A_1849, %get3A_1949 : vector<16xf32>
        %mul3A_1954 = arith.mulf %get3A_1939, %get3A_1939 : vector<16xf32>
        %add3A_1955 = arith.addf %add3A_1853, %mul3A_1954 : vector<16xf32>
        %mul3A_1956 = arith.mulf %get3A_1949, %get3A_1949 : vector<16xf32>
        %add3A_1957 = arith.addf %add3A_1955, %mul3A_1956 : vector<16xf32>
        %add3A_1958 = arith.constant 15 : i32
        %add3A_1959 = arith.addi %mul3A_352, %add3A_1958 : i32
        %get3A_1960 = arith.constant 0 : i32
        %get3A_1961 = arith.index_cast %get3A_1960 : i32 to index
        %get3A_1962 = arith.index_cast %add3A_1959 : i32 to index
        %get3A_1963 = arith.constant 48 : index
        %get3A_1964 = tpu.vector_load %arg8[%get3A_1961, %get3A_1962, %get3A_1963] {strides = array<i32>} : memref<2x640x64xf32, #tpu.memory_space<vmem>>, vector<1x1x16xf32>,
        %get3A_1965 = vector.shape_cast %get3A_1964 : vector<1x1x16xf32> to vector<16xf32>
        %add3A_1966 = arith.constant 20 : i32
        %add3A_1967 = arith.addi %mul3A_352, %add3A_1966 : i32
        %add3A_1968 = arith.constant 15 : i32
        %add3A_1969 = arith.addi %add3A_1967, %add3A_1968 : i32
        %get3A_1970 = arith.constant 0 : i32
        %get3A_1971 = arith.index_cast %get3A_1970 : i32 to index
        %get3A_1972 = arith.index_cast %add3A_1969 : i32 to index
        %get3A_1973 = arith.constant 48 : index
        %get3A_1974 = tpu.vector_load %arg8[%get3A_1971, %get3A_1972, %get3A_1973] {strides = array<i32>} : memref<2x640x64xf32, #tpu.memory_space<vmem>>, vector<1x1x16xf32>,
        %get3A_1975 = vector.shape_cast %get3A_1974 : vector<1x1x16xf32> to vector<16xf32>
        %max3A_1976 = arith.maximumf %max3A_1872, %get3A_1965 : vector<16xf32>
        %add3A_1977 = arith.addf %add3A_1873, %get3A_1965 : vector<16xf32>
        %max3A_1978 = arith.maximumf %max3A_1874, %get3A_1975 : vector<16xf32>
        %add3A_1979 = arith.addf %add3A_1875, %get3A_1975 : vector<16xf32>
        %mul3A_1980 = arith.mulf %get3A_1965, %get3A_1965 : vector<16xf32>
        %add3A_1981 = arith.addf %add3A_1879, %mul3A_1980 : vector<16xf32>
        %mul3A_1982 = arith.mulf %get3A_1975, %get3A_1975 : vector<16xf32>
        %add3A_1983 = arith.addf %add3A_1981, %mul3A_1982 : vector<16xf32>
        %add3A_1984 = arith.constant 16 : i32
        %add3A_1985 = arith.addi %mul3A_352, %add3A_1984 : i32
        %get3A_1986 = arith.constant 0 : i32
        %get3A_1987 = arith.index_cast %get3A_1986 : i32 to index
        %get3A_1988 = arith.index_cast %add3A_1985 : i32 to index
        %get3A_1989 = arith.constant 0 : index
        %get3A_1990 = tpu.vector_load %arg8[%get3A_1987, %get3A_1988, %get3A_1989] {strides = array<i32>} : memref<2x640x64xf32, #tpu.memory_space<vmem>>, vector<1x1x16xf32>,
        %get3A_1991 = vector.shape_cast %get3A_1990 : vector<1x1x16xf32> to vector<16xf32>
        %add3A_1992 = arith.constant 20 : i32
        %add3A_1993 = arith.addi %mul3A_352, %add3A_1992 : i32
        %add3A_1994 = arith.constant 16 : i32
        %add3A_1995 = arith.addi %add3A_1993, %add3A_1994 : i32
        %get3A_1996 = arith.constant 0 : i32
        %get3A_1997 = arith.index_cast %get3A_1996 : i32 to index
        %get3A_1998 = arith.index_cast %add3A_1995 : i32 to index
        %get3A_1999 = arith.constant 0 : index
        %get3A_2000 = tpu.vector_load %arg8[%get3A_1997, %get3A_1998, %get3A_1999] {strides = array<i32>} : memref<2x640x64xf32, #tpu.memory_space<vmem>>, vector<1x1x16xf32>,
        %get3A_2001 = vector.shape_cast %get3A_2000 : vector<1x1x16xf32> to vector<16xf32>
        %max3A_2002 = arith.maximumf %max3A_1898, %get3A_1991 : vector<16xf32>
        %add3A_2003 = arith.addf %add3A_1899, %get3A_1991 : vector<16xf32>
        %max3A_2004 = arith.maximumf %max3A_1900, %get3A_2001 : vector<16xf32>
        %add3A_2005 = arith.addf %add3A_1901, %get3A_2001 : vector<16xf32>
        %mul3A_2006 = arith.mulf %get3A_1991, %get3A_1991 : vector<16xf32>
        %add3A_2007 = arith.addf %add3A_1905, %mul3A_2006 : vector<16xf32>
        %mul3A_2008 = arith.mulf %get3A_2001, %get3A_2001 : vector<16xf32>
        %add3A_2009 = arith.addf %add3A_2007, %mul3A_2008 : vector<16xf32>
        %add3A_2010 = arith.constant 16 : i32
        %add3A_2011 = arith.addi %mul3A_352, %add3A_2010 : i32
        %get3A_2012 = arith.constant 0 : i32
        %get3A_2013 = arith.index_cast %get3A_2012 : i32 to index
        %get3A_2014 = arith.index_cast %add3A_2011 : i32 to index
        %get3A_2015 = arith.constant 16 : index
        %get3A_2016 = tpu.vector_load %arg8[%get3A_2013, %get3A_2014, %get3A_2015] {strides = array<i32>} : memref<2x640x64xf32, #tpu.memory_space<vmem>>, vector<1x1x16xf32>,
        %get3A_2017 = vector.shape_cast %get3A_2016 : vector<1x1x16xf32> to vector<16xf32>
        %add3A_2018 = arith.constant 20 : i32
        %add3A_2019 = arith.addi %mul3A_352, %add3A_2018 : i32
        %add3A_2020 = arith.constant 16 : i32
        %add3A_2021 = arith.addi %add3A_2019, %add3A_2020 : i32
        %get3A_2022 = arith.constant 0 : i32
        %get3A_2023 = arith.index_cast %get3A_2022 : i32 to index
        %get3A_2024 = arith.index_cast %add3A_2021 : i32 to index
        %get3A_2025 = arith.constant 16 : index
        %get3A_2026 = tpu.vector_load %arg8[%get3A_2023, %get3A_2024, %get3A_2025] {strides = array<i32>} : memref<2x640x64xf32, #tpu.memory_space<vmem>>, vector<1x1x16xf32>,
        %get3A_2027 = vector.shape_cast %get3A_2026 : vector<1x1x16xf32> to vector<16xf32>
        %max3A_2028 = arith.maximumf %max3A_1924, %get3A_2017 : vector<16xf32>
        %add3A_2029 = arith.addf %add3A_1925, %get3A_2017 : vector<16xf32>
        %max3A_2030 = arith.maximumf %max3A_1926, %get3A_2027 : vector<16xf32>
        %add3A_2031 = arith.addf %add3A_1927, %get3A_2027 : vector<16xf32>
        %mul3A_2032 = arith.mulf %get3A_2017, %get3A_2017 : vector<16xf32>
        %add3A_2033 = arith.addf %add3A_1931, %mul3A_2032 : vector<16xf32>
        %mul3A_2034 = arith.mulf %get3A_2027, %get3A_2027 : vector<16xf32>
        %add3A_2035 = arith.addf %add3A_2033, %mul3A_2034 : vector<16xf32>
        %add3A_2036 = arith.constant 16 : i32
        %add3A_2037 = arith.addi %mul3A_352, %add3A_2036 : i32
        %get3A_2038 = arith.constant 0 : i32
        %get3A_2039 = arith.index_cast %get3A_2038 : i32 to index
        %get3A_2040 = arith.index_cast %add3A_2037 : i32 to index
        %get3A_2041 = arith.constant 32 : index
        %get3A_2042 = tpu.vector_load %arg8[%get3A_2039, %get3A_2040, %get3A_2041] {strides = array<i32>} : memref<2x640x64xf32, #tpu.memory_space<vmem>>, vector<1x1x16xf32>,
        %get3A_2043 = vector.shape_cast %get3A_2042 : vector<1x1x16xf32> to vector<16xf32>
        %add3A_2044 = arith.constant 20 : i32
        %add3A_2045 = arith.addi %mul3A_352, %add3A_2044 : i32
        %add3A_2046 = arith.constant 16 : i32
        %add3A_2047 = arith.addi %add3A_2045, %add3A_2046 : i32
        %get3A_2048 = arith.constant 0 : i32
        %get3A_2049 = arith.index_cast %get3A_2048 : i32 to index
        %get3A_2050 = arith.index_cast %add3A_2047 : i32 to index
        %get3A_2051 = arith.constant 32 : index
        %get3A_2052 = tpu.vector_load %arg8[%get3A_2049, %get3A_2050, %get3A_2051] {strides = array<i32>} : memref<2x640x64xf32, #tpu.memory_space<vmem>>, vector<1x1x16xf32>,
        %get3A_2053 = vector.shape_cast %get3A_2052 : vector<1x1x16xf32> to vector<16xf32>
        %max3A_2054 = arith.maximumf %max3A_1950, %get3A_2043 : vector<16xf32>
        %add3A_2055 = arith.addf %add3A_1951, %get3A_2043 : vector<16xf32>
        %max3A_2056 = arith.maximumf %max3A_1952, %get3A_2053 : vector<16xf32>
        %add3A_2057 = arith.addf %add3A_1953, %get3A_2053 : vector<16xf32>
        %mul3A_2058 = arith.mulf %get3A_2043, %get3A_2043 : vector<16xf32>
        %add3A_2059 = arith.addf %add3A_1957, %mul3A_2058 : vector<16xf32>
        %mul3A_2060 = arith.mulf %get3A_2053, %get3A_2053 : vector<16xf32>
        %add3A_2061 = arith.addf %add3A_2059, %mul3A_2060 : vector<16xf32>
        %add3A_2062 = arith.constant 16 : i32
        %add3A_2063 = arith.addi %mul3A_352, %add3A_2062 : i32
        %get3A_2064 = arith.constant 0 : i32
        %get3A_2065 = arith.index_cast %get3A_2064 : i32 to index
        %get3A_2066 = arith.index_cast %add3A_2063 : i32 to index
        %get3A_2067 = arith.constant 48 : index
        %get3A_2068 = tpu.vector_load %arg8[%get3A_2065, %get3A_2066, %get3A_2067] {strides = array<i32>} : memref<2x640x64xf32, #tpu.memory_space<vmem>>, vector<1x1x16xf32>,
        %get3A_2069 = vector.shape_cast %get3A_2068 : vector<1x1x16xf32> to vector<16xf32>
        %add3A_2070 = arith.constant 20 : i32
        %add3A_2071 = arith.addi %mul3A_352, %add3A_2070 : i32
        %add3A_2072 = arith.constant 16 : i32
        %add3A_2073 = arith.addi %add3A_2071, %add3A_2072 : i32
        %get3A_2074 = arith.constant 0 : i32
        %get3A_2075 = arith.index_cast %get3A_2074 : i32 to index
        %get3A_2076 = arith.index_cast %add3A_2073 : i32 to index
        %get3A_2077 = arith.constant 48 : index
        %get3A_2078 = tpu.vector_load %arg8[%get3A_2075, %get3A_2076, %get3A_2077] {strides = array<i32>} : memref<2x640x64xf32, #tpu.memory_space<vmem>>, vector<1x1x16xf32>,
        %get3A_2079 = vector.shape_cast %get3A_2078 : vector<1x1x16xf32> to vector<16xf32>
        %max3A_2080 = arith.maximumf %max3A_1976, %get3A_2069 : vector<16xf32>
        %add3A_2081 = arith.addf %add3A_1977, %get3A_2069 : vector<16xf32>
        %max3A_2082 = arith.maximumf %max3A_1978, %get3A_2079 : vector<16xf32>
        %add3A_2083 = arith.addf %add3A_1979, %get3A_2079 : vector<16xf32>
        %mul3A_2084 = arith.mulf %get3A_2069, %get3A_2069 : vector<16xf32>
        %add3A_2085 = arith.addf %add3A_1983, %mul3A_2084 : vector<16xf32>
        %mul3A_2086 = arith.mulf %get3A_2079, %get3A_2079 : vector<16xf32>
        %add3A_2087 = arith.addf %add3A_2085, %mul3A_2086 : vector<16xf32>
        %add3A_2088 = arith.constant 17 : i32
        %add3A_2089 = arith.addi %mul3A_352, %add3A_2088 : i32
        %get3A_2090 = arith.constant 0 : i32
        %get3A_2091 = arith.index_cast %get3A_2090 : i32 to index
        %get3A_2092 = arith.index_cast %add3A_2089 : i32 to index
        %get3A_2093 = arith.constant 0 : index
        %get3A_2094 = tpu.vector_load %arg8[%get3A_2091, %get3A_2092, %get3A_2093] {strides = array<i32>} : memref<2x640x64xf32, #tpu.memory_space<vmem>>, vector<1x1x16xf32>,
        %get3A_2095 = vector.shape_cast %get3A_2094 : vector<1x1x16xf32> to vector<16xf32>
        %add3A_2096 = arith.constant 20 : i32
        %add3A_2097 = arith.addi %mul3A_352, %add3A_2096 : i32
        %add3A_2098 = arith.constant 17 : i32
        %add3A_2099 = arith.addi %add3A_2097, %add3A_2098 : i32
        %get3A_2100 = arith.constant 0 : i32
        %get3A_2101 = arith.index_cast %get3A_2100 : i32 to index
        %get3A_2102 = arith.index_cast %add3A_2099 : i32 to index
        %get3A_2103 = arith.constant 0 : index
        %get3A_2104 = tpu.vector_load %arg8[%get3A_2101, %get3A_2102, %get3A_2103] {strides = array<i32>} : memref<2x640x64xf32, #tpu.memory_space<vmem>>, vector<1x1x16xf32>,
        %get3A_2105 = vector.shape_cast %get3A_2104 : vector<1x1x16xf32> to vector<16xf32>
        %max3A_2106 = arith.maximumf %max3A_2002, %get3A_2095 : vector<16xf32>
        %add3A_2107 = arith.addf %add3A_2003, %get3A_2095 : vector<16xf32>
        %max3A_2108 = arith.maximumf %max3A_2004, %get3A_2105 : vector<16xf32>
        %add3A_2109 = arith.addf %add3A_2005, %get3A_2105 : vector<16xf32>
        %mul3A_2110 = arith.mulf %get3A_2095, %get3A_2095 : vector<16xf32>
        %add3A_2111 = arith.addf %add3A_2009, %mul3A_2110 : vector<16xf32>
        %mul3A_2112 = arith.mulf %get3A_2105, %get3A_2105 : vector<16xf32>
        %add3A_2113 = arith.addf %add3A_2111, %mul3A_2112 : vector<16xf32>
        %add3A_2114 = arith.constant 17 : i32
        %add3A_2115 = arith.addi %mul3A_352, %add3A_2114 : i32
        %get3A_2116 = arith.constant 0 : i32
        %get3A_2117 = arith.index_cast %get3A_2116 : i32 to index
        %get3A_2118 = arith.index_cast %add3A_2115 : i32 to index
        %get3A_2119 = arith.constant 16 : index
        %get3A_2120 = tpu.vector_load %arg8[%get3A_2117, %get3A_2118, %get3A_2119] {strides = array<i32>} : memref<2x640x64xf32, #tpu.memory_space<vmem>>, vector<1x1x16xf32>,
        %get3A_2121 = vector.shape_cast %get3A_2120 : vector<1x1x16xf32> to vector<16xf32>
        %add3A_2122 = arith.constant 20 : i32
        %add3A_2123 = arith.addi %mul3A_352, %add3A_2122 : i32
        %add3A_2124 = arith.constant 17 : i32
        %add3A_2125 = arith.addi %add3A_2123, %add3A_2124 : i32
        %get3A_2126 = arith.constant 0 : i32
        %get3A_2127 = arith.index_cast %get3A_2126 : i32 to index
        %get3A_2128 = arith.index_cast %add3A_2125 : i32 to index
        %get3A_2129 = arith.constant 16 : index
        %get3A_2130 = tpu.vector_load %arg8[%get3A_2127, %get3A_2128, %get3A_2129] {strides = array<i32>} : memref<2x640x64xf32, #tpu.memory_space<vmem>>, vector<1x1x16xf32>,
        %get3A_2131 = vector.shape_cast %get3A_2130 : vector<1x1x16xf32> to vector<16xf32>
        %max3A_2132 = arith.maximumf %max3A_2028, %get3A_2121 : vector<16xf32>
        %add3A_2133 = arith.addf %add3A_2029, %get3A_2121 : vector<16xf32>
        %max3A_2134 = arith.maximumf %max3A_2030, %get3A_2131 : vector<16xf32>
        %add3A_2135 = arith.addf %add3A_2031, %get3A_2131 : vector<16xf32>
        %mul3A_2136 = arith.mulf %get3A_2121, %get3A_2121 : vector<16xf32>
        %add3A_2137 = arith.addf %add3A_2035, %mul3A_2136 : vector<16xf32>
        %mul3A_2138 = arith.mulf %get3A_2131, %get3A_2131 : vector<16xf32>
        %add3A_2139 = arith.addf %add3A_2137, %mul3A_2138 : vector<16xf32>
        %add3A_2140 = arith.constant 17 : i32
        %add3A_2141 = arith.addi %mul3A_352, %add3A_2140 : i32
        %get3A_2142 = arith.constant 0 : i32
        %get3A_2143 = arith.index_cast %get3A_2142 : i32 to index
        %get3A_2144 = arith.index_cast %add3A_2141 : i32 to index
        %get3A_2145 = arith.constant 32 : index
        %get3A_2146 = tpu.vector_load %arg8[%get3A_2143, %get3A_2144, %get3A_2145] {strides = array<i32>} : memref<2x640x64xf32, #tpu.memory_space<vmem>>, vector<1x1x16xf32>,
        %get3A_2147 = vector.shape_cast %get3A_2146 : vector<1x1x16xf32> to vector<16xf32>
        %add3A_2148 = arith.constant 20 : i32
        %add3A_2149 = arith.addi %mul3A_352, %add3A_2148 : i32
        %add3A_2150 = arith.constant 17 : i32
        %add3A_2151 = arith.addi %add3A_2149, %add3A_2150 : i32
        %get3A_2152 = arith.constant 0 : i32
        %get3A_2153 = arith.index_cast %get3A_2152 : i32 to index
        %get3A_2154 = arith.index_cast %add3A_2151 : i32 to index
        %get3A_2155 = arith.constant 32 : index
        %get3A_2156 = tpu.vector_load %arg8[%get3A_2153, %get3A_2154, %get3A_2155] {strides = array<i32>} : memref<2x640x64xf32, #tpu.memory_space<vmem>>, vector<1x1x16xf32>,
        %get3A_2157 = vector.shape_cast %get3A_2156 : vector<1x1x16xf32> to vector<16xf32>
        %max3A_2158 = arith.maximumf %max3A_2054, %get3A_2147 : vector<16xf32>
        %add3A_2159 = arith.addf %add3A_2055, %get3A_2147 : vector<16xf32>
        %max3A_2160 = arith.maximumf %max3A_2056, %get3A_2157 : vector<16xf32>
        %add3A_2161 = arith.addf %add3A_2057, %get3A_2157 : vector<16xf32>
        %mul3A_2162 = arith.mulf %get3A_2147, %get3A_2147 : vector<16xf32>
        %add3A_2163 = arith.addf %add3A_2061, %mul3A_2162 : vector<16xf32>
        %mul3A_2164 = arith.mulf %get3A_2157, %get3A_2157 : vector<16xf32>
        %add3A_2165 = arith.addf %add3A_2163, %mul3A_2164 : vector<16xf32>
        %add3A_2166 = arith.constant 17 : i32
        %add3A_2167 = arith.addi %mul3A_352, %add3A_2166 : i32
        %get3A_2168 = arith.constant 0 : i32
        %get3A_2169 = arith.index_cast %get3A_2168 : i32 to index
        %get3A_2170 = arith.index_cast %add3A_2167 : i32 to index
        %get3A_2171 = arith.constant 48 : index
        %get3A_2172 = tpu.vector_load %arg8[%get3A_2169, %get3A_2170, %get3A_2171] {strides = array<i32>} : memref<2x640x64xf32, #tpu.memory_space<vmem>>, vector<1x1x16xf32>,
        %get3A_2173 = vector.shape_cast %get3A_2172 : vector<1x1x16xf32> to vector<16xf32>
        %add3A_2174 = arith.constant 20 : i32
        %add3A_2175 = arith.addi %mul3A_352, %add3A_2174 : i32
        %add3A_2176 = arith.constant 17 : i32
        %add3A_2177 = arith.addi %add3A_2175, %add3A_2176 : i32
        %get3A_2178 = arith.constant 0 : i32
        %get3A_2179 = arith.index_cast %get3A_2178 : i32 to index
        %get3A_2180 = arith.index_cast %add3A_2177 : i32 to index
        %get3A_2181 = arith.constant 48 : index
        %get3A_2182 = tpu.vector_load %arg8[%get3A_2179, %get3A_2180, %get3A_2181] {strides = array<i32>} : memref<2x640x64xf32, #tpu.memory_space<vmem>>, vector<1x1x16xf32>,
        %get3A_2183 = vector.shape_cast %get3A_2182 : vector<1x1x16xf32> to vector<16xf32>
        %max3A_2184 = arith.maximumf %max3A_2080, %get3A_2173 : vector<16xf32>
        %add3A_2185 = arith.addf %add3A_2081, %get3A_2173 : vector<16xf32>
        %max3A_2186 = arith.maximumf %max3A_2082, %get3A_2183 : vector<16xf32>
        %add3A_2187 = arith.addf %add3A_2083, %get3A_2183 : vector<16xf32>
        %mul3A_2188 = arith.mulf %get3A_2173, %get3A_2173 : vector<16xf32>
        %add3A_2189 = arith.addf %add3A_2087, %mul3A_2188 : vector<16xf32>
        %mul3A_2190 = arith.mulf %get3A_2183, %get3A_2183 : vector<16xf32>
        %add3A_2191 = arith.addf %add3A_2189, %mul3A_2190 : vector<16xf32>
        %add3A_2192 = arith.constant 18 : i32
        %add3A_2193 = arith.addi %mul3A_352, %add3A_2192 : i32
        %get3A_2194 = arith.constant 0 : i32
        %get3A_2195 = arith.index_cast %get3A_2194 : i32 to index
        %get3A_2196 = arith.index_cast %add3A_2193 : i32 to index
        %get3A_2197 = arith.constant 0 : index
        %get3A_2198 = tpu.vector_load %arg8[%get3A_2195, %get3A_2196, %get3A_2197] {strides = array<i32>} : memref<2x640x64xf32, #tpu.memory_space<vmem>>, vector<1x1x16xf32>,
        %get3A_2199 = vector.shape_cast %get3A_2198 : vector<1x1x16xf32> to vector<16xf32>
        %add3A_2200 = arith.constant 20 : i32
        %add3A_2201 = arith.addi %mul3A_352, %add3A_2200 : i32
        %add3A_2202 = arith.constant 18 : i32
        %add3A_2203 = arith.addi %add3A_2201, %add3A_2202 : i32
        %get3A_2204 = arith.constant 0 : i32
        %get3A_2205 = arith.index_cast %get3A_2204 : i32 to index
        %get3A_2206 = arith.index_cast %add3A_2203 : i32 to index
        %get3A_2207 = arith.constant 0 : index
        %get3A_2208 = tpu.vector_load %arg8[%get3A_2205, %get3A_2206, %get3A_2207] {strides = array<i32>} : memref<2x640x64xf32, #tpu.memory_space<vmem>>, vector<1x1x16xf32>,
        %get3A_2209 = vector.shape_cast %get3A_2208 : vector<1x1x16xf32> to vector<16xf32>
        %max3A_2210 = arith.maximumf %max3A_2106, %get3A_2199 : vector<16xf32>
        %add3A_2211 = arith.addf %add3A_2107, %get3A_2199 : vector<16xf32>
        %max3A_2212 = arith.maximumf %max3A_2108, %get3A_2209 : vector<16xf32>
        %add3A_2213 = arith.addf %add3A_2109, %get3A_2209 : vector<16xf32>
        %mul3A_2214 = arith.mulf %get3A_2199, %get3A_2199 : vector<16xf32>
        %add3A_2215 = arith.addf %add3A_2113, %mul3A_2214 : vector<16xf32>
        %mul3A_2216 = arith.mulf %get3A_2209, %get3A_2209 : vector<16xf32>
        %add3A_2217 = arith.addf %add3A_2215, %mul3A_2216 : vector<16xf32>
        %add3A_2218 = arith.constant 18 : i32
        %add3A_2219 = arith.addi %mul3A_352, %add3A_2218 : i32
        %get3A_2220 = arith.constant 0 : i32
        %get3A_2221 = arith.index_cast %get3A_2220 : i32 to index
        %get3A_2222 = arith.index_cast %add3A_2219 : i32 to index
        %get3A_2223 = arith.constant 16 : index
        %get3A_2224 = tpu.vector_load %arg8[%get3A_2221, %get3A_2222, %get3A_2223] {strides = array<i32>} : memref<2x640x64xf32, #tpu.memory_space<vmem>>, vector<1x1x16xf32>,
        %get3A_2225 = vector.shape_cast %get3A_2224 : vector<1x1x16xf32> to vector<16xf32>
        %add3A_2226 = arith.constant 20 : i32
        %add3A_2227 = arith.addi %mul3A_352, %add3A_2226 : i32
        %add3A_2228 = arith.constant 18 : i32
        %add3A_2229 = arith.addi %add3A_2227, %add3A_2228 : i32
        %get3A_2230 = arith.constant 0 : i32
        %get3A_2231 = arith.index_cast %get3A_2230 : i32 to index
        %get3A_2232 = arith.index_cast %add3A_2229 : i32 to index
        %get3A_2233 = arith.constant 16 : index
        %get3A_2234 = tpu.vector_load %arg8[%get3A_2231, %get3A_2232, %get3A_2233] {strides = array<i32>} : memref<2x640x64xf32, #tpu.memory_space<vmem>>, vector<1x1x16xf32>,
        %get3A_2235 = vector.shape_cast %get3A_2234 : vector<1x1x16xf32> to vector<16xf32>
        %max3A_2236 = arith.maximumf %max3A_2132, %get3A_2225 : vector<16xf32>
        %add3A_2237 = arith.addf %add3A_2133, %get3A_2225 : vector<16xf32>
        %max3A_2238 = arith.maximumf %max3A_2134, %get3A_2235 : vector<16xf32>
        %add3A_2239 = arith.addf %add3A_2135, %get3A_2235 : vector<16xf32>
        %mul3A_2240 = arith.mulf %get3A_2225, %get3A_2225 : vector<16xf32>
        %add3A_2241 = arith.addf %add3A_2139, %mul3A_2240 : vector<16xf32>
        %mul3A_2242 = arith.mulf %get3A_2235, %get3A_2235 : vector<16xf32>
        %add3A_2243 = arith.addf %add3A_2241, %mul3A_2242 : vector<16xf32>
        %add3A_2244 = arith.constant 18 : i32
        %add3A_2245 = arith.addi %mul3A_352, %add3A_2244 : i32
        %get3A_2246 = arith.constant 0 : i32
        %get3A_2247 = arith.index_cast %get3A_2246 : i32 to index
        %get3A_2248 = arith.index_cast %add3A_2245 : i32 to index
        %get3A_2249 = arith.constant 32 : index
        %get3A_2250 = tpu.vector_load %arg8[%get3A_2247, %get3A_2248, %get3A_2249] {strides = array<i32>} : memref<2x640x64xf32, #tpu.memory_space<vmem>>, vector<1x1x16xf32>,
        %get3A_2251 = vector.shape_cast %get3A_2250 : vector<1x1x16xf32> to vector<16xf32>
        %add3A_2252 = arith.constant 20 : i32
        %add3A_2253 = arith.addi %mul3A_352, %add3A_2252 : i32
        %add3A_2254 = arith.constant 18 : i32
        %add3A_2255 = arith.addi %add3A_2253, %add3A_2254 : i32
        %get3A_2256 = arith.constant 0 : i32
        %get3A_2257 = arith.index_cast %get3A_2256 : i32 to index
        %get3A_2258 = arith.index_cast %add3A_2255 : i32 to index
        %get3A_2259 = arith.constant 32 : index
        %get3A_2260 = tpu.vector_load %arg8[%get3A_2257, %get3A_2258, %get3A_2259] {strides = array<i32>} : memref<2x640x64xf32, #tpu.memory_space<vmem>>, vector<1x1x16xf32>,
        %get3A_2261 = vector.shape_cast %get3A_2260 : vector<1x1x16xf32> to vector<16xf32>
        %max3A_2262 = arith.maximumf %max3A_2158, %get3A_2251 : vector<16xf32>
        %add3A_2263 = arith.addf %add3A_2159, %get3A_2251 : vector<16xf32>
        %max3A_2264 = arith.maximumf %max3A_2160, %get3A_2261 : vector<16xf32>
        %add3A_2265 = arith.addf %add3A_2161, %get3A_2261 : vector<16xf32>
        %mul3A_2266 = arith.mulf %get3A_2251, %get3A_2251 : vector<16xf32>
        %add3A_2267 = arith.addf %add3A_2165, %mul3A_2266 : vector<16xf32>
        %mul3A_2268 = arith.mulf %get3A_2261, %get3A_2261 : vector<16xf32>
        %add3A_2269 = arith.addf %add3A_2267, %mul3A_2268 : vector<16xf32>
        %add3A_2270 = arith.constant 18 : i32
        %add3A_2271 = arith.addi %mul3A_352, %add3A_2270 : i32
        %get3A_2272 = arith.constant 0 : i32
        %get3A_2273 = arith.index_cast %get3A_2272 : i32 to index
        %get3A_2274 = arith.index_cast %add3A_2271 : i32 to index
        %get3A_2275 = arith.constant 48 : index
        %get3A_2276 = tpu.vector_load %arg8[%get3A_2273, %get3A_2274, %get3A_2275] {strides = array<i32>} : memref<2x640x64xf32, #tpu.memory_space<vmem>>, vector<1x1x16xf32>,
        %get3A_2277 = vector.shape_cast %get3A_2276 : vector<1x1x16xf32> to vector<16xf32>
        %add3A_2278 = arith.constant 20 : i32
        %add3A_2279 = arith.addi %mul3A_352, %add3A_2278 : i32
        %add3A_2280 = arith.constant 18 : i32
        %add3A_2281 = arith.addi %add3A_2279, %add3A_2280 : i32
        %get3A_2282 = arith.constant 0 : i32
        %get3A_2283 = arith.index_cast %get3A_2282 : i32 to index
        %get3A_2284 = arith.index_cast %add3A_2281 : i32 to index
        %get3A_2285 = arith.constant 48 : index
        %get3A_2286 = tpu.vector_load %arg8[%get3A_2283, %get3A_2284, %get3A_2285] {strides = array<i32>} : memref<2x640x64xf32, #tpu.memory_space<vmem>>, vector<1x1x16xf32>,
        %get3A_2287 = vector.shape_cast %get3A_2286 : vector<1x1x16xf32> to vector<16xf32>
        %max3A_2288 = arith.maximumf %max3A_2184, %get3A_2277 : vector<16xf32>
        %add3A_2289 = arith.addf %add3A_2185, %get3A_2277 : vector<16xf32>
        %max3A_2290 = arith.maximumf %max3A_2186, %get3A_2287 : vector<16xf32>
        %add3A_2291 = arith.addf %add3A_2187, %get3A_2287 : vector<16xf32>
        %mul3A_2292 = arith.mulf %get3A_2277, %get3A_2277 : vector<16xf32>
        %add3A_2293 = arith.addf %add3A_2191, %mul3A_2292 : vector<16xf32>
        %mul3A_2294 = arith.mulf %get3A_2287, %get3A_2287 : vector<16xf32>
        %add3A_2295 = arith.addf %add3A_2293, %mul3A_2294 : vector<16xf32>
        %add3A_2296 = arith.constant 19 : i32
        %add3A_2297 = arith.addi %mul3A_352, %add3A_2296 : i32
        %get3A_2298 = arith.constant 0 : i32
        %get3A_2299 = arith.index_cast %get3A_2298 : i32 to index
        %get3A_2300 = arith.index_cast %add3A_2297 : i32 to index
        %get3A_2301 = arith.constant 0 : index
        %get3A_2302 = tpu.vector_load %arg8[%get3A_2299, %get3A_2300, %get3A_2301] {strides = array<i32>} : memref<2x640x64xf32, #tpu.memory_space<vmem>>, vector<1x1x16xf32>,
        %get3A_2303 = vector.shape_cast %get3A_2302 : vector<1x1x16xf32> to vector<16xf32>
        %add3A_2304 = arith.constant 20 : i32
        %add3A_2305 = arith.addi %mul3A_352, %add3A_2304 : i32
        %add3A_2306 = arith.constant 19 : i32
        %add3A_2307 = arith.addi %add3A_2305, %add3A_2306 : i32
        %get3A_2308 = arith.constant 0 : i32
        %get3A_2309 = arith.index_cast %get3A_2308 : i32 to index
        %get3A_2310 = arith.index_cast %add3A_2307 : i32 to index
        %get3A_2311 = arith.constant 0 : index
        %get3A_2312 = tpu.vector_load %arg8[%get3A_2309, %get3A_2310, %get3A_2311] {strides = array<i32>} : memref<2x640x64xf32, #tpu.memory_space<vmem>>, vector<1x1x16xf32>,
        %get3A_2313 = vector.shape_cast %get3A_2312 : vector<1x1x16xf32> to vector<16xf32>
        %max3A_2314 = arith.maximumf %max3A_2210, %get3A_2303 : vector<16xf32>
        %add3A_2315 = arith.addf %add3A_2211, %get3A_2303 : vector<16xf32>
        %max3A_2316 = arith.maximumf %max3A_2212, %get3A_2313 : vector<16xf32>
        %add3A_2317 = arith.addf %add3A_2213, %get3A_2313 : vector<16xf32>
        %mul3A_2318 = arith.mulf %get3A_2303, %get3A_2303 : vector<16xf32>
        %add3A_2319 = arith.addf %add3A_2217, %mul3A_2318 : vector<16xf32>
        %mul3A_2320 = arith.mulf %get3A_2313, %get3A_2313 : vector<16xf32>
        %add3A_2321 = arith.addf %add3A_2319, %mul3A_2320 : vector<16xf32>
        %add3A_2322 = arith.constant 19 : i32
        %add3A_2323 = arith.addi %mul3A_352, %add3A_2322 : i32
        %get3A_2324 = arith.constant 0 : i32
        %get3A_2325 = arith.index_cast %get3A_2324 : i32 to index
        %get3A_2326 = arith.index_cast %add3A_2323 : i32 to index
        %get3A_2327 = arith.constant 16 : index
        %get3A_2328 = tpu.vector_load %arg8[%get3A_2325, %get3A_2326, %get3A_2327] {strides = array<i32>} : memref<2x640x64xf32, #tpu.memory_space<vmem>>, vector<1x1x16xf32>,
        %get3A_2329 = vector.shape_cast %get3A_2328 : vector<1x1x16xf32> to vector<16xf32>
        %add3A_2330 = arith.constant 20 : i32
        %add3A_2331 = arith.addi %mul3A_352, %add3A_2330 : i32
        %add3A_2332 = arith.constant 19 : i32
        %add3A_2333 = arith.addi %add3A_2331, %add3A_2332 : i32
        %get3A_2334 = arith.constant 0 : i32
        %get3A_2335 = arith.index_cast %get3A_2334 : i32 to index
        %get3A_2336 = arith.index_cast %add3A_2333 : i32 to index
        %get3A_2337 = arith.constant 16 : index
        %get3A_2338 = tpu.vector_load %arg8[%get3A_2335, %get3A_2336, %get3A_2337] {strides = array<i32>} : memref<2x640x64xf32, #tpu.memory_space<vmem>>, vector<1x1x16xf32>,
        %get3A_2339 = vector.shape_cast %get3A_2338 : vector<1x1x16xf32> to vector<16xf32>
        %max3A_2340 = arith.maximumf %max3A_2236, %get3A_2329 : vector<16xf32>
        %add3A_2341 = arith.addf %add3A_2237, %get3A_2329 : vector<16xf32>
        %max3A_2342 = arith.maximumf %max3A_2238, %get3A_2339 : vector<16xf32>
        %add3A_2343 = arith.addf %add3A_2239, %get3A_2339 : vector<16xf32>
        %mul3A_2344 = arith.mulf %get3A_2329, %get3A_2329 : vector<16xf32>
        %add3A_2345 = arith.addf %add3A_2243, %mul3A_2344 : vector<16xf32>
        %mul3A_2346 = arith.mulf %get3A_2339, %get3A_2339 : vector<16xf32>
        %add3A_2347 = arith.addf %add3A_2345, %mul3A_2346 : vector<16xf32>
        %add3A_2348 = arith.constant 19 : i32
        %add3A_2349 = arith.addi %mul3A_352, %add3A_2348 : i32
        %get3A_2350 = arith.constant 0 : i32
        %get3A_2351 = arith.index_cast %get3A_2350 : i32 to index
        %get3A_2352 = arith.index_cast %add3A_2349 : i32 to index
        %get3A_2353 = arith.constant 32 : index
        %get3A_2354 = tpu.vector_load %arg8[%get3A_2351, %get3A_2352, %get3A_2353] {strides = array<i32>} : memref<2x640x64xf32, #tpu.memory_space<vmem>>, vector<1x1x16xf32>,
        %get3A_2355 = vector.shape_cast %get3A_2354 : vector<1x1x16xf32> to vector<16xf32>
        %add3A_2356 = arith.constant 20 : i32
        %add3A_2357 = arith.addi %mul3A_352, %add3A_2356 : i32
        %add3A_2358 = arith.constant 19 : i32
        %add3A_2359 = arith.addi %add3A_2357, %add3A_2358 : i32
        %get3A_2360 = arith.constant 0 : i32
        %get3A_2361 = arith.index_cast %get3A_2360 : i32 to index
        %get3A_2362 = arith.index_cast %add3A_2359 : i32 to index
        %get3A_2363 = arith.constant 32 : index
        %get3A_2364 = tpu.vector_load %arg8[%get3A_2361, %get3A_2362, %get3A_2363] {strides = array<i32>} : memref<2x640x64xf32, #tpu.memory_space<vmem>>, vector<1x1x16xf32>,
        %get3A_2365 = vector.shape_cast %get3A_2364 : vector<1x1x16xf32> to vector<16xf32>
        %max3A_2366 = arith.maximumf %max3A_2262, %get3A_2355 : vector<16xf32>
        %add3A_2367 = arith.addf %add3A_2263, %get3A_2355 : vector<16xf32>
        %max3A_2368 = arith.maximumf %max3A_2264, %get3A_2365 : vector<16xf32>
        %add3A_2369 = arith.addf %add3A_2265, %get3A_2365 : vector<16xf32>
        %mul3A_2370 = arith.mulf %get3A_2355, %get3A_2355 : vector<16xf32>
        %add3A_2371 = arith.addf %add3A_2269, %mul3A_2370 : vector<16xf32>
        %mul3A_2372 = arith.mulf %get3A_2365, %get3A_2365 : vector<16xf32>
        %add3A_2373 = arith.addf %add3A_2371, %mul3A_2372 : vector<16xf32>
        %add3A_2374 = arith.constant 19 : i32
        %add3A_2375 = arith.addi %mul3A_352, %add3A_2374 : i32
        %get3A_2376 = arith.constant 0 : i32
        %get3A_2377 = arith.index_cast %get3A_2376 : i32 to index
        %get3A_2378 = arith.index_cast %add3A_2375 : i32 to index
        %get3A_2379 = arith.constant 48 : index
        %get3A_2380 = tpu.vector_load %arg8[%get3A_2377, %get3A_2378, %get3A_2379] {strides = array<i32>} : memref<2x640x64xf32, #tpu.memory_space<vmem>>, vector<1x1x16xf32>,
        %get3A_2381 = vector.shape_cast %get3A_2380 : vector<1x1x16xf32> to vector<16xf32>
        %add3A_2382 = arith.constant 20 : i32
        %add3A_2383 = arith.addi %mul3A_352, %add3A_2382 : i32
        %add3A_2384 = arith.constant 19 : i32
        %add3A_2385 = arith.addi %add3A_2383, %add3A_2384 : i32
        %get3A_2386 = arith.constant 0 : i32
        %get3A_2387 = arith.index_cast %get3A_2386 : i32 to index
        %get3A_2388 = arith.index_cast %add3A_2385 : i32 to index
        %get3A_2389 = arith.constant 48 : index
        %get3A_2390 = tpu.vector_load %arg8[%get3A_2387, %get3A_2388, %get3A_2389] {strides = array<i32>} : memref<2x640x64xf32, #tpu.memory_space<vmem>>, vector<1x1x16xf32>,
        %get3A_2391 = vector.shape_cast %get3A_2390 : vector<1x1x16xf32> to vector<16xf32>
        %max3A_2392 = arith.maximumf %max3A_2288, %get3A_2381 : vector<16xf32>
        %add3A_2393 = arith.addf %add3A_2289, %get3A_2381 : vector<16xf32>
        %max3A_2394 = arith.maximumf %max3A_2290, %get3A_2391 : vector<16xf32>
        %add3A_2395 = arith.addf %add3A_2291, %get3A_2391 : vector<16xf32>
        %mul3A_2396 = arith.mulf %get3A_2381, %get3A_2381 : vector<16xf32>
        %add3A_2397 = arith.addf %add3A_2295, %mul3A_2396 : vector<16xf32>
        %mul3A_2398 = arith.mulf %get3A_2391, %get3A_2391 : vector<16xf32>
        %add3A_2399 = arith.addf %add3A_2397, %mul3A_2398 : vector<16xf32>
        %swap3A_2400 = arith.index_cast %scan3A_346 : i32 to index
        %swap3A_2401 = arith.constant 0 : index
        %swap3A_2402 = tpu.vector_load %arg9[%swap3A_2400, %swap3A_2401] {strides = array<i32>} : memref<16x128xf32, #tpu.memory_space<vmem>>, vector<1x16xf32>,
        %swap3A_2403 = vector.shape_cast %swap3A_2402 : vector<1x16xf32> to vector<16xf32>
        %swap3A_2404 = vector.shape_cast %max3A_2314 : vector<16xf32> to vector<1x16xf32>
        tpu.vector_store %arg9[%swap3A_2400, %swap3A_2401], %swap3A_2404 {strides = array<i32>} : memref<16x128xf32, #tpu.memory_space<vmem>>, vector<1x16xf32>,
        %swap3A_2405 = arith.index_cast %scan3A_346 : i32 to index
        %swap3A_2406 = arith.constant 64 : index
        %swap3A_2407 = tpu.vector_load %arg9[%swap3A_2405, %swap3A_2406] {strides = array<i32>} : memref<16x128xf32, #tpu.memory_space<vmem>>, vector<1x16xf32>,
        %swap3A_2408 = vector.shape_cast %swap3A_2407 : vector<1x16xf32> to vector<16xf32>
        %swap3A_2409 = vector.shape_cast %max3A_2316 : vector<16xf32> to vector<1x16xf32>
        tpu.vector_store %arg9[%swap3A_2405, %swap3A_2406], %swap3A_2409 {strides = array<i32>} : memref<16x128xf32, #tpu.memory_space<vmem>>, vector<1x16xf32>,
        %swap3A_2410 = arith.index_cast %scan3A_346 : i32 to index
        %swap3A_2411 = arith.constant 0 : index
        %swap3A_2412 = tpu.vector_load %arg10[%swap3A_2410, %swap3A_2411] {strides = array<i32>} : memref<16x128xf32, #tpu.memory_space<vmem>>, vector<1x16xf32>,
        %swap3A_2413 = vector.shape_cast %swap3A_2412 : vector<1x16xf32> to vector<16xf32>
        %swap3A_2414 = vector.shape_cast %add3A_2315 : vector<16xf32> to vector<1x16xf32>
        tpu.vector_store %arg10[%swap3A_2410, %swap3A_2411], %swap3A_2414 {strides = array<i32>} : memref<16x128xf32, #tpu.memory_space<vmem>>, vector<1x16xf32>,
        %swap3A_2415 = arith.index_cast %scan3A_346 : i32 to index
        %swap3A_2416 = arith.constant 64 : index
        %swap3A_2417 = tpu.vector_load %arg10[%swap3A_2415, %swap3A_2416] {strides = array<i32>} : memref<16x128xf32, #tpu.memory_space<vmem>>, vector<1x16xf32>,
        %swap3A_2418 = vector.shape_cast %swap3A_2417 : vector<1x16xf32> to vector<16xf32>
        %swap3A_2419 = vector.shape_cast %add3A_2317 : vector<16xf32> to vector<1x16xf32>
        tpu.vector_store %arg10[%swap3A_2415, %swap3A_2416], %swap3A_2419 {strides = array<i32>} : memref<16x128xf32, #tpu.memory_space<vmem>>, vector<1x16xf32>,
        %swap3A_2420 = arith.index_cast %scan3A_346 : i32 to index
        %swap3A_2421 = arith.constant 16 : index
        %swap3A_2422 = tpu.vector_load %arg9[%swap3A_2420, %swap3A_2421] {strides = array<i32>} : memref<16x128xf32, #tpu.memory_space<vmem>>, vector<1x16xf32>,
        %swap3A_2423 = vector.shape_cast %swap3A_2422 : vector<1x16xf32> to vector<16xf32>
        %swap3A_2424 = vector.shape_cast %max3A_2340 : vector<16xf32> to vector<1x16xf32>
        tpu.vector_store %arg9[%swap3A_2420, %swap3A_2421], %swap3A_2424 {strides = array<i32>} : memref<16x128xf32, #tpu.memory_space<vmem>>, vector<1x16xf32>,
        %swap3A_2425 = arith.index_cast %scan3A_346 : i32 to index
        %swap3A_2426 = arith.constant 80 : index
        %swap3A_2427 = tpu.vector_load %arg9[%swap3A_2425, %swap3A_2426] {strides = array<i32>} : memref<16x128xf32, #tpu.memory_space<vmem>>, vector<1x16xf32>,
        %swap3A_2428 = vector.shape_cast %swap3A_2427 : vector<1x16xf32> to vector<16xf32>
        %swap3A_2429 = vector.shape_cast %max3A_2342 : vector<16xf32> to vector<1x16xf32>
        tpu.vector_store %arg9[%swap3A_2425, %swap3A_2426], %swap3A_2429 {strides = array<i32>} : memref<16x128xf32, #tpu.memory_space<vmem>>, vector<1x16xf32>,
        %swap3A_2430 = arith.index_cast %scan3A_346 : i32 to index
        %swap3A_2431 = arith.constant 16 : index
        %swap3A_2432 = tpu.vector_load %arg10[%swap3A_2430, %swap3A_2431] {strides = array<i32>} : memref<16x128xf32, #tpu.memory_space<vmem>>, vector<1x16xf32>,
        %swap3A_2433 = vector.shape_cast %swap3A_2432 : vector<1x16xf32> to vector<16xf32>
        %swap3A_2434 = vector.shape_cast %add3A_2341 : vector<16xf32> to vector<1x16xf32>
        tpu.vector_store %arg10[%swap3A_2430, %swap3A_2431], %swap3A_2434 {strides = array<i32>} : memref<16x128xf32, #tpu.memory_space<vmem>>, vector<1x16xf32>,
        %swap3A_2435 = arith.index_cast %scan3A_346 : i32 to index
        %swap3A_2436 = arith.constant 80 : index
        %swap3A_2437 = tpu.vector_load %arg10[%swap3A_2435, %swap3A_2436] {strides = array<i32>} : memref<16x128xf32, #tpu.memory_space<vmem>>, vector<1x16xf32>,
        %swap3A_2438 = vector.shape_cast %swap3A_2437 : vector<1x16xf32> to vector<16xf32>
        %swap3A_2439 = vector.shape_cast %add3A_2343 : vector<16xf32> to vector<1x16xf32>
        tpu.vector_store %arg10[%swap3A_2435, %swap3A_2436], %swap3A_2439 {strides = array<i32>} : memref<16x128xf32, #tpu.memory_space<vmem>>, vector<1x16xf32>,
        %swap3A_2440 = arith.index_cast %scan3A_346 : i32 to index
        %swap3A_2441 = arith.constant 32 : index
        %swap3A_2442 = tpu.vector_load %arg9[%swap3A_2440, %swap3A_2441] {strides = array<i32>} : memref<16x128xf32, #tpu.memory_space<vmem>>, vector<1x16xf32>,
        %swap3A_2443 = vector.shape_cast %swap3A_2442 : vector<1x16xf32> to vector<16xf32>
        %swap3A_2444 = vector.shape_cast %max3A_2366 : vector<16xf32> to vector<1x16xf32>
        tpu.vector_store %arg9[%swap3A_2440, %swap3A_2441], %swap3A_2444 {strides = array<i32>} : memref<16x128xf32, #tpu.memory_space<vmem>>, vector<1x16xf32>,
        %swap3A_2445 = arith.index_cast %scan3A_346 : i32 to index
        %swap3A_2446 = arith.constant 96 : index
        %swap3A_2447 = tpu.vector_load %arg9[%swap3A_2445, %swap3A_2446] {strides = array<i32>} : memref<16x128xf32, #tpu.memory_space<vmem>>, vector<1x16xf32>,
        %swap3A_2448 = vector.shape_cast %swap3A_2447 : vector<1x16xf32> to vector<16xf32>
        %swap3A_2449 = vector.shape_cast %max3A_2368 : vector<16xf32> to vector<1x16xf32>
        tpu.vector_store %arg9[%swap3A_2445, %swap3A_2446], %swap3A_2449 {strides = array<i32>} : memref<16x128xf32, #tpu.memory_space<vmem>>, vector<1x16xf32>,
        %swap3A_2450 = arith.index_cast %scan3A_346 : i32 to index
        %swap3A_2451 = arith.constant 32 : index
        %swap3A_2452 = tpu.vector_load %arg10[%swap3A_2450, %swap3A_2451] {strides = array<i32>} : memref<16x128xf32, #tpu.memory_space<vmem>>, vector<1x16xf32>,
        %swap3A_2453 = vector.shape_cast %swap3A_2452 : vector<1x16xf32> to vector<16xf32>
        %swap3A_2454 = vector.shape_cast %add3A_2367 : vector<16xf32> to vector<1x16xf32>
        tpu.vector_store %arg10[%swap3A_2450, %swap3A_2451], %swap3A_2454 {strides = array<i32>} : memref<16x128xf32, #tpu.memory_space<vmem>>, vector<1x16xf32>,
        %swap3A_2455 = arith.index_cast %scan3A_346 : i32 to index
        %swap3A_2456 = arith.constant 96 : index
        %swap3A_2457 = tpu.vector_load %arg10[%swap3A_2455, %swap3A_2456] {strides = array<i32>} : memref<16x128xf32, #tpu.memory_space<vmem>>, vector<1x16xf32>,
        %swap3A_2458 = vector.shape_cast %swap3A_2457 : vector<1x16xf32> to vector<16xf32>
        %swap3A_2459 = vector.shape_cast %add3A_2369 : vector<16xf32> to vector<1x16xf32>
        tpu.vector_store %arg10[%swap3A_2455, %swap3A_2456], %swap3A_2459 {strides = array<i32>} : memref<16x128xf32, #tpu.memory_space<vmem>>, vector<1x16xf32>,
        %swap3A_2460 = arith.index_cast %scan3A_346 : i32 to index
        %swap3A_2461 = arith.constant 48 : index
        %swap3A_2462 = tpu.vector_load %arg9[%swap3A_2460, %swap3A_2461] {strides = array<i32>} : memref<16x128xf32, #tpu.memory_space<vmem>>, vector<1x16xf32>,
        %swap3A_2463 = vector.shape_cast %swap3A_2462 : vector<1x16xf32> to vector<16xf32>
        %swap3A_2464 = vector.shape_cast %max3A_2392 : vector<16xf32> to vector<1x16xf32>
        tpu.vector_store %arg9[%swap3A_2460, %swap3A_2461], %swap3A_2464 {strides = array<i32>} : memref<16x128xf32, #tpu.memory_space<vmem>>, vector<1x16xf32>,
        %swap3A_2465 = arith.index_cast %scan3A_346 : i32 to index
        %swap3A_2466 = arith.constant 112 : index
        %swap3A_2467 = tpu.vector_load %arg9[%swap3A_2465, %swap3A_2466] {strides = array<i32>} : memref<16x128xf32, #tpu.memory_space<vmem>>, vector<1x16xf32>,
        %swap3A_2468 = vector.shape_cast %swap3A_2467 : vector<1x16xf32> to vector<16xf32>
        %swap3A_2469 = vector.shape_cast %max3A_2394 : vector<16xf32> to vector<1x16xf32>
        tpu.vector_store %arg9[%swap3A_2465, %swap3A_2466], %swap3A_2469 {strides = array<i32>} : memref<16x128xf32, #tpu.memory_space<vmem>>, vector<1x16xf32>,
        %swap3A_2470 = arith.index_cast %scan3A_346 : i32 to index
        %swap3A_2471 = arith.constant 48 : index
        %swap3A_2472 = tpu.vector_load %arg10[%swap3A_2470, %swap3A_2471] {strides = array<i32>} : memref<16x128xf32, #tpu.memory_space<vmem>>, vector<1x16xf32>,
        %swap3A_2473 = vector.shape_cast %swap3A_2472 : vector<1x16xf32> to vector<16xf32>
        %swap3A_2474 = vector.shape_cast %add3A_2393 : vector<16xf32> to vector<1x16xf32>
        tpu.vector_store %arg10[%swap3A_2470, %swap3A_2471], %swap3A_2474 {strides = array<i32>} : memref<16x128xf32, #tpu.memory_space<vmem>>, vector<1x16xf32>,
        %swap3A_2475 = arith.index_cast %scan3A_346 : i32 to index
        %swap3A_2476 = arith.constant 112 : index
        %swap3A_2477 = tpu.vector_load %arg10[%swap3A_2475, %swap3A_2476] {strides = array<i32>} : memref<16x128xf32, #tpu.memory_space<vmem>>, vector<1x16xf32>,
        %swap3A_2478 = vector.shape_cast %swap3A_2477 : vector<1x16xf32> to vector<16xf32>
        %swap3A_2479 = vector.shape_cast %add3A_2395 : vector<16xf32> to vector<1x16xf32>
        tpu.vector_store %arg10[%swap3A_2475, %swap3A_2476], %swap3A_2479 {strides = array<i32>} : memref<16x128xf32, #tpu.memory_space<vmem>>, vector<1x16xf32>,
        scf.yield %add3A_2321, %add3A_2347, %add3A_2373, %add3A_2399 : vector<16xf32>, vector<16xf32>, vector<16xf32>, vector<16xf32>
      }
      %scan3A_210 = arith.constant 16 : i32
      %get3A = arith.constant 0 : i32
      %get3A_211 = arith.index_cast %get3A : i32 to index
      %get3A_212 = arith.constant 0 : index
      %get3A_213 = tpu.vector_load %arg11[%get3A_211, %get3A_212] {strides = array<i32>} : memref<1x64xf32, #tpu.memory_space<vmem>>, vector<1x16xf32>,
      %get3A_214 = vector.shape_cast %get3A_213 : vector<1x16xf32> to vector<16xf32>
      %add3A_215 = arith.addf %get3A_214, %scan3A_209#0 : vector<16xf32>
      %swap3A_216 = arith.constant 0 : i32
      %swap3A_217 = arith.index_cast %swap3A_216 : i32 to index
      %swap3A_218 = arith.constant 0 : index
      %swap3A_219 = tpu.vector_load %arg11[%swap3A_217, %swap3A_218] {strides = array<i32>} : memref<1x64xf32, #tpu.memory_space<vmem>>, vector<1x16xf32>,
      %swap3A_220 = vector.shape_cast %swap3A_219 : vector<1x16xf32> to vector<16xf32>
      %swap3A_221 = vector.shape_cast %add3A_215 : vector<16xf32> to vector<1x16xf32>
      tpu.vector_store %arg11[%swap3A_217, %swap3A_218], %swap3A_221 {strides = array<i32>} : memref<1x64xf32, #tpu.memory_space<vmem>>, vector<1x16xf32>,
      %get3A_222 = arith.constant 0 : i32
      %get3A_223 = arith.index_cast %get3A_222 : i32 to index
      %get3A_224 = arith.constant 16 : index
      %get3A_225 = tpu.vector_load %arg11[%get3A_223, %get3A_224] {strides = array<i32>} : memref<1x64xf32, #tpu.memory_space<vmem>>, vector<1x16xf32>,
      %get3A_226 = vector.shape_cast %get3A_225 : vector<1x16xf32> to vector<16xf32>
      %add3A_227 = arith.addf %get3A_226, %scan3A_209#1 : vector<16xf32>
      %swap3A_228 = arith.constant 0 : i32
      %swap3A_229 = arith.index_cast %swap3A_228 : i32 to index
      %swap3A_230 = arith.constant 16 : index
      %swap3A_231 = tpu.vector_load %arg11[%swap3A_229, %swap3A_230] {strides = array<i32>} : memref<1x64xf32, #tpu.memory_space<vmem>>, vector<1x16xf32>,
      %swap3A_232 = vector.shape_cast %swap3A_231 : vector<1x16xf32> to vector<16xf32>
      %swap3A_233 = vector.shape_cast %add3A_227 : vector<16xf32> to vector<1x16xf32>
      tpu.vector_store %arg11[%swap3A_229, %swap3A_230], %swap3A_233 {strides = array<i32>} : memref<1x64xf32, #tpu.memory_space<vmem>>, vector<1x16xf32>,
      %get3A_234 = arith.constant 0 : i32
      %get3A_235 = arith.index_cast %get3A_234 : i32 to index
      %get3A_236 = arith.constant 32 : index
      %get3A_237 = tpu.vector_load %arg11[%get3A_235, %get3A_236] {strides = array<i32>} : memref<1x64xf32, #tpu.memory_space<vmem>>, vector<1x16xf32>,
      %get3A_238 = vector.shape_cast %get3A_237 : vector<1x16xf32> to vector<16xf32>
      %add3A_239 = arith.addf %get3A_238, %scan3A_209#2 : vector<16xf32>
      %swap3A_240 = arith.constant 0 : i32
      %swap3A_241 = arith.index_cast %swap3A_240 : i32 to index
      %swap3A_242 = arith.constant 32 : index
      %swap3A_243 = tpu.vector_load %arg11[%swap3A_241, %swap3A_242] {strides = array<i32>} : memref<1x64xf32, #tpu.memory_space<vmem>>, vector<1x16xf32>,
      %swap3A_244 = vector.shape_cast %swap3A_243 : vector<1x16xf32> to vector<16xf32>
      %swap3A_245 = vector.shape_cast %add3A_239 : vector<16xf32> to vector<1x16xf32>
      tpu.vector_store %arg11[%swap3A_241, %swap3A_242], %swap3A_245 {strides = array<i32>} : memref<1x64xf32, #tpu.memory_space<vmem>>, vector<1x16xf32>,
      %get3A_246 = arith.constant 0 : i32
      %get3A_247 = arith.index_cast %get3A_246 : i32 to index
      %get3A_248 = arith.constant 48 : index
      %get3A_249 = tpu.vector_load %arg11[%get3A_247, %get3A_248] {strides = array<i32>} : memref<1x64xf32, #tpu.memory_space<vmem>>, vector<1x16xf32>,
      %get3A_250 = vector.shape_cast %get3A_249 : vector<1x16xf32> to vector<16xf32>
      %add3A_251 = arith.addf %get3A_250, %scan3A_209#3 : vector<16xf32>
      %swap3A_252 = arith.constant 0 : i32
      %swap3A_253 = arith.index_cast %swap3A_252 : i32 to index
      %swap3A_254 = arith.constant 48 : index
      %swap3A_255 = tpu.vector_load %arg11[%swap3A_253, %swap3A_254] {strides = array<i32>} : memref<1x64xf32, #tpu.memory_space<vmem>>, vector<1x16xf32>,
      %swap3A_256 = vector.shape_cast %swap3A_255 : vector<1x16xf32> to vector<16xf32>
      %swap3A_257 = vector.shape_cast %add3A_251 : vector<16xf32> to vector<1x16xf32>
      tpu.vector_store %arg11[%swap3A_253, %swap3A_254], %swap3A_257 {strides = array<i32>} : memref<1x64xf32, #tpu.memory_space<vmem>>, vector<1x16xf32>,
      "tpu.region"() ({
        %run_scoped3A_346 = tpu.sem_alloc : memref<!tpu.dma_semaphore, #tpu.memory_space<semaphore_mem>>
        %dma_start3A_347 = arith.constant 0 : i32
        %dma_start3A_348 = tpu.memref_slice %arg4[%add3A_196, %dma_start3A_347] : memref<8192x128xf32, #tpu.memory_space<hbm>> -> memref<16x128xf32, #tpu.memory_space<hbm>>
        %dma_start3A_349 = arith.constant 0 : i32
        %dma_start3A_350 = tpu.memref_slice %arg4[%add3A_196, %dma_start3A_349] : memref<8192x128xf32, #tpu.memory_space<hbm>> -> memref<16x128xf32, #tpu.memory_space<hbm>>
        tpu.enqueue_dma source(%arg9 : memref<16x128xf32, #tpu.memory_space<vmem>>) target(%dma_start3A_350 : memref<16x128xf32, #tpu.memory_space<hbm>>) target_semaphore(%run_scoped3A_346 : memref<!tpu.dma_semaphore, #tpu.memory_space<semaphore_mem>>)
        %dma_wait3A_351 = arith.constant 0 : i32
        %dma_wait3A_352 = tpu.memref_slice %arg4[%add3A_196, %dma_wait3A_351] : memref<8192x128xf32, #tpu.memory_space<hbm>> -> memref<16x128xf32, #tpu.memory_space<hbm>>
        %dma_wait3A_353 = arith.constant 0 : i32
        %dma_wait3A_354 = tpu.memref_slice %arg4[%add3A_196, %dma_wait3A_353] : memref<8192x128xf32, #tpu.memory_space<hbm>> -> memref<16x128xf32, #tpu.memory_space<hbm>>
        tpu.wait_dma2 semaphore(%run_scoped3A_346 : memref<!tpu.dma_semaphore, #tpu.memory_space<semaphore_mem>>) src(%arg9 : memref<16x128xf32, #tpu.memory_space<vmem>>) dst(%dma_wait3A_354 : memref<16x128xf32, #tpu.memory_space<hbm>>)
        tpu.yield
      }) : () -> ()
      "tpu.region"() ({
        %run_scoped3A_346 = tpu.sem_alloc : memref<!tpu.dma_semaphore, #tpu.memory_space<semaphore_mem>>
        %dma_start3A_347 = arith.constant 0 : i32
        %dma_start3A_348 = tpu.memref_slice %arg5[%add3A_196, %dma_start3A_347] : memref<8192x128xf32, #tpu.memory_space<hbm>> -> memref<16x128xf32, #tpu.memory_space<hbm>>
        %dma_start3A_349 = arith.constant 0 : i32
        %dma_start3A_350 = tpu.memref_slice %arg5[%add3A_196, %dma_start3A_349] : memref<8192x128xf32, #tpu.memory_space<hbm>> -> memref<16x128xf32, #tpu.memory_space<hbm>>
        tpu.enqueue_dma source(%arg10 : memref<16x128xf32, #tpu.memory_space<vmem>>) target(%dma_start3A_350 : memref<16x128xf32, #tpu.memory_space<hbm>>) target_semaphore(%run_scoped3A_346 : memref<!tpu.dma_semaphore, #tpu.memory_space<semaphore_mem>>)
        %dma_wait3A_351 = arith.constant 0 : i32
        %dma_wait3A_352 = tpu.memref_slice %arg5[%add3A_196, %dma_wait3A_351] : memref<8192x128xf32, #tpu.memory_space<hbm>> -> memref<16x128xf32, #tpu.memory_space<hbm>>
        %dma_wait3A_353 = arith.constant 0 : i32
        %dma_wait3A_354 = tpu.memref_slice %arg5[%add3A_196, %dma_wait3A_353] : memref<8192x128xf32, #tpu.memory_space<hbm>> -> memref<16x128xf32, #tpu.memory_space<hbm>>
        tpu.wait_dma2 semaphore(%run_scoped3A_346 : memref<!tpu.dma_semaphore, #tpu.memory_space<semaphore_mem>>) src(%arg10 : memref<16x128xf32, #tpu.memory_space<vmem>>) dst(%dma_wait3A_354 : memref<16x128xf32, #tpu.memory_space<hbm>>)
        tpu.yield
      }) : () -> ()
      %dma_wait3A_258 = arith.constant 1 : i32
      %dma_wait3A_259 = arith.constant 0 : i32
      %dma_wait3A_260 = arith.constant 0 : i32
      %dma_wait3A_261 = tpu.memref_slice %arg8[%dma_wait3A_258, %dma_wait3A_259, %dma_wait3A_260] : memref<2x640x64xf32, #tpu.memory_space<vmem>> -> memref<1x640x64xf32, #tpu.memory_space<vmem>>
      %dma_wait3A_262 = tpu.memref_squeeze %dma_wait3A_261 : memref<1x640x64xf32, #tpu.memory_space<vmem>> -> memref<640x64xf32, #tpu.memory_space<vmem>>
      %dma_wait3A_263 = arith.constant 0 : i32
      %dma_wait3A_264 = arith.constant 0 : i32
      %dma_wait3A_265 = tpu.memref_slice %arg2[%dma_wait3A_263, %dma_wait3A_264] : memref<16384x64xf32, #tpu.memory_space<hbm>> -> memref<640x64xf32, #tpu.memory_space<hbm>>
      %dma_wait3A_266 = arith.constant 0 : i32
      %dma_wait3A_267 = arith.constant 0 : i32
      %dma_wait3A_268 = tpu.memref_slice %arg8[%dma_wait3A_258, %dma_wait3A_266, %dma_wait3A_267] : memref<2x640x64xf32, #tpu.memory_space<vmem>> -> memref<1x640x64xf32, #tpu.memory_space<vmem>>
      %dma_wait3A_269 = tpu.memref_squeeze %dma_wait3A_268 : memref<1x640x64xf32, #tpu.memory_space<vmem>> -> memref<640x64xf32, #tpu.memory_space<vmem>>
      %dma_wait3A_270 = arith.constant 0 : i32
      %dma_wait3A_271 = arith.constant 0 : i32
      %dma_wait3A_272 = tpu.memref_slice %arg2[%dma_wait3A_270, %dma_wait3A_271] : memref<16384x64xf32, #tpu.memory_space<hbm>> -> memref<640x64xf32, #tpu.memory_space<hbm>>
      tpu.wait_dma2 semaphore(%arg13 : memref<!tpu.dma_semaphore, #tpu.memory_space<semaphore_mem>>) src(%dma_wait3A_272 : memref<640x64xf32, #tpu.memory_space<hbm>>) dst(%dma_wait3A_269 : memref<640x64xf32, #tpu.memory_space<vmem>>)
      %add3A_273 = arith.constant 2 : i32
      %add3A_274 = arith.addi %mul3A_106, %add3A_273 : i32
      %lt3A = arith.constant 16 : i32
      %lt3A_275 = arith.cmpi slt, %add3A_274, %lt3A : i32
      %convert_element_type3A = arith.extui %lt3A_275 : i1 to i32
      %cond3A = arith.constant 0 : i32
      %cond3A_276 = arith.cmpi ne, %convert_element_type3A, %cond3A : i32
      scf.if %cond3A_276 {
        %add3A_346 = arith.constant 2 : i32
        %add3A_347 = arith.addi %mul3A_106, %add3A_346 : i32
        %mul3A_348 = arith.constant 16 : i32
        %mul3A_349 = arith.muli %add3A, %mul3A_348 : i32
        %add3A_350 = arith.addi %mul3A_349, %add3A_347 : i32
        %run_scoped3A_351 = arith.constant 0 : i32
        "tpu.region"() ({
          %run_scoped3A_417 = tpu.sem_alloc : memref<!tpu.dma_semaphore, #tpu.memory_space<semaphore_mem>>
          %dma_start3A_418 = arith.constant 0 : i32
          %dma_start3A_419 = arith.constant 0 : i32
          %dma_start3A_420 = tpu.memref_slice %arg7[%run_scoped3A_351, %dma_start3A_418, %dma_start3A_419] : memref<2x5x128xi32, #tpu.memory_space<vmem>> -> memref<1x5x128xi32, #tpu.memory_space<vmem>>
          %dma_start3A_421 = tpu.memref_squeeze %dma_start3A_420 : memref<1x5x128xi32, #tpu.memory_space<vmem>> -> memref<5x128xi32, #tpu.memory_space<vmem>>
          %dma_start3A_422 = arith.constant 0 : i32
          %dma_start3A_423 = arith.constant 0 : i32
          %dma_start3A_424 = tpu.memref_slice %arg3[%add3A_350, %dma_start3A_422, %dma_start3A_423] : memref<512x5x128xi32, #tpu.memory_space<hbm>> -> memref<1x5x128xi32, #tpu.memory_space<hbm>>
          %dma_start3A_425 = tpu.memref_squeeze %dma_start3A_424 : memref<1x5x128xi32, #tpu.memory_space<hbm>> -> memref<5x128xi32, #tpu.memory_space<hbm>>
          %dma_start3A_426 = arith.constant 0 : i32
          %dma_start3A_427 = arith.constant 0 : i32
          %dma_start3A_428 = tpu.memref_slice %arg7[%run_scoped3A_351, %dma_start3A_426, %dma_start3A_427] : memref<2x5x128xi32, #tpu.memory_space<vmem>> -> memref<1x5x128xi32, #tpu.memory_space<vmem>>
          %dma_start3A_429 = tpu.memref_squeeze %dma_start3A_428 : memref<1x5x128xi32, #tpu.memory_space<vmem>> -> memref<5x128xi32, #tpu.memory_space<vmem>>
          %dma_start3A_430 = arith.constant 0 : i32
          %dma_start3A_431 = arith.constant 0 : i32
          %dma_start3A_432 = tpu.memref_slice %arg3[%add3A_350, %dma_start3A_430, %dma_start3A_431] : memref<512x5x128xi32, #tpu.memory_space<hbm>> -> memref<1x5x128xi32, #tpu.memory_space<hbm>>
          %dma_start3A_433 = tpu.memref_squeeze %dma_start3A_432 : memref<1x5x128xi32, #tpu.memory_space<hbm>> -> memref<5x128xi32, #tpu.memory_space<hbm>>
          tpu.enqueue_dma source(%dma_start3A_433 : memref<5x128xi32, #tpu.memory_space<hbm>>) target(%dma_start3A_429 : memref<5x128xi32, #tpu.memory_space<vmem>>) target_semaphore(%run_scoped3A_417 : memref<!tpu.dma_semaphore, #tpu.memory_space<semaphore_mem>>)
          %dma_wait3A_434 = arith.constant 0 : i32
          %dma_wait3A_435 = arith.constant 0 : i32
          %dma_wait3A_436 = tpu.memref_slice %arg7[%run_scoped3A_351, %dma_wait3A_434, %dma_wait3A_435] : memref<2x5x128xi32, #tpu.memory_space<vmem>> -> memref<1x5x128xi32, #tpu.memory_space<vmem>>
          %dma_wait3A_437 = tpu.memref_squeeze %dma_wait3A_436 : memref<1x5x128xi32, #tpu.memory_space<vmem>> -> memref<5x128xi32, #tpu.memory_space<vmem>>
          %dma_wait3A_438 = arith.constant 0 : i32
          %dma_wait3A_439 = arith.constant 0 : i32
          %dma_wait3A_440 = tpu.memref_slice %arg3[%add3A_350, %dma_wait3A_438, %dma_wait3A_439] : memref<512x5x128xi32, #tpu.memory_space<hbm>> -> memref<1x5x128xi32, #tpu.memory_space<hbm>>
          %dma_wait3A_441 = tpu.memref_squeeze %dma_wait3A_440 : memref<1x5x128xi32, #tpu.memory_space<hbm>> -> memref<5x128xi32, #tpu.memory_space<hbm>>
          %dma_wait3A_442 = arith.constant 0 : i32
          %dma_wait3A_443 = arith.constant 0 : i32
          %dma_wait3A_444 = tpu.memref_slice %arg7[%run_scoped3A_351, %dma_wait3A_442, %dma_wait3A_443] : memref<2x5x128xi32, #tpu.memory_space<vmem>> -> memref<1x5x128xi32, #tpu.memory_space<vmem>>
          %dma_wait3A_445 = tpu.memref_squeeze %dma_wait3A_444 : memref<1x5x128xi32, #tpu.memory_space<vmem>> -> memref<5x128xi32, #tpu.memory_space<vmem>>
          %dma_wait3A_446 = arith.constant 0 : i32
          %dma_wait3A_447 = arith.constant 0 : i32
          %dma_wait3A_448 = tpu.memref_slice %arg3[%add3A_350, %dma_wait3A_446, %dma_wait3A_447] : memref<512x5x128xi32, #tpu.memory_space<hbm>> -> memref<1x5x128xi32, #tpu.memory_space<hbm>>
          %dma_wait3A_449 = tpu.memref_squeeze %dma_wait3A_448 : memref<1x5x128xi32, #tpu.memory_space<hbm>> -> memref<5x128xi32, #tpu.memory_space<hbm>>
          tpu.wait_dma2 semaphore(%run_scoped3A_417 : memref<!tpu.dma_semaphore, #tpu.memory_space<semaphore_mem>>) src(%dma_wait3A_449 : memref<5x128xi32, #tpu.memory_space<hbm>>) dst(%dma_wait3A_445 : memref<5x128xi32, #tpu.memory_space<vmem>>)
          tpu.yield
        }) : () -> ()
        %dma_start3A_352 = arith.constant 0 : i32
        %dma_start3A_353 = arith.constant 0 : i32
        %dma_start3A_354 = arith.constant 0 : i32
        %dma_start3A_355 = arith.constant 0 : i32
        %dma_start3A_356 = arith.constant 0 : i32
        %dma_start3A_357 = tpu.memref_slice %arg8[%dma_start3A_354, %dma_start3A_355, %dma_start3A_356] : memref<2x640x64xf32, #tpu.memory_space<vmem>> -> memref<1x128x64xf32, #tpu.memory_space<vmem>>
        %dma_start3A_358 = tpu.memref_squeeze %dma_start3A_357 : memref<1x128x64xf32, #tpu.memory_space<vmem>> -> memref<128x64xf32, #tpu.memory_space<vmem>>
        %dma_start3A_359 = arith.constant 0 : i32
        %dma_start3A_360 = tpu.memref_slice %arg7[%dma_start3A_352, %dma_start3A_353, %dma_start3A_359] : memref<2x5x128xi32, #tpu.memory_space<vmem>> -> memref<1x1x128xi32, #tpu.memory_space<vmem>>
        %dma_start3A_361 = tpu.memref_squeeze %dma_start3A_360 : memref<1x1x128xi32, #tpu.memory_space<vmem>> -> memref<128xi32, #tpu.memory_space<vmem>>
        %dma_start3A_362 = arith.constant 0 : i32
        %dma_start3A_363 = arith.constant 0 : i32
        %dma_start3A_364 = tpu.memref_slice %arg2[%dma_start3A_362, %dma_start3A_363] : memref<16384x64xf32, #tpu.memory_space<hbm>> -> memref<16384x64xf32, #tpu.memory_space<hbm>>
        tpu.enqueue_indirect_dma source(%dma_start3A_364 : memref<16384x64xf32, #tpu.memory_space<hbm>>) target(%dma_start3A_358 : memref<128x64xf32, #tpu.memory_space<vmem>>) offsets(%dma_start3A_361 : memref<128xi32, #tpu.memory_space<vmem>>) semaphore(%arg12 : memref<!tpu.dma_semaphore, #tpu.memory_space<semaphore_mem>>)
        %dma_start3A_365 = arith.constant 0 : i32
        %dma_start3A_366 = arith.constant 1 : i32
        %dma_start3A_367 = arith.constant 0 : i32
        %dma_start3A_368 = arith.constant 128 : i32
        %dma_start3A_369 = arith.constant 0 : i32
        %dma_start3A_370 = tpu.memref_slice %arg8[%dma_start3A_367, %dma_start3A_368, %dma_start3A_369] : memref<2x640x64xf32, #tpu.memory_space<vmem>> -> memref<1x128x64xf32, #tpu.memory_space<vmem>>
        %dma_start3A_371 = tpu.memref_squeeze %dma_start3A_370 : memref<1x128x64xf32, #tpu.memory_space<vmem>> -> memref<128x64xf32, #tpu.memory_space<vmem>>
        %dma_start3A_372 = arith.constant 0 : i32
        %dma_start3A_373 = tpu.memref_slice %arg7[%dma_start3A_365, %dma_start3A_366, %dma_start3A_372] : memref<2x5x128xi32, #tpu.memory_space<vmem>> -> memref<1x1x128xi32, #tpu.memory_space<vmem>>
        %dma_start3A_374 = tpu.memref_squeeze %dma_start3A_373 : memref<1x1x128xi32, #tpu.memory_space<vmem>> -> memref<128xi32, #tpu.memory_space<vmem>>
        %dma_start3A_375 = arith.constant 0 : i32
        %dma_start3A_376 = arith.constant 0 : i32
        %dma_start3A_377 = tpu.memref_slice %arg2[%dma_start3A_375, %dma_start3A_376] : memref<16384x64xf32, #tpu.memory_space<hbm>> -> memref<16384x64xf32, #tpu.memory_space<hbm>>
        tpu.enqueue_indirect_dma source(%dma_start3A_377 : memref<16384x64xf32, #tpu.memory_space<hbm>>) target(%dma_start3A_371 : memref<128x64xf32, #tpu.memory_space<vmem>>) offsets(%dma_start3A_374 : memref<128xi32, #tpu.memory_space<vmem>>) semaphore(%arg12 : memref<!tpu.dma_semaphore, #tpu.memory_space<semaphore_mem>>)
        %dma_start3A_378 = arith.constant 0 : i32
        %dma_start3A_379 = arith.constant 2 : i32
        %dma_start3A_380 = arith.constant 0 : i32
        %dma_start3A_381 = arith.constant 256 : i32
        %dma_start3A_382 = arith.constant 0 : i32
        %dma_start3A_383 = tpu.memref_slice %arg8[%dma_start3A_380, %dma_start3A_381, %dma_start3A_382] : memref<2x640x64xf32, #tpu.memory_space<vmem>> -> memref<1x128x64xf32, #tpu.memory_space<vmem>>
        %dma_start3A_384 = tpu.memref_squeeze %dma_start3A_383 : memref<1x128x64xf32, #tpu.memory_space<vmem>> -> memref<128x64xf32, #tpu.memory_space<vmem>>
        %dma_start3A_385 = arith.constant 0 : i32
        %dma_start3A_386 = tpu.memref_slice %arg7[%dma_start3A_378, %dma_start3A_379, %dma_start3A_385] : memref<2x5x128xi32, #tpu.memory_space<vmem>> -> memref<1x1x128xi32, #tpu.memory_space<vmem>>
        %dma_start3A_387 = tpu.memref_squeeze %dma_start3A_386 : memref<1x1x128xi32, #tpu.memory_space<vmem>> -> memref<128xi32, #tpu.memory_space<vmem>>
        %dma_start3A_388 = arith.constant 0 : i32
        %dma_start3A_389 = arith.constant 0 : i32
        %dma_start3A_390 = tpu.memref_slice %arg2[%dma_start3A_388, %dma_start3A_389] : memref<16384x64xf32, #tpu.memory_space<hbm>> -> memref<16384x64xf32, #tpu.memory_space<hbm>>
        tpu.enqueue_indirect_dma source(%dma_start3A_390 : memref<16384x64xf32, #tpu.memory_space<hbm>>) target(%dma_start3A_384 : memref<128x64xf32, #tpu.memory_space<vmem>>) offsets(%dma_start3A_387 : memref<128xi32, #tpu.memory_space<vmem>>) semaphore(%arg12 : memref<!tpu.dma_semaphore, #tpu.memory_space<semaphore_mem>>)
        %dma_start3A_391 = arith.constant 0 : i32
        %dma_start3A_392 = arith.constant 3 : i32
        %dma_start3A_393 = arith.constant 0 : i32
        %dma_start3A_394 = arith.constant 384 : i32
        %dma_start3A_395 = arith.constant 0 : i32
        %dma_start3A_396 = tpu.memref_slice %arg8[%dma_start3A_393, %dma_start3A_394, %dma_start3A_395] : memref<2x640x64xf32, #tpu.memory_space<vmem>> -> memref<1x128x64xf32, #tpu.memory_space<vmem>>
        %dma_start3A_397 = tpu.memref_squeeze %dma_start3A_396 : memref<1x128x64xf32, #tpu.memory_space<vmem>> -> memref<128x64xf32, #tpu.memory_space<vmem>>
        %dma_start3A_398 = arith.constant 0 : i32
        %dma_start3A_399 = tpu.memref_slice %arg7[%dma_start3A_391, %dma_start3A_392, %dma_start3A_398] : memref<2x5x128xi32, #tpu.memory_space<vmem>> -> memref<1x1x128xi32, #tpu.memory_space<vmem>>
        %dma_start3A_400 = tpu.memref_squeeze %dma_start3A_399 : memref<1x1x128xi32, #tpu.memory_space<vmem>> -> memref<128xi32, #tpu.memory_space<vmem>>
        %dma_start3A_401 = arith.constant 0 : i32
        %dma_start3A_402 = arith.constant 0 : i32
        %dma_start3A_403 = tpu.memref_slice %arg2[%dma_start3A_401, %dma_start3A_402] : memref<16384x64xf32, #tpu.memory_space<hbm>> -> memref<16384x64xf32, #tpu.memory_space<hbm>>
        tpu.enqueue_indirect_dma source(%dma_start3A_403 : memref<16384x64xf32, #tpu.memory_space<hbm>>) target(%dma_start3A_397 : memref<128x64xf32, #tpu.memory_space<vmem>>) offsets(%dma_start3A_400 : memref<128xi32, #tpu.memory_space<vmem>>) semaphore(%arg12 : memref<!tpu.dma_semaphore, #tpu.memory_space<semaphore_mem>>)
        %dma_start3A_404 = arith.constant 0 : i32
        %dma_start3A_405 = arith.constant 4 : i32
        %dma_start3A_406 = arith.constant 0 : i32
        %dma_start3A_407 = arith.constant 512 : i32
        %dma_start3A_408 = arith.constant 0 : i32
        %dma_start3A_409 = tpu.memref_slice %arg8[%dma_start3A_406, %dma_start3A_407, %dma_start3A_408] : memref<2x640x64xf32, #tpu.memory_space<vmem>> -> memref<1x128x64xf32, #tpu.memory_space<vmem>>
        %dma_start3A_410 = tpu.memref_squeeze %dma_start3A_409 : memref<1x128x64xf32, #tpu.memory_space<vmem>> -> memref<128x64xf32, #tpu.memory_space<vmem>>
        %dma_start3A_411 = arith.constant 0 : i32
        %dma_start3A_412 = tpu.memref_slice %arg7[%dma_start3A_404, %dma_start3A_405, %dma_start3A_411] : memref<2x5x128xi32, #tpu.memory_space<vmem>> -> memref<1x1x128xi32, #tpu.memory_space<vmem>>
        %dma_start3A_413 = tpu.memref_squeeze %dma_start3A_412 : memref<1x1x128xi32, #tpu.memory_space<vmem>> -> memref<128xi32, #tpu.memory_space<vmem>>
        %dma_start3A_414 = arith.constant 0 : i32
        %dma_start3A_415 = arith.constant 0 : i32
        %dma_start3A_416 = tpu.memref_slice %arg2[%dma_start3A_414, %dma_start3A_415] : memref<16384x64xf32, #tpu.memory_space<hbm>> -> memref<16384x64xf32, #tpu.memory_space<hbm>>
        tpu.enqueue_indirect_dma source(%dma_start3A_416 : memref<16384x64xf32, #tpu.memory_space<hbm>>) target(%dma_start3A_410 : memref<128x64xf32, #tpu.memory_space<vmem>>) offsets(%dma_start3A_413 : memref<128xi32, #tpu.memory_space<vmem>>) semaphore(%arg12 : memref<!tpu.dma_semaphore, #tpu.memory_space<semaphore_mem>>)
      } else {
      }
      %add3A_277 = arith.constant 1 : i32
      %add3A_278 = arith.addi %mul3A_106, %add3A_277 : i32
      %mul3A_279 = arith.constant 256 : i32
      %mul3A_280 = arith.muli %add3A, %mul3A_279 : i32
      %mul3A_281 = arith.constant 16 : i32
      %mul3A_282 = arith.muli %add3A_278, %mul3A_281 : i32
      %add3A_283 = arith.addi %mul3A_280, %mul3A_282 : i32
      %broadcast_in_dim3A_284 = arith.constant 0.000000e+00 : f32
      %broadcast_in_dim3A_285 = vector.broadcast %broadcast_in_dim3A_284 : f32 to vector<16xf32>
      %broadcast_in_dim3A_286 = arith.constant 0.000000e+00 : f32
      %broadcast_in_dim3A_287 = vector.broadcast %broadcast_in_dim3A_286 : f32 to vector<16xf32>
      %broadcast_in_dim3A_288 = arith.constant 0.000000e+00 : f32
      %broadcast_in_dim3A_289 = vector.broadcast %broadcast_in_dim3A_288 : f32 to vector<16xf32>
      %broadcast_in_dim3A_290 = arith.constant 0.000000e+00 : f32
      %broadcast_in_dim3A_291 = vector.broadcast %broadcast_in_dim3A_290 : f32 to vector<16xf32>
      %scan3A_292 = arith.constant 0 : i32
      %scan3A_293 = arith.constant 16 : i32
      %scan3A_294 = arith.addi %scan3A_292, %scan3A_293 : i32
      %scan3A_295 = arith.constant 1 : i32
      %scan3A_296:4 = scf.for %scan3A_346 = %scan3A_292 to %scan3A_294 step %scan3A_295 iter_args(%scan3A_347 = %broadcast_in_dim3A_285, %scan3A_348 = %broadcast_in_dim3A_287, %scan3A_349 = %broadcast_in_dim3A_289, %scan3A_350 = %broadcast_in_dim3A_291) -> (vector<16xf32>, vector<16xf32>, vector<16xf32>, vector<16xf32>)  : i32 {
        %mul3A_351 = arith.constant 40 : i32
        %mul3A_352 = arith.muli %scan3A_346, %mul3A_351 : i32
        %get3A_353 = arith.constant 1 : i32
        %get3A_354 = arith.index_cast %get3A_353 : i32 to index
        %get3A_355 = arith.index_cast %mul3A_352 : i32 to index
        %get3A_356 = arith.constant 0 : index
        %get3A_357 = tpu.vector_load %arg8[%get3A_354, %get3A_355, %get3A_356] {strides = array<i32>} : memref<2x640x64xf32, #tpu.memory_space<vmem>>, vector<1x1x16xf32>,
        %get3A_358 = vector.shape_cast %get3A_357 : vector<1x1x16xf32> to vector<16xf32>
        %add3A_359 = arith.constant 20 : i32
        %add3A_360 = arith.addi %mul3A_352, %add3A_359 : i32
        %get3A_361 = arith.constant 1 : i32
        %get3A_362 = arith.index_cast %get3A_361 : i32 to index
        %get3A_363 = arith.index_cast %add3A_360 : i32 to index
        %get3A_364 = arith.constant 0 : index
        %get3A_365 = tpu.vector_load %arg8[%get3A_362, %get3A_363, %get3A_364] {strides = array<i32>} : memref<2x640x64xf32, #tpu.memory_space<vmem>>, vector<1x1x16xf32>,
        %get3A_366 = vector.shape_cast %get3A_365 : vector<1x1x16xf32> to vector<16xf32>
        %mul3A_367 = arith.mulf %get3A_358, %get3A_358 : vector<16xf32>
        %add3A_368 = arith.addf %scan3A_347, %mul3A_367 : vector<16xf32>
        %mul3A_369 = arith.mulf %get3A_366, %get3A_366 : vector<16xf32>
        %add3A_370 = arith.addf %add3A_368, %mul3A_369 : vector<16xf32>
        %get3A_371 = arith.constant 1 : i32
        %get3A_372 = arith.index_cast %get3A_371 : i32 to index
        %get3A_373 = arith.index_cast %mul3A_352 : i32 to index
        %get3A_374 = arith.constant 16 : index
        %get3A_375 = tpu.vector_load %arg8[%get3A_372, %get3A_373, %get3A_374] {strides = array<i32>} : memref<2x640x64xf32, #tpu.memory_space<vmem>>, vector<1x1x16xf32>,
        %get3A_376 = vector.shape_cast %get3A_375 : vector<1x1x16xf32> to vector<16xf32>
        %add3A_377 = arith.constant 20 : i32
        %add3A_378 = arith.addi %mul3A_352, %add3A_377 : i32
        %get3A_379 = arith.constant 1 : i32
        %get3A_380 = arith.index_cast %get3A_379 : i32 to index
        %get3A_381 = arith.index_cast %add3A_378 : i32 to index
        %get3A_382 = arith.constant 16 : index
        %get3A_383 = tpu.vector_load %arg8[%get3A_380, %get3A_381, %get3A_382] {strides = array<i32>} : memref<2x640x64xf32, #tpu.memory_space<vmem>>, vector<1x1x16xf32>,
        %get3A_384 = vector.shape_cast %get3A_383 : vector<1x1x16xf32> to vector<16xf32>
        %mul3A_385 = arith.mulf %get3A_376, %get3A_376 : vector<16xf32>
        %add3A_386 = arith.addf %scan3A_348, %mul3A_385 : vector<16xf32>
        %mul3A_387 = arith.mulf %get3A_384, %get3A_384 : vector<16xf32>
        %add3A_388 = arith.addf %add3A_386, %mul3A_387 : vector<16xf32>
        %get3A_389 = arith.constant 1 : i32
        %get3A_390 = arith.index_cast %get3A_389 : i32 to index
        %get3A_391 = arith.index_cast %mul3A_352 : i32 to index
        %get3A_392 = arith.constant 32 : index
        %get3A_393 = tpu.vector_load %arg8[%get3A_390, %get3A_391, %get3A_392] {strides = array<i32>} : memref<2x640x64xf32, #tpu.memory_space<vmem>>, vector<1x1x16xf32>,
        %get3A_394 = vector.shape_cast %get3A_393 : vector<1x1x16xf32> to vector<16xf32>
        %add3A_395 = arith.constant 20 : i32
        %add3A_396 = arith.addi %mul3A_352, %add3A_395 : i32
        %get3A_397 = arith.constant 1 : i32
        %get3A_398 = arith.index_cast %get3A_397 : i32 to index
        %get3A_399 = arith.index_cast %add3A_396 : i32 to index
        %get3A_400 = arith.constant 32 : index
        %get3A_401 = tpu.vector_load %arg8[%get3A_398, %get3A_399, %get3A_400] {strides = array<i32>} : memref<2x640x64xf32, #tpu.memory_space<vmem>>, vector<1x1x16xf32>,
        %get3A_402 = vector.shape_cast %get3A_401 : vector<1x1x16xf32> to vector<16xf32>
        %mul3A_403 = arith.mulf %get3A_394, %get3A_394 : vector<16xf32>
        %add3A_404 = arith.addf %scan3A_349, %mul3A_403 : vector<16xf32>
        %mul3A_405 = arith.mulf %get3A_402, %get3A_402 : vector<16xf32>
        %add3A_406 = arith.addf %add3A_404, %mul3A_405 : vector<16xf32>
        %get3A_407 = arith.constant 1 : i32
        %get3A_408 = arith.index_cast %get3A_407 : i32 to index
        %get3A_409 = arith.index_cast %mul3A_352 : i32 to index
        %get3A_410 = arith.constant 48 : index
        %get3A_411 = tpu.vector_load %arg8[%get3A_408, %get3A_409, %get3A_410] {strides = array<i32>} : memref<2x640x64xf32, #tpu.memory_space<vmem>>, vector<1x1x16xf32>,
        %get3A_412 = vector.shape_cast %get3A_411 : vector<1x1x16xf32> to vector<16xf32>
        %add3A_413 = arith.constant 20 : i32
        %add3A_414 = arith.addi %mul3A_352, %add3A_413 : i32
        %get3A_415 = arith.constant 1 : i32
        %get3A_416 = arith.index_cast %get3A_415 : i32 to index
        %get3A_417 = arith.index_cast %add3A_414 : i32 to index
        %get3A_418 = arith.constant 48 : index
        %get3A_419 = tpu.vector_load %arg8[%get3A_416, %get3A_417, %get3A_418] {strides = array<i32>} : memref<2x640x64xf32, #tpu.memory_space<vmem>>, vector<1x1x16xf32>,
        %get3A_420 = vector.shape_cast %get3A_419 : vector<1x1x16xf32> to vector<16xf32>
        %mul3A_421 = arith.mulf %get3A_412, %get3A_412 : vector<16xf32>
        %add3A_422 = arith.addf %scan3A_350, %mul3A_421 : vector<16xf32>
        %mul3A_423 = arith.mulf %get3A_420, %get3A_420 : vector<16xf32>
        %add3A_424 = arith.addf %add3A_422, %mul3A_423 : vector<16xf32>
        %add3A_425 = arith.constant 1 : i32
        %add3A_426 = arith.addi %mul3A_352, %add3A_425 : i32
        %get3A_427 = arith.constant 1 : i32
        %get3A_428 = arith.index_cast %get3A_427 : i32 to index
        %get3A_429 = arith.index_cast %add3A_426 : i32 to index
        %get3A_430 = arith.constant 0 : index
        %get3A_431 = tpu.vector_load %arg8[%get3A_428, %get3A_429, %get3A_430] {strides = array<i32>} : memref<2x640x64xf32, #tpu.memory_space<vmem>>, vector<1x1x16xf32>,
        %get3A_432 = vector.shape_cast %get3A_431 : vector<1x1x16xf32> to vector<16xf32>
        %add3A_433 = arith.constant 20 : i32
        %add3A_434 = arith.addi %mul3A_352, %add3A_433 : i32
        %add3A_435 = arith.constant 1 : i32
        %add3A_436 = arith.addi %add3A_434, %add3A_435 : i32
        %get3A_437 = arith.constant 1 : i32
        %get3A_438 = arith.index_cast %get3A_437 : i32 to index
        %get3A_439 = arith.index_cast %add3A_436 : i32 to index
        %get3A_440 = arith.constant 0 : index
        %get3A_441 = tpu.vector_load %arg8[%get3A_438, %get3A_439, %get3A_440] {strides = array<i32>} : memref<2x640x64xf32, #tpu.memory_space<vmem>>, vector<1x1x16xf32>,
        %get3A_442 = vector.shape_cast %get3A_441 : vector<1x1x16xf32> to vector<16xf32>
        %max3A = arith.maximumf %get3A_358, %get3A_432 : vector<16xf32>
        %add3A_443 = arith.addf %get3A_358, %get3A_432 : vector<16xf32>
        %max3A_444 = arith.maximumf %get3A_366, %get3A_442 : vector<16xf32>
        %add3A_445 = arith.addf %get3A_366, %get3A_442 : vector<16xf32>
        %mul3A_446 = arith.mulf %get3A_432, %get3A_432 : vector<16xf32>
        %add3A_447 = arith.addf %add3A_370, %mul3A_446 : vector<16xf32>
        %mul3A_448 = arith.mulf %get3A_442, %get3A_442 : vector<16xf32>
        %add3A_449 = arith.addf %add3A_447, %mul3A_448 : vector<16xf32>
        %add3A_450 = arith.constant 1 : i32
        %add3A_451 = arith.addi %mul3A_352, %add3A_450 : i32
        %get3A_452 = arith.constant 1 : i32
        %get3A_453 = arith.index_cast %get3A_452 : i32 to index
        %get3A_454 = arith.index_cast %add3A_451 : i32 to index
        %get3A_455 = arith.constant 16 : index
        %get3A_456 = tpu.vector_load %arg8[%get3A_453, %get3A_454, %get3A_455] {strides = array<i32>} : memref<2x640x64xf32, #tpu.memory_space<vmem>>, vector<1x1x16xf32>,
        %get3A_457 = vector.shape_cast %get3A_456 : vector<1x1x16xf32> to vector<16xf32>
        %add3A_458 = arith.constant 20 : i32
        %add3A_459 = arith.addi %mul3A_352, %add3A_458 : i32
        %add3A_460 = arith.constant 1 : i32
        %add3A_461 = arith.addi %add3A_459, %add3A_460 : i32
        %get3A_462 = arith.constant 1 : i32
        %get3A_463 = arith.index_cast %get3A_462 : i32 to index
        %get3A_464 = arith.index_cast %add3A_461 : i32 to index
        %get3A_465 = arith.constant 16 : index
        %get3A_466 = tpu.vector_load %arg8[%get3A_463, %get3A_464, %get3A_465] {strides = array<i32>} : memref<2x640x64xf32, #tpu.memory_space<vmem>>, vector<1x1x16xf32>,
        %get3A_467 = vector.shape_cast %get3A_466 : vector<1x1x16xf32> to vector<16xf32>
        %max3A_468 = arith.maximumf %get3A_376, %get3A_457 : vector<16xf32>
        %add3A_469 = arith.addf %get3A_376, %get3A_457 : vector<16xf32>
        %max3A_470 = arith.maximumf %get3A_384, %get3A_467 : vector<16xf32>
        %add3A_471 = arith.addf %get3A_384, %get3A_467 : vector<16xf32>
        %mul3A_472 = arith.mulf %get3A_457, %get3A_457 : vector<16xf32>
        %add3A_473 = arith.addf %add3A_388, %mul3A_472 : vector<16xf32>
        %mul3A_474 = arith.mulf %get3A_467, %get3A_467 : vector<16xf32>
        %add3A_475 = arith.addf %add3A_473, %mul3A_474 : vector<16xf32>
        %add3A_476 = arith.constant 1 : i32
        %add3A_477 = arith.addi %mul3A_352, %add3A_476 : i32
        %get3A_478 = arith.constant 1 : i32
        %get3A_479 = arith.index_cast %get3A_478 : i32 to index
        %get3A_480 = arith.index_cast %add3A_477 : i32 to index
        %get3A_481 = arith.constant 32 : index
        %get3A_482 = tpu.vector_load %arg8[%get3A_479, %get3A_480, %get3A_481] {strides = array<i32>} : memref<2x640x64xf32, #tpu.memory_space<vmem>>, vector<1x1x16xf32>,
        %get3A_483 = vector.shape_cast %get3A_482 : vector<1x1x16xf32> to vector<16xf32>
        %add3A_484 = arith.constant 20 : i32
        %add3A_485 = arith.addi %mul3A_352, %add3A_484 : i32
        %add3A_486 = arith.constant 1 : i32
        %add3A_487 = arith.addi %add3A_485, %add3A_486 : i32
        %get3A_488 = arith.constant 1 : i32
        %get3A_489 = arith.index_cast %get3A_488 : i32 to index
        %get3A_490 = arith.index_cast %add3A_487 : i32 to index
        %get3A_491 = arith.constant 32 : index
        %get3A_492 = tpu.vector_load %arg8[%get3A_489, %get3A_490, %get3A_491] {strides = array<i32>} : memref<2x640x64xf32, #tpu.memory_space<vmem>>, vector<1x1x16xf32>,
        %get3A_493 = vector.shape_cast %get3A_492 : vector<1x1x16xf32> to vector<16xf32>
        %max3A_494 = arith.maximumf %get3A_394, %get3A_483 : vector<16xf32>
        %add3A_495 = arith.addf %get3A_394, %get3A_483 : vector<16xf32>
        %max3A_496 = arith.maximumf %get3A_402, %get3A_493 : vector<16xf32>
        %add3A_497 = arith.addf %get3A_402, %get3A_493 : vector<16xf32>
        %mul3A_498 = arith.mulf %get3A_483, %get3A_483 : vector<16xf32>
        %add3A_499 = arith.addf %add3A_406, %mul3A_498 : vector<16xf32>
        %mul3A_500 = arith.mulf %get3A_493, %get3A_493 : vector<16xf32>
        %add3A_501 = arith.addf %add3A_499, %mul3A_500 : vector<16xf32>
        %add3A_502 = arith.constant 1 : i32
        %add3A_503 = arith.addi %mul3A_352, %add3A_502 : i32
        %get3A_504 = arith.constant 1 : i32
        %get3A_505 = arith.index_cast %get3A_504 : i32 to index
        %get3A_506 = arith.index_cast %add3A_503 : i32 to index
        %get3A_507 = arith.constant 48 : index
        %get3A_508 = tpu.vector_load %arg8[%get3A_505, %get3A_506, %get3A_507] {strides = array<i32>} : memref<2x640x64xf32, #tpu.memory_space<vmem>>, vector<1x1x16xf32>,
        %get3A_509 = vector.shape_cast %get3A_508 : vector<1x1x16xf32> to vector<16xf32>
        %add3A_510 = arith.constant 20 : i32
        %add3A_511 = arith.addi %mul3A_352, %add3A_510 : i32
        %add3A_512 = arith.constant 1 : i32
        %add3A_513 = arith.addi %add3A_511, %add3A_512 : i32
        %get3A_514 = arith.constant 1 : i32
        %get3A_515 = arith.index_cast %get3A_514 : i32 to index
        %get3A_516 = arith.index_cast %add3A_513 : i32 to index
        %get3A_517 = arith.constant 48 : index
        %get3A_518 = tpu.vector_load %arg8[%get3A_515, %get3A_516, %get3A_517] {strides = array<i32>} : memref<2x640x64xf32, #tpu.memory_space<vmem>>, vector<1x1x16xf32>,
        %get3A_519 = vector.shape_cast %get3A_518 : vector<1x1x16xf32> to vector<16xf32>
        %max3A_520 = arith.maximumf %get3A_412, %get3A_509 : vector<16xf32>
        %add3A_521 = arith.addf %get3A_412, %get3A_509 : vector<16xf32>
        %max3A_522 = arith.maximumf %get3A_420, %get3A_519 : vector<16xf32>
        %add3A_523 = arith.addf %get3A_420, %get3A_519 : vector<16xf32>
        %mul3A_524 = arith.mulf %get3A_509, %get3A_509 : vector<16xf32>
        %add3A_525 = arith.addf %add3A_424, %mul3A_524 : vector<16xf32>
        %mul3A_526 = arith.mulf %get3A_519, %get3A_519 : vector<16xf32>
        %add3A_527 = arith.addf %add3A_525, %mul3A_526 : vector<16xf32>
        %add3A_528 = arith.constant 2 : i32
        %add3A_529 = arith.addi %mul3A_352, %add3A_528 : i32
        %get3A_530 = arith.constant 1 : i32
        %get3A_531 = arith.index_cast %get3A_530 : i32 to index
        %get3A_532 = arith.index_cast %add3A_529 : i32 to index
        %get3A_533 = arith.constant 0 : index
        %get3A_534 = tpu.vector_load %arg8[%get3A_531, %get3A_532, %get3A_533] {strides = array<i32>} : memref<2x640x64xf32, #tpu.memory_space<vmem>>, vector<1x1x16xf32>,
        %get3A_535 = vector.shape_cast %get3A_534 : vector<1x1x16xf32> to vector<16xf32>
        %add3A_536 = arith.constant 20 : i32
        %add3A_537 = arith.addi %mul3A_352, %add3A_536 : i32
        %add3A_538 = arith.constant 2 : i32
        %add3A_539 = arith.addi %add3A_537, %add3A_538 : i32
        %get3A_540 = arith.constant 1 : i32
        %get3A_541 = arith.index_cast %get3A_540 : i32 to index
        %get3A_542 = arith.index_cast %add3A_539 : i32 to index
        %get3A_543 = arith.constant 0 : index
        %get3A_544 = tpu.vector_load %arg8[%get3A_541, %get3A_542, %get3A_543] {strides = array<i32>} : memref<2x640x64xf32, #tpu.memory_space<vmem>>, vector<1x1x16xf32>,
        %get3A_545 = vector.shape_cast %get3A_544 : vector<1x1x16xf32> to vector<16xf32>
        %max3A_546 = arith.maximumf %max3A, %get3A_535 : vector<16xf32>
        %add3A_547 = arith.addf %add3A_443, %get3A_535 : vector<16xf32>
        %max3A_548 = arith.maximumf %max3A_444, %get3A_545 : vector<16xf32>
        %add3A_549 = arith.addf %add3A_445, %get3A_545 : vector<16xf32>
        %mul3A_550 = arith.mulf %get3A_535, %get3A_535 : vector<16xf32>
        %add3A_551 = arith.addf %add3A_449, %mul3A_550 : vector<16xf32>
        %mul3A_552 = arith.mulf %get3A_545, %get3A_545 : vector<16xf32>
        %add3A_553 = arith.addf %add3A_551, %mul3A_552 : vector<16xf32>
        %add3A_554 = arith.constant 2 : i32
        %add3A_555 = arith.addi %mul3A_352, %add3A_554 : i32
        %get3A_556 = arith.constant 1 : i32
        %get3A_557 = arith.index_cast %get3A_556 : i32 to index
        %get3A_558 = arith.index_cast %add3A_555 : i32 to index
        %get3A_559 = arith.constant 16 : index
        %get3A_560 = tpu.vector_load %arg8[%get3A_557, %get3A_558, %get3A_559] {strides = array<i32>} : memref<2x640x64xf32, #tpu.memory_space<vmem>>, vector<1x1x16xf32>,
        %get3A_561 = vector.shape_cast %get3A_560 : vector<1x1x16xf32> to vector<16xf32>
        %add3A_562 = arith.constant 20 : i32
        %add3A_563 = arith.addi %mul3A_352, %add3A_562 : i32
        %add3A_564 = arith.constant 2 : i32
        %add3A_565 = arith.addi %add3A_563, %add3A_564 : i32
        %get3A_566 = arith.constant 1 : i32
        %get3A_567 = arith.index_cast %get3A_566 : i32 to index
        %get3A_568 = arith.index_cast %add3A_565 : i32 to index
        %get3A_569 = arith.constant 16 : index
        %get3A_570 = tpu.vector_load %arg8[%get3A_567, %get3A_568, %get3A_569] {strides = array<i32>} : memref<2x640x64xf32, #tpu.memory_space<vmem>>, vector<1x1x16xf32>,
        %get3A_571 = vector.shape_cast %get3A_570 : vector<1x1x16xf32> to vector<16xf32>
        %max3A_572 = arith.maximumf %max3A_468, %get3A_561 : vector<16xf32>
        %add3A_573 = arith.addf %add3A_469, %get3A_561 : vector<16xf32>
        %max3A_574 = arith.maximumf %max3A_470, %get3A_571 : vector<16xf32>
        %add3A_575 = arith.addf %add3A_471, %get3A_571 : vector<16xf32>
        %mul3A_576 = arith.mulf %get3A_561, %get3A_561 : vector<16xf32>
        %add3A_577 = arith.addf %add3A_475, %mul3A_576 : vector<16xf32>
        %mul3A_578 = arith.mulf %get3A_571, %get3A_571 : vector<16xf32>
        %add3A_579 = arith.addf %add3A_577, %mul3A_578 : vector<16xf32>
        %add3A_580 = arith.constant 2 : i32
        %add3A_581 = arith.addi %mul3A_352, %add3A_580 : i32
        %get3A_582 = arith.constant 1 : i32
        %get3A_583 = arith.index_cast %get3A_582 : i32 to index
        %get3A_584 = arith.index_cast %add3A_581 : i32 to index
        %get3A_585 = arith.constant 32 : index
        %get3A_586 = tpu.vector_load %arg8[%get3A_583, %get3A_584, %get3A_585] {strides = array<i32>} : memref<2x640x64xf32, #tpu.memory_space<vmem>>, vector<1x1x16xf32>,
        %get3A_587 = vector.shape_cast %get3A_586 : vector<1x1x16xf32> to vector<16xf32>
        %add3A_588 = arith.constant 20 : i32
        %add3A_589 = arith.addi %mul3A_352, %add3A_588 : i32
        %add3A_590 = arith.constant 2 : i32
        %add3A_591 = arith.addi %add3A_589, %add3A_590 : i32
        %get3A_592 = arith.constant 1 : i32
        %get3A_593 = arith.index_cast %get3A_592 : i32 to index
        %get3A_594 = arith.index_cast %add3A_591 : i32 to index
        %get3A_595 = arith.constant 32 : index
        %get3A_596 = tpu.vector_load %arg8[%get3A_593, %get3A_594, %get3A_595] {strides = array<i32>} : memref<2x640x64xf32, #tpu.memory_space<vmem>>, vector<1x1x16xf32>,
        %get3A_597 = vector.shape_cast %get3A_596 : vector<1x1x16xf32> to vector<16xf32>
        %max3A_598 = arith.maximumf %max3A_494, %get3A_587 : vector<16xf32>
        %add3A_599 = arith.addf %add3A_495, %get3A_587 : vector<16xf32>
        %max3A_600 = arith.maximumf %max3A_496, %get3A_597 : vector<16xf32>
        %add3A_601 = arith.addf %add3A_497, %get3A_597 : vector<16xf32>
        %mul3A_602 = arith.mulf %get3A_587, %get3A_587 : vector<16xf32>
        %add3A_603 = arith.addf %add3A_501, %mul3A_602 : vector<16xf32>
        %mul3A_604 = arith.mulf %get3A_597, %get3A_597 : vector<16xf32>
        %add3A_605 = arith.addf %add3A_603, %mul3A_604 : vector<16xf32>
        %add3A_606 = arith.constant 2 : i32
        %add3A_607 = arith.addi %mul3A_352, %add3A_606 : i32
        %get3A_608 = arith.constant 1 : i32
        %get3A_609 = arith.index_cast %get3A_608 : i32 to index
        %get3A_610 = arith.index_cast %add3A_607 : i32 to index
        %get3A_611 = arith.constant 48 : index
        %get3A_612 = tpu.vector_load %arg8[%get3A_609, %get3A_610, %get3A_611] {strides = array<i32>} : memref<2x640x64xf32, #tpu.memory_space<vmem>>, vector<1x1x16xf32>,
        %get3A_613 = vector.shape_cast %get3A_612 : vector<1x1x16xf32> to vector<16xf32>
        %add3A_614 = arith.constant 20 : i32
        %add3A_615 = arith.addi %mul3A_352, %add3A_614 : i32
        %add3A_616 = arith.constant 2 : i32
        %add3A_617 = arith.addi %add3A_615, %add3A_616 : i32
        %get3A_618 = arith.constant 1 : i32
        %get3A_619 = arith.index_cast %get3A_618 : i32 to index
        %get3A_620 = arith.index_cast %add3A_617 : i32 to index
        %get3A_621 = arith.constant 48 : index
        %get3A_622 = tpu.vector_load %arg8[%get3A_619, %get3A_620, %get3A_621] {strides = array<i32>} : memref<2x640x64xf32, #tpu.memory_space<vmem>>, vector<1x1x16xf32>,
        %get3A_623 = vector.shape_cast %get3A_622 : vector<1x1x16xf32> to vector<16xf32>
        %max3A_624 = arith.maximumf %max3A_520, %get3A_613 : vector<16xf32>
        %add3A_625 = arith.addf %add3A_521, %get3A_613 : vector<16xf32>
        %max3A_626 = arith.maximumf %max3A_522, %get3A_623 : vector<16xf32>
        %add3A_627 = arith.addf %add3A_523, %get3A_623 : vector<16xf32>
        %mul3A_628 = arith.mulf %get3A_613, %get3A_613 : vector<16xf32>
        %add3A_629 = arith.addf %add3A_527, %mul3A_628 : vector<16xf32>
        %mul3A_630 = arith.mulf %get3A_623, %get3A_623 : vector<16xf32>
        %add3A_631 = arith.addf %add3A_629, %mul3A_630 : vector<16xf32>
        %add3A_632 = arith.constant 3 : i32
        %add3A_633 = arith.addi %mul3A_352, %add3A_632 : i32
        %get3A_634 = arith.constant 1 : i32
        %get3A_635 = arith.index_cast %get3A_634 : i32 to index
        %get3A_636 = arith.index_cast %add3A_633 : i32 to index
        %get3A_637 = arith.constant 0 : index
        %get3A_638 = tpu.vector_load %arg8[%get3A_635, %get3A_636, %get3A_637] {strides = array<i32>} : memref<2x640x64xf32, #tpu.memory_space<vmem>>, vector<1x1x16xf32>,
        %get3A_639 = vector.shape_cast %get3A_638 : vector<1x1x16xf32> to vector<16xf32>
        %add3A_640 = arith.constant 20 : i32
        %add3A_641 = arith.addi %mul3A_352, %add3A_640 : i32
        %add3A_642 = arith.constant 3 : i32
        %add3A_643 = arith.addi %add3A_641, %add3A_642 : i32
        %get3A_644 = arith.constant 1 : i32
        %get3A_645 = arith.index_cast %get3A_644 : i32 to index
        %get3A_646 = arith.index_cast %add3A_643 : i32 to index
        %get3A_647 = arith.constant 0 : index
        %get3A_648 = tpu.vector_load %arg8[%get3A_645, %get3A_646, %get3A_647] {strides = array<i32>} : memref<2x640x64xf32, #tpu.memory_space<vmem>>, vector<1x1x16xf32>,
        %get3A_649 = vector.shape_cast %get3A_648 : vector<1x1x16xf32> to vector<16xf32>
        %max3A_650 = arith.maximumf %max3A_546, %get3A_639 : vector<16xf32>
        %add3A_651 = arith.addf %add3A_547, %get3A_639 : vector<16xf32>
        %max3A_652 = arith.maximumf %max3A_548, %get3A_649 : vector<16xf32>
        %add3A_653 = arith.addf %add3A_549, %get3A_649 : vector<16xf32>
        %mul3A_654 = arith.mulf %get3A_639, %get3A_639 : vector<16xf32>
        %add3A_655 = arith.addf %add3A_553, %mul3A_654 : vector<16xf32>
        %mul3A_656 = arith.mulf %get3A_649, %get3A_649 : vector<16xf32>
        %add3A_657 = arith.addf %add3A_655, %mul3A_656 : vector<16xf32>
        %add3A_658 = arith.constant 3 : i32
        %add3A_659 = arith.addi %mul3A_352, %add3A_658 : i32
        %get3A_660 = arith.constant 1 : i32
        %get3A_661 = arith.index_cast %get3A_660 : i32 to index
        %get3A_662 = arith.index_cast %add3A_659 : i32 to index
        %get3A_663 = arith.constant 16 : index
        %get3A_664 = tpu.vector_load %arg8[%get3A_661, %get3A_662, %get3A_663] {strides = array<i32>} : memref<2x640x64xf32, #tpu.memory_space<vmem>>, vector<1x1x16xf32>,
        %get3A_665 = vector.shape_cast %get3A_664 : vector<1x1x16xf32> to vector<16xf32>
        %add3A_666 = arith.constant 20 : i32
        %add3A_667 = arith.addi %mul3A_352, %add3A_666 : i32
        %add3A_668 = arith.constant 3 : i32
        %add3A_669 = arith.addi %add3A_667, %add3A_668 : i32
        %get3A_670 = arith.constant 1 : i32
        %get3A_671 = arith.index_cast %get3A_670 : i32 to index
        %get3A_672 = arith.index_cast %add3A_669 : i32 to index
        %get3A_673 = arith.constant 16 : index
        %get3A_674 = tpu.vector_load %arg8[%get3A_671, %get3A_672, %get3A_673] {strides = array<i32>} : memref<2x640x64xf32, #tpu.memory_space<vmem>>, vector<1x1x16xf32>,
        %get3A_675 = vector.shape_cast %get3A_674 : vector<1x1x16xf32> to vector<16xf32>
        %max3A_676 = arith.maximumf %max3A_572, %get3A_665 : vector<16xf32>
        %add3A_677 = arith.addf %add3A_573, %get3A_665 : vector<16xf32>
        %max3A_678 = arith.maximumf %max3A_574, %get3A_675 : vector<16xf32>
        %add3A_679 = arith.addf %add3A_575, %get3A_675 : vector<16xf32>
        %mul3A_680 = arith.mulf %get3A_665, %get3A_665 : vector<16xf32>
        %add3A_681 = arith.addf %add3A_579, %mul3A_680 : vector<16xf32>
        %mul3A_682 = arith.mulf %get3A_675, %get3A_675 : vector<16xf32>
        %add3A_683 = arith.addf %add3A_681, %mul3A_682 : vector<16xf32>
        %add3A_684 = arith.constant 3 : i32
        %add3A_685 = arith.addi %mul3A_352, %add3A_684 : i32
        %get3A_686 = arith.constant 1 : i32
        %get3A_687 = arith.index_cast %get3A_686 : i32 to index
        %get3A_688 = arith.index_cast %add3A_685 : i32 to index
        %get3A_689 = arith.constant 32 : index
        %get3A_690 = tpu.vector_load %arg8[%get3A_687, %get3A_688, %get3A_689] {strides = array<i32>} : memref<2x640x64xf32, #tpu.memory_space<vmem>>, vector<1x1x16xf32>,
        %get3A_691 = vector.shape_cast %get3A_690 : vector<1x1x16xf32> to vector<16xf32>
        %add3A_692 = arith.constant 20 : i32
        %add3A_693 = arith.addi %mul3A_352, %add3A_692 : i32
        %add3A_694 = arith.constant 3 : i32
        %add3A_695 = arith.addi %add3A_693, %add3A_694 : i32
        %get3A_696 = arith.constant 1 : i32
        %get3A_697 = arith.index_cast %get3A_696 : i32 to index
        %get3A_698 = arith.index_cast %add3A_695 : i32 to index
        %get3A_699 = arith.constant 32 : index
        %get3A_700 = tpu.vector_load %arg8[%get3A_697, %get3A_698, %get3A_699] {strides = array<i32>} : memref<2x640x64xf32, #tpu.memory_space<vmem>>, vector<1x1x16xf32>,
        %get3A_701 = vector.shape_cast %get3A_700 : vector<1x1x16xf32> to vector<16xf32>
        %max3A_702 = arith.maximumf %max3A_598, %get3A_691 : vector<16xf32>
        %add3A_703 = arith.addf %add3A_599, %get3A_691 : vector<16xf32>
        %max3A_704 = arith.maximumf %max3A_600, %get3A_701 : vector<16xf32>
        %add3A_705 = arith.addf %add3A_601, %get3A_701 : vector<16xf32>
        %mul3A_706 = arith.mulf %get3A_691, %get3A_691 : vector<16xf32>
        %add3A_707 = arith.addf %add3A_605, %mul3A_706 : vector<16xf32>
        %mul3A_708 = arith.mulf %get3A_701, %get3A_701 : vector<16xf32>
        %add3A_709 = arith.addf %add3A_707, %mul3A_708 : vector<16xf32>
        %add3A_710 = arith.constant 3 : i32
        %add3A_711 = arith.addi %mul3A_352, %add3A_710 : i32
        %get3A_712 = arith.constant 1 : i32
        %get3A_713 = arith.index_cast %get3A_712 : i32 to index
        %get3A_714 = arith.index_cast %add3A_711 : i32 to index
        %get3A_715 = arith.constant 48 : index
        %get3A_716 = tpu.vector_load %arg8[%get3A_713, %get3A_714, %get3A_715] {strides = array<i32>} : memref<2x640x64xf32, #tpu.memory_space<vmem>>, vector<1x1x16xf32>,
        %get3A_717 = vector.shape_cast %get3A_716 : vector<1x1x16xf32> to vector<16xf32>
        %add3A_718 = arith.constant 20 : i32
        %add3A_719 = arith.addi %mul3A_352, %add3A_718 : i32
        %add3A_720 = arith.constant 3 : i32
        %add3A_721 = arith.addi %add3A_719, %add3A_720 : i32
        %get3A_722 = arith.constant 1 : i32
        %get3A_723 = arith.index_cast %get3A_722 : i32 to index
        %get3A_724 = arith.index_cast %add3A_721 : i32 to index
        %get3A_725 = arith.constant 48 : index
        %get3A_726 = tpu.vector_load %arg8[%get3A_723, %get3A_724, %get3A_725] {strides = array<i32>} : memref<2x640x64xf32, #tpu.memory_space<vmem>>, vector<1x1x16xf32>,
        %get3A_727 = vector.shape_cast %get3A_726 : vector<1x1x16xf32> to vector<16xf32>
        %max3A_728 = arith.maximumf %max3A_624, %get3A_717 : vector<16xf32>
        %add3A_729 = arith.addf %add3A_625, %get3A_717 : vector<16xf32>
        %max3A_730 = arith.maximumf %max3A_626, %get3A_727 : vector<16xf32>
        %add3A_731 = arith.addf %add3A_627, %get3A_727 : vector<16xf32>
        %mul3A_732 = arith.mulf %get3A_717, %get3A_717 : vector<16xf32>
        %add3A_733 = arith.addf %add3A_631, %mul3A_732 : vector<16xf32>
        %mul3A_734 = arith.mulf %get3A_727, %get3A_727 : vector<16xf32>
        %add3A_735 = arith.addf %add3A_733, %mul3A_734 : vector<16xf32>
        %add3A_736 = arith.constant 4 : i32
        %add3A_737 = arith.addi %mul3A_352, %add3A_736 : i32
        %get3A_738 = arith.constant 1 : i32
        %get3A_739 = arith.index_cast %get3A_738 : i32 to index
        %get3A_740 = arith.index_cast %add3A_737 : i32 to index
        %get3A_741 = arith.constant 0 : index
        %get3A_742 = tpu.vector_load %arg8[%get3A_739, %get3A_740, %get3A_741] {strides = array<i32>} : memref<2x640x64xf32, #tpu.memory_space<vmem>>, vector<1x1x16xf32>,
        %get3A_743 = vector.shape_cast %get3A_742 : vector<1x1x16xf32> to vector<16xf32>
        %add3A_744 = arith.constant 20 : i32
        %add3A_745 = arith.addi %mul3A_352, %add3A_744 : i32
        %add3A_746 = arith.constant 4 : i32
        %add3A_747 = arith.addi %add3A_745, %add3A_746 : i32
        %get3A_748 = arith.constant 1 : i32
        %get3A_749 = arith.index_cast %get3A_748 : i32 to index
        %get3A_750 = arith.index_cast %add3A_747 : i32 to index
        %get3A_751 = arith.constant 0 : index
        %get3A_752 = tpu.vector_load %arg8[%get3A_749, %get3A_750, %get3A_751] {strides = array<i32>} : memref<2x640x64xf32, #tpu.memory_space<vmem>>, vector<1x1x16xf32>,
        %get3A_753 = vector.shape_cast %get3A_752 : vector<1x1x16xf32> to vector<16xf32>
        %max3A_754 = arith.maximumf %max3A_650, %get3A_743 : vector<16xf32>
        %add3A_755 = arith.addf %add3A_651, %get3A_743 : vector<16xf32>
        %max3A_756 = arith.maximumf %max3A_652, %get3A_753 : vector<16xf32>
        %add3A_757 = arith.addf %add3A_653, %get3A_753 : vector<16xf32>
        %mul3A_758 = arith.mulf %get3A_743, %get3A_743 : vector<16xf32>
        %add3A_759 = arith.addf %add3A_657, %mul3A_758 : vector<16xf32>
        %mul3A_760 = arith.mulf %get3A_753, %get3A_753 : vector<16xf32>
        %add3A_761 = arith.addf %add3A_759, %mul3A_760 : vector<16xf32>
        %add3A_762 = arith.constant 4 : i32
        %add3A_763 = arith.addi %mul3A_352, %add3A_762 : i32
        %get3A_764 = arith.constant 1 : i32
        %get3A_765 = arith.index_cast %get3A_764 : i32 to index
        %get3A_766 = arith.index_cast %add3A_763 : i32 to index
        %get3A_767 = arith.constant 16 : index
        %get3A_768 = tpu.vector_load %arg8[%get3A_765, %get3A_766, %get3A_767] {strides = array<i32>} : memref<2x640x64xf32, #tpu.memory_space<vmem>>, vector<1x1x16xf32>,
        %get3A_769 = vector.shape_cast %get3A_768 : vector<1x1x16xf32> to vector<16xf32>
        %add3A_770 = arith.constant 20 : i32
        %add3A_771 = arith.addi %mul3A_352, %add3A_770 : i32
        %add3A_772 = arith.constant 4 : i32
        %add3A_773 = arith.addi %add3A_771, %add3A_772 : i32
        %get3A_774 = arith.constant 1 : i32
        %get3A_775 = arith.index_cast %get3A_774 : i32 to index
        %get3A_776 = arith.index_cast %add3A_773 : i32 to index
        %get3A_777 = arith.constant 16 : index
        %get3A_778 = tpu.vector_load %arg8[%get3A_775, %get3A_776, %get3A_777] {strides = array<i32>} : memref<2x640x64xf32, #tpu.memory_space<vmem>>, vector<1x1x16xf32>,
        %get3A_779 = vector.shape_cast %get3A_778 : vector<1x1x16xf32> to vector<16xf32>
        %max3A_780 = arith.maximumf %max3A_676, %get3A_769 : vector<16xf32>
        %add3A_781 = arith.addf %add3A_677, %get3A_769 : vector<16xf32>
        %max3A_782 = arith.maximumf %max3A_678, %get3A_779 : vector<16xf32>
        %add3A_783 = arith.addf %add3A_679, %get3A_779 : vector<16xf32>
        %mul3A_784 = arith.mulf %get3A_769, %get3A_769 : vector<16xf32>
        %add3A_785 = arith.addf %add3A_683, %mul3A_784 : vector<16xf32>
        %mul3A_786 = arith.mulf %get3A_779, %get3A_779 : vector<16xf32>
        %add3A_787 = arith.addf %add3A_785, %mul3A_786 : vector<16xf32>
        %add3A_788 = arith.constant 4 : i32
        %add3A_789 = arith.addi %mul3A_352, %add3A_788 : i32
        %get3A_790 = arith.constant 1 : i32
        %get3A_791 = arith.index_cast %get3A_790 : i32 to index
        %get3A_792 = arith.index_cast %add3A_789 : i32 to index
        %get3A_793 = arith.constant 32 : index
        %get3A_794 = tpu.vector_load %arg8[%get3A_791, %get3A_792, %get3A_793] {strides = array<i32>} : memref<2x640x64xf32, #tpu.memory_space<vmem>>, vector<1x1x16xf32>,
        %get3A_795 = vector.shape_cast %get3A_794 : vector<1x1x16xf32> to vector<16xf32>
        %add3A_796 = arith.constant 20 : i32
        %add3A_797 = arith.addi %mul3A_352, %add3A_796 : i32
        %add3A_798 = arith.constant 4 : i32
        %add3A_799 = arith.addi %add3A_797, %add3A_798 : i32
        %get3A_800 = arith.constant 1 : i32
        %get3A_801 = arith.index_cast %get3A_800 : i32 to index
        %get3A_802 = arith.index_cast %add3A_799 : i32 to index
        %get3A_803 = arith.constant 32 : index
        %get3A_804 = tpu.vector_load %arg8[%get3A_801, %get3A_802, %get3A_803] {strides = array<i32>} : memref<2x640x64xf32, #tpu.memory_space<vmem>>, vector<1x1x16xf32>,
        %get3A_805 = vector.shape_cast %get3A_804 : vector<1x1x16xf32> to vector<16xf32>
        %max3A_806 = arith.maximumf %max3A_702, %get3A_795 : vector<16xf32>
        %add3A_807 = arith.addf %add3A_703, %get3A_795 : vector<16xf32>
        %max3A_808 = arith.maximumf %max3A_704, %get3A_805 : vector<16xf32>
        %add3A_809 = arith.addf %add3A_705, %get3A_805 : vector<16xf32>
        %mul3A_810 = arith.mulf %get3A_795, %get3A_795 : vector<16xf32>
        %add3A_811 = arith.addf %add3A_709, %mul3A_810 : vector<16xf32>
        %mul3A_812 = arith.mulf %get3A_805, %get3A_805 : vector<16xf32>
        %add3A_813 = arith.addf %add3A_811, %mul3A_812 : vector<16xf32>
        %add3A_814 = arith.constant 4 : i32
        %add3A_815 = arith.addi %mul3A_352, %add3A_814 : i32
        %get3A_816 = arith.constant 1 : i32
        %get3A_817 = arith.index_cast %get3A_816 : i32 to index
        %get3A_818 = arith.index_cast %add3A_815 : i32 to index
        %get3A_819 = arith.constant 48 : index
        %get3A_820 = tpu.vector_load %arg8[%get3A_817, %get3A_818, %get3A_819] {strides = array<i32>} : memref<2x640x64xf32, #tpu.memory_space<vmem>>, vector<1x1x16xf32>,
        %get3A_821 = vector.shape_cast %get3A_820 : vector<1x1x16xf32> to vector<16xf32>
        %add3A_822 = arith.constant 20 : i32
        %add3A_823 = arith.addi %mul3A_352, %add3A_822 : i32
        %add3A_824 = arith.constant 4 : i32
        %add3A_825 = arith.addi %add3A_823, %add3A_824 : i32
        %get3A_826 = arith.constant 1 : i32
        %get3A_827 = arith.index_cast %get3A_826 : i32 to index
        %get3A_828 = arith.index_cast %add3A_825 : i32 to index
        %get3A_829 = arith.constant 48 : index
        %get3A_830 = tpu.vector_load %arg8[%get3A_827, %get3A_828, %get3A_829] {strides = array<i32>} : memref<2x640x64xf32, #tpu.memory_space<vmem>>, vector<1x1x16xf32>,
        %get3A_831 = vector.shape_cast %get3A_830 : vector<1x1x16xf32> to vector<16xf32>
        %max3A_832 = arith.maximumf %max3A_728, %get3A_821 : vector<16xf32>
        %add3A_833 = arith.addf %add3A_729, %get3A_821 : vector<16xf32>
        %max3A_834 = arith.maximumf %max3A_730, %get3A_831 : vector<16xf32>
        %add3A_835 = arith.addf %add3A_731, %get3A_831 : vector<16xf32>
        %mul3A_836 = arith.mulf %get3A_821, %get3A_821 : vector<16xf32>
        %add3A_837 = arith.addf %add3A_735, %mul3A_836 : vector<16xf32>
        %mul3A_838 = arith.mulf %get3A_831, %get3A_831 : vector<16xf32>
        %add3A_839 = arith.addf %add3A_837, %mul3A_838 : vector<16xf32>
        %add3A_840 = arith.constant 5 : i32
        %add3A_841 = arith.addi %mul3A_352, %add3A_840 : i32
        %get3A_842 = arith.constant 1 : i32
        %get3A_843 = arith.index_cast %get3A_842 : i32 to index
        %get3A_844 = arith.index_cast %add3A_841 : i32 to index
        %get3A_845 = arith.constant 0 : index
        %get3A_846 = tpu.vector_load %arg8[%get3A_843, %get3A_844, %get3A_845] {strides = array<i32>} : memref<2x640x64xf32, #tpu.memory_space<vmem>>, vector<1x1x16xf32>,
        %get3A_847 = vector.shape_cast %get3A_846 : vector<1x1x16xf32> to vector<16xf32>
        %add3A_848 = arith.constant 20 : i32
        %add3A_849 = arith.addi %mul3A_352, %add3A_848 : i32
        %add3A_850 = arith.constant 5 : i32
        %add3A_851 = arith.addi %add3A_849, %add3A_850 : i32
        %get3A_852 = arith.constant 1 : i32
        %get3A_853 = arith.index_cast %get3A_852 : i32 to index
        %get3A_854 = arith.index_cast %add3A_851 : i32 to index
        %get3A_855 = arith.constant 0 : index
        %get3A_856 = tpu.vector_load %arg8[%get3A_853, %get3A_854, %get3A_855] {strides = array<i32>} : memref<2x640x64xf32, #tpu.memory_space<vmem>>, vector<1x1x16xf32>,
        %get3A_857 = vector.shape_cast %get3A_856 : vector<1x1x16xf32> to vector<16xf32>
        %max3A_858 = arith.maximumf %max3A_754, %get3A_847 : vector<16xf32>
        %add3A_859 = arith.addf %add3A_755, %get3A_847 : vector<16xf32>
        %max3A_860 = arith.maximumf %max3A_756, %get3A_857 : vector<16xf32>
        %add3A_861 = arith.addf %add3A_757, %get3A_857 : vector<16xf32>
        %mul3A_862 = arith.mulf %get3A_847, %get3A_847 : vector<16xf32>
        %add3A_863 = arith.addf %add3A_761, %mul3A_862 : vector<16xf32>
        %mul3A_864 = arith.mulf %get3A_857, %get3A_857 : vector<16xf32>
        %add3A_865 = arith.addf %add3A_863, %mul3A_864 : vector<16xf32>
        %add3A_866 = arith.constant 5 : i32
        %add3A_867 = arith.addi %mul3A_352, %add3A_866 : i32
        %get3A_868 = arith.constant 1 : i32
        %get3A_869 = arith.index_cast %get3A_868 : i32 to index
        %get3A_870 = arith.index_cast %add3A_867 : i32 to index
        %get3A_871 = arith.constant 16 : index
        %get3A_872 = tpu.vector_load %arg8[%get3A_869, %get3A_870, %get3A_871] {strides = array<i32>} : memref<2x640x64xf32, #tpu.memory_space<vmem>>, vector<1x1x16xf32>,
        %get3A_873 = vector.shape_cast %get3A_872 : vector<1x1x16xf32> to vector<16xf32>
        %add3A_874 = arith.constant 20 : i32
        %add3A_875 = arith.addi %mul3A_352, %add3A_874 : i32
        %add3A_876 = arith.constant 5 : i32
        %add3A_877 = arith.addi %add3A_875, %add3A_876 : i32
        %get3A_878 = arith.constant 1 : i32
        %get3A_879 = arith.index_cast %get3A_878 : i32 to index
        %get3A_880 = arith.index_cast %add3A_877 : i32 to index
        %get3A_881 = arith.constant 16 : index
        %get3A_882 = tpu.vector_load %arg8[%get3A_879, %get3A_880, %get3A_881] {strides = array<i32>} : memref<2x640x64xf32, #tpu.memory_space<vmem>>, vector<1x1x16xf32>,
        %get3A_883 = vector.shape_cast %get3A_882 : vector<1x1x16xf32> to vector<16xf32>
        %max3A_884 = arith.maximumf %max3A_780, %get3A_873 : vector<16xf32>
        %add3A_885 = arith.addf %add3A_781, %get3A_873 : vector<16xf32>
        %max3A_886 = arith.maximumf %max3A_782, %get3A_883 : vector<16xf32>
        %add3A_887 = arith.addf %add3A_783, %get3A_883 : vector<16xf32>
        %mul3A_888 = arith.mulf %get3A_873, %get3A_873 : vector<16xf32>
        %add3A_889 = arith.addf %add3A_787, %mul3A_888 : vector<16xf32>
        %mul3A_890 = arith.mulf %get3A_883, %get3A_883 : vector<16xf32>
        %add3A_891 = arith.addf %add3A_889, %mul3A_890 : vector<16xf32>
        %add3A_892 = arith.constant 5 : i32
        %add3A_893 = arith.addi %mul3A_352, %add3A_892 : i32
        %get3A_894 = arith.constant 1 : i32
        %get3A_895 = arith.index_cast %get3A_894 : i32 to index
        %get3A_896 = arith.index_cast %add3A_893 : i32 to index
        %get3A_897 = arith.constant 32 : index
        %get3A_898 = tpu.vector_load %arg8[%get3A_895, %get3A_896, %get3A_897] {strides = array<i32>} : memref<2x640x64xf32, #tpu.memory_space<vmem>>, vector<1x1x16xf32>,
        %get3A_899 = vector.shape_cast %get3A_898 : vector<1x1x16xf32> to vector<16xf32>
        %add3A_900 = arith.constant 20 : i32
        %add3A_901 = arith.addi %mul3A_352, %add3A_900 : i32
        %add3A_902 = arith.constant 5 : i32
        %add3A_903 = arith.addi %add3A_901, %add3A_902 : i32
        %get3A_904 = arith.constant 1 : i32
        %get3A_905 = arith.index_cast %get3A_904 : i32 to index
        %get3A_906 = arith.index_cast %add3A_903 : i32 to index
        %get3A_907 = arith.constant 32 : index
        %get3A_908 = tpu.vector_load %arg8[%get3A_905, %get3A_906, %get3A_907] {strides = array<i32>} : memref<2x640x64xf32, #tpu.memory_space<vmem>>, vector<1x1x16xf32>,
        %get3A_909 = vector.shape_cast %get3A_908 : vector<1x1x16xf32> to vector<16xf32>
        %max3A_910 = arith.maximumf %max3A_806, %get3A_899 : vector<16xf32>
        %add3A_911 = arith.addf %add3A_807, %get3A_899 : vector<16xf32>
        %max3A_912 = arith.maximumf %max3A_808, %get3A_909 : vector<16xf32>
        %add3A_913 = arith.addf %add3A_809, %get3A_909 : vector<16xf32>
        %mul3A_914 = arith.mulf %get3A_899, %get3A_899 : vector<16xf32>
        %add3A_915 = arith.addf %add3A_813, %mul3A_914 : vector<16xf32>
        %mul3A_916 = arith.mulf %get3A_909, %get3A_909 : vector<16xf32>
        %add3A_917 = arith.addf %add3A_915, %mul3A_916 : vector<16xf32>
        %add3A_918 = arith.constant 5 : i32
        %add3A_919 = arith.addi %mul3A_352, %add3A_918 : i32
        %get3A_920 = arith.constant 1 : i32
        %get3A_921 = arith.index_cast %get3A_920 : i32 to index
        %get3A_922 = arith.index_cast %add3A_919 : i32 to index
        %get3A_923 = arith.constant 48 : index
        %get3A_924 = tpu.vector_load %arg8[%get3A_921, %get3A_922, %get3A_923] {strides = array<i32>} : memref<2x640x64xf32, #tpu.memory_space<vmem>>, vector<1x1x16xf32>,
        %get3A_925 = vector.shape_cast %get3A_924 : vector<1x1x16xf32> to vector<16xf32>
        %add3A_926 = arith.constant 20 : i32
        %add3A_927 = arith.addi %mul3A_352, %add3A_926 : i32
        %add3A_928 = arith.constant 5 : i32
        %add3A_929 = arith.addi %add3A_927, %add3A_928 : i32
        %get3A_930 = arith.constant 1 : i32
        %get3A_931 = arith.index_cast %get3A_930 : i32 to index
        %get3A_932 = arith.index_cast %add3A_929 : i32 to index
        %get3A_933 = arith.constant 48 : index
        %get3A_934 = tpu.vector_load %arg8[%get3A_931, %get3A_932, %get3A_933] {strides = array<i32>} : memref<2x640x64xf32, #tpu.memory_space<vmem>>, vector<1x1x16xf32>,
        %get3A_935 = vector.shape_cast %get3A_934 : vector<1x1x16xf32> to vector<16xf32>
        %max3A_936 = arith.maximumf %max3A_832, %get3A_925 : vector<16xf32>
        %add3A_937 = arith.addf %add3A_833, %get3A_925 : vector<16xf32>
        %max3A_938 = arith.maximumf %max3A_834, %get3A_935 : vector<16xf32>
        %add3A_939 = arith.addf %add3A_835, %get3A_935 : vector<16xf32>
        %mul3A_940 = arith.mulf %get3A_925, %get3A_925 : vector<16xf32>
        %add3A_941 = arith.addf %add3A_839, %mul3A_940 : vector<16xf32>
        %mul3A_942 = arith.mulf %get3A_935, %get3A_935 : vector<16xf32>
        %add3A_943 = arith.addf %add3A_941, %mul3A_942 : vector<16xf32>
        %add3A_944 = arith.constant 6 : i32
        %add3A_945 = arith.addi %mul3A_352, %add3A_944 : i32
        %get3A_946 = arith.constant 1 : i32
        %get3A_947 = arith.index_cast %get3A_946 : i32 to index
        %get3A_948 = arith.index_cast %add3A_945 : i32 to index
        %get3A_949 = arith.constant 0 : index
        %get3A_950 = tpu.vector_load %arg8[%get3A_947, %get3A_948, %get3A_949] {strides = array<i32>} : memref<2x640x64xf32, #tpu.memory_space<vmem>>, vector<1x1x16xf32>,
        %get3A_951 = vector.shape_cast %get3A_950 : vector<1x1x16xf32> to vector<16xf32>
        %add3A_952 = arith.constant 20 : i32
        %add3A_953 = arith.addi %mul3A_352, %add3A_952 : i32
        %add3A_954 = arith.constant 6 : i32
        %add3A_955 = arith.addi %add3A_953, %add3A_954 : i32
        %get3A_956 = arith.constant 1 : i32
        %get3A_957 = arith.index_cast %get3A_956 : i32 to index
        %get3A_958 = arith.index_cast %add3A_955 : i32 to index
        %get3A_959 = arith.constant 0 : index
        %get3A_960 = tpu.vector_load %arg8[%get3A_957, %get3A_958, %get3A_959] {strides = array<i32>} : memref<2x640x64xf32, #tpu.memory_space<vmem>>, vector<1x1x16xf32>,
        %get3A_961 = vector.shape_cast %get3A_960 : vector<1x1x16xf32> to vector<16xf32>
        %max3A_962 = arith.maximumf %max3A_858, %get3A_951 : vector<16xf32>
        %add3A_963 = arith.addf %add3A_859, %get3A_951 : vector<16xf32>
        %max3A_964 = arith.maximumf %max3A_860, %get3A_961 : vector<16xf32>
        %add3A_965 = arith.addf %add3A_861, %get3A_961 : vector<16xf32>
        %mul3A_966 = arith.mulf %get3A_951, %get3A_951 : vector<16xf32>
        %add3A_967 = arith.addf %add3A_865, %mul3A_966 : vector<16xf32>
        %mul3A_968 = arith.mulf %get3A_961, %get3A_961 : vector<16xf32>
        %add3A_969 = arith.addf %add3A_967, %mul3A_968 : vector<16xf32>
        %add3A_970 = arith.constant 6 : i32
        %add3A_971 = arith.addi %mul3A_352, %add3A_970 : i32
        %get3A_972 = arith.constant 1 : i32
        %get3A_973 = arith.index_cast %get3A_972 : i32 to index
        %get3A_974 = arith.index_cast %add3A_971 : i32 to index
        %get3A_975 = arith.constant 16 : index
        %get3A_976 = tpu.vector_load %arg8[%get3A_973, %get3A_974, %get3A_975] {strides = array<i32>} : memref<2x640x64xf32, #tpu.memory_space<vmem>>, vector<1x1x16xf32>,
        %get3A_977 = vector.shape_cast %get3A_976 : vector<1x1x16xf32> to vector<16xf32>
        %add3A_978 = arith.constant 20 : i32
        %add3A_979 = arith.addi %mul3A_352, %add3A_978 : i32
        %add3A_980 = arith.constant 6 : i32
        %add3A_981 = arith.addi %add3A_979, %add3A_980 : i32
        %get3A_982 = arith.constant 1 : i32
        %get3A_983 = arith.index_cast %get3A_982 : i32 to index
        %get3A_984 = arith.index_cast %add3A_981 : i32 to index
        %get3A_985 = arith.constant 16 : index
        %get3A_986 = tpu.vector_load %arg8[%get3A_983, %get3A_984, %get3A_985] {strides = array<i32>} : memref<2x640x64xf32, #tpu.memory_space<vmem>>, vector<1x1x16xf32>,
        %get3A_987 = vector.shape_cast %get3A_986 : vector<1x1x16xf32> to vector<16xf32>
        %max3A_988 = arith.maximumf %max3A_884, %get3A_977 : vector<16xf32>
        %add3A_989 = arith.addf %add3A_885, %get3A_977 : vector<16xf32>
        %max3A_990 = arith.maximumf %max3A_886, %get3A_987 : vector<16xf32>
        %add3A_991 = arith.addf %add3A_887, %get3A_987 : vector<16xf32>
        %mul3A_992 = arith.mulf %get3A_977, %get3A_977 : vector<16xf32>
        %add3A_993 = arith.addf %add3A_891, %mul3A_992 : vector<16xf32>
        %mul3A_994 = arith.mulf %get3A_987, %get3A_987 : vector<16xf32>
        %add3A_995 = arith.addf %add3A_993, %mul3A_994 : vector<16xf32>
        %add3A_996 = arith.constant 6 : i32
        %add3A_997 = arith.addi %mul3A_352, %add3A_996 : i32
        %get3A_998 = arith.constant 1 : i32
        %get3A_999 = arith.index_cast %get3A_998 : i32 to index
        %get3A_1000 = arith.index_cast %add3A_997 : i32 to index
        %get3A_1001 = arith.constant 32 : index
        %get3A_1002 = tpu.vector_load %arg8[%get3A_999, %get3A_1000, %get3A_1001] {strides = array<i32>} : memref<2x640x64xf32, #tpu.memory_space<vmem>>, vector<1x1x16xf32>,
        %get3A_1003 = vector.shape_cast %get3A_1002 : vector<1x1x16xf32> to vector<16xf32>
        %add3A_1004 = arith.constant 20 : i32
        %add3A_1005 = arith.addi %mul3A_352, %add3A_1004 : i32
        %add3A_1006 = arith.constant 6 : i32
        %add3A_1007 = arith.addi %add3A_1005, %add3A_1006 : i32
        %get3A_1008 = arith.constant 1 : i32
        %get3A_1009 = arith.index_cast %get3A_1008 : i32 to index
        %get3A_1010 = arith.index_cast %add3A_1007 : i32 to index
        %get3A_1011 = arith.constant 32 : index
        %get3A_1012 = tpu.vector_load %arg8[%get3A_1009, %get3A_1010, %get3A_1011] {strides = array<i32>} : memref<2x640x64xf32, #tpu.memory_space<vmem>>, vector<1x1x16xf32>,
        %get3A_1013 = vector.shape_cast %get3A_1012 : vector<1x1x16xf32> to vector<16xf32>
        %max3A_1014 = arith.maximumf %max3A_910, %get3A_1003 : vector<16xf32>
        %add3A_1015 = arith.addf %add3A_911, %get3A_1003 : vector<16xf32>
        %max3A_1016 = arith.maximumf %max3A_912, %get3A_1013 : vector<16xf32>
        %add3A_1017 = arith.addf %add3A_913, %get3A_1013 : vector<16xf32>
        %mul3A_1018 = arith.mulf %get3A_1003, %get3A_1003 : vector<16xf32>
        %add3A_1019 = arith.addf %add3A_917, %mul3A_1018 : vector<16xf32>
        %mul3A_1020 = arith.mulf %get3A_1013, %get3A_1013 : vector<16xf32>
        %add3A_1021 = arith.addf %add3A_1019, %mul3A_1020 : vector<16xf32>
        %add3A_1022 = arith.constant 6 : i32
        %add3A_1023 = arith.addi %mul3A_352, %add3A_1022 : i32
        %get3A_1024 = arith.constant 1 : i32
        %get3A_1025 = arith.index_cast %get3A_1024 : i32 to index
        %get3A_1026 = arith.index_cast %add3A_1023 : i32 to index
        %get3A_1027 = arith.constant 48 : index
        %get3A_1028 = tpu.vector_load %arg8[%get3A_1025, %get3A_1026, %get3A_1027] {strides = array<i32>} : memref<2x640x64xf32, #tpu.memory_space<vmem>>, vector<1x1x16xf32>,
        %get3A_1029 = vector.shape_cast %get3A_1028 : vector<1x1x16xf32> to vector<16xf32>
        %add3A_1030 = arith.constant 20 : i32
        %add3A_1031 = arith.addi %mul3A_352, %add3A_1030 : i32
        %add3A_1032 = arith.constant 6 : i32
        %add3A_1033 = arith.addi %add3A_1031, %add3A_1032 : i32
        %get3A_1034 = arith.constant 1 : i32
        %get3A_1035 = arith.index_cast %get3A_1034 : i32 to index
        %get3A_1036 = arith.index_cast %add3A_1033 : i32 to index
        %get3A_1037 = arith.constant 48 : index
        %get3A_1038 = tpu.vector_load %arg8[%get3A_1035, %get3A_1036, %get3A_1037] {strides = array<i32>} : memref<2x640x64xf32, #tpu.memory_space<vmem>>, vector<1x1x16xf32>,
        %get3A_1039 = vector.shape_cast %get3A_1038 : vector<1x1x16xf32> to vector<16xf32>
        %max3A_1040 = arith.maximumf %max3A_936, %get3A_1029 : vector<16xf32>
        %add3A_1041 = arith.addf %add3A_937, %get3A_1029 : vector<16xf32>
        %max3A_1042 = arith.maximumf %max3A_938, %get3A_1039 : vector<16xf32>
        %add3A_1043 = arith.addf %add3A_939, %get3A_1039 : vector<16xf32>
        %mul3A_1044 = arith.mulf %get3A_1029, %get3A_1029 : vector<16xf32>
        %add3A_1045 = arith.addf %add3A_943, %mul3A_1044 : vector<16xf32>
        %mul3A_1046 = arith.mulf %get3A_1039, %get3A_1039 : vector<16xf32>
        %add3A_1047 = arith.addf %add3A_1045, %mul3A_1046 : vector<16xf32>
        %add3A_1048 = arith.constant 7 : i32
        %add3A_1049 = arith.addi %mul3A_352, %add3A_1048 : i32
        %get3A_1050 = arith.constant 1 : i32
        %get3A_1051 = arith.index_cast %get3A_1050 : i32 to index
        %get3A_1052 = arith.index_cast %add3A_1049 : i32 to index
        %get3A_1053 = arith.constant 0 : index
        %get3A_1054 = tpu.vector_load %arg8[%get3A_1051, %get3A_1052, %get3A_1053] {strides = array<i32>} : memref<2x640x64xf32, #tpu.memory_space<vmem>>, vector<1x1x16xf32>,
        %get3A_1055 = vector.shape_cast %get3A_1054 : vector<1x1x16xf32> to vector<16xf32>
        %add3A_1056 = arith.constant 20 : i32
        %add3A_1057 = arith.addi %mul3A_352, %add3A_1056 : i32
        %add3A_1058 = arith.constant 7 : i32
        %add3A_1059 = arith.addi %add3A_1057, %add3A_1058 : i32
        %get3A_1060 = arith.constant 1 : i32
        %get3A_1061 = arith.index_cast %get3A_1060 : i32 to index
        %get3A_1062 = arith.index_cast %add3A_1059 : i32 to index
        %get3A_1063 = arith.constant 0 : index
        %get3A_1064 = tpu.vector_load %arg8[%get3A_1061, %get3A_1062, %get3A_1063] {strides = array<i32>} : memref<2x640x64xf32, #tpu.memory_space<vmem>>, vector<1x1x16xf32>,
        %get3A_1065 = vector.shape_cast %get3A_1064 : vector<1x1x16xf32> to vector<16xf32>
        %max3A_1066 = arith.maximumf %max3A_962, %get3A_1055 : vector<16xf32>
        %add3A_1067 = arith.addf %add3A_963, %get3A_1055 : vector<16xf32>
        %max3A_1068 = arith.maximumf %max3A_964, %get3A_1065 : vector<16xf32>
        %add3A_1069 = arith.addf %add3A_965, %get3A_1065 : vector<16xf32>
        %mul3A_1070 = arith.mulf %get3A_1055, %get3A_1055 : vector<16xf32>
        %add3A_1071 = arith.addf %add3A_969, %mul3A_1070 : vector<16xf32>
        %mul3A_1072 = arith.mulf %get3A_1065, %get3A_1065 : vector<16xf32>
        %add3A_1073 = arith.addf %add3A_1071, %mul3A_1072 : vector<16xf32>
        %add3A_1074 = arith.constant 7 : i32
        %add3A_1075 = arith.addi %mul3A_352, %add3A_1074 : i32
        %get3A_1076 = arith.constant 1 : i32
        %get3A_1077 = arith.index_cast %get3A_1076 : i32 to index
        %get3A_1078 = arith.index_cast %add3A_1075 : i32 to index
        %get3A_1079 = arith.constant 16 : index
        %get3A_1080 = tpu.vector_load %arg8[%get3A_1077, %get3A_1078, %get3A_1079] {strides = array<i32>} : memref<2x640x64xf32, #tpu.memory_space<vmem>>, vector<1x1x16xf32>,
        %get3A_1081 = vector.shape_cast %get3A_1080 : vector<1x1x16xf32> to vector<16xf32>
        %add3A_1082 = arith.constant 20 : i32
        %add3A_1083 = arith.addi %mul3A_352, %add3A_1082 : i32
        %add3A_1084 = arith.constant 7 : i32
        %add3A_1085 = arith.addi %add3A_1083, %add3A_1084 : i32
        %get3A_1086 = arith.constant 1 : i32
        %get3A_1087 = arith.index_cast %get3A_1086 : i32 to index
        %get3A_1088 = arith.index_cast %add3A_1085 : i32 to index
        %get3A_1089 = arith.constant 16 : index
        %get3A_1090 = tpu.vector_load %arg8[%get3A_1087, %get3A_1088, %get3A_1089] {strides = array<i32>} : memref<2x640x64xf32, #tpu.memory_space<vmem>>, vector<1x1x16xf32>,
        %get3A_1091 = vector.shape_cast %get3A_1090 : vector<1x1x16xf32> to vector<16xf32>
        %max3A_1092 = arith.maximumf %max3A_988, %get3A_1081 : vector<16xf32>
        %add3A_1093 = arith.addf %add3A_989, %get3A_1081 : vector<16xf32>
        %max3A_1094 = arith.maximumf %max3A_990, %get3A_1091 : vector<16xf32>
        %add3A_1095 = arith.addf %add3A_991, %get3A_1091 : vector<16xf32>
        %mul3A_1096 = arith.mulf %get3A_1081, %get3A_1081 : vector<16xf32>
        %add3A_1097 = arith.addf %add3A_995, %mul3A_1096 : vector<16xf32>
        %mul3A_1098 = arith.mulf %get3A_1091, %get3A_1091 : vector<16xf32>
        %add3A_1099 = arith.addf %add3A_1097, %mul3A_1098 : vector<16xf32>
        %add3A_1100 = arith.constant 7 : i32
        %add3A_1101 = arith.addi %mul3A_352, %add3A_1100 : i32
        %get3A_1102 = arith.constant 1 : i32
        %get3A_1103 = arith.index_cast %get3A_1102 : i32 to index
        %get3A_1104 = arith.index_cast %add3A_1101 : i32 to index
        %get3A_1105 = arith.constant 32 : index
        %get3A_1106 = tpu.vector_load %arg8[%get3A_1103, %get3A_1104, %get3A_1105] {strides = array<i32>} : memref<2x640x64xf32, #tpu.memory_space<vmem>>, vector<1x1x16xf32>,
        %get3A_1107 = vector.shape_cast %get3A_1106 : vector<1x1x16xf32> to vector<16xf32>
        %add3A_1108 = arith.constant 20 : i32
        %add3A_1109 = arith.addi %mul3A_352, %add3A_1108 : i32
        %add3A_1110 = arith.constant 7 : i32
        %add3A_1111 = arith.addi %add3A_1109, %add3A_1110 : i32
        %get3A_1112 = arith.constant 1 : i32
        %get3A_1113 = arith.index_cast %get3A_1112 : i32 to index
        %get3A_1114 = arith.index_cast %add3A_1111 : i32 to index
        %get3A_1115 = arith.constant 32 : index
        %get3A_1116 = tpu.vector_load %arg8[%get3A_1113, %get3A_1114, %get3A_1115] {strides = array<i32>} : memref<2x640x64xf32, #tpu.memory_space<vmem>>, vector<1x1x16xf32>,
        %get3A_1117 = vector.shape_cast %get3A_1116 : vector<1x1x16xf32> to vector<16xf32>
        %max3A_1118 = arith.maximumf %max3A_1014, %get3A_1107 : vector<16xf32>
        %add3A_1119 = arith.addf %add3A_1015, %get3A_1107 : vector<16xf32>
        %max3A_1120 = arith.maximumf %max3A_1016, %get3A_1117 : vector<16xf32>
        %add3A_1121 = arith.addf %add3A_1017, %get3A_1117 : vector<16xf32>
        %mul3A_1122 = arith.mulf %get3A_1107, %get3A_1107 : vector<16xf32>
        %add3A_1123 = arith.addf %add3A_1021, %mul3A_1122 : vector<16xf32>
        %mul3A_1124 = arith.mulf %get3A_1117, %get3A_1117 : vector<16xf32>
        %add3A_1125 = arith.addf %add3A_1123, %mul3A_1124 : vector<16xf32>
        %add3A_1126 = arith.constant 7 : i32
        %add3A_1127 = arith.addi %mul3A_352, %add3A_1126 : i32
        %get3A_1128 = arith.constant 1 : i32
        %get3A_1129 = arith.index_cast %get3A_1128 : i32 to index
        %get3A_1130 = arith.index_cast %add3A_1127 : i32 to index
        %get3A_1131 = arith.constant 48 : index
        %get3A_1132 = tpu.vector_load %arg8[%get3A_1129, %get3A_1130, %get3A_1131] {strides = array<i32>} : memref<2x640x64xf32, #tpu.memory_space<vmem>>, vector<1x1x16xf32>,
        %get3A_1133 = vector.shape_cast %get3A_1132 : vector<1x1x16xf32> to vector<16xf32>
        %add3A_1134 = arith.constant 20 : i32
        %add3A_1135 = arith.addi %mul3A_352, %add3A_1134 : i32
        %add3A_1136 = arith.constant 7 : i32
        %add3A_1137 = arith.addi %add3A_1135, %add3A_1136 : i32
        %get3A_1138 = arith.constant 1 : i32
        %get3A_1139 = arith.index_cast %get3A_1138 : i32 to index
        %get3A_1140 = arith.index_cast %add3A_1137 : i32 to index
        %get3A_1141 = arith.constant 48 : index
        %get3A_1142 = tpu.vector_load %arg8[%get3A_1139, %get3A_1140, %get3A_1141] {strides = array<i32>} : memref<2x640x64xf32, #tpu.memory_space<vmem>>, vector<1x1x16xf32>,
        %get3A_1143 = vector.shape_cast %get3A_1142 : vector<1x1x16xf32> to vector<16xf32>
        %max3A_1144 = arith.maximumf %max3A_1040, %get3A_1133 : vector<16xf32>
        %add3A_1145 = arith.addf %add3A_1041, %get3A_1133 : vector<16xf32>
        %max3A_1146 = arith.maximumf %max3A_1042, %get3A_1143 : vector<16xf32>
        %add3A_1147 = arith.addf %add3A_1043, %get3A_1143 : vector<16xf32>
        %mul3A_1148 = arith.mulf %get3A_1133, %get3A_1133 : vector<16xf32>
        %add3A_1149 = arith.addf %add3A_1047, %mul3A_1148 : vector<16xf32>
        %mul3A_1150 = arith.mulf %get3A_1143, %get3A_1143 : vector<16xf32>
        %add3A_1151 = arith.addf %add3A_1149, %mul3A_1150 : vector<16xf32>
        %add3A_1152 = arith.constant 8 : i32
        %add3A_1153 = arith.addi %mul3A_352, %add3A_1152 : i32
        %get3A_1154 = arith.constant 1 : i32
        %get3A_1155 = arith.index_cast %get3A_1154 : i32 to index
        %get3A_1156 = arith.index_cast %add3A_1153 : i32 to index
        %get3A_1157 = arith.constant 0 : index
        %get3A_1158 = tpu.vector_load %arg8[%get3A_1155, %get3A_1156, %get3A_1157] {strides = array<i32>} : memref<2x640x64xf32, #tpu.memory_space<vmem>>, vector<1x1x16xf32>,
        %get3A_1159 = vector.shape_cast %get3A_1158 : vector<1x1x16xf32> to vector<16xf32>
        %add3A_1160 = arith.constant 20 : i32
        %add3A_1161 = arith.addi %mul3A_352, %add3A_1160 : i32
        %add3A_1162 = arith.constant 8 : i32
        %add3A_1163 = arith.addi %add3A_1161, %add3A_1162 : i32
        %get3A_1164 = arith.constant 1 : i32
        %get3A_1165 = arith.index_cast %get3A_1164 : i32 to index
        %get3A_1166 = arith.index_cast %add3A_1163 : i32 to index
        %get3A_1167 = arith.constant 0 : index
        %get3A_1168 = tpu.vector_load %arg8[%get3A_1165, %get3A_1166, %get3A_1167] {strides = array<i32>} : memref<2x640x64xf32, #tpu.memory_space<vmem>>, vector<1x1x16xf32>,
        %get3A_1169 = vector.shape_cast %get3A_1168 : vector<1x1x16xf32> to vector<16xf32>
        %max3A_1170 = arith.maximumf %max3A_1066, %get3A_1159 : vector<16xf32>
        %add3A_1171 = arith.addf %add3A_1067, %get3A_1159 : vector<16xf32>
        %max3A_1172 = arith.maximumf %max3A_1068, %get3A_1169 : vector<16xf32>
        %add3A_1173 = arith.addf %add3A_1069, %get3A_1169 : vector<16xf32>
        %mul3A_1174 = arith.mulf %get3A_1159, %get3A_1159 : vector<16xf32>
        %add3A_1175 = arith.addf %add3A_1073, %mul3A_1174 : vector<16xf32>
        %mul3A_1176 = arith.mulf %get3A_1169, %get3A_1169 : vector<16xf32>
        %add3A_1177 = arith.addf %add3A_1175, %mul3A_1176 : vector<16xf32>
        %add3A_1178 = arith.constant 8 : i32
        %add3A_1179 = arith.addi %mul3A_352, %add3A_1178 : i32
        %get3A_1180 = arith.constant 1 : i32
        %get3A_1181 = arith.index_cast %get3A_1180 : i32 to index
        %get3A_1182 = arith.index_cast %add3A_1179 : i32 to index
        %get3A_1183 = arith.constant 16 : index
        %get3A_1184 = tpu.vector_load %arg8[%get3A_1181, %get3A_1182, %get3A_1183] {strides = array<i32>} : memref<2x640x64xf32, #tpu.memory_space<vmem>>, vector<1x1x16xf32>,
        %get3A_1185 = vector.shape_cast %get3A_1184 : vector<1x1x16xf32> to vector<16xf32>
        %add3A_1186 = arith.constant 20 : i32
        %add3A_1187 = arith.addi %mul3A_352, %add3A_1186 : i32
        %add3A_1188 = arith.constant 8 : i32
        %add3A_1189 = arith.addi %add3A_1187, %add3A_1188 : i32
        %get3A_1190 = arith.constant 1 : i32
        %get3A_1191 = arith.index_cast %get3A_1190 : i32 to index
        %get3A_1192 = arith.index_cast %add3A_1189 : i32 to index
        %get3A_1193 = arith.constant 16 : index
        %get3A_1194 = tpu.vector_load %arg8[%get3A_1191, %get3A_1192, %get3A_1193] {strides = array<i32>} : memref<2x640x64xf32, #tpu.memory_space<vmem>>, vector<1x1x16xf32>,
        %get3A_1195 = vector.shape_cast %get3A_1194 : vector<1x1x16xf32> to vector<16xf32>
        %max3A_1196 = arith.maximumf %max3A_1092, %get3A_1185 : vector<16xf32>
        %add3A_1197 = arith.addf %add3A_1093, %get3A_1185 : vector<16xf32>
        %max3A_1198 = arith.maximumf %max3A_1094, %get3A_1195 : vector<16xf32>
        %add3A_1199 = arith.addf %add3A_1095, %get3A_1195 : vector<16xf32>
        %mul3A_1200 = arith.mulf %get3A_1185, %get3A_1185 : vector<16xf32>
        %add3A_1201 = arith.addf %add3A_1099, %mul3A_1200 : vector<16xf32>
        %mul3A_1202 = arith.mulf %get3A_1195, %get3A_1195 : vector<16xf32>
        %add3A_1203 = arith.addf %add3A_1201, %mul3A_1202 : vector<16xf32>
        %add3A_1204 = arith.constant 8 : i32
        %add3A_1205 = arith.addi %mul3A_352, %add3A_1204 : i32
        %get3A_1206 = arith.constant 1 : i32
        %get3A_1207 = arith.index_cast %get3A_1206 : i32 to index
        %get3A_1208 = arith.index_cast %add3A_1205 : i32 to index
        %get3A_1209 = arith.constant 32 : index
        %get3A_1210 = tpu.vector_load %arg8[%get3A_1207, %get3A_1208, %get3A_1209] {strides = array<i32>} : memref<2x640x64xf32, #tpu.memory_space<vmem>>, vector<1x1x16xf32>,
        %get3A_1211 = vector.shape_cast %get3A_1210 : vector<1x1x16xf32> to vector<16xf32>
        %add3A_1212 = arith.constant 20 : i32
        %add3A_1213 = arith.addi %mul3A_352, %add3A_1212 : i32
        %add3A_1214 = arith.constant 8 : i32
        %add3A_1215 = arith.addi %add3A_1213, %add3A_1214 : i32
        %get3A_1216 = arith.constant 1 : i32
        %get3A_1217 = arith.index_cast %get3A_1216 : i32 to index
        %get3A_1218 = arith.index_cast %add3A_1215 : i32 to index
        %get3A_1219 = arith.constant 32 : index
        %get3A_1220 = tpu.vector_load %arg8[%get3A_1217, %get3A_1218, %get3A_1219] {strides = array<i32>} : memref<2x640x64xf32, #tpu.memory_space<vmem>>, vector<1x1x16xf32>,
        %get3A_1221 = vector.shape_cast %get3A_1220 : vector<1x1x16xf32> to vector<16xf32>
        %max3A_1222 = arith.maximumf %max3A_1118, %get3A_1211 : vector<16xf32>
        %add3A_1223 = arith.addf %add3A_1119, %get3A_1211 : vector<16xf32>
        %max3A_1224 = arith.maximumf %max3A_1120, %get3A_1221 : vector<16xf32>
        %add3A_1225 = arith.addf %add3A_1121, %get3A_1221 : vector<16xf32>
        %mul3A_1226 = arith.mulf %get3A_1211, %get3A_1211 : vector<16xf32>
        %add3A_1227 = arith.addf %add3A_1125, %mul3A_1226 : vector<16xf32>
        %mul3A_1228 = arith.mulf %get3A_1221, %get3A_1221 : vector<16xf32>
        %add3A_1229 = arith.addf %add3A_1227, %mul3A_1228 : vector<16xf32>
        %add3A_1230 = arith.constant 8 : i32
        %add3A_1231 = arith.addi %mul3A_352, %add3A_1230 : i32
        %get3A_1232 = arith.constant 1 : i32
        %get3A_1233 = arith.index_cast %get3A_1232 : i32 to index
        %get3A_1234 = arith.index_cast %add3A_1231 : i32 to index
        %get3A_1235 = arith.constant 48 : index
        %get3A_1236 = tpu.vector_load %arg8[%get3A_1233, %get3A_1234, %get3A_1235] {strides = array<i32>} : memref<2x640x64xf32, #tpu.memory_space<vmem>>, vector<1x1x16xf32>,
        %get3A_1237 = vector.shape_cast %get3A_1236 : vector<1x1x16xf32> to vector<16xf32>
        %add3A_1238 = arith.constant 20 : i32
        %add3A_1239 = arith.addi %mul3A_352, %add3A_1238 : i32
        %add3A_1240 = arith.constant 8 : i32
        %add3A_1241 = arith.addi %add3A_1239, %add3A_1240 : i32
        %get3A_1242 = arith.constant 1 : i32
        %get3A_1243 = arith.index_cast %get3A_1242 : i32 to index
        %get3A_1244 = arith.index_cast %add3A_1241 : i32 to index
        %get3A_1245 = arith.constant 48 : index
        %get3A_1246 = tpu.vector_load %arg8[%get3A_1243, %get3A_1244, %get3A_1245] {strides = array<i32>} : memref<2x640x64xf32, #tpu.memory_space<vmem>>, vector<1x1x16xf32>,
        %get3A_1247 = vector.shape_cast %get3A_1246 : vector<1x1x16xf32> to vector<16xf32>
        %max3A_1248 = arith.maximumf %max3A_1144, %get3A_1237 : vector<16xf32>
        %add3A_1249 = arith.addf %add3A_1145, %get3A_1237 : vector<16xf32>
        %max3A_1250 = arith.maximumf %max3A_1146, %get3A_1247 : vector<16xf32>
        %add3A_1251 = arith.addf %add3A_1147, %get3A_1247 : vector<16xf32>
        %mul3A_1252 = arith.mulf %get3A_1237, %get3A_1237 : vector<16xf32>
        %add3A_1253 = arith.addf %add3A_1151, %mul3A_1252 : vector<16xf32>
        %mul3A_1254 = arith.mulf %get3A_1247, %get3A_1247 : vector<16xf32>
        %add3A_1255 = arith.addf %add3A_1253, %mul3A_1254 : vector<16xf32>
        %add3A_1256 = arith.constant 9 : i32
        %add3A_1257 = arith.addi %mul3A_352, %add3A_1256 : i32
        %get3A_1258 = arith.constant 1 : i32
        %get3A_1259 = arith.index_cast %get3A_1258 : i32 to index
        %get3A_1260 = arith.index_cast %add3A_1257 : i32 to index
        %get3A_1261 = arith.constant 0 : index
        %get3A_1262 = tpu.vector_load %arg8[%get3A_1259, %get3A_1260, %get3A_1261] {strides = array<i32>} : memref<2x640x64xf32, #tpu.memory_space<vmem>>, vector<1x1x16xf32>,
        %get3A_1263 = vector.shape_cast %get3A_1262 : vector<1x1x16xf32> to vector<16xf32>
        %add3A_1264 = arith.constant 20 : i32
        %add3A_1265 = arith.addi %mul3A_352, %add3A_1264 : i32
        %add3A_1266 = arith.constant 9 : i32
        %add3A_1267 = arith.addi %add3A_1265, %add3A_1266 : i32
        %get3A_1268 = arith.constant 1 : i32
        %get3A_1269 = arith.index_cast %get3A_1268 : i32 to index
        %get3A_1270 = arith.index_cast %add3A_1267 : i32 to index
        %get3A_1271 = arith.constant 0 : index
        %get3A_1272 = tpu.vector_load %arg8[%get3A_1269, %get3A_1270, %get3A_1271] {strides = array<i32>} : memref<2x640x64xf32, #tpu.memory_space<vmem>>, vector<1x1x16xf32>,
        %get3A_1273 = vector.shape_cast %get3A_1272 : vector<1x1x16xf32> to vector<16xf32>
        %max3A_1274 = arith.maximumf %max3A_1170, %get3A_1263 : vector<16xf32>
        %add3A_1275 = arith.addf %add3A_1171, %get3A_1263 : vector<16xf32>
        %max3A_1276 = arith.maximumf %max3A_1172, %get3A_1273 : vector<16xf32>
        %add3A_1277 = arith.addf %add3A_1173, %get3A_1273 : vector<16xf32>
        %mul3A_1278 = arith.mulf %get3A_1263, %get3A_1263 : vector<16xf32>
        %add3A_1279 = arith.addf %add3A_1177, %mul3A_1278 : vector<16xf32>
        %mul3A_1280 = arith.mulf %get3A_1273, %get3A_1273 : vector<16xf32>
        %add3A_1281 = arith.addf %add3A_1279, %mul3A_1280 : vector<16xf32>
        %add3A_1282 = arith.constant 9 : i32
        %add3A_1283 = arith.addi %mul3A_352, %add3A_1282 : i32
        %get3A_1284 = arith.constant 1 : i32
        %get3A_1285 = arith.index_cast %get3A_1284 : i32 to index
        %get3A_1286 = arith.index_cast %add3A_1283 : i32 to index
        %get3A_1287 = arith.constant 16 : index
        %get3A_1288 = tpu.vector_load %arg8[%get3A_1285, %get3A_1286, %get3A_1287] {strides = array<i32>} : memref<2x640x64xf32, #tpu.memory_space<vmem>>, vector<1x1x16xf32>,
        %get3A_1289 = vector.shape_cast %get3A_1288 : vector<1x1x16xf32> to vector<16xf32>
        %add3A_1290 = arith.constant 20 : i32
        %add3A_1291 = arith.addi %mul3A_352, %add3A_1290 : i32
        %add3A_1292 = arith.constant 9 : i32
        %add3A_1293 = arith.addi %add3A_1291, %add3A_1292 : i32
        %get3A_1294 = arith.constant 1 : i32
        %get3A_1295 = arith.index_cast %get3A_1294 : i32 to index
        %get3A_1296 = arith.index_cast %add3A_1293 : i32 to index
        %get3A_1297 = arith.constant 16 : index
        %get3A_1298 = tpu.vector_load %arg8[%get3A_1295, %get3A_1296, %get3A_1297] {strides = array<i32>} : memref<2x640x64xf32, #tpu.memory_space<vmem>>, vector<1x1x16xf32>,
        %get3A_1299 = vector.shape_cast %get3A_1298 : vector<1x1x16xf32> to vector<16xf32>
        %max3A_1300 = arith.maximumf %max3A_1196, %get3A_1289 : vector<16xf32>
        %add3A_1301 = arith.addf %add3A_1197, %get3A_1289 : vector<16xf32>
        %max3A_1302 = arith.maximumf %max3A_1198, %get3A_1299 : vector<16xf32>
        %add3A_1303 = arith.addf %add3A_1199, %get3A_1299 : vector<16xf32>
        %mul3A_1304 = arith.mulf %get3A_1289, %get3A_1289 : vector<16xf32>
        %add3A_1305 = arith.addf %add3A_1203, %mul3A_1304 : vector<16xf32>
        %mul3A_1306 = arith.mulf %get3A_1299, %get3A_1299 : vector<16xf32>
        %add3A_1307 = arith.addf %add3A_1305, %mul3A_1306 : vector<16xf32>
        %add3A_1308 = arith.constant 9 : i32
        %add3A_1309 = arith.addi %mul3A_352, %add3A_1308 : i32
        %get3A_1310 = arith.constant 1 : i32
        %get3A_1311 = arith.index_cast %get3A_1310 : i32 to index
        %get3A_1312 = arith.index_cast %add3A_1309 : i32 to index
        %get3A_1313 = arith.constant 32 : index
        %get3A_1314 = tpu.vector_load %arg8[%get3A_1311, %get3A_1312, %get3A_1313] {strides = array<i32>} : memref<2x640x64xf32, #tpu.memory_space<vmem>>, vector<1x1x16xf32>,
        %get3A_1315 = vector.shape_cast %get3A_1314 : vector<1x1x16xf32> to vector<16xf32>
        %add3A_1316 = arith.constant 20 : i32
        %add3A_1317 = arith.addi %mul3A_352, %add3A_1316 : i32
        %add3A_1318 = arith.constant 9 : i32
        %add3A_1319 = arith.addi %add3A_1317, %add3A_1318 : i32
        %get3A_1320 = arith.constant 1 : i32
        %get3A_1321 = arith.index_cast %get3A_1320 : i32 to index
        %get3A_1322 = arith.index_cast %add3A_1319 : i32 to index
        %get3A_1323 = arith.constant 32 : index
        %get3A_1324 = tpu.vector_load %arg8[%get3A_1321, %get3A_1322, %get3A_1323] {strides = array<i32>} : memref<2x640x64xf32, #tpu.memory_space<vmem>>, vector<1x1x16xf32>,
        %get3A_1325 = vector.shape_cast %get3A_1324 : vector<1x1x16xf32> to vector<16xf32>
        %max3A_1326 = arith.maximumf %max3A_1222, %get3A_1315 : vector<16xf32>
        %add3A_1327 = arith.addf %add3A_1223, %get3A_1315 : vector<16xf32>
        %max3A_1328 = arith.maximumf %max3A_1224, %get3A_1325 : vector<16xf32>
        %add3A_1329 = arith.addf %add3A_1225, %get3A_1325 : vector<16xf32>
        %mul3A_1330 = arith.mulf %get3A_1315, %get3A_1315 : vector<16xf32>
        %add3A_1331 = arith.addf %add3A_1229, %mul3A_1330 : vector<16xf32>
        %mul3A_1332 = arith.mulf %get3A_1325, %get3A_1325 : vector<16xf32>
        %add3A_1333 = arith.addf %add3A_1331, %mul3A_1332 : vector<16xf32>
        %add3A_1334 = arith.constant 9 : i32
        %add3A_1335 = arith.addi %mul3A_352, %add3A_1334 : i32
        %get3A_1336 = arith.constant 1 : i32
        %get3A_1337 = arith.index_cast %get3A_1336 : i32 to index
        %get3A_1338 = arith.index_cast %add3A_1335 : i32 to index
        %get3A_1339 = arith.constant 48 : index
        %get3A_1340 = tpu.vector_load %arg8[%get3A_1337, %get3A_1338, %get3A_1339] {strides = array<i32>} : memref<2x640x64xf32, #tpu.memory_space<vmem>>, vector<1x1x16xf32>,
        %get3A_1341 = vector.shape_cast %get3A_1340 : vector<1x1x16xf32> to vector<16xf32>
        %add3A_1342 = arith.constant 20 : i32
        %add3A_1343 = arith.addi %mul3A_352, %add3A_1342 : i32
        %add3A_1344 = arith.constant 9 : i32
        %add3A_1345 = arith.addi %add3A_1343, %add3A_1344 : i32
        %get3A_1346 = arith.constant 1 : i32
        %get3A_1347 = arith.index_cast %get3A_1346 : i32 to index
        %get3A_1348 = arith.index_cast %add3A_1345 : i32 to index
        %get3A_1349 = arith.constant 48 : index
        %get3A_1350 = tpu.vector_load %arg8[%get3A_1347, %get3A_1348, %get3A_1349] {strides = array<i32>} : memref<2x640x64xf32, #tpu.memory_space<vmem>>, vector<1x1x16xf32>,
        %get3A_1351 = vector.shape_cast %get3A_1350 : vector<1x1x16xf32> to vector<16xf32>
        %max3A_1352 = arith.maximumf %max3A_1248, %get3A_1341 : vector<16xf32>
        %add3A_1353 = arith.addf %add3A_1249, %get3A_1341 : vector<16xf32>
        %max3A_1354 = arith.maximumf %max3A_1250, %get3A_1351 : vector<16xf32>
        %add3A_1355 = arith.addf %add3A_1251, %get3A_1351 : vector<16xf32>
        %mul3A_1356 = arith.mulf %get3A_1341, %get3A_1341 : vector<16xf32>
        %add3A_1357 = arith.addf %add3A_1255, %mul3A_1356 : vector<16xf32>
        %mul3A_1358 = arith.mulf %get3A_1351, %get3A_1351 : vector<16xf32>
        %add3A_1359 = arith.addf %add3A_1357, %mul3A_1358 : vector<16xf32>
        %add3A_1360 = arith.constant 10 : i32
        %add3A_1361 = arith.addi %mul3A_352, %add3A_1360 : i32
        %get3A_1362 = arith.constant 1 : i32
        %get3A_1363 = arith.index_cast %get3A_1362 : i32 to index
        %get3A_1364 = arith.index_cast %add3A_1361 : i32 to index
        %get3A_1365 = arith.constant 0 : index
        %get3A_1366 = tpu.vector_load %arg8[%get3A_1363, %get3A_1364, %get3A_1365] {strides = array<i32>} : memref<2x640x64xf32, #tpu.memory_space<vmem>>, vector<1x1x16xf32>,
        %get3A_1367 = vector.shape_cast %get3A_1366 : vector<1x1x16xf32> to vector<16xf32>
        %add3A_1368 = arith.constant 20 : i32
        %add3A_1369 = arith.addi %mul3A_352, %add3A_1368 : i32
        %add3A_1370 = arith.constant 10 : i32
        %add3A_1371 = arith.addi %add3A_1369, %add3A_1370 : i32
        %get3A_1372 = arith.constant 1 : i32
        %get3A_1373 = arith.index_cast %get3A_1372 : i32 to index
        %get3A_1374 = arith.index_cast %add3A_1371 : i32 to index
        %get3A_1375 = arith.constant 0 : index
        %get3A_1376 = tpu.vector_load %arg8[%get3A_1373, %get3A_1374, %get3A_1375] {strides = array<i32>} : memref<2x640x64xf32, #tpu.memory_space<vmem>>, vector<1x1x16xf32>,
        %get3A_1377 = vector.shape_cast %get3A_1376 : vector<1x1x16xf32> to vector<16xf32>
        %max3A_1378 = arith.maximumf %max3A_1274, %get3A_1367 : vector<16xf32>
        %add3A_1379 = arith.addf %add3A_1275, %get3A_1367 : vector<16xf32>
        %max3A_1380 = arith.maximumf %max3A_1276, %get3A_1377 : vector<16xf32>
        %add3A_1381 = arith.addf %add3A_1277, %get3A_1377 : vector<16xf32>
        %mul3A_1382 = arith.mulf %get3A_1367, %get3A_1367 : vector<16xf32>
        %add3A_1383 = arith.addf %add3A_1281, %mul3A_1382 : vector<16xf32>
        %mul3A_1384 = arith.mulf %get3A_1377, %get3A_1377 : vector<16xf32>
        %add3A_1385 = arith.addf %add3A_1383, %mul3A_1384 : vector<16xf32>
        %add3A_1386 = arith.constant 10 : i32
        %add3A_1387 = arith.addi %mul3A_352, %add3A_1386 : i32
        %get3A_1388 = arith.constant 1 : i32
        %get3A_1389 = arith.index_cast %get3A_1388 : i32 to index
        %get3A_1390 = arith.index_cast %add3A_1387 : i32 to index
        %get3A_1391 = arith.constant 16 : index
        %get3A_1392 = tpu.vector_load %arg8[%get3A_1389, %get3A_1390, %get3A_1391] {strides = array<i32>} : memref<2x640x64xf32, #tpu.memory_space<vmem>>, vector<1x1x16xf32>,
        %get3A_1393 = vector.shape_cast %get3A_1392 : vector<1x1x16xf32> to vector<16xf32>
        %add3A_1394 = arith.constant 20 : i32
        %add3A_1395 = arith.addi %mul3A_352, %add3A_1394 : i32
        %add3A_1396 = arith.constant 10 : i32
        %add3A_1397 = arith.addi %add3A_1395, %add3A_1396 : i32
        %get3A_1398 = arith.constant 1 : i32
        %get3A_1399 = arith.index_cast %get3A_1398 : i32 to index
        %get3A_1400 = arith.index_cast %add3A_1397 : i32 to index
        %get3A_1401 = arith.constant 16 : index
        %get3A_1402 = tpu.vector_load %arg8[%get3A_1399, %get3A_1400, %get3A_1401] {strides = array<i32>} : memref<2x640x64xf32, #tpu.memory_space<vmem>>, vector<1x1x16xf32>,
        %get3A_1403 = vector.shape_cast %get3A_1402 : vector<1x1x16xf32> to vector<16xf32>
        %max3A_1404 = arith.maximumf %max3A_1300, %get3A_1393 : vector<16xf32>
        %add3A_1405 = arith.addf %add3A_1301, %get3A_1393 : vector<16xf32>
        %max3A_1406 = arith.maximumf %max3A_1302, %get3A_1403 : vector<16xf32>
        %add3A_1407 = arith.addf %add3A_1303, %get3A_1403 : vector<16xf32>
        %mul3A_1408 = arith.mulf %get3A_1393, %get3A_1393 : vector<16xf32>
        %add3A_1409 = arith.addf %add3A_1307, %mul3A_1408 : vector<16xf32>
        %mul3A_1410 = arith.mulf %get3A_1403, %get3A_1403 : vector<16xf32>
        %add3A_1411 = arith.addf %add3A_1409, %mul3A_1410 : vector<16xf32>
        %add3A_1412 = arith.constant 10 : i32
        %add3A_1413 = arith.addi %mul3A_352, %add3A_1412 : i32
        %get3A_1414 = arith.constant 1 : i32
        %get3A_1415 = arith.index_cast %get3A_1414 : i32 to index
        %get3A_1416 = arith.index_cast %add3A_1413 : i32 to index
        %get3A_1417 = arith.constant 32 : index
        %get3A_1418 = tpu.vector_load %arg8[%get3A_1415, %get3A_1416, %get3A_1417] {strides = array<i32>} : memref<2x640x64xf32, #tpu.memory_space<vmem>>, vector<1x1x16xf32>,
        %get3A_1419 = vector.shape_cast %get3A_1418 : vector<1x1x16xf32> to vector<16xf32>
        %add3A_1420 = arith.constant 20 : i32
        %add3A_1421 = arith.addi %mul3A_352, %add3A_1420 : i32
        %add3A_1422 = arith.constant 10 : i32
        %add3A_1423 = arith.addi %add3A_1421, %add3A_1422 : i32
        %get3A_1424 = arith.constant 1 : i32
        %get3A_1425 = arith.index_cast %get3A_1424 : i32 to index
        %get3A_1426 = arith.index_cast %add3A_1423 : i32 to index
        %get3A_1427 = arith.constant 32 : index
        %get3A_1428 = tpu.vector_load %arg8[%get3A_1425, %get3A_1426, %get3A_1427] {strides = array<i32>} : memref<2x640x64xf32, #tpu.memory_space<vmem>>, vector<1x1x16xf32>,
        %get3A_1429 = vector.shape_cast %get3A_1428 : vector<1x1x16xf32> to vector<16xf32>
        %max3A_1430 = arith.maximumf %max3A_1326, %get3A_1419 : vector<16xf32>
        %add3A_1431 = arith.addf %add3A_1327, %get3A_1419 : vector<16xf32>
        %max3A_1432 = arith.maximumf %max3A_1328, %get3A_1429 : vector<16xf32>
        %add3A_1433 = arith.addf %add3A_1329, %get3A_1429 : vector<16xf32>
        %mul3A_1434 = arith.mulf %get3A_1419, %get3A_1419 : vector<16xf32>
        %add3A_1435 = arith.addf %add3A_1333, %mul3A_1434 : vector<16xf32>
        %mul3A_1436 = arith.mulf %get3A_1429, %get3A_1429 : vector<16xf32>
        %add3A_1437 = arith.addf %add3A_1435, %mul3A_1436 : vector<16xf32>
        %add3A_1438 = arith.constant 10 : i32
        %add3A_1439 = arith.addi %mul3A_352, %add3A_1438 : i32
        %get3A_1440 = arith.constant 1 : i32
        %get3A_1441 = arith.index_cast %get3A_1440 : i32 to index
        %get3A_1442 = arith.index_cast %add3A_1439 : i32 to index
        %get3A_1443 = arith.constant 48 : index
        %get3A_1444 = tpu.vector_load %arg8[%get3A_1441, %get3A_1442, %get3A_1443] {strides = array<i32>} : memref<2x640x64xf32, #tpu.memory_space<vmem>>, vector<1x1x16xf32>,
        %get3A_1445 = vector.shape_cast %get3A_1444 : vector<1x1x16xf32> to vector<16xf32>
        %add3A_1446 = arith.constant 20 : i32
        %add3A_1447 = arith.addi %mul3A_352, %add3A_1446 : i32
        %add3A_1448 = arith.constant 10 : i32
        %add3A_1449 = arith.addi %add3A_1447, %add3A_1448 : i32
        %get3A_1450 = arith.constant 1 : i32
        %get3A_1451 = arith.index_cast %get3A_1450 : i32 to index
        %get3A_1452 = arith.index_cast %add3A_1449 : i32 to index
        %get3A_1453 = arith.constant 48 : index
        %get3A_1454 = tpu.vector_load %arg8[%get3A_1451, %get3A_1452, %get3A_1453] {strides = array<i32>} : memref<2x640x64xf32, #tpu.memory_space<vmem>>, vector<1x1x16xf32>,
        %get3A_1455 = vector.shape_cast %get3A_1454 : vector<1x1x16xf32> to vector<16xf32>
        %max3A_1456 = arith.maximumf %max3A_1352, %get3A_1445 : vector<16xf32>
        %add3A_1457 = arith.addf %add3A_1353, %get3A_1445 : vector<16xf32>
        %max3A_1458 = arith.maximumf %max3A_1354, %get3A_1455 : vector<16xf32>
        %add3A_1459 = arith.addf %add3A_1355, %get3A_1455 : vector<16xf32>
        %mul3A_1460 = arith.mulf %get3A_1445, %get3A_1445 : vector<16xf32>
        %add3A_1461 = arith.addf %add3A_1359, %mul3A_1460 : vector<16xf32>
        %mul3A_1462 = arith.mulf %get3A_1455, %get3A_1455 : vector<16xf32>
        %add3A_1463 = arith.addf %add3A_1461, %mul3A_1462 : vector<16xf32>
        %add3A_1464 = arith.constant 11 : i32
        %add3A_1465 = arith.addi %mul3A_352, %add3A_1464 : i32
        %get3A_1466 = arith.constant 1 : i32
        %get3A_1467 = arith.index_cast %get3A_1466 : i32 to index
        %get3A_1468 = arith.index_cast %add3A_1465 : i32 to index
        %get3A_1469 = arith.constant 0 : index
        %get3A_1470 = tpu.vector_load %arg8[%get3A_1467, %get3A_1468, %get3A_1469] {strides = array<i32>} : memref<2x640x64xf32, #tpu.memory_space<vmem>>, vector<1x1x16xf32>,
        %get3A_1471 = vector.shape_cast %get3A_1470 : vector<1x1x16xf32> to vector<16xf32>
        %add3A_1472 = arith.constant 20 : i32
        %add3A_1473 = arith.addi %mul3A_352, %add3A_1472 : i32
        %add3A_1474 = arith.constant 11 : i32
        %add3A_1475 = arith.addi %add3A_1473, %add3A_1474 : i32
        %get3A_1476 = arith.constant 1 : i32
        %get3A_1477 = arith.index_cast %get3A_1476 : i32 to index
        %get3A_1478 = arith.index_cast %add3A_1475 : i32 to index
        %get3A_1479 = arith.constant 0 : index
        %get3A_1480 = tpu.vector_load %arg8[%get3A_1477, %get3A_1478, %get3A_1479] {strides = array<i32>} : memref<2x640x64xf32, #tpu.memory_space<vmem>>, vector<1x1x16xf32>,
        %get3A_1481 = vector.shape_cast %get3A_1480 : vector<1x1x16xf32> to vector<16xf32>
        %max3A_1482 = arith.maximumf %max3A_1378, %get3A_1471 : vector<16xf32>
        %add3A_1483 = arith.addf %add3A_1379, %get3A_1471 : vector<16xf32>
        %max3A_1484 = arith.maximumf %max3A_1380, %get3A_1481 : vector<16xf32>
        %add3A_1485 = arith.addf %add3A_1381, %get3A_1481 : vector<16xf32>
        %mul3A_1486 = arith.mulf %get3A_1471, %get3A_1471 : vector<16xf32>
        %add3A_1487 = arith.addf %add3A_1385, %mul3A_1486 : vector<16xf32>
        %mul3A_1488 = arith.mulf %get3A_1481, %get3A_1481 : vector<16xf32>
        %add3A_1489 = arith.addf %add3A_1487, %mul3A_1488 : vector<16xf32>
        %add3A_1490 = arith.constant 11 : i32
        %add3A_1491 = arith.addi %mul3A_352, %add3A_1490 : i32
        %get3A_1492 = arith.constant 1 : i32
        %get3A_1493 = arith.index_cast %get3A_1492 : i32 to index
        %get3A_1494 = arith.index_cast %add3A_1491 : i32 to index
        %get3A_1495 = arith.constant 16 : index
        %get3A_1496 = tpu.vector_load %arg8[%get3A_1493, %get3A_1494, %get3A_1495] {strides = array<i32>} : memref<2x640x64xf32, #tpu.memory_space<vmem>>, vector<1x1x16xf32>,
        %get3A_1497 = vector.shape_cast %get3A_1496 : vector<1x1x16xf32> to vector<16xf32>
        %add3A_1498 = arith.constant 20 : i32
        %add3A_1499 = arith.addi %mul3A_352, %add3A_1498 : i32
        %add3A_1500 = arith.constant 11 : i32
        %add3A_1501 = arith.addi %add3A_1499, %add3A_1500 : i32
        %get3A_1502 = arith.constant 1 : i32
        %get3A_1503 = arith.index_cast %get3A_1502 : i32 to index
        %get3A_1504 = arith.index_cast %add3A_1501 : i32 to index
        %get3A_1505 = arith.constant 16 : index
        %get3A_1506 = tpu.vector_load %arg8[%get3A_1503, %get3A_1504, %get3A_1505] {strides = array<i32>} : memref<2x640x64xf32, #tpu.memory_space<vmem>>, vector<1x1x16xf32>,
        %get3A_1507 = vector.shape_cast %get3A_1506 : vector<1x1x16xf32> to vector<16xf32>
        %max3A_1508 = arith.maximumf %max3A_1404, %get3A_1497 : vector<16xf32>
        %add3A_1509 = arith.addf %add3A_1405, %get3A_1497 : vector<16xf32>
        %max3A_1510 = arith.maximumf %max3A_1406, %get3A_1507 : vector<16xf32>
        %add3A_1511 = arith.addf %add3A_1407, %get3A_1507 : vector<16xf32>
        %mul3A_1512 = arith.mulf %get3A_1497, %get3A_1497 : vector<16xf32>
        %add3A_1513 = arith.addf %add3A_1411, %mul3A_1512 : vector<16xf32>
        %mul3A_1514 = arith.mulf %get3A_1507, %get3A_1507 : vector<16xf32>
        %add3A_1515 = arith.addf %add3A_1513, %mul3A_1514 : vector<16xf32>
        %add3A_1516 = arith.constant 11 : i32
        %add3A_1517 = arith.addi %mul3A_352, %add3A_1516 : i32
        %get3A_1518 = arith.constant 1 : i32
        %get3A_1519 = arith.index_cast %get3A_1518 : i32 to index
        %get3A_1520 = arith.index_cast %add3A_1517 : i32 to index
        %get3A_1521 = arith.constant 32 : index
        %get3A_1522 = tpu.vector_load %arg8[%get3A_1519, %get3A_1520, %get3A_1521] {strides = array<i32>} : memref<2x640x64xf32, #tpu.memory_space<vmem>>, vector<1x1x16xf32>,
        %get3A_1523 = vector.shape_cast %get3A_1522 : vector<1x1x16xf32> to vector<16xf32>
        %add3A_1524 = arith.constant 20 : i32
        %add3A_1525 = arith.addi %mul3A_352, %add3A_1524 : i32
        %add3A_1526 = arith.constant 11 : i32
        %add3A_1527 = arith.addi %add3A_1525, %add3A_1526 : i32
        %get3A_1528 = arith.constant 1 : i32
        %get3A_1529 = arith.index_cast %get3A_1528 : i32 to index
        %get3A_1530 = arith.index_cast %add3A_1527 : i32 to index
        %get3A_1531 = arith.constant 32 : index
        %get3A_1532 = tpu.vector_load %arg8[%get3A_1529, %get3A_1530, %get3A_1531] {strides = array<i32>} : memref<2x640x64xf32, #tpu.memory_space<vmem>>, vector<1x1x16xf32>,
        %get3A_1533 = vector.shape_cast %get3A_1532 : vector<1x1x16xf32> to vector<16xf32>
        %max3A_1534 = arith.maximumf %max3A_1430, %get3A_1523 : vector<16xf32>
        %add3A_1535 = arith.addf %add3A_1431, %get3A_1523 : vector<16xf32>
        %max3A_1536 = arith.maximumf %max3A_1432, %get3A_1533 : vector<16xf32>
        %add3A_1537 = arith.addf %add3A_1433, %get3A_1533 : vector<16xf32>
        %mul3A_1538 = arith.mulf %get3A_1523, %get3A_1523 : vector<16xf32>
        %add3A_1539 = arith.addf %add3A_1437, %mul3A_1538 : vector<16xf32>
        %mul3A_1540 = arith.mulf %get3A_1533, %get3A_1533 : vector<16xf32>
        %add3A_1541 = arith.addf %add3A_1539, %mul3A_1540 : vector<16xf32>
        %add3A_1542 = arith.constant 11 : i32
        %add3A_1543 = arith.addi %mul3A_352, %add3A_1542 : i32
        %get3A_1544 = arith.constant 1 : i32
        %get3A_1545 = arith.index_cast %get3A_1544 : i32 to index
        %get3A_1546 = arith.index_cast %add3A_1543 : i32 to index
        %get3A_1547 = arith.constant 48 : index
        %get3A_1548 = tpu.vector_load %arg8[%get3A_1545, %get3A_1546, %get3A_1547] {strides = array<i32>} : memref<2x640x64xf32, #tpu.memory_space<vmem>>, vector<1x1x16xf32>,
        %get3A_1549 = vector.shape_cast %get3A_1548 : vector<1x1x16xf32> to vector<16xf32>
        %add3A_1550 = arith.constant 20 : i32
        %add3A_1551 = arith.addi %mul3A_352, %add3A_1550 : i32
        %add3A_1552 = arith.constant 11 : i32
        %add3A_1553 = arith.addi %add3A_1551, %add3A_1552 : i32
        %get3A_1554 = arith.constant 1 : i32
        %get3A_1555 = arith.index_cast %get3A_1554 : i32 to index
        %get3A_1556 = arith.index_cast %add3A_1553 : i32 to index
        %get3A_1557 = arith.constant 48 : index
        %get3A_1558 = tpu.vector_load %arg8[%get3A_1555, %get3A_1556, %get3A_1557] {strides = array<i32>} : memref<2x640x64xf32, #tpu.memory_space<vmem>>, vector<1x1x16xf32>,
        %get3A_1559 = vector.shape_cast %get3A_1558 : vector<1x1x16xf32> to vector<16xf32>
        %max3A_1560 = arith.maximumf %max3A_1456, %get3A_1549 : vector<16xf32>
        %add3A_1561 = arith.addf %add3A_1457, %get3A_1549 : vector<16xf32>
        %max3A_1562 = arith.maximumf %max3A_1458, %get3A_1559 : vector<16xf32>
        %add3A_1563 = arith.addf %add3A_1459, %get3A_1559 : vector<16xf32>
        %mul3A_1564 = arith.mulf %get3A_1549, %get3A_1549 : vector<16xf32>
        %add3A_1565 = arith.addf %add3A_1463, %mul3A_1564 : vector<16xf32>
        %mul3A_1566 = arith.mulf %get3A_1559, %get3A_1559 : vector<16xf32>
        %add3A_1567 = arith.addf %add3A_1565, %mul3A_1566 : vector<16xf32>
        %add3A_1568 = arith.constant 12 : i32
        %add3A_1569 = arith.addi %mul3A_352, %add3A_1568 : i32
        %get3A_1570 = arith.constant 1 : i32
        %get3A_1571 = arith.index_cast %get3A_1570 : i32 to index
        %get3A_1572 = arith.index_cast %add3A_1569 : i32 to index
        %get3A_1573 = arith.constant 0 : index
        %get3A_1574 = tpu.vector_load %arg8[%get3A_1571, %get3A_1572, %get3A_1573] {strides = array<i32>} : memref<2x640x64xf32, #tpu.memory_space<vmem>>, vector<1x1x16xf32>,
        %get3A_1575 = vector.shape_cast %get3A_1574 : vector<1x1x16xf32> to vector<16xf32>
        %add3A_1576 = arith.constant 20 : i32
        %add3A_1577 = arith.addi %mul3A_352, %add3A_1576 : i32
        %add3A_1578 = arith.constant 12 : i32
        %add3A_1579 = arith.addi %add3A_1577, %add3A_1578 : i32
        %get3A_1580 = arith.constant 1 : i32
        %get3A_1581 = arith.index_cast %get3A_1580 : i32 to index
        %get3A_1582 = arith.index_cast %add3A_1579 : i32 to index
        %get3A_1583 = arith.constant 0 : index
        %get3A_1584 = tpu.vector_load %arg8[%get3A_1581, %get3A_1582, %get3A_1583] {strides = array<i32>} : memref<2x640x64xf32, #tpu.memory_space<vmem>>, vector<1x1x16xf32>,
        %get3A_1585 = vector.shape_cast %get3A_1584 : vector<1x1x16xf32> to vector<16xf32>
        %max3A_1586 = arith.maximumf %max3A_1482, %get3A_1575 : vector<16xf32>
        %add3A_1587 = arith.addf %add3A_1483, %get3A_1575 : vector<16xf32>
        %max3A_1588 = arith.maximumf %max3A_1484, %get3A_1585 : vector<16xf32>
        %add3A_1589 = arith.addf %add3A_1485, %get3A_1585 : vector<16xf32>
        %mul3A_1590 = arith.mulf %get3A_1575, %get3A_1575 : vector<16xf32>
        %add3A_1591 = arith.addf %add3A_1489, %mul3A_1590 : vector<16xf32>
        %mul3A_1592 = arith.mulf %get3A_1585, %get3A_1585 : vector<16xf32>
        %add3A_1593 = arith.addf %add3A_1591, %mul3A_1592 : vector<16xf32>
        %add3A_1594 = arith.constant 12 : i32
        %add3A_1595 = arith.addi %mul3A_352, %add3A_1594 : i32
        %get3A_1596 = arith.constant 1 : i32
        %get3A_1597 = arith.index_cast %get3A_1596 : i32 to index
        %get3A_1598 = arith.index_cast %add3A_1595 : i32 to index
        %get3A_1599 = arith.constant 16 : index
        %get3A_1600 = tpu.vector_load %arg8[%get3A_1597, %get3A_1598, %get3A_1599] {strides = array<i32>} : memref<2x640x64xf32, #tpu.memory_space<vmem>>, vector<1x1x16xf32>,
        %get3A_1601 = vector.shape_cast %get3A_1600 : vector<1x1x16xf32> to vector<16xf32>
        %add3A_1602 = arith.constant 20 : i32
        %add3A_1603 = arith.addi %mul3A_352, %add3A_1602 : i32
        %add3A_1604 = arith.constant 12 : i32
        %add3A_1605 = arith.addi %add3A_1603, %add3A_1604 : i32
        %get3A_1606 = arith.constant 1 : i32
        %get3A_1607 = arith.index_cast %get3A_1606 : i32 to index
        %get3A_1608 = arith.index_cast %add3A_1605 : i32 to index
        %get3A_1609 = arith.constant 16 : index
        %get3A_1610 = tpu.vector_load %arg8[%get3A_1607, %get3A_1608, %get3A_1609] {strides = array<i32>} : memref<2x640x64xf32, #tpu.memory_space<vmem>>, vector<1x1x16xf32>,
        %get3A_1611 = vector.shape_cast %get3A_1610 : vector<1x1x16xf32> to vector<16xf32>
        %max3A_1612 = arith.maximumf %max3A_1508, %get3A_1601 : vector<16xf32>
        %add3A_1613 = arith.addf %add3A_1509, %get3A_1601 : vector<16xf32>
        %max3A_1614 = arith.maximumf %max3A_1510, %get3A_1611 : vector<16xf32>
        %add3A_1615 = arith.addf %add3A_1511, %get3A_1611 : vector<16xf32>
        %mul3A_1616 = arith.mulf %get3A_1601, %get3A_1601 : vector<16xf32>
        %add3A_1617 = arith.addf %add3A_1515, %mul3A_1616 : vector<16xf32>
        %mul3A_1618 = arith.mulf %get3A_1611, %get3A_1611 : vector<16xf32>
        %add3A_1619 = arith.addf %add3A_1617, %mul3A_1618 : vector<16xf32>
        %add3A_1620 = arith.constant 12 : i32
        %add3A_1621 = arith.addi %mul3A_352, %add3A_1620 : i32
        %get3A_1622 = arith.constant 1 : i32
        %get3A_1623 = arith.index_cast %get3A_1622 : i32 to index
        %get3A_1624 = arith.index_cast %add3A_1621 : i32 to index
        %get3A_1625 = arith.constant 32 : index
        %get3A_1626 = tpu.vector_load %arg8[%get3A_1623, %get3A_1624, %get3A_1625] {strides = array<i32>} : memref<2x640x64xf32, #tpu.memory_space<vmem>>, vector<1x1x16xf32>,
        %get3A_1627 = vector.shape_cast %get3A_1626 : vector<1x1x16xf32> to vector<16xf32>
        %add3A_1628 = arith.constant 20 : i32
        %add3A_1629 = arith.addi %mul3A_352, %add3A_1628 : i32
        %add3A_1630 = arith.constant 12 : i32
        %add3A_1631 = arith.addi %add3A_1629, %add3A_1630 : i32
        %get3A_1632 = arith.constant 1 : i32
        %get3A_1633 = arith.index_cast %get3A_1632 : i32 to index
        %get3A_1634 = arith.index_cast %add3A_1631 : i32 to index
        %get3A_1635 = arith.constant 32 : index
        %get3A_1636 = tpu.vector_load %arg8[%get3A_1633, %get3A_1634, %get3A_1635] {strides = array<i32>} : memref<2x640x64xf32, #tpu.memory_space<vmem>>, vector<1x1x16xf32>,
        %get3A_1637 = vector.shape_cast %get3A_1636 : vector<1x1x16xf32> to vector<16xf32>
        %max3A_1638 = arith.maximumf %max3A_1534, %get3A_1627 : vector<16xf32>
        %add3A_1639 = arith.addf %add3A_1535, %get3A_1627 : vector<16xf32>
        %max3A_1640 = arith.maximumf %max3A_1536, %get3A_1637 : vector<16xf32>
        %add3A_1641 = arith.addf %add3A_1537, %get3A_1637 : vector<16xf32>
        %mul3A_1642 = arith.mulf %get3A_1627, %get3A_1627 : vector<16xf32>
        %add3A_1643 = arith.addf %add3A_1541, %mul3A_1642 : vector<16xf32>
        %mul3A_1644 = arith.mulf %get3A_1637, %get3A_1637 : vector<16xf32>
        %add3A_1645 = arith.addf %add3A_1643, %mul3A_1644 : vector<16xf32>
        %add3A_1646 = arith.constant 12 : i32
        %add3A_1647 = arith.addi %mul3A_352, %add3A_1646 : i32
        %get3A_1648 = arith.constant 1 : i32
        %get3A_1649 = arith.index_cast %get3A_1648 : i32 to index
        %get3A_1650 = arith.index_cast %add3A_1647 : i32 to index
        %get3A_1651 = arith.constant 48 : index
        %get3A_1652 = tpu.vector_load %arg8[%get3A_1649, %get3A_1650, %get3A_1651] {strides = array<i32>} : memref<2x640x64xf32, #tpu.memory_space<vmem>>, vector<1x1x16xf32>,
        %get3A_1653 = vector.shape_cast %get3A_1652 : vector<1x1x16xf32> to vector<16xf32>
        %add3A_1654 = arith.constant 20 : i32
        %add3A_1655 = arith.addi %mul3A_352, %add3A_1654 : i32
        %add3A_1656 = arith.constant 12 : i32
        %add3A_1657 = arith.addi %add3A_1655, %add3A_1656 : i32
        %get3A_1658 = arith.constant 1 : i32
        %get3A_1659 = arith.index_cast %get3A_1658 : i32 to index
        %get3A_1660 = arith.index_cast %add3A_1657 : i32 to index
        %get3A_1661 = arith.constant 48 : index
        %get3A_1662 = tpu.vector_load %arg8[%get3A_1659, %get3A_1660, %get3A_1661] {strides = array<i32>} : memref<2x640x64xf32, #tpu.memory_space<vmem>>, vector<1x1x16xf32>,
        %get3A_1663 = vector.shape_cast %get3A_1662 : vector<1x1x16xf32> to vector<16xf32>
        %max3A_1664 = arith.maximumf %max3A_1560, %get3A_1653 : vector<16xf32>
        %add3A_1665 = arith.addf %add3A_1561, %get3A_1653 : vector<16xf32>
        %max3A_1666 = arith.maximumf %max3A_1562, %get3A_1663 : vector<16xf32>
        %add3A_1667 = arith.addf %add3A_1563, %get3A_1663 : vector<16xf32>
        %mul3A_1668 = arith.mulf %get3A_1653, %get3A_1653 : vector<16xf32>
        %add3A_1669 = arith.addf %add3A_1567, %mul3A_1668 : vector<16xf32>
        %mul3A_1670 = arith.mulf %get3A_1663, %get3A_1663 : vector<16xf32>
        %add3A_1671 = arith.addf %add3A_1669, %mul3A_1670 : vector<16xf32>
        %add3A_1672 = arith.constant 13 : i32
        %add3A_1673 = arith.addi %mul3A_352, %add3A_1672 : i32
        %get3A_1674 = arith.constant 1 : i32
        %get3A_1675 = arith.index_cast %get3A_1674 : i32 to index
        %get3A_1676 = arith.index_cast %add3A_1673 : i32 to index
        %get3A_1677 = arith.constant 0 : index
        %get3A_1678 = tpu.vector_load %arg8[%get3A_1675, %get3A_1676, %get3A_1677] {strides = array<i32>} : memref<2x640x64xf32, #tpu.memory_space<vmem>>, vector<1x1x16xf32>,
        %get3A_1679 = vector.shape_cast %get3A_1678 : vector<1x1x16xf32> to vector<16xf32>
        %add3A_1680 = arith.constant 20 : i32
        %add3A_1681 = arith.addi %mul3A_352, %add3A_1680 : i32
        %add3A_1682 = arith.constant 13 : i32
        %add3A_1683 = arith.addi %add3A_1681, %add3A_1682 : i32
        %get3A_1684 = arith.constant 1 : i32
        %get3A_1685 = arith.index_cast %get3A_1684 : i32 to index
        %get3A_1686 = arith.index_cast %add3A_1683 : i32 to index
        %get3A_1687 = arith.constant 0 : index
        %get3A_1688 = tpu.vector_load %arg8[%get3A_1685, %get3A_1686, %get3A_1687] {strides = array<i32>} : memref<2x640x64xf32, #tpu.memory_space<vmem>>, vector<1x1x16xf32>,
        %get3A_1689 = vector.shape_cast %get3A_1688 : vector<1x1x16xf32> to vector<16xf32>
        %max3A_1690 = arith.maximumf %max3A_1586, %get3A_1679 : vector<16xf32>
        %add3A_1691 = arith.addf %add3A_1587, %get3A_1679 : vector<16xf32>
        %max3A_1692 = arith.maximumf %max3A_1588, %get3A_1689 : vector<16xf32>
        %add3A_1693 = arith.addf %add3A_1589, %get3A_1689 : vector<16xf32>
        %mul3A_1694 = arith.mulf %get3A_1679, %get3A_1679 : vector<16xf32>
        %add3A_1695 = arith.addf %add3A_1593, %mul3A_1694 : vector<16xf32>
        %mul3A_1696 = arith.mulf %get3A_1689, %get3A_1689 : vector<16xf32>
        %add3A_1697 = arith.addf %add3A_1695, %mul3A_1696 : vector<16xf32>
        %add3A_1698 = arith.constant 13 : i32
        %add3A_1699 = arith.addi %mul3A_352, %add3A_1698 : i32
        %get3A_1700 = arith.constant 1 : i32
        %get3A_1701 = arith.index_cast %get3A_1700 : i32 to index
        %get3A_1702 = arith.index_cast %add3A_1699 : i32 to index
        %get3A_1703 = arith.constant 16 : index
        %get3A_1704 = tpu.vector_load %arg8[%get3A_1701, %get3A_1702, %get3A_1703] {strides = array<i32>} : memref<2x640x64xf32, #tpu.memory_space<vmem>>, vector<1x1x16xf32>,
        %get3A_1705 = vector.shape_cast %get3A_1704 : vector<1x1x16xf32> to vector<16xf32>
        %add3A_1706 = arith.constant 20 : i32
        %add3A_1707 = arith.addi %mul3A_352, %add3A_1706 : i32
        %add3A_1708 = arith.constant 13 : i32
        %add3A_1709 = arith.addi %add3A_1707, %add3A_1708 : i32
        %get3A_1710 = arith.constant 1 : i32
        %get3A_1711 = arith.index_cast %get3A_1710 : i32 to index
        %get3A_1712 = arith.index_cast %add3A_1709 : i32 to index
        %get3A_1713 = arith.constant 16 : index
        %get3A_1714 = tpu.vector_load %arg8[%get3A_1711, %get3A_1712, %get3A_1713] {strides = array<i32>} : memref<2x640x64xf32, #tpu.memory_space<vmem>>, vector<1x1x16xf32>,
        %get3A_1715 = vector.shape_cast %get3A_1714 : vector<1x1x16xf32> to vector<16xf32>
        %max3A_1716 = arith.maximumf %max3A_1612, %get3A_1705 : vector<16xf32>
        %add3A_1717 = arith.addf %add3A_1613, %get3A_1705 : vector<16xf32>
        %max3A_1718 = arith.maximumf %max3A_1614, %get3A_1715 : vector<16xf32>
        %add3A_1719 = arith.addf %add3A_1615, %get3A_1715 : vector<16xf32>
        %mul3A_1720 = arith.mulf %get3A_1705, %get3A_1705 : vector<16xf32>
        %add3A_1721 = arith.addf %add3A_1619, %mul3A_1720 : vector<16xf32>
        %mul3A_1722 = arith.mulf %get3A_1715, %get3A_1715 : vector<16xf32>
        %add3A_1723 = arith.addf %add3A_1721, %mul3A_1722 : vector<16xf32>
        %add3A_1724 = arith.constant 13 : i32
        %add3A_1725 = arith.addi %mul3A_352, %add3A_1724 : i32
        %get3A_1726 = arith.constant 1 : i32
        %get3A_1727 = arith.index_cast %get3A_1726 : i32 to index
        %get3A_1728 = arith.index_cast %add3A_1725 : i32 to index
        %get3A_1729 = arith.constant 32 : index
        %get3A_1730 = tpu.vector_load %arg8[%get3A_1727, %get3A_1728, %get3A_1729] {strides = array<i32>} : memref<2x640x64xf32, #tpu.memory_space<vmem>>, vector<1x1x16xf32>,
        %get3A_1731 = vector.shape_cast %get3A_1730 : vector<1x1x16xf32> to vector<16xf32>
        %add3A_1732 = arith.constant 20 : i32
        %add3A_1733 = arith.addi %mul3A_352, %add3A_1732 : i32
        %add3A_1734 = arith.constant 13 : i32
        %add3A_1735 = arith.addi %add3A_1733, %add3A_1734 : i32
        %get3A_1736 = arith.constant 1 : i32
        %get3A_1737 = arith.index_cast %get3A_1736 : i32 to index
        %get3A_1738 = arith.index_cast %add3A_1735 : i32 to index
        %get3A_1739 = arith.constant 32 : index
        %get3A_1740 = tpu.vector_load %arg8[%get3A_1737, %get3A_1738, %get3A_1739] {strides = array<i32>} : memref<2x640x64xf32, #tpu.memory_space<vmem>>, vector<1x1x16xf32>,
        %get3A_1741 = vector.shape_cast %get3A_1740 : vector<1x1x16xf32> to vector<16xf32>
        %max3A_1742 = arith.maximumf %max3A_1638, %get3A_1731 : vector<16xf32>
        %add3A_1743 = arith.addf %add3A_1639, %get3A_1731 : vector<16xf32>
        %max3A_1744 = arith.maximumf %max3A_1640, %get3A_1741 : vector<16xf32>
        %add3A_1745 = arith.addf %add3A_1641, %get3A_1741 : vector<16xf32>
        %mul3A_1746 = arith.mulf %get3A_1731, %get3A_1731 : vector<16xf32>
        %add3A_1747 = arith.addf %add3A_1645, %mul3A_1746 : vector<16xf32>
        %mul3A_1748 = arith.mulf %get3A_1741, %get3A_1741 : vector<16xf32>
        %add3A_1749 = arith.addf %add3A_1747, %mul3A_1748 : vector<16xf32>
        %add3A_1750 = arith.constant 13 : i32
        %add3A_1751 = arith.addi %mul3A_352, %add3A_1750 : i32
        %get3A_1752 = arith.constant 1 : i32
        %get3A_1753 = arith.index_cast %get3A_1752 : i32 to index
        %get3A_1754 = arith.index_cast %add3A_1751 : i32 to index
        %get3A_1755 = arith.constant 48 : index
        %get3A_1756 = tpu.vector_load %arg8[%get3A_1753, %get3A_1754, %get3A_1755] {strides = array<i32>} : memref<2x640x64xf32, #tpu.memory_space<vmem>>, vector<1x1x16xf32>,
        %get3A_1757 = vector.shape_cast %get3A_1756 : vector<1x1x16xf32> to vector<16xf32>
        %add3A_1758 = arith.constant 20 : i32
        %add3A_1759 = arith.addi %mul3A_352, %add3A_1758 : i32
        %add3A_1760 = arith.constant 13 : i32
        %add3A_1761 = arith.addi %add3A_1759, %add3A_1760 : i32
        %get3A_1762 = arith.constant 1 : i32
        %get3A_1763 = arith.index_cast %get3A_1762 : i32 to index
        %get3A_1764 = arith.index_cast %add3A_1761 : i32 to index
        %get3A_1765 = arith.constant 48 : index
        %get3A_1766 = tpu.vector_load %arg8[%get3A_1763, %get3A_1764, %get3A_1765] {strides = array<i32>} : memref<2x640x64xf32, #tpu.memory_space<vmem>>, vector<1x1x16xf32>,
        %get3A_1767 = vector.shape_cast %get3A_1766 : vector<1x1x16xf32> to vector<16xf32>
        %max3A_1768 = arith.maximumf %max3A_1664, %get3A_1757 : vector<16xf32>
        %add3A_1769 = arith.addf %add3A_1665, %get3A_1757 : vector<16xf32>
        %max3A_1770 = arith.maximumf %max3A_1666, %get3A_1767 : vector<16xf32>
        %add3A_1771 = arith.addf %add3A_1667, %get3A_1767 : vector<16xf32>
        %mul3A_1772 = arith.mulf %get3A_1757, %get3A_1757 : vector<16xf32>
        %add3A_1773 = arith.addf %add3A_1671, %mul3A_1772 : vector<16xf32>
        %mul3A_1774 = arith.mulf %get3A_1767, %get3A_1767 : vector<16xf32>
        %add3A_1775 = arith.addf %add3A_1773, %mul3A_1774 : vector<16xf32>
        %add3A_1776 = arith.constant 14 : i32
        %add3A_1777 = arith.addi %mul3A_352, %add3A_1776 : i32
        %get3A_1778 = arith.constant 1 : i32
        %get3A_1779 = arith.index_cast %get3A_1778 : i32 to index
        %get3A_1780 = arith.index_cast %add3A_1777 : i32 to index
        %get3A_1781 = arith.constant 0 : index
        %get3A_1782 = tpu.vector_load %arg8[%get3A_1779, %get3A_1780, %get3A_1781] {strides = array<i32>} : memref<2x640x64xf32, #tpu.memory_space<vmem>>, vector<1x1x16xf32>,
        %get3A_1783 = vector.shape_cast %get3A_1782 : vector<1x1x16xf32> to vector<16xf32>
        %add3A_1784 = arith.constant 20 : i32
        %add3A_1785 = arith.addi %mul3A_352, %add3A_1784 : i32
        %add3A_1786 = arith.constant 14 : i32
        %add3A_1787 = arith.addi %add3A_1785, %add3A_1786 : i32
        %get3A_1788 = arith.constant 1 : i32
        %get3A_1789 = arith.index_cast %get3A_1788 : i32 to index
        %get3A_1790 = arith.index_cast %add3A_1787 : i32 to index
        %get3A_1791 = arith.constant 0 : index
        %get3A_1792 = tpu.vector_load %arg8[%get3A_1789, %get3A_1790, %get3A_1791] {strides = array<i32>} : memref<2x640x64xf32, #tpu.memory_space<vmem>>, vector<1x1x16xf32>,
        %get3A_1793 = vector.shape_cast %get3A_1792 : vector<1x1x16xf32> to vector<16xf32>
        %max3A_1794 = arith.maximumf %max3A_1690, %get3A_1783 : vector<16xf32>
        %add3A_1795 = arith.addf %add3A_1691, %get3A_1783 : vector<16xf32>
        %max3A_1796 = arith.maximumf %max3A_1692, %get3A_1793 : vector<16xf32>
        %add3A_1797 = arith.addf %add3A_1693, %get3A_1793 : vector<16xf32>
        %mul3A_1798 = arith.mulf %get3A_1783, %get3A_1783 : vector<16xf32>
        %add3A_1799 = arith.addf %add3A_1697, %mul3A_1798 : vector<16xf32>
        %mul3A_1800 = arith.mulf %get3A_1793, %get3A_1793 : vector<16xf32>
        %add3A_1801 = arith.addf %add3A_1799, %mul3A_1800 : vector<16xf32>
        %add3A_1802 = arith.constant 14 : i32
        %add3A_1803 = arith.addi %mul3A_352, %add3A_1802 : i32
        %get3A_1804 = arith.constant 1 : i32
        %get3A_1805 = arith.index_cast %get3A_1804 : i32 to index
        %get3A_1806 = arith.index_cast %add3A_1803 : i32 to index
        %get3A_1807 = arith.constant 16 : index
        %get3A_1808 = tpu.vector_load %arg8[%get3A_1805, %get3A_1806, %get3A_1807] {strides = array<i32>} : memref<2x640x64xf32, #tpu.memory_space<vmem>>, vector<1x1x16xf32>,
        %get3A_1809 = vector.shape_cast %get3A_1808 : vector<1x1x16xf32> to vector<16xf32>
        %add3A_1810 = arith.constant 20 : i32
        %add3A_1811 = arith.addi %mul3A_352, %add3A_1810 : i32
        %add3A_1812 = arith.constant 14 : i32
        %add3A_1813 = arith.addi %add3A_1811, %add3A_1812 : i32
        %get3A_1814 = arith.constant 1 : i32
        %get3A_1815 = arith.index_cast %get3A_1814 : i32 to index
        %get3A_1816 = arith.index_cast %add3A_1813 : i32 to index
        %get3A_1817 = arith.constant 16 : index
        %get3A_1818 = tpu.vector_load %arg8[%get3A_1815, %get3A_1816, %get3A_1817] {strides = array<i32>} : memref<2x640x64xf32, #tpu.memory_space<vmem>>, vector<1x1x16xf32>,
        %get3A_1819 = vector.shape_cast %get3A_1818 : vector<1x1x16xf32> to vector<16xf32>
        %max3A_1820 = arith.maximumf %max3A_1716, %get3A_1809 : vector<16xf32>
        %add3A_1821 = arith.addf %add3A_1717, %get3A_1809 : vector<16xf32>
        %max3A_1822 = arith.maximumf %max3A_1718, %get3A_1819 : vector<16xf32>
        %add3A_1823 = arith.addf %add3A_1719, %get3A_1819 : vector<16xf32>
        %mul3A_1824 = arith.mulf %get3A_1809, %get3A_1809 : vector<16xf32>
        %add3A_1825 = arith.addf %add3A_1723, %mul3A_1824 : vector<16xf32>
        %mul3A_1826 = arith.mulf %get3A_1819, %get3A_1819 : vector<16xf32>
        %add3A_1827 = arith.addf %add3A_1825, %mul3A_1826 : vector<16xf32>
        %add3A_1828 = arith.constant 14 : i32
        %add3A_1829 = arith.addi %mul3A_352, %add3A_1828 : i32
        %get3A_1830 = arith.constant 1 : i32
        %get3A_1831 = arith.index_cast %get3A_1830 : i32 to index
        %get3A_1832 = arith.index_cast %add3A_1829 : i32 to index
        %get3A_1833 = arith.constant 32 : index
        %get3A_1834 = tpu.vector_load %arg8[%get3A_1831, %get3A_1832, %get3A_1833] {strides = array<i32>} : memref<2x640x64xf32, #tpu.memory_space<vmem>>, vector<1x1x16xf32>,
        %get3A_1835 = vector.shape_cast %get3A_1834 : vector<1x1x16xf32> to vector<16xf32>
        %add3A_1836 = arith.constant 20 : i32
        %add3A_1837 = arith.addi %mul3A_352, %add3A_1836 : i32
        %add3A_1838 = arith.constant 14 : i32
        %add3A_1839 = arith.addi %add3A_1837, %add3A_1838 : i32
        %get3A_1840 = arith.constant 1 : i32
        %get3A_1841 = arith.index_cast %get3A_1840 : i32 to index
        %get3A_1842 = arith.index_cast %add3A_1839 : i32 to index
        %get3A_1843 = arith.constant 32 : index
        %get3A_1844 = tpu.vector_load %arg8[%get3A_1841, %get3A_1842, %get3A_1843] {strides = array<i32>} : memref<2x640x64xf32, #tpu.memory_space<vmem>>, vector<1x1x16xf32>,
        %get3A_1845 = vector.shape_cast %get3A_1844 : vector<1x1x16xf32> to vector<16xf32>
        %max3A_1846 = arith.maximumf %max3A_1742, %get3A_1835 : vector<16xf32>
        %add3A_1847 = arith.addf %add3A_1743, %get3A_1835 : vector<16xf32>
        %max3A_1848 = arith.maximumf %max3A_1744, %get3A_1845 : vector<16xf32>
        %add3A_1849 = arith.addf %add3A_1745, %get3A_1845 : vector<16xf32>
        %mul3A_1850 = arith.mulf %get3A_1835, %get3A_1835 : vector<16xf32>
        %add3A_1851 = arith.addf %add3A_1749, %mul3A_1850 : vector<16xf32>
        %mul3A_1852 = arith.mulf %get3A_1845, %get3A_1845 : vector<16xf32>
        %add3A_1853 = arith.addf %add3A_1851, %mul3A_1852 : vector<16xf32>
        %add3A_1854 = arith.constant 14 : i32
        %add3A_1855 = arith.addi %mul3A_352, %add3A_1854 : i32
        %get3A_1856 = arith.constant 1 : i32
        %get3A_1857 = arith.index_cast %get3A_1856 : i32 to index
        %get3A_1858 = arith.index_cast %add3A_1855 : i32 to index
        %get3A_1859 = arith.constant 48 : index
        %get3A_1860 = tpu.vector_load %arg8[%get3A_1857, %get3A_1858, %get3A_1859] {strides = array<i32>} : memref<2x640x64xf32, #tpu.memory_space<vmem>>, vector<1x1x16xf32>,
        %get3A_1861 = vector.shape_cast %get3A_1860 : vector<1x1x16xf32> to vector<16xf32>
        %add3A_1862 = arith.constant 20 : i32
        %add3A_1863 = arith.addi %mul3A_352, %add3A_1862 : i32
        %add3A_1864 = arith.constant 14 : i32
        %add3A_1865 = arith.addi %add3A_1863, %add3A_1864 : i32
        %get3A_1866 = arith.constant 1 : i32
        %get3A_1867 = arith.index_cast %get3A_1866 : i32 to index
        %get3A_1868 = arith.index_cast %add3A_1865 : i32 to index
        %get3A_1869 = arith.constant 48 : index
        %get3A_1870 = tpu.vector_load %arg8[%get3A_1867, %get3A_1868, %get3A_1869] {strides = array<i32>} : memref<2x640x64xf32, #tpu.memory_space<vmem>>, vector<1x1x16xf32>,
        %get3A_1871 = vector.shape_cast %get3A_1870 : vector<1x1x16xf32> to vector<16xf32>
        %max3A_1872 = arith.maximumf %max3A_1768, %get3A_1861 : vector<16xf32>
        %add3A_1873 = arith.addf %add3A_1769, %get3A_1861 : vector<16xf32>
        %max3A_1874 = arith.maximumf %max3A_1770, %get3A_1871 : vector<16xf32>
        %add3A_1875 = arith.addf %add3A_1771, %get3A_1871 : vector<16xf32>
        %mul3A_1876 = arith.mulf %get3A_1861, %get3A_1861 : vector<16xf32>
        %add3A_1877 = arith.addf %add3A_1775, %mul3A_1876 : vector<16xf32>
        %mul3A_1878 = arith.mulf %get3A_1871, %get3A_1871 : vector<16xf32>
        %add3A_1879 = arith.addf %add3A_1877, %mul3A_1878 : vector<16xf32>
        %add3A_1880 = arith.constant 15 : i32
        %add3A_1881 = arith.addi %mul3A_352, %add3A_1880 : i32
        %get3A_1882 = arith.constant 1 : i32
        %get3A_1883 = arith.index_cast %get3A_1882 : i32 to index
        %get3A_1884 = arith.index_cast %add3A_1881 : i32 to index
        %get3A_1885 = arith.constant 0 : index
        %get3A_1886 = tpu.vector_load %arg8[%get3A_1883, %get3A_1884, %get3A_1885] {strides = array<i32>} : memref<2x640x64xf32, #tpu.memory_space<vmem>>, vector<1x1x16xf32>,
        %get3A_1887 = vector.shape_cast %get3A_1886 : vector<1x1x16xf32> to vector<16xf32>
        %add3A_1888 = arith.constant 20 : i32
        %add3A_1889 = arith.addi %mul3A_352, %add3A_1888 : i32
        %add3A_1890 = arith.constant 15 : i32
        %add3A_1891 = arith.addi %add3A_1889, %add3A_1890 : i32
        %get3A_1892 = arith.constant 1 : i32
        %get3A_1893 = arith.index_cast %get3A_1892 : i32 to index
        %get3A_1894 = arith.index_cast %add3A_1891 : i32 to index
        %get3A_1895 = arith.constant 0 : index
        %get3A_1896 = tpu.vector_load %arg8[%get3A_1893, %get3A_1894, %get3A_1895] {strides = array<i32>} : memref<2x640x64xf32, #tpu.memory_space<vmem>>, vector<1x1x16xf32>,
        %get3A_1897 = vector.shape_cast %get3A_1896 : vector<1x1x16xf32> to vector<16xf32>
        %max3A_1898 = arith.maximumf %max3A_1794, %get3A_1887 : vector<16xf32>
        %add3A_1899 = arith.addf %add3A_1795, %get3A_1887 : vector<16xf32>
        %max3A_1900 = arith.maximumf %max3A_1796, %get3A_1897 : vector<16xf32>
        %add3A_1901 = arith.addf %add3A_1797, %get3A_1897 : vector<16xf32>
        %mul3A_1902 = arith.mulf %get3A_1887, %get3A_1887 : vector<16xf32>
        %add3A_1903 = arith.addf %add3A_1801, %mul3A_1902 : vector<16xf32>
        %mul3A_1904 = arith.mulf %get3A_1897, %get3A_1897 : vector<16xf32>
        %add3A_1905 = arith.addf %add3A_1903, %mul3A_1904 : vector<16xf32>
        %add3A_1906 = arith.constant 15 : i32
        %add3A_1907 = arith.addi %mul3A_352, %add3A_1906 : i32
        %get3A_1908 = arith.constant 1 : i32
        %get3A_1909 = arith.index_cast %get3A_1908 : i32 to index
        %get3A_1910 = arith.index_cast %add3A_1907 : i32 to index
        %get3A_1911 = arith.constant 16 : index
        %get3A_1912 = tpu.vector_load %arg8[%get3A_1909, %get3A_1910, %get3A_1911] {strides = array<i32>} : memref<2x640x64xf32, #tpu.memory_space<vmem>>, vector<1x1x16xf32>,
        %get3A_1913 = vector.shape_cast %get3A_1912 : vector<1x1x16xf32> to vector<16xf32>
        %add3A_1914 = arith.constant 20 : i32
        %add3A_1915 = arith.addi %mul3A_352, %add3A_1914 : i32
        %add3A_1916 = arith.constant 15 : i32
        %add3A_1917 = arith.addi %add3A_1915, %add3A_1916 : i32
        %get3A_1918 = arith.constant 1 : i32
        %get3A_1919 = arith.index_cast %get3A_1918 : i32 to index
        %get3A_1920 = arith.index_cast %add3A_1917 : i32 to index
        %get3A_1921 = arith.constant 16 : index
        %get3A_1922 = tpu.vector_load %arg8[%get3A_1919, %get3A_1920, %get3A_1921] {strides = array<i32>} : memref<2x640x64xf32, #tpu.memory_space<vmem>>, vector<1x1x16xf32>,
        %get3A_1923 = vector.shape_cast %get3A_1922 : vector<1x1x16xf32> to vector<16xf32>
        %max3A_1924 = arith.maximumf %max3A_1820, %get3A_1913 : vector<16xf32>
        %add3A_1925 = arith.addf %add3A_1821, %get3A_1913 : vector<16xf32>
        %max3A_1926 = arith.maximumf %max3A_1822, %get3A_1923 : vector<16xf32>
        %add3A_1927 = arith.addf %add3A_1823, %get3A_1923 : vector<16xf32>
        %mul3A_1928 = arith.mulf %get3A_1913, %get3A_1913 : vector<16xf32>
        %add3A_1929 = arith.addf %add3A_1827, %mul3A_1928 : vector<16xf32>
        %mul3A_1930 = arith.mulf %get3A_1923, %get3A_1923 : vector<16xf32>
        %add3A_1931 = arith.addf %add3A_1929, %mul3A_1930 : vector<16xf32>
        %add3A_1932 = arith.constant 15 : i32
        %add3A_1933 = arith.addi %mul3A_352, %add3A_1932 : i32
        %get3A_1934 = arith.constant 1 : i32
        %get3A_1935 = arith.index_cast %get3A_1934 : i32 to index
        %get3A_1936 = arith.index_cast %add3A_1933 : i32 to index
        %get3A_1937 = arith.constant 32 : index
        %get3A_1938 = tpu.vector_load %arg8[%get3A_1935, %get3A_1936, %get3A_1937] {strides = array<i32>} : memref<2x640x64xf32, #tpu.memory_space<vmem>>, vector<1x1x16xf32>,
        %get3A_1939 = vector.shape_cast %get3A_1938 : vector<1x1x16xf32> to vector<16xf32>
        %add3A_1940 = arith.constant 20 : i32
        %add3A_1941 = arith.addi %mul3A_352, %add3A_1940 : i32
        %add3A_1942 = arith.constant 15 : i32
        %add3A_1943 = arith.addi %add3A_1941, %add3A_1942 : i32
        %get3A_1944 = arith.constant 1 : i32
        %get3A_1945 = arith.index_cast %get3A_1944 : i32 to index
        %get3A_1946 = arith.index_cast %add3A_1943 : i32 to index
        %get3A_1947 = arith.constant 32 : index
        %get3A_1948 = tpu.vector_load %arg8[%get3A_1945, %get3A_1946, %get3A_1947] {strides = array<i32>} : memref<2x640x64xf32, #tpu.memory_space<vmem>>, vector<1x1x16xf32>,
        %get3A_1949 = vector.shape_cast %get3A_1948 : vector<1x1x16xf32> to vector<16xf32>
        %max3A_1950 = arith.maximumf %max3A_1846, %get3A_1939 : vector<16xf32>
        %add3A_1951 = arith.addf %add3A_1847, %get3A_1939 : vector<16xf32>
        %max3A_1952 = arith.maximumf %max3A_1848, %get3A_1949 : vector<16xf32>
        %add3A_1953 = arith.addf %add3A_1849, %get3A_1949 : vector<16xf32>
        %mul3A_1954 = arith.mulf %get3A_1939, %get3A_1939 : vector<16xf32>
        %add3A_1955 = arith.addf %add3A_1853, %mul3A_1954 : vector<16xf32>
        %mul3A_1956 = arith.mulf %get3A_1949, %get3A_1949 : vector<16xf32>
        %add3A_1957 = arith.addf %add3A_1955, %mul3A_1956 : vector<16xf32>
        %add3A_1958 = arith.constant 15 : i32
        %add3A_1959 = arith.addi %mul3A_352, %add3A_1958 : i32
        %get3A_1960 = arith.constant 1 : i32
        %get3A_1961 = arith.index_cast %get3A_1960 : i32 to index
        %get3A_1962 = arith.index_cast %add3A_1959 : i32 to index
        %get3A_1963 = arith.constant 48 : index
        %get3A_1964 = tpu.vector_load %arg8[%get3A_1961, %get3A_1962, %get3A_1963] {strides = array<i32>} : memref<2x640x64xf32, #tpu.memory_space<vmem>>, vector<1x1x16xf32>,
        %get3A_1965 = vector.shape_cast %get3A_1964 : vector<1x1x16xf32> to vector<16xf32>
        %add3A_1966 = arith.constant 20 : i32
        %add3A_1967 = arith.addi %mul3A_352, %add3A_1966 : i32
        %add3A_1968 = arith.constant 15 : i32
        %add3A_1969 = arith.addi %add3A_1967, %add3A_1968 : i32
        %get3A_1970 = arith.constant 1 : i32
        %get3A_1971 = arith.index_cast %get3A_1970 : i32 to index
        %get3A_1972 = arith.index_cast %add3A_1969 : i32 to index
        %get3A_1973 = arith.constant 48 : index
        %get3A_1974 = tpu.vector_load %arg8[%get3A_1971, %get3A_1972, %get3A_1973] {strides = array<i32>} : memref<2x640x64xf32, #tpu.memory_space<vmem>>, vector<1x1x16xf32>,
        %get3A_1975 = vector.shape_cast %get3A_1974 : vector<1x1x16xf32> to vector<16xf32>
        %max3A_1976 = arith.maximumf %max3A_1872, %get3A_1965 : vector<16xf32>
        %add3A_1977 = arith.addf %add3A_1873, %get3A_1965 : vector<16xf32>
        %max3A_1978 = arith.maximumf %max3A_1874, %get3A_1975 : vector<16xf32>
        %add3A_1979 = arith.addf %add3A_1875, %get3A_1975 : vector<16xf32>
        %mul3A_1980 = arith.mulf %get3A_1965, %get3A_1965 : vector<16xf32>
        %add3A_1981 = arith.addf %add3A_1879, %mul3A_1980 : vector<16xf32>
        %mul3A_1982 = arith.mulf %get3A_1975, %get3A_1975 : vector<16xf32>
        %add3A_1983 = arith.addf %add3A_1981, %mul3A_1982 : vector<16xf32>
        %add3A_1984 = arith.constant 16 : i32
        %add3A_1985 = arith.addi %mul3A_352, %add3A_1984 : i32
        %get3A_1986 = arith.constant 1 : i32
        %get3A_1987 = arith.index_cast %get3A_1986 : i32 to index
        %get3A_1988 = arith.index_cast %add3A_1985 : i32 to index
        %get3A_1989 = arith.constant 0 : index
        %get3A_1990 = tpu.vector_load %arg8[%get3A_1987, %get3A_1988, %get3A_1989] {strides = array<i32>} : memref<2x640x64xf32, #tpu.memory_space<vmem>>, vector<1x1x16xf32>,
        %get3A_1991 = vector.shape_cast %get3A_1990 : vector<1x1x16xf32> to vector<16xf32>
        %add3A_1992 = arith.constant 20 : i32
        %add3A_1993 = arith.addi %mul3A_352, %add3A_1992 : i32
        %add3A_1994 = arith.constant 16 : i32
        %add3A_1995 = arith.addi %add3A_1993, %add3A_1994 : i32
        %get3A_1996 = arith.constant 1 : i32
        %get3A_1997 = arith.index_cast %get3A_1996 : i32 to index
        %get3A_1998 = arith.index_cast %add3A_1995 : i32 to index
        %get3A_1999 = arith.constant 0 : index
        %get3A_2000 = tpu.vector_load %arg8[%get3A_1997, %get3A_1998, %get3A_1999] {strides = array<i32>} : memref<2x640x64xf32, #tpu.memory_space<vmem>>, vector<1x1x16xf32>,
        %get3A_2001 = vector.shape_cast %get3A_2000 : vector<1x1x16xf32> to vector<16xf32>
        %max3A_2002 = arith.maximumf %max3A_1898, %get3A_1991 : vector<16xf32>
        %add3A_2003 = arith.addf %add3A_1899, %get3A_1991 : vector<16xf32>
        %max3A_2004 = arith.maximumf %max3A_1900, %get3A_2001 : vector<16xf32>
        %add3A_2005 = arith.addf %add3A_1901, %get3A_2001 : vector<16xf32>
        %mul3A_2006 = arith.mulf %get3A_1991, %get3A_1991 : vector<16xf32>
        %add3A_2007 = arith.addf %add3A_1905, %mul3A_2006 : vector<16xf32>
        %mul3A_2008 = arith.mulf %get3A_2001, %get3A_2001 : vector<16xf32>
        %add3A_2009 = arith.addf %add3A_2007, %mul3A_2008 : vector<16xf32>
        %add3A_2010 = arith.constant 16 : i32
        %add3A_2011 = arith.addi %mul3A_352, %add3A_2010 : i32
        %get3A_2012 = arith.constant 1 : i32
        %get3A_2013 = arith.index_cast %get3A_2012 : i32 to index
        %get3A_2014 = arith.index_cast %add3A_2011 : i32 to index
        %get3A_2015 = arith.constant 16 : index
        %get3A_2016 = tpu.vector_load %arg8[%get3A_2013, %get3A_2014, %get3A_2015] {strides = array<i32>} : memref<2x640x64xf32, #tpu.memory_space<vmem>>, vector<1x1x16xf32>,
        %get3A_2017 = vector.shape_cast %get3A_2016 : vector<1x1x16xf32> to vector<16xf32>
        %add3A_2018 = arith.constant 20 : i32
        %add3A_2019 = arith.addi %mul3A_352, %add3A_2018 : i32
        %add3A_2020 = arith.constant 16 : i32
        %add3A_2021 = arith.addi %add3A_2019, %add3A_2020 : i32
        %get3A_2022 = arith.constant 1 : i32
        %get3A_2023 = arith.index_cast %get3A_2022 : i32 to index
        %get3A_2024 = arith.index_cast %add3A_2021 : i32 to index
        %get3A_2025 = arith.constant 16 : index
        %get3A_2026 = tpu.vector_load %arg8[%get3A_2023, %get3A_2024, %get3A_2025] {strides = array<i32>} : memref<2x640x64xf32, #tpu.memory_space<vmem>>, vector<1x1x16xf32>,
        %get3A_2027 = vector.shape_cast %get3A_2026 : vector<1x1x16xf32> to vector<16xf32>
        %max3A_2028 = arith.maximumf %max3A_1924, %get3A_2017 : vector<16xf32>
        %add3A_2029 = arith.addf %add3A_1925, %get3A_2017 : vector<16xf32>
        %max3A_2030 = arith.maximumf %max3A_1926, %get3A_2027 : vector<16xf32>
        %add3A_2031 = arith.addf %add3A_1927, %get3A_2027 : vector<16xf32>
        %mul3A_2032 = arith.mulf %get3A_2017, %get3A_2017 : vector<16xf32>
        %add3A_2033 = arith.addf %add3A_1931, %mul3A_2032 : vector<16xf32>
        %mul3A_2034 = arith.mulf %get3A_2027, %get3A_2027 : vector<16xf32>
        %add3A_2035 = arith.addf %add3A_2033, %mul3A_2034 : vector<16xf32>
        %add3A_2036 = arith.constant 16 : i32
        %add3A_2037 = arith.addi %mul3A_352, %add3A_2036 : i32
        %get3A_2038 = arith.constant 1 : i32
        %get3A_2039 = arith.index_cast %get3A_2038 : i32 to index
        %get3A_2040 = arith.index_cast %add3A_2037 : i32 to index
        %get3A_2041 = arith.constant 32 : index
        %get3A_2042 = tpu.vector_load %arg8[%get3A_2039, %get3A_2040, %get3A_2041] {strides = array<i32>} : memref<2x640x64xf32, #tpu.memory_space<vmem>>, vector<1x1x16xf32>,
        %get3A_2043 = vector.shape_cast %get3A_2042 : vector<1x1x16xf32> to vector<16xf32>
        %add3A_2044 = arith.constant 20 : i32
        %add3A_2045 = arith.addi %mul3A_352, %add3A_2044 : i32
        %add3A_2046 = arith.constant 16 : i32
        %add3A_2047 = arith.addi %add3A_2045, %add3A_2046 : i32
        %get3A_2048 = arith.constant 1 : i32
        %get3A_2049 = arith.index_cast %get3A_2048 : i32 to index
        %get3A_2050 = arith.index_cast %add3A_2047 : i32 to index
        %get3A_2051 = arith.constant 32 : index
        %get3A_2052 = tpu.vector_load %arg8[%get3A_2049, %get3A_2050, %get3A_2051] {strides = array<i32>} : memref<2x640x64xf32, #tpu.memory_space<vmem>>, vector<1x1x16xf32>,
        %get3A_2053 = vector.shape_cast %get3A_2052 : vector<1x1x16xf32> to vector<16xf32>
        %max3A_2054 = arith.maximumf %max3A_1950, %get3A_2043 : vector<16xf32>
        %add3A_2055 = arith.addf %add3A_1951, %get3A_2043 : vector<16xf32>
        %max3A_2056 = arith.maximumf %max3A_1952, %get3A_2053 : vector<16xf32>
        %add3A_2057 = arith.addf %add3A_1953, %get3A_2053 : vector<16xf32>
        %mul3A_2058 = arith.mulf %get3A_2043, %get3A_2043 : vector<16xf32>
        %add3A_2059 = arith.addf %add3A_1957, %mul3A_2058 : vector<16xf32>
        %mul3A_2060 = arith.mulf %get3A_2053, %get3A_2053 : vector<16xf32>
        %add3A_2061 = arith.addf %add3A_2059, %mul3A_2060 : vector<16xf32>
        %add3A_2062 = arith.constant 16 : i32
        %add3A_2063 = arith.addi %mul3A_352, %add3A_2062 : i32
        %get3A_2064 = arith.constant 1 : i32
        %get3A_2065 = arith.index_cast %get3A_2064 : i32 to index
        %get3A_2066 = arith.index_cast %add3A_2063 : i32 to index
        %get3A_2067 = arith.constant 48 : index
        %get3A_2068 = tpu.vector_load %arg8[%get3A_2065, %get3A_2066, %get3A_2067] {strides = array<i32>} : memref<2x640x64xf32, #tpu.memory_space<vmem>>, vector<1x1x16xf32>,
        %get3A_2069 = vector.shape_cast %get3A_2068 : vector<1x1x16xf32> to vector<16xf32>
        %add3A_2070 = arith.constant 20 : i32
        %add3A_2071 = arith.addi %mul3A_352, %add3A_2070 : i32
        %add3A_2072 = arith.constant 16 : i32
        %add3A_2073 = arith.addi %add3A_2071, %add3A_2072 : i32
        %get3A_2074 = arith.constant 1 : i32
        %get3A_2075 = arith.index_cast %get3A_2074 : i32 to index
        %get3A_2076 = arith.index_cast %add3A_2073 : i32 to index
        %get3A_2077 = arith.constant 48 : index
        %get3A_2078 = tpu.vector_load %arg8[%get3A_2075, %get3A_2076, %get3A_2077] {strides = array<i32>} : memref<2x640x64xf32, #tpu.memory_space<vmem>>, vector<1x1x16xf32>,
        %get3A_2079 = vector.shape_cast %get3A_2078 : vector<1x1x16xf32> to vector<16xf32>
        %max3A_2080 = arith.maximumf %max3A_1976, %get3A_2069 : vector<16xf32>
        %add3A_2081 = arith.addf %add3A_1977, %get3A_2069 : vector<16xf32>
        %max3A_2082 = arith.maximumf %max3A_1978, %get3A_2079 : vector<16xf32>
        %add3A_2083 = arith.addf %add3A_1979, %get3A_2079 : vector<16xf32>
        %mul3A_2084 = arith.mulf %get3A_2069, %get3A_2069 : vector<16xf32>
        %add3A_2085 = arith.addf %add3A_1983, %mul3A_2084 : vector<16xf32>
        %mul3A_2086 = arith.mulf %get3A_2079, %get3A_2079 : vector<16xf32>
        %add3A_2087 = arith.addf %add3A_2085, %mul3A_2086 : vector<16xf32>
        %add3A_2088 = arith.constant 17 : i32
        %add3A_2089 = arith.addi %mul3A_352, %add3A_2088 : i32
        %get3A_2090 = arith.constant 1 : i32
        %get3A_2091 = arith.index_cast %get3A_2090 : i32 to index
        %get3A_2092 = arith.index_cast %add3A_2089 : i32 to index
        %get3A_2093 = arith.constant 0 : index
        %get3A_2094 = tpu.vector_load %arg8[%get3A_2091, %get3A_2092, %get3A_2093] {strides = array<i32>} : memref<2x640x64xf32, #tpu.memory_space<vmem>>, vector<1x1x16xf32>,
        %get3A_2095 = vector.shape_cast %get3A_2094 : vector<1x1x16xf32> to vector<16xf32>
        %add3A_2096 = arith.constant 20 : i32
        %add3A_2097 = arith.addi %mul3A_352, %add3A_2096 : i32
        %add3A_2098 = arith.constant 17 : i32
        %add3A_2099 = arith.addi %add3A_2097, %add3A_2098 : i32
        %get3A_2100 = arith.constant 1 : i32
        %get3A_2101 = arith.index_cast %get3A_2100 : i32 to index
        %get3A_2102 = arith.index_cast %add3A_2099 : i32 to index
        %get3A_2103 = arith.constant 0 : index
        %get3A_2104 = tpu.vector_load %arg8[%get3A_2101, %get3A_2102, %get3A_2103] {strides = array<i32>} : memref<2x640x64xf32, #tpu.memory_space<vmem>>, vector<1x1x16xf32>,
        %get3A_2105 = vector.shape_cast %get3A_2104 : vector<1x1x16xf32> to vector<16xf32>
        %max3A_2106 = arith.maximumf %max3A_2002, %get3A_2095 : vector<16xf32>
        %add3A_2107 = arith.addf %add3A_2003, %get3A_2095 : vector<16xf32>
        %max3A_2108 = arith.maximumf %max3A_2004, %get3A_2105 : vector<16xf32>
        %add3A_2109 = arith.addf %add3A_2005, %get3A_2105 : vector<16xf32>
        %mul3A_2110 = arith.mulf %get3A_2095, %get3A_2095 : vector<16xf32>
        %add3A_2111 = arith.addf %add3A_2009, %mul3A_2110 : vector<16xf32>
        %mul3A_2112 = arith.mulf %get3A_2105, %get3A_2105 : vector<16xf32>
        %add3A_2113 = arith.addf %add3A_2111, %mul3A_2112 : vector<16xf32>
        %add3A_2114 = arith.constant 17 : i32
        %add3A_2115 = arith.addi %mul3A_352, %add3A_2114 : i32
        %get3A_2116 = arith.constant 1 : i32
        %get3A_2117 = arith.index_cast %get3A_2116 : i32 to index
        %get3A_2118 = arith.index_cast %add3A_2115 : i32 to index
        %get3A_2119 = arith.constant 16 : index
        %get3A_2120 = tpu.vector_load %arg8[%get3A_2117, %get3A_2118, %get3A_2119] {strides = array<i32>} : memref<2x640x64xf32, #tpu.memory_space<vmem>>, vector<1x1x16xf32>,
        %get3A_2121 = vector.shape_cast %get3A_2120 : vector<1x1x16xf32> to vector<16xf32>
        %add3A_2122 = arith.constant 20 : i32
        %add3A_2123 = arith.addi %mul3A_352, %add3A_2122 : i32
        %add3A_2124 = arith.constant 17 : i32
        %add3A_2125 = arith.addi %add3A_2123, %add3A_2124 : i32
        %get3A_2126 = arith.constant 1 : i32
        %get3A_2127 = arith.index_cast %get3A_2126 : i32 to index
        %get3A_2128 = arith.index_cast %add3A_2125 : i32 to index
        %get3A_2129 = arith.constant 16 : index
        %get3A_2130 = tpu.vector_load %arg8[%get3A_2127, %get3A_2128, %get3A_2129] {strides = array<i32>} : memref<2x640x64xf32, #tpu.memory_space<vmem>>, vector<1x1x16xf32>,
        %get3A_2131 = vector.shape_cast %get3A_2130 : vector<1x1x16xf32> to vector<16xf32>
        %max3A_2132 = arith.maximumf %max3A_2028, %get3A_2121 : vector<16xf32>
        %add3A_2133 = arith.addf %add3A_2029, %get3A_2121 : vector<16xf32>
        %max3A_2134 = arith.maximumf %max3A_2030, %get3A_2131 : vector<16xf32>
        %add3A_2135 = arith.addf %add3A_2031, %get3A_2131 : vector<16xf32>
        %mul3A_2136 = arith.mulf %get3A_2121, %get3A_2121 : vector<16xf32>
        %add3A_2137 = arith.addf %add3A_2035, %mul3A_2136 : vector<16xf32>
        %mul3A_2138 = arith.mulf %get3A_2131, %get3A_2131 : vector<16xf32>
        %add3A_2139 = arith.addf %add3A_2137, %mul3A_2138 : vector<16xf32>
        %add3A_2140 = arith.constant 17 : i32
        %add3A_2141 = arith.addi %mul3A_352, %add3A_2140 : i32
        %get3A_2142 = arith.constant 1 : i32
        %get3A_2143 = arith.index_cast %get3A_2142 : i32 to index
        %get3A_2144 = arith.index_cast %add3A_2141 : i32 to index
        %get3A_2145 = arith.constant 32 : index
        %get3A_2146 = tpu.vector_load %arg8[%get3A_2143, %get3A_2144, %get3A_2145] {strides = array<i32>} : memref<2x640x64xf32, #tpu.memory_space<vmem>>, vector<1x1x16xf32>,
        %get3A_2147 = vector.shape_cast %get3A_2146 : vector<1x1x16xf32> to vector<16xf32>
        %add3A_2148 = arith.constant 20 : i32
        %add3A_2149 = arith.addi %mul3A_352, %add3A_2148 : i32
        %add3A_2150 = arith.constant 17 : i32
        %add3A_2151 = arith.addi %add3A_2149, %add3A_2150 : i32
        %get3A_2152 = arith.constant 1 : i32
        %get3A_2153 = arith.index_cast %get3A_2152 : i32 to index
        %get3A_2154 = arith.index_cast %add3A_2151 : i32 to index
        %get3A_2155 = arith.constant 32 : index
        %get3A_2156 = tpu.vector_load %arg8[%get3A_2153, %get3A_2154, %get3A_2155] {strides = array<i32>} : memref<2x640x64xf32, #tpu.memory_space<vmem>>, vector<1x1x16xf32>,
        %get3A_2157 = vector.shape_cast %get3A_2156 : vector<1x1x16xf32> to vector<16xf32>
        %max3A_2158 = arith.maximumf %max3A_2054, %get3A_2147 : vector<16xf32>
        %add3A_2159 = arith.addf %add3A_2055, %get3A_2147 : vector<16xf32>
        %max3A_2160 = arith.maximumf %max3A_2056, %get3A_2157 : vector<16xf32>
        %add3A_2161 = arith.addf %add3A_2057, %get3A_2157 : vector<16xf32>
        %mul3A_2162 = arith.mulf %get3A_2147, %get3A_2147 : vector<16xf32>
        %add3A_2163 = arith.addf %add3A_2061, %mul3A_2162 : vector<16xf32>
        %mul3A_2164 = arith.mulf %get3A_2157, %get3A_2157 : vector<16xf32>
        %add3A_2165 = arith.addf %add3A_2163, %mul3A_2164 : vector<16xf32>
        %add3A_2166 = arith.constant 17 : i32
        %add3A_2167 = arith.addi %mul3A_352, %add3A_2166 : i32
        %get3A_2168 = arith.constant 1 : i32
        %get3A_2169 = arith.index_cast %get3A_2168 : i32 to index
        %get3A_2170 = arith.index_cast %add3A_2167 : i32 to index
        %get3A_2171 = arith.constant 48 : index
        %get3A_2172 = tpu.vector_load %arg8[%get3A_2169, %get3A_2170, %get3A_2171] {strides = array<i32>} : memref<2x640x64xf32, #tpu.memory_space<vmem>>, vector<1x1x16xf32>,
        %get3A_2173 = vector.shape_cast %get3A_2172 : vector<1x1x16xf32> to vector<16xf32>
        %add3A_2174 = arith.constant 20 : i32
        %add3A_2175 = arith.addi %mul3A_352, %add3A_2174 : i32
        %add3A_2176 = arith.constant 17 : i32
        %add3A_2177 = arith.addi %add3A_2175, %add3A_2176 : i32
        %get3A_2178 = arith.constant 1 : i32
        %get3A_2179 = arith.index_cast %get3A_2178 : i32 to index
        %get3A_2180 = arith.index_cast %add3A_2177 : i32 to index
        %get3A_2181 = arith.constant 48 : index
        %get3A_2182 = tpu.vector_load %arg8[%get3A_2179, %get3A_2180, %get3A_2181] {strides = array<i32>} : memref<2x640x64xf32, #tpu.memory_space<vmem>>, vector<1x1x16xf32>,
        %get3A_2183 = vector.shape_cast %get3A_2182 : vector<1x1x16xf32> to vector<16xf32>
        %max3A_2184 = arith.maximumf %max3A_2080, %get3A_2173 : vector<16xf32>
        %add3A_2185 = arith.addf %add3A_2081, %get3A_2173 : vector<16xf32>
        %max3A_2186 = arith.maximumf %max3A_2082, %get3A_2183 : vector<16xf32>
        %add3A_2187 = arith.addf %add3A_2083, %get3A_2183 : vector<16xf32>
        %mul3A_2188 = arith.mulf %get3A_2173, %get3A_2173 : vector<16xf32>
        %add3A_2189 = arith.addf %add3A_2087, %mul3A_2188 : vector<16xf32>
        %mul3A_2190 = arith.mulf %get3A_2183, %get3A_2183 : vector<16xf32>
        %add3A_2191 = arith.addf %add3A_2189, %mul3A_2190 : vector<16xf32>
        %add3A_2192 = arith.constant 18 : i32
        %add3A_2193 = arith.addi %mul3A_352, %add3A_2192 : i32
        %get3A_2194 = arith.constant 1 : i32
        %get3A_2195 = arith.index_cast %get3A_2194 : i32 to index
        %get3A_2196 = arith.index_cast %add3A_2193 : i32 to index
        %get3A_2197 = arith.constant 0 : index
        %get3A_2198 = tpu.vector_load %arg8[%get3A_2195, %get3A_2196, %get3A_2197] {strides = array<i32>} : memref<2x640x64xf32, #tpu.memory_space<vmem>>, vector<1x1x16xf32>,
        %get3A_2199 = vector.shape_cast %get3A_2198 : vector<1x1x16xf32> to vector<16xf32>
        %add3A_2200 = arith.constant 20 : i32
        %add3A_2201 = arith.addi %mul3A_352, %add3A_2200 : i32
        %add3A_2202 = arith.constant 18 : i32
        %add3A_2203 = arith.addi %add3A_2201, %add3A_2202 : i32
        %get3A_2204 = arith.constant 1 : i32
        %get3A_2205 = arith.index_cast %get3A_2204 : i32 to index
        %get3A_2206 = arith.index_cast %add3A_2203 : i32 to index
        %get3A_2207 = arith.constant 0 : index
        %get3A_2208 = tpu.vector_load %arg8[%get3A_2205, %get3A_2206, %get3A_2207] {strides = array<i32>} : memref<2x640x64xf32, #tpu.memory_space<vmem>>, vector<1x1x16xf32>,
        %get3A_2209 = vector.shape_cast %get3A_2208 : vector<1x1x16xf32> to vector<16xf32>
        %max3A_2210 = arith.maximumf %max3A_2106, %get3A_2199 : vector<16xf32>
        %add3A_2211 = arith.addf %add3A_2107, %get3A_2199 : vector<16xf32>
        %max3A_2212 = arith.maximumf %max3A_2108, %get3A_2209 : vector<16xf32>
        %add3A_2213 = arith.addf %add3A_2109, %get3A_2209 : vector<16xf32>
        %mul3A_2214 = arith.mulf %get3A_2199, %get3A_2199 : vector<16xf32>
        %add3A_2215 = arith.addf %add3A_2113, %mul3A_2214 : vector<16xf32>
        %mul3A_2216 = arith.mulf %get3A_2209, %get3A_2209 : vector<16xf32>
        %add3A_2217 = arith.addf %add3A_2215, %mul3A_2216 : vector<16xf32>
        %add3A_2218 = arith.constant 18 : i32
        %add3A_2219 = arith.addi %mul3A_352, %add3A_2218 : i32
        %get3A_2220 = arith.constant 1 : i32
        %get3A_2221 = arith.index_cast %get3A_2220 : i32 to index
        %get3A_2222 = arith.index_cast %add3A_2219 : i32 to index
        %get3A_2223 = arith.constant 16 : index
        %get3A_2224 = tpu.vector_load %arg8[%get3A_2221, %get3A_2222, %get3A_2223] {strides = array<i32>} : memref<2x640x64xf32, #tpu.memory_space<vmem>>, vector<1x1x16xf32>,
        %get3A_2225 = vector.shape_cast %get3A_2224 : vector<1x1x16xf32> to vector<16xf32>
        %add3A_2226 = arith.constant 20 : i32
        %add3A_2227 = arith.addi %mul3A_352, %add3A_2226 : i32
        %add3A_2228 = arith.constant 18 : i32
        %add3A_2229 = arith.addi %add3A_2227, %add3A_2228 : i32
        %get3A_2230 = arith.constant 1 : i32
        %get3A_2231 = arith.index_cast %get3A_2230 : i32 to index
        %get3A_2232 = arith.index_cast %add3A_2229 : i32 to index
        %get3A_2233 = arith.constant 16 : index
        %get3A_2234 = tpu.vector_load %arg8[%get3A_2231, %get3A_2232, %get3A_2233] {strides = array<i32>} : memref<2x640x64xf32, #tpu.memory_space<vmem>>, vector<1x1x16xf32>,
        %get3A_2235 = vector.shape_cast %get3A_2234 : vector<1x1x16xf32> to vector<16xf32>
        %max3A_2236 = arith.maximumf %max3A_2132, %get3A_2225 : vector<16xf32>
        %add3A_2237 = arith.addf %add3A_2133, %get3A_2225 : vector<16xf32>
        %max3A_2238 = arith.maximumf %max3A_2134, %get3A_2235 : vector<16xf32>
        %add3A_2239 = arith.addf %add3A_2135, %get3A_2235 : vector<16xf32>
        %mul3A_2240 = arith.mulf %get3A_2225, %get3A_2225 : vector<16xf32>
        %add3A_2241 = arith.addf %add3A_2139, %mul3A_2240 : vector<16xf32>
        %mul3A_2242 = arith.mulf %get3A_2235, %get3A_2235 : vector<16xf32>
        %add3A_2243 = arith.addf %add3A_2241, %mul3A_2242 : vector<16xf32>
        %add3A_2244 = arith.constant 18 : i32
        %add3A_2245 = arith.addi %mul3A_352, %add3A_2244 : i32
        %get3A_2246 = arith.constant 1 : i32
        %get3A_2247 = arith.index_cast %get3A_2246 : i32 to index
        %get3A_2248 = arith.index_cast %add3A_2245 : i32 to index
        %get3A_2249 = arith.constant 32 : index
        %get3A_2250 = tpu.vector_load %arg8[%get3A_2247, %get3A_2248, %get3A_2249] {strides = array<i32>} : memref<2x640x64xf32, #tpu.memory_space<vmem>>, vector<1x1x16xf32>,
        %get3A_2251 = vector.shape_cast %get3A_2250 : vector<1x1x16xf32> to vector<16xf32>
        %add3A_2252 = arith.constant 20 : i32
        %add3A_2253 = arith.addi %mul3A_352, %add3A_2252 : i32
        %add3A_2254 = arith.constant 18 : i32
        %add3A_2255 = arith.addi %add3A_2253, %add3A_2254 : i32
        %get3A_2256 = arith.constant 1 : i32
        %get3A_2257 = arith.index_cast %get3A_2256 : i32 to index
        %get3A_2258 = arith.index_cast %add3A_2255 : i32 to index
        %get3A_2259 = arith.constant 32 : index
        %get3A_2260 = tpu.vector_load %arg8[%get3A_2257, %get3A_2258, %get3A_2259] {strides = array<i32>} : memref<2x640x64xf32, #tpu.memory_space<vmem>>, vector<1x1x16xf32>,
        %get3A_2261 = vector.shape_cast %get3A_2260 : vector<1x1x16xf32> to vector<16xf32>
        %max3A_2262 = arith.maximumf %max3A_2158, %get3A_2251 : vector<16xf32>
        %add3A_2263 = arith.addf %add3A_2159, %get3A_2251 : vector<16xf32>
        %max3A_2264 = arith.maximumf %max3A_2160, %get3A_2261 : vector<16xf32>
        %add3A_2265 = arith.addf %add3A_2161, %get3A_2261 : vector<16xf32>
        %mul3A_2266 = arith.mulf %get3A_2251, %get3A_2251 : vector<16xf32>
        %add3A_2267 = arith.addf %add3A_2165, %mul3A_2266 : vector<16xf32>
        %mul3A_2268 = arith.mulf %get3A_2261, %get3A_2261 : vector<16xf32>
        %add3A_2269 = arith.addf %add3A_2267, %mul3A_2268 : vector<16xf32>
        %add3A_2270 = arith.constant 18 : i32
        %add3A_2271 = arith.addi %mul3A_352, %add3A_2270 : i32
        %get3A_2272 = arith.constant 1 : i32
        %get3A_2273 = arith.index_cast %get3A_2272 : i32 to index
        %get3A_2274 = arith.index_cast %add3A_2271 : i32 to index
        %get3A_2275 = arith.constant 48 : index
        %get3A_2276 = tpu.vector_load %arg8[%get3A_2273, %get3A_2274, %get3A_2275] {strides = array<i32>} : memref<2x640x64xf32, #tpu.memory_space<vmem>>, vector<1x1x16xf32>,
        %get3A_2277 = vector.shape_cast %get3A_2276 : vector<1x1x16xf32> to vector<16xf32>
        %add3A_2278 = arith.constant 20 : i32
        %add3A_2279 = arith.addi %mul3A_352, %add3A_2278 : i32
        %add3A_2280 = arith.constant 18 : i32
        %add3A_2281 = arith.addi %add3A_2279, %add3A_2280 : i32
        %get3A_2282 = arith.constant 1 : i32
        %get3A_2283 = arith.index_cast %get3A_2282 : i32 to index
        %get3A_2284 = arith.index_cast %add3A_2281 : i32 to index
        %get3A_2285 = arith.constant 48 : index
        %get3A_2286 = tpu.vector_load %arg8[%get3A_2283, %get3A_2284, %get3A_2285] {strides = array<i32>} : memref<2x640x64xf32, #tpu.memory_space<vmem>>, vector<1x1x16xf32>,
        %get3A_2287 = vector.shape_cast %get3A_2286 : vector<1x1x16xf32> to vector<16xf32>
        %max3A_2288 = arith.maximumf %max3A_2184, %get3A_2277 : vector<16xf32>
        %add3A_2289 = arith.addf %add3A_2185, %get3A_2277 : vector<16xf32>
        %max3A_2290 = arith.maximumf %max3A_2186, %get3A_2287 : vector<16xf32>
        %add3A_2291 = arith.addf %add3A_2187, %get3A_2287 : vector<16xf32>
        %mul3A_2292 = arith.mulf %get3A_2277, %get3A_2277 : vector<16xf32>
        %add3A_2293 = arith.addf %add3A_2191, %mul3A_2292 : vector<16xf32>
        %mul3A_2294 = arith.mulf %get3A_2287, %get3A_2287 : vector<16xf32>
        %add3A_2295 = arith.addf %add3A_2293, %mul3A_2294 : vector<16xf32>
        %add3A_2296 = arith.constant 19 : i32
        %add3A_2297 = arith.addi %mul3A_352, %add3A_2296 : i32
        %get3A_2298 = arith.constant 1 : i32
        %get3A_2299 = arith.index_cast %get3A_2298 : i32 to index
        %get3A_2300 = arith.index_cast %add3A_2297 : i32 to index
        %get3A_2301 = arith.constant 0 : index
        %get3A_2302 = tpu.vector_load %arg8[%get3A_2299, %get3A_2300, %get3A_2301] {strides = array<i32>} : memref<2x640x64xf32, #tpu.memory_space<vmem>>, vector<1x1x16xf32>,
        %get3A_2303 = vector.shape_cast %get3A_2302 : vector<1x1x16xf32> to vector<16xf32>
        %add3A_2304 = arith.constant 20 : i32
        %add3A_2305 = arith.addi %mul3A_352, %add3A_2304 : i32
        %add3A_2306 = arith.constant 19 : i32
        %add3A_2307 = arith.addi %add3A_2305, %add3A_2306 : i32
        %get3A_2308 = arith.constant 1 : i32
        %get3A_2309 = arith.index_cast %get3A_2308 : i32 to index
        %get3A_2310 = arith.index_cast %add3A_2307 : i32 to index
        %get3A_2311 = arith.constant 0 : index
        %get3A_2312 = tpu.vector_load %arg8[%get3A_2309, %get3A_2310, %get3A_2311] {strides = array<i32>} : memref<2x640x64xf32, #tpu.memory_space<vmem>>, vector<1x1x16xf32>,
        %get3A_2313 = vector.shape_cast %get3A_2312 : vector<1x1x16xf32> to vector<16xf32>
        %max3A_2314 = arith.maximumf %max3A_2210, %get3A_2303 : vector<16xf32>
        %add3A_2315 = arith.addf %add3A_2211, %get3A_2303 : vector<16xf32>
        %max3A_2316 = arith.maximumf %max3A_2212, %get3A_2313 : vector<16xf32>
        %add3A_2317 = arith.addf %add3A_2213, %get3A_2313 : vector<16xf32>
        %mul3A_2318 = arith.mulf %get3A_2303, %get3A_2303 : vector<16xf32>
        %add3A_2319 = arith.addf %add3A_2217, %mul3A_2318 : vector<16xf32>
        %mul3A_2320 = arith.mulf %get3A_2313, %get3A_2313 : vector<16xf32>
        %add3A_2321 = arith.addf %add3A_2319, %mul3A_2320 : vector<16xf32>
        %add3A_2322 = arith.constant 19 : i32
        %add3A_2323 = arith.addi %mul3A_352, %add3A_2322 : i32
        %get3A_2324 = arith.constant 1 : i32
        %get3A_2325 = arith.index_cast %get3A_2324 : i32 to index
        %get3A_2326 = arith.index_cast %add3A_2323 : i32 to index
        %get3A_2327 = arith.constant 16 : index
        %get3A_2328 = tpu.vector_load %arg8[%get3A_2325, %get3A_2326, %get3A_2327] {strides = array<i32>} : memref<2x640x64xf32, #tpu.memory_space<vmem>>, vector<1x1x16xf32>,
        %get3A_2329 = vector.shape_cast %get3A_2328 : vector<1x1x16xf32> to vector<16xf32>
        %add3A_2330 = arith.constant 20 : i32
        %add3A_2331 = arith.addi %mul3A_352, %add3A_2330 : i32
        %add3A_2332 = arith.constant 19 : i32
        %add3A_2333 = arith.addi %add3A_2331, %add3A_2332 : i32
        %get3A_2334 = arith.constant 1 : i32
        %get3A_2335 = arith.index_cast %get3A_2334 : i32 to index
        %get3A_2336 = arith.index_cast %add3A_2333 : i32 to index
        %get3A_2337 = arith.constant 16 : index
        %get3A_2338 = tpu.vector_load %arg8[%get3A_2335, %get3A_2336, %get3A_2337] {strides = array<i32>} : memref<2x640x64xf32, #tpu.memory_space<vmem>>, vector<1x1x16xf32>,
        %get3A_2339 = vector.shape_cast %get3A_2338 : vector<1x1x16xf32> to vector<16xf32>
        %max3A_2340 = arith.maximumf %max3A_2236, %get3A_2329 : vector<16xf32>
        %add3A_2341 = arith.addf %add3A_2237, %get3A_2329 : vector<16xf32>
        %max3A_2342 = arith.maximumf %max3A_2238, %get3A_2339 : vector<16xf32>
        %add3A_2343 = arith.addf %add3A_2239, %get3A_2339 : vector<16xf32>
        %mul3A_2344 = arith.mulf %get3A_2329, %get3A_2329 : vector<16xf32>
        %add3A_2345 = arith.addf %add3A_2243, %mul3A_2344 : vector<16xf32>
        %mul3A_2346 = arith.mulf %get3A_2339, %get3A_2339 : vector<16xf32>
        %add3A_2347 = arith.addf %add3A_2345, %mul3A_2346 : vector<16xf32>
        %add3A_2348 = arith.constant 19 : i32
        %add3A_2349 = arith.addi %mul3A_352, %add3A_2348 : i32
        %get3A_2350 = arith.constant 1 : i32
        %get3A_2351 = arith.index_cast %get3A_2350 : i32 to index
        %get3A_2352 = arith.index_cast %add3A_2349 : i32 to index
        %get3A_2353 = arith.constant 32 : index
        %get3A_2354 = tpu.vector_load %arg8[%get3A_2351, %get3A_2352, %get3A_2353] {strides = array<i32>} : memref<2x640x64xf32, #tpu.memory_space<vmem>>, vector<1x1x16xf32>,
        %get3A_2355 = vector.shape_cast %get3A_2354 : vector<1x1x16xf32> to vector<16xf32>
        %add3A_2356 = arith.constant 20 : i32
        %add3A_2357 = arith.addi %mul3A_352, %add3A_2356 : i32
        %add3A_2358 = arith.constant 19 : i32
        %add3A_2359 = arith.addi %add3A_2357, %add3A_2358 : i32
        %get3A_2360 = arith.constant 1 : i32
        %get3A_2361 = arith.index_cast %get3A_2360 : i32 to index
        %get3A_2362 = arith.index_cast %add3A_2359 : i32 to index
        %get3A_2363 = arith.constant 32 : index
        %get3A_2364 = tpu.vector_load %arg8[%get3A_2361, %get3A_2362, %get3A_2363] {strides = array<i32>} : memref<2x640x64xf32, #tpu.memory_space<vmem>>, vector<1x1x16xf32>,
        %get3A_2365 = vector.shape_cast %get3A_2364 : vector<1x1x16xf32> to vector<16xf32>
        %max3A_2366 = arith.maximumf %max3A_2262, %get3A_2355 : vector<16xf32>
        %add3A_2367 = arith.addf %add3A_2263, %get3A_2355 : vector<16xf32>
        %max3A_2368 = arith.maximumf %max3A_2264, %get3A_2365 : vector<16xf32>
        %add3A_2369 = arith.addf %add3A_2265, %get3A_2365 : vector<16xf32>
        %mul3A_2370 = arith.mulf %get3A_2355, %get3A_2355 : vector<16xf32>
        %add3A_2371 = arith.addf %add3A_2269, %mul3A_2370 : vector<16xf32>
        %mul3A_2372 = arith.mulf %get3A_2365, %get3A_2365 : vector<16xf32>
        %add3A_2373 = arith.addf %add3A_2371, %mul3A_2372 : vector<16xf32>
        %add3A_2374 = arith.constant 19 : i32
        %add3A_2375 = arith.addi %mul3A_352, %add3A_2374 : i32
        %get3A_2376 = arith.constant 1 : i32
        %get3A_2377 = arith.index_cast %get3A_2376 : i32 to index
        %get3A_2378 = arith.index_cast %add3A_2375 : i32 to index
        %get3A_2379 = arith.constant 48 : index
        %get3A_2380 = tpu.vector_load %arg8[%get3A_2377, %get3A_2378, %get3A_2379] {strides = array<i32>} : memref<2x640x64xf32, #tpu.memory_space<vmem>>, vector<1x1x16xf32>,
        %get3A_2381 = vector.shape_cast %get3A_2380 : vector<1x1x16xf32> to vector<16xf32>
        %add3A_2382 = arith.constant 20 : i32
        %add3A_2383 = arith.addi %mul3A_352, %add3A_2382 : i32
        %add3A_2384 = arith.constant 19 : i32
        %add3A_2385 = arith.addi %add3A_2383, %add3A_2384 : i32
        %get3A_2386 = arith.constant 1 : i32
        %get3A_2387 = arith.index_cast %get3A_2386 : i32 to index
        %get3A_2388 = arith.index_cast %add3A_2385 : i32 to index
        %get3A_2389 = arith.constant 48 : index
        %get3A_2390 = tpu.vector_load %arg8[%get3A_2387, %get3A_2388, %get3A_2389] {strides = array<i32>} : memref<2x640x64xf32, #tpu.memory_space<vmem>>, vector<1x1x16xf32>,
        %get3A_2391 = vector.shape_cast %get3A_2390 : vector<1x1x16xf32> to vector<16xf32>
        %max3A_2392 = arith.maximumf %max3A_2288, %get3A_2381 : vector<16xf32>
        %add3A_2393 = arith.addf %add3A_2289, %get3A_2381 : vector<16xf32>
        %max3A_2394 = arith.maximumf %max3A_2290, %get3A_2391 : vector<16xf32>
        %add3A_2395 = arith.addf %add3A_2291, %get3A_2391 : vector<16xf32>
        %mul3A_2396 = arith.mulf %get3A_2381, %get3A_2381 : vector<16xf32>
        %add3A_2397 = arith.addf %add3A_2295, %mul3A_2396 : vector<16xf32>
        %mul3A_2398 = arith.mulf %get3A_2391, %get3A_2391 : vector<16xf32>
        %add3A_2399 = arith.addf %add3A_2397, %mul3A_2398 : vector<16xf32>
        %swap3A_2400 = arith.index_cast %scan3A_346 : i32 to index
        %swap3A_2401 = arith.constant 0 : index
        %swap3A_2402 = tpu.vector_load %arg9[%swap3A_2400, %swap3A_2401] {strides = array<i32>} : memref<16x128xf32, #tpu.memory_space<vmem>>, vector<1x16xf32>,
        %swap3A_2403 = vector.shape_cast %swap3A_2402 : vector<1x16xf32> to vector<16xf32>
        %swap3A_2404 = vector.shape_cast %max3A_2314 : vector<16xf32> to vector<1x16xf32>
        tpu.vector_store %arg9[%swap3A_2400, %swap3A_2401], %swap3A_2404 {strides = array<i32>} : memref<16x128xf32, #tpu.memory_space<vmem>>, vector<1x16xf32>,
        %swap3A_2405 = arith.index_cast %scan3A_346 : i32 to index
        %swap3A_2406 = arith.constant 64 : index
        %swap3A_2407 = tpu.vector_load %arg9[%swap3A_2405, %swap3A_2406] {strides = array<i32>} : memref<16x128xf32, #tpu.memory_space<vmem>>, vector<1x16xf32>,
        %swap3A_2408 = vector.shape_cast %swap3A_2407 : vector<1x16xf32> to vector<16xf32>
        %swap3A_2409 = vector.shape_cast %max3A_2316 : vector<16xf32> to vector<1x16xf32>
        tpu.vector_store %arg9[%swap3A_2405, %swap3A_2406], %swap3A_2409 {strides = array<i32>} : memref<16x128xf32, #tpu.memory_space<vmem>>, vector<1x16xf32>,
        %swap3A_2410 = arith.index_cast %scan3A_346 : i32 to index
        %swap3A_2411 = arith.constant 0 : index
        %swap3A_2412 = tpu.vector_load %arg10[%swap3A_2410, %swap3A_2411] {strides = array<i32>} : memref<16x128xf32, #tpu.memory_space<vmem>>, vector<1x16xf32>,
        %swap3A_2413 = vector.shape_cast %swap3A_2412 : vector<1x16xf32> to vector<16xf32>
        %swap3A_2414 = vector.shape_cast %add3A_2315 : vector<16xf32> to vector<1x16xf32>
        tpu.vector_store %arg10[%swap3A_2410, %swap3A_2411], %swap3A_2414 {strides = array<i32>} : memref<16x128xf32, #tpu.memory_space<vmem>>, vector<1x16xf32>,
        %swap3A_2415 = arith.index_cast %scan3A_346 : i32 to index
        %swap3A_2416 = arith.constant 64 : index
        %swap3A_2417 = tpu.vector_load %arg10[%swap3A_2415, %swap3A_2416] {strides = array<i32>} : memref<16x128xf32, #tpu.memory_space<vmem>>, vector<1x16xf32>,
        %swap3A_2418 = vector.shape_cast %swap3A_2417 : vector<1x16xf32> to vector<16xf32>
        %swap3A_2419 = vector.shape_cast %add3A_2317 : vector<16xf32> to vector<1x16xf32>
        tpu.vector_store %arg10[%swap3A_2415, %swap3A_2416], %swap3A_2419 {strides = array<i32>} : memref<16x128xf32, #tpu.memory_space<vmem>>, vector<1x16xf32>,
        %swap3A_2420 = arith.index_cast %scan3A_346 : i32 to index
        %swap3A_2421 = arith.constant 16 : index
        %swap3A_2422 = tpu.vector_load %arg9[%swap3A_2420, %swap3A_2421] {strides = array<i32>} : memref<16x128xf32, #tpu.memory_space<vmem>>, vector<1x16xf32>,
        %swap3A_2423 = vector.shape_cast %swap3A_2422 : vector<1x16xf32> to vector<16xf32>
        %swap3A_2424 = vector.shape_cast %max3A_2340 : vector<16xf32> to vector<1x16xf32>
        tpu.vector_store %arg9[%swap3A_2420, %swap3A_2421], %swap3A_2424 {strides = array<i32>} : memref<16x128xf32, #tpu.memory_space<vmem>>, vector<1x16xf32>,
        %swap3A_2425 = arith.index_cast %scan3A_346 : i32 to index
        %swap3A_2426 = arith.constant 80 : index
        %swap3A_2427 = tpu.vector_load %arg9[%swap3A_2425, %swap3A_2426] {strides = array<i32>} : memref<16x128xf32, #tpu.memory_space<vmem>>, vector<1x16xf32>,
        %swap3A_2428 = vector.shape_cast %swap3A_2427 : vector<1x16xf32> to vector<16xf32>
        %swap3A_2429 = vector.shape_cast %max3A_2342 : vector<16xf32> to vector<1x16xf32>
        tpu.vector_store %arg9[%swap3A_2425, %swap3A_2426], %swap3A_2429 {strides = array<i32>} : memref<16x128xf32, #tpu.memory_space<vmem>>, vector<1x16xf32>,
        %swap3A_2430 = arith.index_cast %scan3A_346 : i32 to index
        %swap3A_2431 = arith.constant 16 : index
        %swap3A_2432 = tpu.vector_load %arg10[%swap3A_2430, %swap3A_2431] {strides = array<i32>} : memref<16x128xf32, #tpu.memory_space<vmem>>, vector<1x16xf32>,
        %swap3A_2433 = vector.shape_cast %swap3A_2432 : vector<1x16xf32> to vector<16xf32>
        %swap3A_2434 = vector.shape_cast %add3A_2341 : vector<16xf32> to vector<1x16xf32>
        tpu.vector_store %arg10[%swap3A_2430, %swap3A_2431], %swap3A_2434 {strides = array<i32>} : memref<16x128xf32, #tpu.memory_space<vmem>>, vector<1x16xf32>,
        %swap3A_2435 = arith.index_cast %scan3A_346 : i32 to index
        %swap3A_2436 = arith.constant 80 : index
        %swap3A_2437 = tpu.vector_load %arg10[%swap3A_2435, %swap3A_2436] {strides = array<i32>} : memref<16x128xf32, #tpu.memory_space<vmem>>, vector<1x16xf32>,
        %swap3A_2438 = vector.shape_cast %swap3A_2437 : vector<1x16xf32> to vector<16xf32>
        %swap3A_2439 = vector.shape_cast %add3A_2343 : vector<16xf32> to vector<1x16xf32>
        tpu.vector_store %arg10[%swap3A_2435, %swap3A_2436], %swap3A_2439 {strides = array<i32>} : memref<16x128xf32, #tpu.memory_space<vmem>>, vector<1x16xf32>,
        %swap3A_2440 = arith.index_cast %scan3A_346 : i32 to index
        %swap3A_2441 = arith.constant 32 : index
        %swap3A_2442 = tpu.vector_load %arg9[%swap3A_2440, %swap3A_2441] {strides = array<i32>} : memref<16x128xf32, #tpu.memory_space<vmem>>, vector<1x16xf32>,
        %swap3A_2443 = vector.shape_cast %swap3A_2442 : vector<1x16xf32> to vector<16xf32>
        %swap3A_2444 = vector.shape_cast %max3A_2366 : vector<16xf32> to vector<1x16xf32>
        tpu.vector_store %arg9[%swap3A_2440, %swap3A_2441], %swap3A_2444 {strides = array<i32>} : memref<16x128xf32, #tpu.memory_space<vmem>>, vector<1x16xf32>,
        %swap3A_2445 = arith.index_cast %scan3A_346 : i32 to index
        %swap3A_2446 = arith.constant 96 : index
        %swap3A_2447 = tpu.vector_load %arg9[%swap3A_2445, %swap3A_2446] {strides = array<i32>} : memref<16x128xf32, #tpu.memory_space<vmem>>, vector<1x16xf32>,
        %swap3A_2448 = vector.shape_cast %swap3A_2447 : vector<1x16xf32> to vector<16xf32>
        %swap3A_2449 = vector.shape_cast %max3A_2368 : vector<16xf32> to vector<1x16xf32>
        tpu.vector_store %arg9[%swap3A_2445, %swap3A_2446], %swap3A_2449 {strides = array<i32>} : memref<16x128xf32, #tpu.memory_space<vmem>>, vector<1x16xf32>,
        %swap3A_2450 = arith.index_cast %scan3A_346 : i32 to index
        %swap3A_2451 = arith.constant 32 : index
        %swap3A_2452 = tpu.vector_load %arg10[%swap3A_2450, %swap3A_2451] {strides = array<i32>} : memref<16x128xf32, #tpu.memory_space<vmem>>, vector<1x16xf32>,
        %swap3A_2453 = vector.shape_cast %swap3A_2452 : vector<1x16xf32> to vector<16xf32>
        %swap3A_2454 = vector.shape_cast %add3A_2367 : vector<16xf32> to vector<1x16xf32>
        tpu.vector_store %arg10[%swap3A_2450, %swap3A_2451], %swap3A_2454 {strides = array<i32>} : memref<16x128xf32, #tpu.memory_space<vmem>>, vector<1x16xf32>,
        %swap3A_2455 = arith.index_cast %scan3A_346 : i32 to index
        %swap3A_2456 = arith.constant 96 : index
        %swap3A_2457 = tpu.vector_load %arg10[%swap3A_2455, %swap3A_2456] {strides = array<i32>} : memref<16x128xf32, #tpu.memory_space<vmem>>, vector<1x16xf32>,
        %swap3A_2458 = vector.shape_cast %swap3A_2457 : vector<1x16xf32> to vector<16xf32>
        %swap3A_2459 = vector.shape_cast %add3A_2369 : vector<16xf32> to vector<1x16xf32>
        tpu.vector_store %arg10[%swap3A_2455, %swap3A_2456], %swap3A_2459 {strides = array<i32>} : memref<16x128xf32, #tpu.memory_space<vmem>>, vector<1x16xf32>,
        %swap3A_2460 = arith.index_cast %scan3A_346 : i32 to index
        %swap3A_2461 = arith.constant 48 : index
        %swap3A_2462 = tpu.vector_load %arg9[%swap3A_2460, %swap3A_2461] {strides = array<i32>} : memref<16x128xf32, #tpu.memory_space<vmem>>, vector<1x16xf32>,
        %swap3A_2463 = vector.shape_cast %swap3A_2462 : vector<1x16xf32> to vector<16xf32>
        %swap3A_2464 = vector.shape_cast %max3A_2392 : vector<16xf32> to vector<1x16xf32>
        tpu.vector_store %arg9[%swap3A_2460, %swap3A_2461], %swap3A_2464 {strides = array<i32>} : memref<16x128xf32, #tpu.memory_space<vmem>>, vector<1x16xf32>,
        %swap3A_2465 = arith.index_cast %scan3A_346 : i32 to index
        %swap3A_2466 = arith.constant 112 : index
        %swap3A_2467 = tpu.vector_load %arg9[%swap3A_2465, %swap3A_2466] {strides = array<i32>} : memref<16x128xf32, #tpu.memory_space<vmem>>, vector<1x16xf32>,
        %swap3A_2468 = vector.shape_cast %swap3A_2467 : vector<1x16xf32> to vector<16xf32>
        %swap3A_2469 = vector.shape_cast %max3A_2394 : vector<16xf32> to vector<1x16xf32>
        tpu.vector_store %arg9[%swap3A_2465, %swap3A_2466], %swap3A_2469 {strides = array<i32>} : memref<16x128xf32, #tpu.memory_space<vmem>>, vector<1x16xf32>,
        %swap3A_2470 = arith.index_cast %scan3A_346 : i32 to index
        %swap3A_2471 = arith.constant 48 : index
        %swap3A_2472 = tpu.vector_load %arg10[%swap3A_2470, %swap3A_2471] {strides = array<i32>} : memref<16x128xf32, #tpu.memory_space<vmem>>, vector<1x16xf32>,
        %swap3A_2473 = vector.shape_cast %swap3A_2472 : vector<1x16xf32> to vector<16xf32>
        %swap3A_2474 = vector.shape_cast %add3A_2393 : vector<16xf32> to vector<1x16xf32>
        tpu.vector_store %arg10[%swap3A_2470, %swap3A_2471], %swap3A_2474 {strides = array<i32>} : memref<16x128xf32, #tpu.memory_space<vmem>>, vector<1x16xf32>,
        %swap3A_2475 = arith.index_cast %scan3A_346 : i32 to index
        %swap3A_2476 = arith.constant 112 : index
        %swap3A_2477 = tpu.vector_load %arg10[%swap3A_2475, %swap3A_2476] {strides = array<i32>} : memref<16x128xf32, #tpu.memory_space<vmem>>, vector<1x16xf32>,
        %swap3A_2478 = vector.shape_cast %swap3A_2477 : vector<1x16xf32> to vector<16xf32>
        %swap3A_2479 = vector.shape_cast %add3A_2395 : vector<16xf32> to vector<1x16xf32>
        tpu.vector_store %arg10[%swap3A_2475, %swap3A_2476], %swap3A_2479 {strides = array<i32>} : memref<16x128xf32, #tpu.memory_space<vmem>>, vector<1x16xf32>,
        scf.yield %add3A_2321, %add3A_2347, %add3A_2373, %add3A_2399 : vector<16xf32>, vector<16xf32>, vector<16xf32>, vector<16xf32>
      }
      %scan3A_297 = arith.constant 16 : i32
      %get3A_298 = arith.constant 0 : i32
      %get3A_299 = arith.index_cast %get3A_298 : i32 to index
      %get3A_300 = arith.constant 0 : index
      %get3A_301 = tpu.vector_load %arg11[%get3A_299, %get3A_300] {strides = array<i32>} : memref<1x64xf32, #tpu.memory_space<vmem>>, vector<1x16xf32>,
      %get3A_302 = vector.shape_cast %get3A_301 : vector<1x16xf32> to vector<16xf32>
      %add3A_303 = arith.addf %get3A_302, %scan3A_296#0 : vector<16xf32>
      %swap3A_304 = arith.constant 0 : i32
      %swap3A_305 = arith.index_cast %swap3A_304 : i32 to index
      %swap3A_306 = arith.constant 0 : index
      %swap3A_307 = tpu.vector_load %arg11[%swap3A_305, %swap3A_306] {strides = array<i32>} : memref<1x64xf32, #tpu.memory_space<vmem>>, vector<1x16xf32>,
      %swap3A_308 = vector.shape_cast %swap3A_307 : vector<1x16xf32> to vector<16xf32>
      %swap3A_309 = vector.shape_cast %add3A_303 : vector<16xf32> to vector<1x16xf32>
      tpu.vector_store %arg11[%swap3A_305, %swap3A_306], %swap3A_309 {strides = array<i32>} : memref<1x64xf32, #tpu.memory_space<vmem>>, vector<1x16xf32>,
      %get3A_310 = arith.constant 0 : i32
      %get3A_311 = arith.index_cast %get3A_310 : i32 to index
      %get3A_312 = arith.constant 16 : index
      %get3A_313 = tpu.vector_load %arg11[%get3A_311, %get3A_312] {strides = array<i32>} : memref<1x64xf32, #tpu.memory_space<vmem>>, vector<1x16xf32>,
      %get3A_314 = vector.shape_cast %get3A_313 : vector<1x16xf32> to vector<16xf32>
      %add3A_315 = arith.addf %get3A_314, %scan3A_296#1 : vector<16xf32>
      %swap3A_316 = arith.constant 0 : i32
      %swap3A_317 = arith.index_cast %swap3A_316 : i32 to index
      %swap3A_318 = arith.constant 16 : index
      %swap3A_319 = tpu.vector_load %arg11[%swap3A_317, %swap3A_318] {strides = array<i32>} : memref<1x64xf32, #tpu.memory_space<vmem>>, vector<1x16xf32>,
      %swap3A_320 = vector.shape_cast %swap3A_319 : vector<1x16xf32> to vector<16xf32>
      %swap3A_321 = vector.shape_cast %add3A_315 : vector<16xf32> to vector<1x16xf32>
      tpu.vector_store %arg11[%swap3A_317, %swap3A_318], %swap3A_321 {strides = array<i32>} : memref<1x64xf32, #tpu.memory_space<vmem>>, vector<1x16xf32>,
      %get3A_322 = arith.constant 0 : i32
      %get3A_323 = arith.index_cast %get3A_322 : i32 to index
      %get3A_324 = arith.constant 32 : index
      %get3A_325 = tpu.vector_load %arg11[%get3A_323, %get3A_324] {strides = array<i32>} : memref<1x64xf32, #tpu.memory_space<vmem>>, vector<1x16xf32>,
      %get3A_326 = vector.shape_cast %get3A_325 : vector<1x16xf32> to vector<16xf32>
      %add3A_327 = arith.addf %get3A_326, %scan3A_296#2 : vector<16xf32>
      %swap3A_328 = arith.constant 0 : i32
      %swap3A_329 = arith.index_cast %swap3A_328 : i32 to index
      %swap3A_330 = arith.constant 32 : index
      %swap3A_331 = tpu.vector_load %arg11[%swap3A_329, %swap3A_330] {strides = array<i32>} : memref<1x64xf32, #tpu.memory_space<vmem>>, vector<1x16xf32>,
      %swap3A_332 = vector.shape_cast %swap3A_331 : vector<1x16xf32> to vector<16xf32>
      %swap3A_333 = vector.shape_cast %add3A_327 : vector<16xf32> to vector<1x16xf32>
      tpu.vector_store %arg11[%swap3A_329, %swap3A_330], %swap3A_333 {strides = array<i32>} : memref<1x64xf32, #tpu.memory_space<vmem>>, vector<1x16xf32>,
      %get3A_334 = arith.constant 0 : i32
      %get3A_335 = arith.index_cast %get3A_334 : i32 to index
      %get3A_336 = arith.constant 48 : index
      %get3A_337 = tpu.vector_load %arg11[%get3A_335, %get3A_336] {strides = array<i32>} : memref<1x64xf32, #tpu.memory_space<vmem>>, vector<1x16xf32>,
      %get3A_338 = vector.shape_cast %get3A_337 : vector<1x16xf32> to vector<16xf32>
      %add3A_339 = arith.addf %get3A_338, %scan3A_296#3 : vector<16xf32>
      %swap3A_340 = arith.constant 0 : i32
      %swap3A_341 = arith.index_cast %swap3A_340 : i32 to index
      %swap3A_342 = arith.constant 48 : index
      %swap3A_343 = tpu.vector_load %arg11[%swap3A_341, %swap3A_342] {strides = array<i32>} : memref<1x64xf32, #tpu.memory_space<vmem>>, vector<1x16xf32>,
      %swap3A_344 = vector.shape_cast %swap3A_343 : vector<1x16xf32> to vector<16xf32>
      %swap3A_345 = vector.shape_cast %add3A_339 : vector<16xf32> to vector<1x16xf32>
      tpu.vector_store %arg11[%swap3A_341, %swap3A_342], %swap3A_345 {strides = array<i32>} : memref<1x64xf32, #tpu.memory_space<vmem>>, vector<1x16xf32>,
      "tpu.region"() ({
        %run_scoped3A_346 = tpu.sem_alloc : memref<!tpu.dma_semaphore, #tpu.memory_space<semaphore_mem>>
        %dma_start3A_347 = arith.constant 0 : i32
        %dma_start3A_348 = tpu.memref_slice %arg4[%add3A_283, %dma_start3A_347] : memref<8192x128xf32, #tpu.memory_space<hbm>> -> memref<16x128xf32, #tpu.memory_space<hbm>>
        %dma_start3A_349 = arith.constant 0 : i32
        %dma_start3A_350 = tpu.memref_slice %arg4[%add3A_283, %dma_start3A_349] : memref<8192x128xf32, #tpu.memory_space<hbm>> -> memref<16x128xf32, #tpu.memory_space<hbm>>
        tpu.enqueue_dma source(%arg9 : memref<16x128xf32, #tpu.memory_space<vmem>>) target(%dma_start3A_350 : memref<16x128xf32, #tpu.memory_space<hbm>>) target_semaphore(%run_scoped3A_346 : memref<!tpu.dma_semaphore, #tpu.memory_space<semaphore_mem>>)
        %dma_wait3A_351 = arith.constant 0 : i32
        %dma_wait3A_352 = tpu.memref_slice %arg4[%add3A_283, %dma_wait3A_351] : memref<8192x128xf32, #tpu.memory_space<hbm>> -> memref<16x128xf32, #tpu.memory_space<hbm>>
        %dma_wait3A_353 = arith.constant 0 : i32
        %dma_wait3A_354 = tpu.memref_slice %arg4[%add3A_283, %dma_wait3A_353] : memref<8192x128xf32, #tpu.memory_space<hbm>> -> memref<16x128xf32, #tpu.memory_space<hbm>>
        tpu.wait_dma2 semaphore(%run_scoped3A_346 : memref<!tpu.dma_semaphore, #tpu.memory_space<semaphore_mem>>) src(%arg9 : memref<16x128xf32, #tpu.memory_space<vmem>>) dst(%dma_wait3A_354 : memref<16x128xf32, #tpu.memory_space<hbm>>)
        tpu.yield
      }) : () -> ()
      "tpu.region"() ({
        %run_scoped3A_346 = tpu.sem_alloc : memref<!tpu.dma_semaphore, #tpu.memory_space<semaphore_mem>>
        %dma_start3A_347 = arith.constant 0 : i32
        %dma_start3A_348 = tpu.memref_slice %arg5[%add3A_283, %dma_start3A_347] : memref<8192x128xf32, #tpu.memory_space<hbm>> -> memref<16x128xf32, #tpu.memory_space<hbm>>
        %dma_start3A_349 = arith.constant 0 : i32
        %dma_start3A_350 = tpu.memref_slice %arg5[%add3A_283, %dma_start3A_349] : memref<8192x128xf32, #tpu.memory_space<hbm>> -> memref<16x128xf32, #tpu.memory_space<hbm>>
        tpu.enqueue_dma source(%arg10 : memref<16x128xf32, #tpu.memory_space<vmem>>) target(%dma_start3A_350 : memref<16x128xf32, #tpu.memory_space<hbm>>) target_semaphore(%run_scoped3A_346 : memref<!tpu.dma_semaphore, #tpu.memory_space<semaphore_mem>>)
        %dma_wait3A_351 = arith.constant 0 : i32
        %dma_wait3A_352 = tpu.memref_slice %arg5[%add3A_283, %dma_wait3A_351] : memref<8192x128xf32, #tpu.memory_space<hbm>> -> memref<16x128xf32, #tpu.memory_space<hbm>>
        %dma_wait3A_353 = arith.constant 0 : i32
        %dma_wait3A_354 = tpu.memref_slice %arg5[%add3A_283, %dma_wait3A_353] : memref<8192x128xf32, #tpu.memory_space<hbm>> -> memref<16x128xf32, #tpu.memory_space<hbm>>
        tpu.wait_dma2 semaphore(%run_scoped3A_346 : memref<!tpu.dma_semaphore, #tpu.memory_space<semaphore_mem>>) src(%arg10 : memref<16x128xf32, #tpu.memory_space<vmem>>) dst(%dma_wait3A_354 : memref<16x128xf32, #tpu.memory_space<hbm>>)
        tpu.yield
      }) : () -> ()
    }
    %scan3A_103 = arith.constant 8 : i32
    "tpu.region"() ({
      %run_scoped3A_104 = tpu.sem_alloc : memref<!tpu.dma_semaphore, #tpu.memory_space<semaphore_mem>>
      %dma_start3A_105 = arith.constant 0 : i32
      %dma_start3A_106 = tpu.memref_slice %arg6[%add3A, %dma_start3A_105] : memref<32x64xf32, #tpu.memory_space<hbm>> -> memref<1x64xf32, #tpu.memory_space<hbm>>
      %dma_start3A_107 = arith.constant 0 : i32
      %dma_start3A_108 = tpu.memref_slice %arg6[%add3A, %dma_start3A_107] : memref<32x64xf32, #tpu.memory_space<hbm>> -> memref<1x64xf32, #tpu.memory_space<hbm>>
      tpu.enqueue_dma source(%arg11 : memref<1x64xf32, #tpu.memory_space<vmem>>) target(%dma_start3A_108 : memref<1x64xf32, #tpu.memory_space<hbm>>) target_semaphore(%run_scoped3A_104 : memref<!tpu.dma_semaphore, #tpu.memory_space<semaphore_mem>>)
      %dma_wait3A = arith.constant 0 : i32
      %dma_wait3A_109 = tpu.memref_slice %arg6[%add3A, %dma_wait3A] : memref<32x64xf32, #tpu.memory_space<hbm>> -> memref<1x64xf32, #tpu.memory_space<hbm>>
      %dma_wait3A_110 = arith.constant 0 : i32
      %dma_wait3A_111 = tpu.memref_slice %arg6[%add3A, %dma_wait3A_110] : memref<32x64xf32, #tpu.memory_space<hbm>> -> memref<1x64xf32, #tpu.memory_space<hbm>>
      tpu.wait_dma2 semaphore(%run_scoped3A_104 : memref<!tpu.dma_semaphore, #tpu.memory_space<semaphore_mem>>) src(%arg11 : memref<1x64xf32, #tpu.memory_space<vmem>>) dst(%dma_wait3A_111 : memref<1x64xf32, #tpu.memory_space<hbm>>)
      tpu.yield
    }) : () -> ()
    return
  }
}

module attributes {stable_mosaic.version = 14 : i64} {
  func.func @_proj_body(%arg0: i32, %arg1: memref<1x64x2048xf32, #tpu.memory_space<vmem>>, %arg2: memref<64x64xf32, #tpu.memory_space<vmem>>, %arg3: memref<64x64xf32, #tpu.memory_space<vmem>>, %arg4: memref<1024x128xf32, #tpu.memory_space<vmem>>, %arg5: memref<1024x128xf32, #tpu.memory_space<vmem>>) attributes {dimension_semantics = [#tpu.dimension_semantics<arbitrary>], iteration_bounds = array<i64: 8>, scalar_prefetch = 0 : i64, scratch_operands = 0 : i64, tpu.core_type = #tpu.core_type<tc>, window_params = [{transform_indices = @transform_0, window_bounds = array<i64: 1, 64, 2048>}, {pipeline_mode = #tpu.pipeline_mode<synchronous>, transform_indices = @transform_1, window_bounds = array<i64: 64, 64>}, {pipeline_mode = #tpu.pipeline_mode<synchronous>, transform_indices = @transform_2, window_bounds = array<i64: 64, 64>}, {transform_indices = @transform_3, window_bounds = array<i64: 1024, 128>}, {transform_indices = @transform_4, window_bounds = array<i64: 1024, 128>}]} {
    %get3A = arith.constant 0 : index
    %get3A_0 = arith.constant 0 : index
    %get3A_1 = arith.constant 0 : index
    %get3A_2 = vector.load %arg1[%get3A, %get3A_0, %get3A_1] : memref<1x64x2048xf32, #tpu.memory_space<vmem>>, vector<1x64x2048xf32>
    %get3A_3 = vector.shape_cast %get3A_2 : vector<1x64x2048xf32> to vector<64x2048xf32>
    %get3A_4 = arith.constant 0 : index
    %get3A_5 = arith.constant 0 : index
    %get3A_6 = vector.load %arg2[%get3A_4, %get3A_5] : memref<64x64xf32, #tpu.memory_space<vmem>>, vector<64x64xf32>
    %dot_general3A = arith.constant dense<0.000000e+00> : vector<2048x64xf32>
    %dot_general3A_7 = tpu.matmul %get3A_3, %get3A_6, %dot_general3A {dimension_numbers = #tpu.dot_dimension_numbers<[0], [1], [1], [0], [0, 1, 1, 0], [], []>, transpose_lhs_hint = false} : vector<64x2048xf32>, vector<64x64xf32>, vector<2048x64xf32> -> vector<2048x64xf32>
    %get3A_8 = arith.constant 0 : index
    %get3A_9 = arith.constant 0 : index
    %get3A_10 = vector.load %arg3[%get3A_8, %get3A_9] : memref<64x64xf32, #tpu.memory_space<vmem>>, vector<64x64xf32>
    %dot_general3A_11 = arith.constant dense<0.000000e+00> : vector<2048x64xf32>
    %dot_general3A_12 = tpu.matmul %get3A_3, %get3A_10, %dot_general3A_11 {dimension_numbers = #tpu.dot_dimension_numbers<[0], [1], [1], [0], [0, 1, 1, 0], [], []>, transpose_lhs_hint = false} : vector<64x2048xf32>, vector<64x64xf32>, vector<2048x64xf32> -> vector<2048x64xf32>
    %slice3A = vector.extract_strided_slice %dot_general3A_7 {offsets = [0, 0], sizes = [1024, 64], strides = [1, 1]} : vector<2048x64xf32> to vector<1024x64xf32>
    %slice3A_13 = vector.extract_strided_slice %dot_general3A_7 {offsets = [1024, 0], sizes = [1024, 64], strides = [1, 1]} : vector<2048x64xf32> to vector<1024x64xf32>
    %concatenate3A = tpu.concatenate %slice3A, %slice3A_13 in 1 : vector<1024x64xf32>, vector<1024x64xf32> -> vector<1024x128xf32>
    %swap3A = arith.constant 0 : index
    %swap3A_14 = arith.constant 0 : index
    %swap3A_15 = vector.load %arg4[%swap3A, %swap3A_14] : memref<1024x128xf32, #tpu.memory_space<vmem>>, vector<1024x128xf32>
    tpu.vector_store %arg4[%swap3A, %swap3A_14], %concatenate3A {strides = array<i32>} : memref<1024x128xf32, #tpu.memory_space<vmem>>, vector<1024x128xf32>,
    %slice3A_16 = vector.extract_strided_slice %dot_general3A_12 {offsets = [0, 0], sizes = [1024, 64], strides = [1, 1]} : vector<2048x64xf32> to vector<1024x64xf32>
    %slice3A_17 = vector.extract_strided_slice %dot_general3A_12 {offsets = [1024, 0], sizes = [1024, 64], strides = [1, 1]} : vector<2048x64xf32> to vector<1024x64xf32>
    %concatenate3A_18 = tpu.concatenate %slice3A_16, %slice3A_17 in 1 : vector<1024x64xf32>, vector<1024x64xf32> -> vector<1024x128xf32>
    %swap3A_19 = arith.constant 0 : index
    %swap3A_20 = arith.constant 0 : index
    %swap3A_21 = vector.load %arg5[%swap3A_19, %swap3A_20] : memref<1024x128xf32, #tpu.memory_space<vmem>>, vector<1024x128xf32>
    tpu.vector_store %arg5[%swap3A_19, %swap3A_20], %concatenate3A_18 {strides = array<i32>} : memref<1024x128xf32, #tpu.memory_space<vmem>>, vector<1024x128xf32>,
    return
  }
  func.func @transform_0(%arg0: i32) -> (i32, i32, i32) {
    %c0_i32 = arith.constant 0 : i32
    %c0_i32_0 = arith.constant 0 : i32
    %c0_i32_1 = arith.constant 0 : i32
    return %arg0, %c0_i32, %c0_i32_0 : i32, i32, i32
  }
  func.func @transform_1(%arg0: i32) -> (i32, i32) {
    %c0_i32 = arith.constant 0 : i32
    %c0_i32_0 = arith.constant 0 : i32
    %c0_i32_1 = arith.constant 0 : i32
    return %c0_i32, %c0_i32_0 : i32, i32
  }
  func.func @transform_2(%arg0: i32) -> (i32, i32) {
    %c0_i32 = arith.constant 0 : i32
    %c0_i32_0 = arith.constant 0 : i32
    %c0_i32_1 = arith.constant 0 : i32
    return %c0_i32, %c0_i32_0 : i32, i32
  }
  func.func @transform_3(%arg0: i32) -> (i32, i32) {
    %c0_i32 = arith.constant 0 : i32
    %c0_i32_0 = arith.constant 0 : i32
    return %arg0, %c0_i32 : i32, i32
  }
  func.func @transform_4(%arg0: i32) -> (i32, i32) {
    %c0_i32 = arith.constant 0 : i32
    %c0_i32_0 = arith.constant 0 : i32
    return %arg0, %c0_i32 : i32, i32
  }
}

module attributes {stable_mosaic.version = 14 : i64} {
  func.func @_fin_body(%arg0: memref<8192x128xf32, #tpu.memory_space<vmem>>, %arg1: memref<8192x128xf32, #tpu.memory_space<vmem>>, %arg2: memref<8192x128xf32, #tpu.memory_space<vmem>>, %arg3: memref<32x64xf32, #tpu.memory_space<vmem>>, %arg4: memref<1x64xf32, #tpu.memory_space<vmem>>, %arg5: memref<1x64xf32, #tpu.memory_space<vmem>>, %arg6: memref<16x64xf32, #tpu.memory_space<vmem>>, %arg7: memref<64x16xf32, #tpu.memory_space<vmem>>, %arg8: memref<128x128xf32, #tpu.memory_space<vmem>>, %arg9: memref<8x64x2048xf32, #tpu.memory_space<vmem>>) attributes {dimension_semantics = [], scalar_prefetch = 0 : i64, scratch_operands = 0 : i64, tpu.core_type = #tpu.core_type<tc>} {
    %get3A = arith.constant 0 : index
    %get3A_0 = arith.constant 0 : index
    %get3A_1 = vector.load %arg0[%get3A, %get3A_0] : memref<8192x128xf32, #tpu.memory_space<vmem>>, vector<8192x128xf32>
    %get3A_2 = arith.constant 0 : index
    %get3A_3 = arith.constant 0 : index
    %get3A_4 = vector.load %arg2[%get3A_2, %get3A_3] : memref<8192x128xf32, #tpu.memory_space<vmem>>, vector<8192x128xf32>
    %reduce_sum3A = arith.constant dense<0.000000e+00> : vector<128xf32>
    %reduce_sum3A_5 = vector.multi_reduction <add>, %get3A_4, %reduce_sum3A [0] : vector<8192x128xf32> to vector<128xf32>
    %broadcast_in_dim3A = vector.shape_cast %reduce_sum3A_5 : vector<128xf32> to vector<1x128xf32>
    %slice3A = vector.extract_strided_slice %broadcast_in_dim3A {offsets = [0, 0], sizes = [1, 64], strides = [1, 1]} : vector<1x128xf32> to vector<1x64xf32>
    %slice3A_6 = vector.extract_strided_slice %broadcast_in_dim3A {offsets = [0, 64], sizes = [1, 64], strides = [1, 1]} : vector<1x128xf32> to vector<1x64xf32>
    %add3A = arith.addf %slice3A, %slice3A_6 : vector<1x64xf32>
    %get3A_7 = arith.constant 0 : index
    %get3A_8 = arith.constant 0 : index
    %get3A_9 = vector.load %arg3[%get3A_7, %get3A_8] : memref<32x64xf32, #tpu.memory_space<vmem>>, vector<32x64xf32>
    %reduce_sum3A_10 = arith.constant dense<0.000000e+00> : vector<64xf32>
    %reduce_sum3A_11 = vector.multi_reduction <add>, %get3A_9, %reduce_sum3A_10 [0] : vector<32x64xf32> to vector<64xf32>
    %broadcast_in_dim3A_12 = vector.shape_cast %reduce_sum3A_11 : vector<64xf32> to vector<1x64xf32>
    %mul3A = arith.mulf %get3A_4, %get3A_1 : vector<8192x128xf32>
    %reduce_sum3A_13 = arith.constant dense<0.000000e+00> : vector<128xf32>
    %reduce_sum3A_14 = vector.multi_reduction <add>, %mul3A, %reduce_sum3A_13 [0] : vector<8192x128xf32> to vector<128xf32>
    %broadcast_in_dim3A_15 = vector.shape_cast %reduce_sum3A_14 : vector<128xf32> to vector<1x128xf32>
    %slice3A_16 = vector.extract_strided_slice %broadcast_in_dim3A_15 {offsets = [0, 0], sizes = [1, 64], strides = [1, 1]} : vector<1x128xf32> to vector<1x64xf32>
    %slice3A_17 = vector.extract_strided_slice %broadcast_in_dim3A_15 {offsets = [0, 64], sizes = [1, 64], strides = [1, 1]} : vector<1x128xf32> to vector<1x64xf32>
    %add3A_18 = arith.addf %slice3A_16, %slice3A_17 : vector<1x64xf32>
    %reduce_sum3A_19 = arith.constant dense<0.000000e+00> : vector<128xf32>
    %reduce_sum3A_20 = vector.multi_reduction <add>, %get3A_1, %reduce_sum3A_19 [0] : vector<8192x128xf32> to vector<128xf32>
    %broadcast_in_dim3A_21 = vector.shape_cast %reduce_sum3A_20 : vector<128xf32> to vector<1x128xf32>
    %slice3A_22 = vector.extract_strided_slice %broadcast_in_dim3A_21 {offsets = [0, 0], sizes = [1, 64], strides = [1, 1]} : vector<1x128xf32> to vector<1x64xf32>
    %slice3A_23 = vector.extract_strided_slice %broadcast_in_dim3A_21 {offsets = [0, 64], sizes = [1, 64], strides = [1, 1]} : vector<1x128xf32> to vector<1x64xf32>
    %add3A_24 = arith.addf %slice3A_22, %slice3A_23 : vector<1x64xf32>
    %mul3A_25 = arith.mulf %get3A_1, %get3A_1 : vector<8192x128xf32>
    %reduce_sum3A_26 = arith.constant dense<0.000000e+00> : vector<128xf32>
    %reduce_sum3A_27 = vector.multi_reduction <add>, %mul3A_25, %reduce_sum3A_26 [0] : vector<8192x128xf32> to vector<128xf32>
    %broadcast_in_dim3A_28 = vector.shape_cast %reduce_sum3A_27 : vector<128xf32> to vector<1x128xf32>
    %slice3A_29 = vector.extract_strided_slice %broadcast_in_dim3A_28 {offsets = [0, 0], sizes = [1, 64], strides = [1, 1]} : vector<1x128xf32> to vector<1x64xf32>
    %slice3A_30 = vector.extract_strided_slice %broadcast_in_dim3A_28 {offsets = [0, 64], sizes = [1, 64], strides = [1, 1]} : vector<1x128xf32> to vector<1x64xf32>
    %add3A_31 = arith.addf %slice3A_29, %slice3A_30 : vector<1x64xf32>
    %mul3A_32 = arith.constant 2.000000e+01 : f32
    %mul3A_33 = vector.broadcast %mul3A_32 : f32 to vector<1x64xf32>
    %mul3A_34 = arith.mulf %mul3A_33, %add3A_24 : vector<1x64xf32>
    %add3A_35 = arith.addf %add3A, %mul3A_34 : vector<1x64xf32>
    %mul3A_36 = arith.constant 3.05175786E-6 : f32
    %mul3A_37 = vector.broadcast %mul3A_36 : f32 to vector<1x64xf32>
    %mul3A_38 = arith.mulf %add3A_35, %mul3A_37 : vector<1x64xf32>
    %mul3A_39 = arith.constant 2.000000e+00 : f32
    %mul3A_40 = vector.broadcast %mul3A_39 : f32 to vector<1x64xf32>
    %mul3A_41 = arith.mulf %mul3A_40, %add3A_18 : vector<1x64xf32>
    %add3A_42 = arith.addf %broadcast_in_dim3A_12, %mul3A_41 : vector<1x64xf32>
    %mul3A_43 = arith.constant 2.000000e+01 : f32
    %mul3A_44 = vector.broadcast %mul3A_43 : f32 to vector<1x64xf32>
    %mul3A_45 = arith.mulf %mul3A_44, %add3A_31 : vector<1x64xf32>
    %add3A_46 = arith.addf %add3A_42, %mul3A_45 : vector<1x64xf32>
    %mul3A_47 = arith.constant 3.05175786E-6 : f32
    %mul3A_48 = vector.broadcast %mul3A_47 : f32 to vector<1x64xf32>
    %mul3A_49 = arith.mulf %add3A_46, %mul3A_48 : vector<1x64xf32>
    %mul3A_50 = arith.mulf %mul3A_38, %mul3A_38 : vector<1x64xf32>
    %sub3A = arith.subf %mul3A_49, %mul3A_50 : vector<1x64xf32>
    %get3A_51 = arith.constant 0 : index
    %get3A_52 = arith.constant 0 : index
    %get3A_53 = vector.load %arg4[%get3A_51, %get3A_52] : memref<1x64xf32, #tpu.memory_space<vmem>>, vector<1x64xf32>
    %add3A_54 = arith.constant 9.99999974E-6 : f32
    %add3A_55 = vector.broadcast %add3A_54 : f32 to vector<1x64xf32>
    %add3A_56 = arith.addf %sub3A, %add3A_55 : vector<1x64xf32>
    %rsqrt3A = math.rsqrt %add3A_56 : vector<1x64xf32>
    %mul3A_57 = arith.mulf %get3A_53, %rsqrt3A : vector<1x64xf32>
    %get3A_58 = arith.constant 0 : index
    %get3A_59 = arith.constant 0 : index
    %get3A_60 = vector.load %arg5[%get3A_58, %get3A_59] : memref<1x64xf32, #tpu.memory_space<vmem>>, vector<1x64xf32>
    %mul3A_61 = arith.mulf %mul3A_38, %mul3A_57 : vector<1x64xf32>
    %sub3A_62 = arith.subf %get3A_60, %mul3A_61 : vector<1x64xf32>
    %concatenate3A = tpu.concatenate %mul3A_57, %mul3A_57 in 1 : vector<1x64xf32>, vector<1x64xf32> -> vector<1x128xf32>
    %concatenate3A_63 = tpu.concatenate %sub3A_62, %sub3A_62 in 1 : vector<1x64xf32>, vector<1x64xf32> -> vector<1x128xf32>
    %get3A_64 = arith.constant 0 : index
    %get3A_65 = arith.constant 0 : index
    %get3A_66 = vector.load %arg1[%get3A_64, %get3A_65] : memref<8192x128xf32, #tpu.memory_space<vmem>>, vector<8192x128xf32>
    %add3A_67 = arith.addf %get3A_1, %get3A_66 : vector<8192x128xf32>
    %mul3A_68 = vector.broadcast %concatenate3A : vector<1x128xf32> to vector<8192x128xf32>
    %mul3A_69 = arith.mulf %add3A_67, %mul3A_68 : vector<8192x128xf32>
    %add3A_70 = vector.broadcast %concatenate3A_63 : vector<1x128xf32> to vector<8192x128xf32>
    %add3A_71 = arith.addf %mul3A_69, %add3A_70 : vector<8192x128xf32>
    %ge3A = arith.constant 0.000000e+00 : f32
    %ge3A_72 = vector.broadcast %ge3A : f32 to vector<8192x128xf32>
    %ge3A_73 = arith.cmpf oge, %add3A_71, %ge3A_72 : vector<8192x128xf32>
    %mul3A_74 = arith.constant 2.000000e-01 : f32
    %mul3A_75 = vector.broadcast %mul3A_74 : f32 to vector<8192x128xf32>
    %mul3A_76 = arith.mulf %mul3A_75, %add3A_71 : vector<8192x128xf32>
    %select_n3A = arith.select %ge3A_73, %add3A_71, %mul3A_76 : vector<8192x128xi1>, vector<8192x128xf32>
    %slice3A_77 = vector.extract_strided_slice %select_n3A {offsets = [0, 0], sizes = [1024, 128], strides = [1, 1]} : vector<8192x128xf32> to vector<1024x128xf32>
    %reduce_sum3A_78 = arith.constant dense<0.000000e+00> : vector<128xf32>
    %reduce_sum3A_79 = vector.multi_reduction <add>, %slice3A_77, %reduce_sum3A_78 [0] : vector<1024x128xf32> to vector<128xf32>
    %broadcast_in_dim3A_80 = vector.shape_cast %reduce_sum3A_79 : vector<128xf32> to vector<1x128xf32>
    %slice3A_81 = vector.extract_strided_slice %broadcast_in_dim3A_80 {offsets = [0, 0], sizes = [1, 64], strides = [1, 1]} : vector<1x128xf32> to vector<1x64xf32>
    %slice3A_82 = vector.extract_strided_slice %broadcast_in_dim3A_80 {offsets = [0, 64], sizes = [1, 64], strides = [1, 1]} : vector<1x128xf32> to vector<1x64xf32>
    %add3A_83 = arith.addf %slice3A_81, %slice3A_82 : vector<1x64xf32>
    %mul3A_84 = arith.constant 4.8828125E-4 : f32
    %mul3A_85 = vector.broadcast %mul3A_84 : f32 to vector<1x64xf32>
    %mul3A_86 = arith.mulf %add3A_83, %mul3A_85 : vector<1x64xf32>
    %slice3A_87 = vector.extract_strided_slice %select_n3A {offsets = [1024, 0], sizes = [1024, 128], strides = [1, 1]} : vector<8192x128xf32> to vector<1024x128xf32>
    %reduce_sum3A_88 = arith.constant dense<0.000000e+00> : vector<128xf32>
    %reduce_sum3A_89 = vector.multi_reduction <add>, %slice3A_87, %reduce_sum3A_88 [0] : vector<1024x128xf32> to vector<128xf32>
    %broadcast_in_dim3A_90 = vector.shape_cast %reduce_sum3A_89 : vector<128xf32> to vector<1x128xf32>
    %slice3A_91 = vector.extract_strided_slice %broadcast_in_dim3A_90 {offsets = [0, 0], sizes = [1, 64], strides = [1, 1]} : vector<1x128xf32> to vector<1x64xf32>
    %slice3A_92 = vector.extract_strided_slice %broadcast_in_dim3A_90 {offsets = [0, 64], sizes = [1, 64], strides = [1, 1]} : vector<1x128xf32> to vector<1x64xf32>
    %add3A_93 = arith.addf %slice3A_91, %slice3A_92 : vector<1x64xf32>
    %mul3A_94 = arith.constant 4.8828125E-4 : f32
    %mul3A_95 = vector.broadcast %mul3A_94 : f32 to vector<1x64xf32>
    %mul3A_96 = arith.mulf %add3A_93, %mul3A_95 : vector<1x64xf32>
    %slice3A_97 = vector.extract_strided_slice %select_n3A {offsets = [2048, 0], sizes = [1024, 128], strides = [1, 1]} : vector<8192x128xf32> to vector<1024x128xf32>
    %reduce_sum3A_98 = arith.constant dense<0.000000e+00> : vector<128xf32>
    %reduce_sum3A_99 = vector.multi_reduction <add>, %slice3A_97, %reduce_sum3A_98 [0] : vector<1024x128xf32> to vector<128xf32>
    %broadcast_in_dim3A_100 = vector.shape_cast %reduce_sum3A_99 : vector<128xf32> to vector<1x128xf32>
    %slice3A_101 = vector.extract_strided_slice %broadcast_in_dim3A_100 {offsets = [0, 0], sizes = [1, 64], strides = [1, 1]} : vector<1x128xf32> to vector<1x64xf32>
    %slice3A_102 = vector.extract_strided_slice %broadcast_in_dim3A_100 {offsets = [0, 64], sizes = [1, 64], strides = [1, 1]} : vector<1x128xf32> to vector<1x64xf32>
    %add3A_103 = arith.addf %slice3A_101, %slice3A_102 : vector<1x64xf32>
    %mul3A_104 = arith.constant 4.8828125E-4 : f32
    %mul3A_105 = vector.broadcast %mul3A_104 : f32 to vector<1x64xf32>
    %mul3A_106 = arith.mulf %add3A_103, %mul3A_105 : vector<1x64xf32>
    %slice3A_107 = vector.extract_strided_slice %select_n3A {offsets = [3072, 0], sizes = [1024, 128], strides = [1, 1]} : vector<8192x128xf32> to vector<1024x128xf32>
    %reduce_sum3A_108 = arith.constant dense<0.000000e+00> : vector<128xf32>
    %reduce_sum3A_109 = vector.multi_reduction <add>, %slice3A_107, %reduce_sum3A_108 [0] : vector<1024x128xf32> to vector<128xf32>
    %broadcast_in_dim3A_110 = vector.shape_cast %reduce_sum3A_109 : vector<128xf32> to vector<1x128xf32>
    %slice3A_111 = vector.extract_strided_slice %broadcast_in_dim3A_110 {offsets = [0, 0], sizes = [1, 64], strides = [1, 1]} : vector<1x128xf32> to vector<1x64xf32>
    %slice3A_112 = vector.extract_strided_slice %broadcast_in_dim3A_110 {offsets = [0, 64], sizes = [1, 64], strides = [1, 1]} : vector<1x128xf32> to vector<1x64xf32>
    %add3A_113 = arith.addf %slice3A_111, %slice3A_112 : vector<1x64xf32>
    %mul3A_114 = arith.constant 4.8828125E-4 : f32
    %mul3A_115 = vector.broadcast %mul3A_114 : f32 to vector<1x64xf32>
    %mul3A_116 = arith.mulf %add3A_113, %mul3A_115 : vector<1x64xf32>
    %slice3A_117 = vector.extract_strided_slice %select_n3A {offsets = [4096, 0], sizes = [1024, 128], strides = [1, 1]} : vector<8192x128xf32> to vector<1024x128xf32>
    %reduce_sum3A_118 = arith.constant dense<0.000000e+00> : vector<128xf32>
    %reduce_sum3A_119 = vector.multi_reduction <add>, %slice3A_117, %reduce_sum3A_118 [0] : vector<1024x128xf32> to vector<128xf32>
    %broadcast_in_dim3A_120 = vector.shape_cast %reduce_sum3A_119 : vector<128xf32> to vector<1x128xf32>
    %slice3A_121 = vector.extract_strided_slice %broadcast_in_dim3A_120 {offsets = [0, 0], sizes = [1, 64], strides = [1, 1]} : vector<1x128xf32> to vector<1x64xf32>
    %slice3A_122 = vector.extract_strided_slice %broadcast_in_dim3A_120 {offsets = [0, 64], sizes = [1, 64], strides = [1, 1]} : vector<1x128xf32> to vector<1x64xf32>
    %add3A_123 = arith.addf %slice3A_121, %slice3A_122 : vector<1x64xf32>
    %mul3A_124 = arith.constant 4.8828125E-4 : f32
    %mul3A_125 = vector.broadcast %mul3A_124 : f32 to vector<1x64xf32>
    %mul3A_126 = arith.mulf %add3A_123, %mul3A_125 : vector<1x64xf32>
    %slice3A_127 = vector.extract_strided_slice %select_n3A {offsets = [5120, 0], sizes = [1024, 128], strides = [1, 1]} : vector<8192x128xf32> to vector<1024x128xf32>
    %reduce_sum3A_128 = arith.constant dense<0.000000e+00> : vector<128xf32>
    %reduce_sum3A_129 = vector.multi_reduction <add>, %slice3A_127, %reduce_sum3A_128 [0] : vector<1024x128xf32> to vector<128xf32>
    %broadcast_in_dim3A_130 = vector.shape_cast %reduce_sum3A_129 : vector<128xf32> to vector<1x128xf32>
    %slice3A_131 = vector.extract_strided_slice %broadcast_in_dim3A_130 {offsets = [0, 0], sizes = [1, 64], strides = [1, 1]} : vector<1x128xf32> to vector<1x64xf32>
    %slice3A_132 = vector.extract_strided_slice %broadcast_in_dim3A_130 {offsets = [0, 64], sizes = [1, 64], strides = [1, 1]} : vector<1x128xf32> to vector<1x64xf32>
    %add3A_133 = arith.addf %slice3A_131, %slice3A_132 : vector<1x64xf32>
    %mul3A_134 = arith.constant 4.8828125E-4 : f32
    %mul3A_135 = vector.broadcast %mul3A_134 : f32 to vector<1x64xf32>
    %mul3A_136 = arith.mulf %add3A_133, %mul3A_135 : vector<1x64xf32>
    %slice3A_137 = vector.extract_strided_slice %select_n3A {offsets = [6144, 0], sizes = [1024, 128], strides = [1, 1]} : vector<8192x128xf32> to vector<1024x128xf32>
    %reduce_sum3A_138 = arith.constant dense<0.000000e+00> : vector<128xf32>
    %reduce_sum3A_139 = vector.multi_reduction <add>, %slice3A_137, %reduce_sum3A_138 [0] : vector<1024x128xf32> to vector<128xf32>
    %broadcast_in_dim3A_140 = vector.shape_cast %reduce_sum3A_139 : vector<128xf32> to vector<1x128xf32>
    %slice3A_141 = vector.extract_strided_slice %broadcast_in_dim3A_140 {offsets = [0, 0], sizes = [1, 64], strides = [1, 1]} : vector<1x128xf32> to vector<1x64xf32>
    %slice3A_142 = vector.extract_strided_slice %broadcast_in_dim3A_140 {offsets = [0, 64], sizes = [1, 64], strides = [1, 1]} : vector<1x128xf32> to vector<1x64xf32>
    %add3A_143 = arith.addf %slice3A_141, %slice3A_142 : vector<1x64xf32>
    %mul3A_144 = arith.constant 4.8828125E-4 : f32
    %mul3A_145 = vector.broadcast %mul3A_144 : f32 to vector<1x64xf32>
    %mul3A_146 = arith.mulf %add3A_143, %mul3A_145 : vector<1x64xf32>
    %slice3A_147 = vector.extract_strided_slice %select_n3A {offsets = [7168, 0], sizes = [1024, 128], strides = [1, 1]} : vector<8192x128xf32> to vector<1024x128xf32>
    %reduce_sum3A_148 = arith.constant dense<0.000000e+00> : vector<128xf32>
    %reduce_sum3A_149 = vector.multi_reduction <add>, %slice3A_147, %reduce_sum3A_148 [0] : vector<1024x128xf32> to vector<128xf32>
    %broadcast_in_dim3A_150 = vector.shape_cast %reduce_sum3A_149 : vector<128xf32> to vector<1x128xf32>
    %slice3A_151 = vector.extract_strided_slice %broadcast_in_dim3A_150 {offsets = [0, 0], sizes = [1, 64], strides = [1, 1]} : vector<1x128xf32> to vector<1x64xf32>
    %slice3A_152 = vector.extract_strided_slice %broadcast_in_dim3A_150 {offsets = [0, 64], sizes = [1, 64], strides = [1, 1]} : vector<1x128xf32> to vector<1x64xf32>
    %add3A_153 = arith.addf %slice3A_151, %slice3A_152 : vector<1x64xf32>
    %mul3A_154 = arith.constant 4.8828125E-4 : f32
    %mul3A_155 = vector.broadcast %mul3A_154 : f32 to vector<1x64xf32>
    %mul3A_156 = arith.mulf %add3A_153, %mul3A_155 : vector<1x64xf32>
    %concatenate3A_157 = tpu.concatenate %mul3A_86, %mul3A_96, %mul3A_106, %mul3A_116, %mul3A_126, %mul3A_136, %mul3A_146, %mul3A_156 in 0 : vector<1x64xf32>, vector<1x64xf32>, vector<1x64xf32>, vector<1x64xf32>, vector<1x64xf32>, vector<1x64xf32>, vector<1x64xf32>, vector<1x64xf32> -> vector<8x64xf32>
    %get3A_158 = arith.constant 0 : index
    %get3A_159 = arith.constant 0 : index
    %get3A_160 = vector.load %arg6[%get3A_158, %get3A_159] : memref<16x64xf32, #tpu.memory_space<vmem>>, vector<16x64xf32>
    %dot_general3A = arith.constant dense<0.000000e+00> : vector<8x16xf32>
    %dot_general3A_161 = tpu.matmul %concatenate3A_157, %get3A_160, %dot_general3A {dimension_numbers = #tpu.dot_dimension_numbers<[1], [1], [0], [0], [0, 0, 1, 0], [], []>, transpose_lhs_hint = false} : vector<8x64xf32>, vector<16x64xf32>, vector<8x16xf32> -> vector<8x16xf32>
    %max3A = arith.constant 0.000000e+00 : f32
    %max3A_162 = vector.broadcast %max3A : f32 to vector<8x16xf32>
    %max3A_163 = arith.maximumf %dot_general3A_161, %max3A_162 : vector<8x16xf32>
    %get3A_164 = arith.constant 0 : index
    %get3A_165 = arith.constant 0 : index
    %get3A_166 = vector.load %arg7[%get3A_164, %get3A_165] : memref<64x16xf32, #tpu.memory_space<vmem>>, vector<64x16xf32>
    %dot_general3A_167 = arith.constant dense<0.000000e+00> : vector<8x64xf32>
    %dot_general3A_168 = tpu.matmul %max3A_163, %get3A_166, %dot_general3A_167 {dimension_numbers = #tpu.dot_dimension_numbers<[1], [1], [0], [0], [0, 0, 1, 0], [], []>, transpose_lhs_hint = false} : vector<8x16xf32>, vector<64x16xf32>, vector<8x64xf32> -> vector<8x64xf32>
    %logistic3A = arith.negf %dot_general3A_168 : vector<8x64xf32>
    %logistic3A_169 = math.exp %logistic3A : vector<8x64xf32>
    %logistic3A_170 = arith.constant 1.000000e+00 : f32
    %logistic3A_171 = vector.broadcast %logistic3A_170 : f32 to vector<8x64xf32>
    %logistic3A_172 = arith.addf %logistic3A_171, %logistic3A_169 : vector<8x64xf32>
    %logistic3A_173 = arith.divf %logistic3A_171, %logistic3A_172 : vector<8x64xf32>
    %concatenate3A_174 = tpu.concatenate %logistic3A_173, %logistic3A_173 in 1 : vector<8x64xf32>, vector<8x64xf32> -> vector<8x128xf32>
    %get3A_175 = arith.constant 0 : index
    %get3A_176 = arith.constant 0 : index
    %get3A_177 = vector.load %arg8[%get3A_175, %get3A_176] : memref<128x128xf32, #tpu.memory_space<vmem>>, vector<128x128xf32>
    %slice3A_178 = vector.extract_strided_slice %select_n3A {offsets = [0, 0], sizes = [1024, 128], strides = [1, 1]} : vector<8192x128xf32> to vector<1024x128xf32>
    %slice3A_179 = vector.extract_strided_slice %concatenate3A_174 {offsets = [0, 0], sizes = [1, 128], strides = [1, 1]} : vector<8x128xf32> to vector<1x128xf32>
    %mul3A_180 = vector.broadcast %slice3A_179 : vector<1x128xf32> to vector<1024x128xf32>
    %mul3A_181 = arith.mulf %slice3A_178, %mul3A_180 : vector<1024x128xf32>
    %dot_general3A_182 = arith.constant dense<0.000000e+00> : vector<128x1024xf32>
    %dot_general3A_183 = tpu.matmul %get3A_177, %mul3A_181, %dot_general3A_182 {dimension_numbers = #tpu.dot_dimension_numbers<[1], [1], [0], [0], [0, 0, 1, 0], [], []>, transpose_lhs_hint = false} : vector<128x128xf32>, vector<1024x128xf32>, vector<128x1024xf32> -> vector<128x1024xf32>
    %slice3A_184 = vector.extract_strided_slice %dot_general3A_183 {offsets = [0, 0], sizes = [64, 1024], strides = [1, 1]} : vector<128x1024xf32> to vector<64x1024xf32>
    %slice3A_185 = vector.extract_strided_slice %dot_general3A_183 {offsets = [64, 0], sizes = [64, 1024], strides = [1, 1]} : vector<128x1024xf32> to vector<64x1024xf32>
    %concatenate3A_186 = tpu.concatenate %slice3A_184, %slice3A_185 in 1 : vector<64x1024xf32>, vector<64x1024xf32> -> vector<64x2048xf32>
    %swap3A = arith.constant 0 : index
    %swap3A_187 = arith.constant 0 : index
    %swap3A_188 = arith.constant 0 : index
    %swap3A_189 = vector.load %arg9[%swap3A, %swap3A_187, %swap3A_188] : memref<8x64x2048xf32, #tpu.memory_space<vmem>>, vector<1x64x2048xf32>
    %swap3A_190 = vector.shape_cast %swap3A_189 : vector<1x64x2048xf32> to vector<64x2048xf32>
    %swap3A_191 = vector.shape_cast %concatenate3A_186 : vector<64x2048xf32> to vector<1x64x2048xf32>
    tpu.vector_store %arg9[%swap3A, %swap3A_187, %swap3A_188], %swap3A_191 {strides = array<i32>} : memref<8x64x2048xf32, #tpu.memory_space<vmem>>, vector<1x64x2048xf32>,
    %slice3A_192 = vector.extract_strided_slice %select_n3A {offsets = [1024, 0], sizes = [1024, 128], strides = [1, 1]} : vector<8192x128xf32> to vector<1024x128xf32>
    %slice3A_193 = vector.extract_strided_slice %concatenate3A_174 {offsets = [1, 0], sizes = [1, 128], strides = [1, 1]} : vector<8x128xf32> to vector<1x128xf32>
    %mul3A_194 = vector.broadcast %slice3A_193 : vector<1x128xf32> to vector<1024x128xf32>
    %mul3A_195 = arith.mulf %slice3A_192, %mul3A_194 : vector<1024x128xf32>
    %dot_general3A_196 = arith.constant dense<0.000000e+00> : vector<128x1024xf32>
    %dot_general3A_197 = tpu.matmul %get3A_177, %mul3A_195, %dot_general3A_196 {dimension_numbers = #tpu.dot_dimension_numbers<[1], [1], [0], [0], [0, 0, 1, 0], [], []>, transpose_lhs_hint = false} : vector<128x128xf32>, vector<1024x128xf32>, vector<128x1024xf32> -> vector<128x1024xf32>
    %slice3A_198 = vector.extract_strided_slice %dot_general3A_197 {offsets = [0, 0], sizes = [64, 1024], strides = [1, 1]} : vector<128x1024xf32> to vector<64x1024xf32>
    %slice3A_199 = vector.extract_strided_slice %dot_general3A_197 {offsets = [64, 0], sizes = [64, 1024], strides = [1, 1]} : vector<128x1024xf32> to vector<64x1024xf32>
    %concatenate3A_200 = tpu.concatenate %slice3A_198, %slice3A_199 in 1 : vector<64x1024xf32>, vector<64x1024xf32> -> vector<64x2048xf32>
    %swap3A_201 = arith.constant 1 : index
    %swap3A_202 = arith.constant 0 : index
    %swap3A_203 = arith.constant 0 : index
    %swap3A_204 = vector.load %arg9[%swap3A_201, %swap3A_202, %swap3A_203] : memref<8x64x2048xf32, #tpu.memory_space<vmem>>, vector<1x64x2048xf32>
    %swap3A_205 = vector.shape_cast %swap3A_204 : vector<1x64x2048xf32> to vector<64x2048xf32>
    %swap3A_206 = vector.shape_cast %concatenate3A_200 : vector<64x2048xf32> to vector<1x64x2048xf32>
    tpu.vector_store %arg9[%swap3A_201, %swap3A_202, %swap3A_203], %swap3A_206 {strides = array<i32>} : memref<8x64x2048xf32, #tpu.memory_space<vmem>>, vector<1x64x2048xf32>,
    %slice3A_207 = vector.extract_strided_slice %select_n3A {offsets = [2048, 0], sizes = [1024, 128], strides = [1, 1]} : vector<8192x128xf32> to vector<1024x128xf32>
    %slice3A_208 = vector.extract_strided_slice %concatenate3A_174 {offsets = [2, 0], sizes = [1, 128], strides = [1, 1]} : vector<8x128xf32> to vector<1x128xf32>
    %mul3A_209 = vector.broadcast %slice3A_208 : vector<1x128xf32> to vector<1024x128xf32>
    %mul3A_210 = arith.mulf %slice3A_207, %mul3A_209 : vector<1024x128xf32>
    %dot_general3A_211 = arith.constant dense<0.000000e+00> : vector<128x1024xf32>
    %dot_general3A_212 = tpu.matmul %get3A_177, %mul3A_210, %dot_general3A_211 {dimension_numbers = #tpu.dot_dimension_numbers<[1], [1], [0], [0], [0, 0, 1, 0], [], []>, transpose_lhs_hint = false} : vector<128x128xf32>, vector<1024x128xf32>, vector<128x1024xf32> -> vector<128x1024xf32>
    %slice3A_213 = vector.extract_strided_slice %dot_general3A_212 {offsets = [0, 0], sizes = [64, 1024], strides = [1, 1]} : vector<128x1024xf32> to vector<64x1024xf32>
    %slice3A_214 = vector.extract_strided_slice %dot_general3A_212 {offsets = [64, 0], sizes = [64, 1024], strides = [1, 1]} : vector<128x1024xf32> to vector<64x1024xf32>
    %concatenate3A_215 = tpu.concatenate %slice3A_213, %slice3A_214 in 1 : vector<64x1024xf32>, vector<64x1024xf32> -> vector<64x2048xf32>
    %swap3A_216 = arith.constant 2 : index
    %swap3A_217 = arith.constant 0 : index
    %swap3A_218 = arith.constant 0 : index
    %swap3A_219 = vector.load %arg9[%swap3A_216, %swap3A_217, %swap3A_218] : memref<8x64x2048xf32, #tpu.memory_space<vmem>>, vector<1x64x2048xf32>
    %swap3A_220 = vector.shape_cast %swap3A_219 : vector<1x64x2048xf32> to vector<64x2048xf32>
    %swap3A_221 = vector.shape_cast %concatenate3A_215 : vector<64x2048xf32> to vector<1x64x2048xf32>
    tpu.vector_store %arg9[%swap3A_216, %swap3A_217, %swap3A_218], %swap3A_221 {strides = array<i32>} : memref<8x64x2048xf32, #tpu.memory_space<vmem>>, vector<1x64x2048xf32>,
    %slice3A_222 = vector.extract_strided_slice %select_n3A {offsets = [3072, 0], sizes = [1024, 128], strides = [1, 1]} : vector<8192x128xf32> to vector<1024x128xf32>
    %slice3A_223 = vector.extract_strided_slice %concatenate3A_174 {offsets = [3, 0], sizes = [1, 128], strides = [1, 1]} : vector<8x128xf32> to vector<1x128xf32>
    %mul3A_224 = vector.broadcast %slice3A_223 : vector<1x128xf32> to vector<1024x128xf32>
    %mul3A_225 = arith.mulf %slice3A_222, %mul3A_224 : vector<1024x128xf32>
    %dot_general3A_226 = arith.constant dense<0.000000e+00> : vector<128x1024xf32>
    %dot_general3A_227 = tpu.matmul %get3A_177, %mul3A_225, %dot_general3A_226 {dimension_numbers = #tpu.dot_dimension_numbers<[1], [1], [0], [0], [0, 0, 1, 0], [], []>, transpose_lhs_hint = false} : vector<128x128xf32>, vector<1024x128xf32>, vector<128x1024xf32> -> vector<128x1024xf32>
    %slice3A_228 = vector.extract_strided_slice %dot_general3A_227 {offsets = [0, 0], sizes = [64, 1024], strides = [1, 1]} : vector<128x1024xf32> to vector<64x1024xf32>
    %slice3A_229 = vector.extract_strided_slice %dot_general3A_227 {offsets = [64, 0], sizes = [64, 1024], strides = [1, 1]} : vector<128x1024xf32> to vector<64x1024xf32>
    %concatenate3A_230 = tpu.concatenate %slice3A_228, %slice3A_229 in 1 : vector<64x1024xf32>, vector<64x1024xf32> -> vector<64x2048xf32>
    %swap3A_231 = arith.constant 3 : index
    %swap3A_232 = arith.constant 0 : index
    %swap3A_233 = arith.constant 0 : index
    %swap3A_234 = vector.load %arg9[%swap3A_231, %swap3A_232, %swap3A_233] : memref<8x64x2048xf32, #tpu.memory_space<vmem>>, vector<1x64x2048xf32>
    %swap3A_235 = vector.shape_cast %swap3A_234 : vector<1x64x2048xf32> to vector<64x2048xf32>
    %swap3A_236 = vector.shape_cast %concatenate3A_230 : vector<64x2048xf32> to vector<1x64x2048xf32>
    tpu.vector_store %arg9[%swap3A_231, %swap3A_232, %swap3A_233], %swap3A_236 {strides = array<i32>} : memref<8x64x2048xf32, #tpu.memory_space<vmem>>, vector<1x64x2048xf32>,
    %slice3A_237 = vector.extract_strided_slice %select_n3A {offsets = [4096, 0], sizes = [1024, 128], strides = [1, 1]} : vector<8192x128xf32> to vector<1024x128xf32>
    %slice3A_238 = vector.extract_strided_slice %concatenate3A_174 {offsets = [4, 0], sizes = [1, 128], strides = [1, 1]} : vector<8x128xf32> to vector<1x128xf32>
    %mul3A_239 = vector.broadcast %slice3A_238 : vector<1x128xf32> to vector<1024x128xf32>
    %mul3A_240 = arith.mulf %slice3A_237, %mul3A_239 : vector<1024x128xf32>
    %dot_general3A_241 = arith.constant dense<0.000000e+00> : vector<128x1024xf32>
    %dot_general3A_242 = tpu.matmul %get3A_177, %mul3A_240, %dot_general3A_241 {dimension_numbers = #tpu.dot_dimension_numbers<[1], [1], [0], [0], [0, 0, 1, 0], [], []>, transpose_lhs_hint = false} : vector<128x128xf32>, vector<1024x128xf32>, vector<128x1024xf32> -> vector<128x1024xf32>
    %slice3A_243 = vector.extract_strided_slice %dot_general3A_242 {offsets = [0, 0], sizes = [64, 1024], strides = [1, 1]} : vector<128x1024xf32> to vector<64x1024xf32>
    %slice3A_244 = vector.extract_strided_slice %dot_general3A_242 {offsets = [64, 0], sizes = [64, 1024], strides = [1, 1]} : vector<128x1024xf32> to vector<64x1024xf32>
    %concatenate3A_245 = tpu.concatenate %slice3A_243, %slice3A_244 in 1 : vector<64x1024xf32>, vector<64x1024xf32> -> vector<64x2048xf32>
    %swap3A_246 = arith.constant 4 : index
    %swap3A_247 = arith.constant 0 : index
    %swap3A_248 = arith.constant 0 : index
    %swap3A_249 = vector.load %arg9[%swap3A_246, %swap3A_247, %swap3A_248] : memref<8x64x2048xf32, #tpu.memory_space<vmem>>, vector<1x64x2048xf32>
    %swap3A_250 = vector.shape_cast %swap3A_249 : vector<1x64x2048xf32> to vector<64x2048xf32>
    %swap3A_251 = vector.shape_cast %concatenate3A_245 : vector<64x2048xf32> to vector<1x64x2048xf32>
    tpu.vector_store %arg9[%swap3A_246, %swap3A_247, %swap3A_248], %swap3A_251 {strides = array<i32>} : memref<8x64x2048xf32, #tpu.memory_space<vmem>>, vector<1x64x2048xf32>,
    %slice3A_252 = vector.extract_strided_slice %select_n3A {offsets = [5120, 0], sizes = [1024, 128], strides = [1, 1]} : vector<8192x128xf32> to vector<1024x128xf32>
    %slice3A_253 = vector.extract_strided_slice %concatenate3A_174 {offsets = [5, 0], sizes = [1, 128], strides = [1, 1]} : vector<8x128xf32> to vector<1x128xf32>
    %mul3A_254 = vector.broadcast %slice3A_253 : vector<1x128xf32> to vector<1024x128xf32>
    %mul3A_255 = arith.mulf %slice3A_252, %mul3A_254 : vector<1024x128xf32>
    %dot_general3A_256 = arith.constant dense<0.000000e+00> : vector<128x1024xf32>
    %dot_general3A_257 = tpu.matmul %get3A_177, %mul3A_255, %dot_general3A_256 {dimension_numbers = #tpu.dot_dimension_numbers<[1], [1], [0], [0], [0, 0, 1, 0], [], []>, transpose_lhs_hint = false} : vector<128x128xf32>, vector<1024x128xf32>, vector<128x1024xf32> -> vector<128x1024xf32>
    %slice3A_258 = vector.extract_strided_slice %dot_general3A_257 {offsets = [0, 0], sizes = [64, 1024], strides = [1, 1]} : vector<128x1024xf32> to vector<64x1024xf32>
    %slice3A_259 = vector.extract_strided_slice %dot_general3A_257 {offsets = [64, 0], sizes = [64, 1024], strides = [1, 1]} : vector<128x1024xf32> to vector<64x1024xf32>
    %concatenate3A_260 = tpu.concatenate %slice3A_258, %slice3A_259 in 1 : vector<64x1024xf32>, vector<64x1024xf32> -> vector<64x2048xf32>
    %swap3A_261 = arith.constant 5 : index
    %swap3A_262 = arith.constant 0 : index
    %swap3A_263 = arith.constant 0 : index
    %swap3A_264 = vector.load %arg9[%swap3A_261, %swap3A_262, %swap3A_263] : memref<8x64x2048xf32, #tpu.memory_space<vmem>>, vector<1x64x2048xf32>
    %swap3A_265 = vector.shape_cast %swap3A_264 : vector<1x64x2048xf32> to vector<64x2048xf32>
    %swap3A_266 = vector.shape_cast %concatenate3A_260 : vector<64x2048xf32> to vector<1x64x2048xf32>
    tpu.vector_store %arg9[%swap3A_261, %swap3A_262, %swap3A_263], %swap3A_266 {strides = array<i32>} : memref<8x64x2048xf32, #tpu.memory_space<vmem>>, vector<1x64x2048xf32>,
    %slice3A_267 = vector.extract_strided_slice %select_n3A {offsets = [6144, 0], sizes = [1024, 128], strides = [1, 1]} : vector<8192x128xf32> to vector<1024x128xf32>
    %slice3A_268 = vector.extract_strided_slice %concatenate3A_174 {offsets = [6, 0], sizes = [1, 128], strides = [1, 1]} : vector<8x128xf32> to vector<1x128xf32>
    %mul3A_269 = vector.broadcast %slice3A_268 : vector<1x128xf32> to vector<1024x128xf32>
    %mul3A_270 = arith.mulf %slice3A_267, %mul3A_269 : vector<1024x128xf32>
    %dot_general3A_271 = arith.constant dense<0.000000e+00> : vector<128x1024xf32>
    %dot_general3A_272 = tpu.matmul %get3A_177, %mul3A_270, %dot_general3A_271 {dimension_numbers = #tpu.dot_dimension_numbers<[1], [1], [0], [0], [0, 0, 1, 0], [], []>, transpose_lhs_hint = false} : vector<128x128xf32>, vector<1024x128xf32>, vector<128x1024xf32> -> vector<128x1024xf32>
    %slice3A_273 = vector.extract_strided_slice %dot_general3A_272 {offsets = [0, 0], sizes = [64, 1024], strides = [1, 1]} : vector<128x1024xf32> to vector<64x1024xf32>
    %slice3A_274 = vector.extract_strided_slice %dot_general3A_272 {offsets = [64, 0], sizes = [64, 1024], strides = [1, 1]} : vector<128x1024xf32> to vector<64x1024xf32>
    %concatenate3A_275 = tpu.concatenate %slice3A_273, %slice3A_274 in 1 : vector<64x1024xf32>, vector<64x1024xf32> -> vector<64x2048xf32>
    %swap3A_276 = arith.constant 6 : index
    %swap3A_277 = arith.constant 0 : index
    %swap3A_278 = arith.constant 0 : index
    %swap3A_279 = vector.load %arg9[%swap3A_276, %swap3A_277, %swap3A_278] : memref<8x64x2048xf32, #tpu.memory_space<vmem>>, vector<1x64x2048xf32>
    %swap3A_280 = vector.shape_cast %swap3A_279 : vector<1x64x2048xf32> to vector<64x2048xf32>
    %swap3A_281 = vector.shape_cast %concatenate3A_275 : vector<64x2048xf32> to vector<1x64x2048xf32>
    tpu.vector_store %arg9[%swap3A_276, %swap3A_277, %swap3A_278], %swap3A_281 {strides = array<i32>} : memref<8x64x2048xf32, #tpu.memory_space<vmem>>, vector<1x64x2048xf32>,
    %slice3A_282 = vector.extract_strided_slice %select_n3A {offsets = [7168, 0], sizes = [1024, 128], strides = [1, 1]} : vector<8192x128xf32> to vector<1024x128xf32>
    %slice3A_283 = vector.extract_strided_slice %concatenate3A_174 {offsets = [7, 0], sizes = [1, 128], strides = [1, 1]} : vector<8x128xf32> to vector<1x128xf32>
    %mul3A_284 = vector.broadcast %slice3A_283 : vector<1x128xf32> to vector<1024x128xf32>
    %mul3A_285 = arith.mulf %slice3A_282, %mul3A_284 : vector<1024x128xf32>
    %dot_general3A_286 = arith.constant dense<0.000000e+00> : vector<128x1024xf32>
    %dot_general3A_287 = tpu.matmul %get3A_177, %mul3A_285, %dot_general3A_286 {dimension_numbers = #tpu.dot_dimension_numbers<[1], [1], [0], [0], [0, 0, 1, 0], [], []>, transpose_lhs_hint = false} : vector<128x128xf32>, vector<1024x128xf32>, vector<128x1024xf32> -> vector<128x1024xf32>
    %slice3A_288 = vector.extract_strided_slice %dot_general3A_287 {offsets = [0, 0], sizes = [64, 1024], strides = [1, 1]} : vector<128x1024xf32> to vector<64x1024xf32>
    %slice3A_289 = vector.extract_strided_slice %dot_general3A_287 {offsets = [64, 0], sizes = [64, 1024], strides = [1, 1]} : vector<128x1024xf32> to vector<64x1024xf32>
    %concatenate3A_290 = tpu.concatenate %slice3A_288, %slice3A_289 in 1 : vector<64x1024xf32>, vector<64x1024xf32> -> vector<64x2048xf32>
    %swap3A_291 = arith.constant 7 : index
    %swap3A_292 = arith.constant 0 : index
    %swap3A_293 = arith.constant 0 : index
    %swap3A_294 = vector.load %arg9[%swap3A_291, %swap3A_292, %swap3A_293] : memref<8x64x2048xf32, #tpu.memory_space<vmem>>, vector<1x64x2048xf32>
    %swap3A_295 = vector.shape_cast %swap3A_294 : vector<1x64x2048xf32> to vector<64x2048xf32>
    %swap3A_296 = vector.shape_cast %concatenate3A_290 : vector<64x2048xf32> to vector<1x64x2048xf32>
    tpu.vector_store %arg9[%swap3A_291, %swap3A_292, %swap3A_293], %swap3A_296 {strides = array<i32>} : memref<8x64x2048xf32, #tpu.memory_space<vmem>>, vector<1x64x2048xf32>,
    return
  }
}

</mosaic_0001>

<sc_bundles>
// kernel: kernel.5.cloned.1.call-start
scs
__scs_entry_jumppad:
0x0: {  	(pc) =	sbr.rel $0x88, $3  }
0x1: {  	(tag) =	ssettag $0x0;
	lr =	simm.s32 $0x1  }
0x2: {  	[smem:$0x3F9A] =	sst lr;
	_ =	strace $0xD0000000  }
0x3: {  	_ = 	snop  }
0x4: {  	_ = 	snop  }
0x5: {  	_ = 	snop  }
0x6: {  	_ = 	snop  }
0x7: {  	_ = 	snop  }
__scs_overlays_trampoline_lowered:
0x8: {  	[smem:$0x3FA9] =	sst s0  }
0x9: {  	[smem:$0x3FAA] =	sst s1  }
0xa: {  	[smem:$0x3FAB] =	sst s2  }
0xb: {  	[smem:$0x3FAC] =	sst s3  }
0xc: {  	[smem:$0x3FAD] =	sst s4  }
0xd: {  	[smem:$0x3FAE] =	sst s5  }
0xe: {  	[smem:$0x3FAF] =	sst s6  }
0xf: {  	[smem:$0x3FB0] =	sst s7  }
0x10: {  	[smem:$0x3FB1] =	sst s8  }
0x11: {  	[smem:$0x3FB2] =	sst s9;
	s0 =	simm.s32 @!p0 $0x0  }
0x12: {  	s1 =	sld [smem:$0x3F98];
	s0 =	simm.s32 @p0 $0x1  }
0x13: {  	[smem:$0x3FB3] =	sst s0;
	s0 =	simm.s32 @!p1 $0x0  }
0x14: {  	s2 =	sld [smem:$0x3F97];
	s0 =	simm.s32 @p1 $0x1  }
0x15: {  	[smem:$0x3FB4] =	sst s0;
	s0 =	simm.s32 @!p2 $0x0  }
0x16: {  	s3 =	sld [smem:$0x3FDB];
	s0 =	simm.s32 @p2 $0x1  }
0x17: {  	s4 =	simm.s32 $0x1BF5;
	[smem:$0x3FB6] =	sst s0  }
0x18: {  	s0 =	sld [smem:$0x3F99];
	_ =	swait.ge [sflag:s4], $0x0  }
0x19: {  	s7 =	sld [smem:$0x3F9A]  }
0x1a: {  	s8 =	sadd.s32 $0xFFFFE003, lr  }
0x1b: {  	s9 =	sadd.s32 $0xFFFFFEF7, lr;
	s5 =	simm.s32 $0xFFFFFFFF;
	p2 =	slt.u32 s8, $0xFFFFF086  }
0x1c: {  	p1 =	slt.u32 s9, $0xF7A;
	s5 =	simm.s32 @!p2 $0x0  }
0x1d: {  	s5 =	simm.s32 @p1 $0x1;
	p0 =	seq.s32 s7, s2  }
0x1e: {  	s7 =	smul.u32 @!p0 $0xF7A, s2;
	p2 =	seq.s32 @!p0 s5, $0x0  }
0x1f: {  	s9 =	smul.u32 $0xF7A, s1;
	s8 =	simm.s32 @!p0 $0x1BF5;
	p2 =	por !p2, p0  }
0x20: {  	[sflag:s8] =	ssyncset.s32 @!p0 $0xFFFFF086;
	s6 =	sadd.s32 @!p0 s3, s7;
	s7 =	simm.s32 @!p0 $0x108  }
0x21: {  	s3 =	sadd.s32 s3, s9;
	s6 =	sadd.s32 @!p0 $0x88, s6;
	s7 =	simm.s32 @p2 $0x1082  }
0x22: {  	[simem:s7], [sflag:s8] =	dma.local @!p0 [hbm:s6], $0xF7A  }
0x23: {  	s9 =	sor.u32 $0xD0000000, s2;
	s6 =	simm.s32 $0x108;
	_ =	swait.ge @!p0 [sflag:s8], $0x0  }
0x24: {  	s3 =	sadd.s32 $0x88, s3;
	s6 =	simm.s32 @!p1 $0x1082;
	[sflag:s4] =	ssyncset.s32 $0xFFFFF086  }
0x25: {  	[simem:s6], [sflag:s4] =	dma.local [hbm:s3], $0xF7A  }
0x26: {  	[smem:$0x3F9A] =	sst s1;
	(tag) =	ssettag s2;
	_ =	strace s9  }
0x27: {  	s1 =	sld [smem:$0x3FAA]  }
0x28: {  	s2 =	sld [smem:$0x3FAB]  }
0x29: {  	s4 =	sld [smem:$0x3FAD]  }
0x2a: {  	p0 =	seq.s32 s5, $0x0;
	s5 =	sld [smem:$0x3FAE]  }
0x2b: {  	s6 =	sld [smem:$0x3FAF]  }
0x2c: {  	s7 =	sld [smem:$0x3FB0]  }
0x2d: {  	s3 =	simm.s32 $0x108;
	s8 =	sld [smem:$0x3FB1]  }
0x2e: {  	s3 =	simm.s32 @!p0 $0x1082;
	s9 =	sld [smem:$0x3FB2]  }
0x2f: {  	lr =	sadd.s32 s0, s3;
	s0 =	sld [smem:$0x3FA9]  }
0x30: {  	s3 =	sld [smem:$0x3FAC]  }
0x31: {  	[smem:$0x3FB5] =	sst s10  }
0x32: {  	s10 =	sld [smem:$0x3FB3];
	_ =	sdelay $0x3  }
0x33: {  	p0 =	seq.s32 s10, $0x1;
	s10 =	sld [smem:$0x3FB5];
	_ =	sdelay $0x3  }
0x34: {  	[smem:$0x3FB5] =	sst s10  }
0x35: {  	s10 =	sld [smem:$0x3FB4];
	_ =	sdelay $0x3  }
0x36: {  	p1 =	seq.s32 s10, $0x1;
	s10 =	sld [smem:$0x3FB5];
	_ =	sdelay $0x3  }
0x37: {  	[smem:$0x3FB5] =	sst s10  }
0x38: {  	s10 =	sld [smem:$0x3FB6]  }
0x39: {  	_ = 	snop;
	(pc) =	sbr.ind lr, $3  }
0x3a: {  	_ = 	snop  }
0x3b: {  	_ = 	snop  }
0x3c: {  	p2 =	seq.s32 s10, $0x1;
	s10 =	sld [smem:$0x3FB5]  }
0x3d: {  	_ =	shalt  }
0x3e: {  	_ =	shalt  }
0x3f: {  	_ =	shalt  }
0x40: {  	_ =	shalt  }
0x41: {  	_ =	shalt  }
0x42: {  	_ =	shalt  }
0x43: {  	_ =	shalt  }
0x44: {  	_ =	shalt  }
0x45: {  	_ =	shalt  }
0x46: {  	_ =	shalt  }
0x47: {  	_ =	shalt  }
0x48: {  	_ =	shalt  }
0x49: {  	_ =	shalt  }
0x4a: {  	_ =	shalt  }
0x4b: {  	_ =	shalt  }
0x4c: {  	_ =	shalt  }
0x4d: {  	_ =	shalt  }
0x4e: {  	_ =	shalt  }
0x4f: {  	_ =	shalt  }
0x50: {  	_ =	shalt  }
0x51: {  	_ =	shalt  }
0x52: {  	_ =	shalt  }
0x53: {  	_ =	shalt  }
0x54: {  	_ =	shalt  }
0x55: {  	_ =	shalt  }
0x56: {  	_ =	shalt  }
0x57: {  	_ =	shalt  }
0x58: {  	_ =	shalt  }
0x59: {  	_ =	shalt  }
0x5a: {  	_ =	shalt  }
0x5b: {  	_ =	shalt  }
0x5c: {  	_ =	shalt  }
0x5d: {  	_ =	shalt  }
0x5e: {  	_ =	shalt  }
0x5f: {  	_ =	shalt  }
0x60: {  	_ =	shalt  }
0x61: {  	_ =	shalt  }
0x62: {  	_ =	shalt  }
0x63: {  	_ =	shalt  }
0x64: {  	_ =	shalt  }
0x65: {  	_ =	shalt  }
0x66: {  	_ =	shalt  }
0x67: {  	_ =	shalt  }
0x68: {  	_ =	shalt  }
0x69: {  	_ =	shalt  }
0x6a: {  	_ =	shalt  }
0x6b: {  	_ =	shalt  }
0x6c: {  	_ =	shalt  }
0x6d: {  	_ =	shalt  }
0x6e: {  	_ =	shalt  }
0x6f: {  	_ =	shalt  }
0x70: {  	_ =	shalt  }
0x71: {  	_ =	shalt  }
0x72: {  	_ =	shalt  }
0x73: {  	_ =	shalt  }
0x74: {  	_ =	shalt  }
0x75: {  	_ =	shalt  }
0x76: {  	_ =	shalt  }
0x77: {  	_ =	shalt  }
0x78: {  	_ =	shalt  }
0x79: {  	_ =	shalt  }
0x7a: {  	_ =	shalt  }
0x7b: {  	_ =	shalt  }
0x7c: {  	_ =	shalt  }
0x7d: {  	_ =	shalt  }
0x7e: {  	_ =	shalt  }
0x7f: {  	_ =	shalt  }
0x80: {  	_ =	shalt  }
0x81: {  	_ =	shalt  }
0x82: {  	_ =	shalt  }
0x83: {  	_ =	shalt  }
0x84: {  	_ =	shalt  }
0x85: {  	_ =	shalt  }
0x86: {  	_ =	shalt  }
0x87: {  	_ =	shalt  }
.Lfunc_end0:
.L_simem_size_0:
called_computation_lowered:
.L_overlay_start_0:
0x88: {  	s2 =	sld [smem:$0x3FD9]  }
0x89: {  	s3 =	sld [smem:$0x3FFE];
	_ =	sdelay $0x1  }
0x8a: {  	s1 =	srdreg.scid  }
0x8b: {  	s0 =	sand.u32 $0x1, s1  }
0x8c: {  	s17 =	sshll.u32 s0, $0xA;
	s2 =	sadd.s32 s3, s2  }
0x8d: {  	s2 =	sadd.s32 s2, s17  }
0x8e: {  	[smem:$0x3FC1] =	sst s2  }
0x8f: {  	_ = 	snop  }
0x90: {  	s2 =	sld [smem:$0x3FD0];
	(tm) =	ssettm $0x1  }
0x91: {  	s18 =	sld [smem:$0x3FFB];
	_ =	sdelay $0x3  }
0x92: {  	_ =	strace s18  }
0x93: {  	s3 =	sld [smem:$0x3FFC];
	_ =	sdelay $0x3  }
0x94: {  	_ =	strace s3  }
0x95: {  	s3 =	sld [smem:$0x3FFD];
	_ =	sdelay $0x3  }
0x96: {  	_ =	strace s3  }
0x97: {  	_ =	strace $0x8FFFFFFF  }
0x98: {  	s19 =	sld [smem:$0x3FDB];
	_ =	sdelay $0x1  }
0x99: {  	s4 =	simm.s32 $_scs_section_size  }
0x9a: {  	s5 =	simm.s32 $_size__tile_overlayer_lowered;
	s6 =	simm.s32 $_tile_overlayer_lowered  }
0x9b: {  	s22 =	simm.s32 $0x1BFF;
	s21 =	sshll.u32 s6, $0x1;
	s3 =	sadd.s32 s4, s19  }
0x9c: {  	s7 =	simm.s32 $0x0;
	s20 =	sshll.u32 s5, $0x1;
	s5 =	sadd.s32 s21, s3  }
0x9d: {  	[timem:s7], [sflag:s22] =	dma.local [hbm:s5], s20  }
0x9e: {  	_ =	swait.ge [sflag:s22], s20  }
0x9f: {  	s4 =	ssub.s32 $0x0, s20;
	[sflag:s22] =	ssyncset.done $0x0  }
0xa0: {  	[sflag:s22] =	ssyncadd.s32 s4;
	_ =	sdelay $0x1  }
0xa1: {  	s23 =	simm.s32 $0x1B8B  }
0xa2: {  	_ =	swait.ge [sflag:s23], $0x1  }
0xa3: {  	[sflag:s23] =	ssyncset.done $0x0  }
0xa4: {  	s25 =	simm.s32 $0x1B8E;
	s24 =	sld [smem:$0x3FFE];
	[sflag:s23] =	ssyncadd.s32 $0xFFFFFFFF  }
0xa5: {  	s26 =	simm.s32 $execute0_lowered;
	[smem:$0x3FD2] =	sst s25  }
0xa6: {  	s5 =	sshll.u32 s26, $0x1;
	_ =	strace $0x80000046;
	[dreg:$0x1] =	wrdreg $0xFFFFFFFF  }
0xa7: {  	s28 =	simm.s32 $_size_execute0_lowered;
	s3 =	sadd.s32 s3, s5;
	[dreg:$0x0] =	wrdreg $0x0  }
0xa8: {  	s5 =	sshll.u32 s28, $0x1;
	[dreg:$0x2] =	wrdreg s3  }
0xa9: {  	[dreg:$0x3] =	wrdreg s5  }
0xaa: {  	[dreg:$0x4] =	wrdreg $0xC0  }
0xab: {  	_ =	task [dreg:s7], $0x5FFFF  }
0xac: {  	[dreg:$0x1] =	wrdreg $0xFFFFFFFF  }
0xad: {  	[dreg:$0x0] =	wrdreg $0x60  }
0xae: {  	[dreg:$0x2] =	wrdreg s2  }
0xaf: {  	[dreg:$0x3] =	wrdreg s24  }
0xb0: {  	[dreg:$0x4] =	wrdreg $0x9  }
0xb1: {  	_ =	task.clear_ibuf [dreg:s7], $0x5FFFF;
	_ =	strace $0x90000046  }
0xb2: {  	s29 =	simm.s32 $0x9;
	_ =	strace $0x80000048  }
0xb3: {  	_ =	swait.ge [sflag:s29], $0x1  }
0xb4: {  	[sflag:s29] =	ssyncadd.s32 $0xFFFFFFFF  }
0xb5: {  	_ =	strace $0x90000048  }
0xb6: {  	_ =	sfence  }
0xb7: {  	s30 =	sld [smem:$0x0];
	_ =	sdelay $0x2  }
0xb8: {  	s31 =	sshll.u32 s1, $0xD;
	s1 =	sshrl.u32 s1, $0x2  }
0xb9: {  	s3 =	sand.u32 $0x4000, s31;
	s1 =	sadd.s32 s1, s30  }
0xba: {  	s0 =	sor.u32 s3, s0;
	s1 =	sshll.u32 s1, $0x11  }
0xbb: {  	s0 =	sor.u32 s1, s0  }
0xbc: {  	s0 =	sadd.s32 $0x8F2B, s0  }
0xbd: {  	[sflag:s0] =	ssyncadd.remote.s32 $0x1  }
0xbe: {  	_ =	sfence.sel $0xFFFF  }
0xbf: {  	[dreg:$0x0] =	wrdreg $0xFFFFFFFF;
	(pc) =	sbr.abs _section_cstart, $3  }
0xc0: {  	[dreg:$0x1] =	wrdreg $0xFFFFFFFF  }
0xc1: {  	_ =	task.clear_ibuf [dreg:s7], $0x2FFFF;
	_ =	strace $0x9FFFFFFF  }
0xc2: {  	(tm) =	ssettm $0x7FFFFFFF  }
0xc3: {  	_ =	shalt  }
tec
execute0_lowered:
.L_overlay_start_1:
0x0: {  	(tag) =	ssettag $0x1  }
0x1: {  	s1 =	rddreg [dreg:$0x0]  }
0x2: {  	s0 =	rddreg [dreg:$0x1];
	s3 =	simm.s32 $0x0  }
0x3: {  	s2 =	srdreg.scid;
	s4 =	stileid.u32;
	s13 =	simm.s32 $0x3  }
0x4: {  	s14 =	simm.s32 $0x80;
	s23 =	simm.s32 $0x1;
	s24 =	simm.s32 $0x280  }
0x5: {  	s28 =	simm.s32 $0xC500;
	s29 =	simm.s32 $0x380;
	s30 =	simm.s32 $0xE500  }
0x6: {  	s31 =	simm.s32 $0x400;
	s15 =	simm.s32 $0x12500;
	s16 =	simm.s32 $0x14500  }
0x7: {  	s17 =	simm.s32 $0x14D00;
	s18 =	simm.s32 $0x2;
	s20 =	simm.s32 $0x0  }
0x8: {  	[smem:$0x7FF] =	sst s3;
	s2 =	sand.u32 $0x1, s2;
	s6 =	sshll.u32 s4, $0x1  }
0x9: {  	s4 =	sadd.s32 $0x1C00, s0;
	s5 =	sadd.s32 $0xBE00, s0;
	_ =	strace $0x80000047  }
0xa: {  	s8 =	sor.u32 s2, s6;
	s2 =	ssub.s32 $0x2, s2;
	s6 =	sadd.s32 $0x2BE00, s0  }
0xb: {  	s7 =	sshll.u32 s8, $0x3;
	s9 =	smul.u32 $0x500, s8;
	s25 =	sshrl.u32 s2, $0x1  }
0xc: {  	s0 =	sadd.s32 s7, s0;
	s2 =	ssub.s32 s2, s25;
	s7 =	sshll.u32 s8, $0x4  }
0xd: {  	s25 =	simm.s32 $0xA500;
	s9 =	sadd.s32 s4, s9;
	s10 =	sor.u32 $0x2, s7  }
0xe: {  	s0 =	sadd.s32 $0xBC00, s0;
	s26 =	smax.u32 s2, $0x1;
	[dreg:$0x3] =	wrdreg s9  }
0xf: {  	s2 =	simm.s32 $0x480;
	s9 =	sshll.u32 s8, $0xC;
	[dreg:$0x4] =	wrdreg s0  }
0x10: {  	v0 =	vimm.f32 $0.0e+00;
	[dreg:$0x5] =	wrdreg s26;
	s26 =	simm.s32 $0x300;
	s0 =	simm.s32 $0x10500  }
.LBB2_1:
0x11: {  	[tilespmem:$0x15500] =	vst v0  }
0x12: {  	[tilespmem:$0x15510] =	vst v0  }
0x13: {  	[tilespmem:$0x15520] =	vst v0  }
0x14: {  	[tilespmem:$0x15530] =	vst v0;
	s8 =	rddreg [dreg:$0x3]  }
0x15: {  	[tilespmem:s3], [sflag:$0x3] =	stream.linear.gather [hbm4b:s8+s3], $0x280, $0x38;
	[tilespmem:$0x15540] =	vst v63  }
0x16: {  	_ =	swait.ge [sflag:s13], $0x280  }
0x17: {  	[sflag:s13] =	ssyncset.done $0x0  }
0x18: {  	s19 =	simm.s32 $0x500;
	[sflag:s13] =	ssyncadd.s32 $0xFFFFFD80  }
0x19: {  	[tilespmem:s19], [sflag:$0x1] =	stream.indirect.gather [hbm4b:s1+s14], $0x40, s3, s14, $0xb8;
	[tilespmem:$0x15540] =	vst v63  }
0x1a: {  	s21 =	simm.s32 $0x2500  }
0x1b: {  	[tilespmem:s21], [sflag:$0x1] =	stream.indirect.gather [hbm4b:s1+s14], $0x40, s14, s14, $0xb8;
	[tilespmem:$0x15540] =	vst v63  }
0x1c: {  	s22 =	simm.s32 $0x100;
	s11 =	simm.s32 $0x4500  }
0x1d: {  	[tilespmem:s11], [sflag:$0x1] =	stream.indirect.gather [hbm4b:s1+s14], $0x40, s22, s14, $0xb8;
	[tilespmem:$0x15540] =	vst v63  }
0x1e: {  	s12 =	simm.s32 $0x180;
	s19 =	simm.s32 $0x6500  }
0x1f: {  	[tilespmem:s19], [sflag:$0x1] =	stream.indirect.gather [hbm4b:s1+s14], $0x40, s12, s14, $0xb8;
	[tilespmem:$0x15540] =	vst v63  }
0x20: {  	s21 =	simm.s32 $0x200;
	s22 =	simm.s32 $0x8500  }
0x21: {  	[tilespmem:s22], [sflag:$0x1] =	stream.indirect.gather [hbm4b:s1+s14], $0x40, s21, s14, $0xb8;
	[tilespmem:$0x15540] =	vst v63  }
0x22: {  	s21 =	simm.s32 $0x0  }
.LBB2_2:
0x23: {  	s22 =	sshllo.u32 s21, $0x1  }
0x24: {  	s8 =	sadd.s32 s7, s22  }
0x25: {  	_ =	swait.ge [sflag:s23], $0xA000;
	s8 =	smul.u32 $0x50, s8  }
0x26: {  	[sflag:s23] =	ssyncset.done $0x0  }
0x27: {  	[sflag:s23] =	ssyncadd.s32 $0xFFFF6000;
	s11 =	sadd.s32 s4, s8;
	s8 =	simm.s32 $0x0  }
0x28: {  	[tilespmem:s24], [sflag:$0x3] =	stream.linear.gather [hbm4b:s11+s8], $0x280, $0x38;
	[tilespmem:$0x15540] =	vst v63  }
0x29: {  	_ =	swait.ge [sflag:s13], $0x280  }
0x2a: {  	[sflag:s13] =	ssyncset.done $0x0  }
0x2b: {  	[sflag:s13] =	ssyncadd.s32 $0xFFFFFD80  }
0x2c: {  	[tilespmem:s25], [sflag:$0x2] =	stream.indirect.gather [hbm4b:s1+s14], $0x40, s24, s14, $0xb8;
	[tilespmem:$0x15540] =	vst v63  }
0x2d: {  	_ = 	snop  }
0x2e: {  	[tilespmem:s28], [sflag:$0x2] =	stream.indirect.gather [hbm4b:s1+s14], $0x40, s26, s14, $0xb8;
	[tilespmem:$0x15540] =	vst v63  }
0x2f: {  	_ = 	snop  }
0x30: {  	[tilespmem:s30], [sflag:$0x2] =	stream.indirect.gather [hbm4b:s1+s14], $0x40, s29, s14, $0xb8;
	[tilespmem:$0x15540] =	vst v63  }
0x31: {  	_ = 	snop  }
0x32: {  	[tilespmem:s0], [sflag:$0x2] =	stream.indirect.gather [hbm4b:s1+s14], $0x40, s31, s14, $0xb8;
	[tilespmem:$0x15540] =	vst v63  }
0x33: {  	v1 =	vimm.f32 $0.0e+00;
	s19 =	sshll.u32 s21, $0x1;
	s11 =	simm.s32 $0xA00  }
0x34: {  	v2 =	vimm.f32 $0.0e+00;
	v3 =	vimm.f32 $0.0e+00;
	v4 =	vimm.f32 $0.0e+00;
	[tilespmem:s15], [sflag:$0x2] =	stream.indirect.gather [hbm4b:s1+s14], $0x40, s2, s14, $0xb8;
	[tilespmem:$0x15540] =	vst v63  }
.LBB2_3:
0x35: {  	v5 =	vld [tilespmem:s11+$0xFFFFFB00]  }
0x36: {  	v6 =	vld [tilespmem:s11+$0x0]  }
0x37: {  	v7 =	vld [tilespmem:s11+$0xFFFFFB10]  }
0x38: {  	v8 =	vld [tilespmem:s11+$0x10]  }
0x39: {  	v9 =	vld [tilespmem:s11+$0xFFFFFB20]  }
0x3a: {  	v10 =	vld [tilespmem:s11+$0xFFFFFB30]  }
0x3b: {  	v11 =	vld [tilespmem:s11+$0x20]  }
0x3c: {  	v12 =	vld [tilespmem:s11+$0x30]  }
0x3d: {  	v14 =	vld [tilespmem:s11+$0xFFFFFB40]  }
0x3e: {  	v18 =	vld [tilespmem:s11+$0x40]  }
0x3f: {  	v51 =	vld [tilespmem:s11+$0xFFFFFB50]  }
0x40: {  	v20 =	vld [tilespmem:s11+$0x50]  }
0x41: {  	v54 =	vld [tilespmem:s11+$0xFFFFFB60]  }
0x42: {  	v57 =	vld [tilespmem:s11+$0x60];
	v13 =	vmul.f32 v5, v5;
	v15 =	vmul.f32 v7, v7  }
0x43: {  	v22 =	vld [tilespmem:s11+$0xFFFFFB70];
	v16 =	vmul.f32 v9, v9;
	v49 =	vmul.f32 v6, v6  }
0x44: {  	v23 =	vld [tilespmem:s11+$0x70];
	v17 =	vmul.f32 v10, v10;
	v50 =	vmul.f32 v8, v8  }
0x45: {  	v63 =	vld [tilespmem:s11+$0xFFFFFB80];
	v19 =	vmul.f32 v11, v11;
	v52 =	vmul.f32 v12, v12  }
0x46: {  	v33 =	vld [tilespmem:s11+$0x80];
	v53 =	vmul.f32 v14, v14;
	v55 =	vmax.f32 v5, v14;
	v56 =	vmul.f32 v18, v18  }
0x47: {  	v25 =	vld [tilespmem:s11+$0xFFFFFB90];
	v5 =	vadd.f32 v14, v5;
	v58 =	vmax.f32 v6, v18;
	v21 =	vmul.f32 v51, v51  }
0x48: {  	v37 =	vld [tilespmem:s11+$0x90];
	v6 =	vadd.f32 v18, v6;
	v59 =	vmax.f32 v7, v51;
	v60 =	vmul.f32 v20, v20  }
0x49: {  	v28 =	vld [tilespmem:s11+$0xFFFFFBA0];
	v61 =	vmul.f32 v54, v54;
	v7 =	vadd.f32 v51, v7;
	v62 =	vmax.f32 v8, v20  }
0x4a: {  	v45 =	vld [tilespmem:s11+$0xB0];
	v8 =	vadd.f32 v20, v8;
	v32 =	vmul.f32 v57, v57;
	v24 =	vmax.f32 v9, v54  }
0x4b: {  	v9 =	vadd.f32 v54, v9;
	v34 =	vmul.f32 v22, v22;
	v26 =	vmax.f32 v11, v57  }
0x4c: {  	v11 =	vadd.f32 v57, v11;
	v35 =	vmax.f32 v10, v22;
	v36 =	vmul.f32 v23, v23  }
0x4d: {  	v42 =	vld [tilespmem:s11+$0xA0];
	v10 =	vadd.f32 v22, v10;
	v27 =	vmul.f32 v63, v63;
	v40 =	vmul.f32 v33, v33  }
0x4e: {  	v43 =	vld [tilespmem:s11+$0xFFFFFBB0];
	v38 =	vmax.f32 v12, v23;
	v41 =	vmul.f32 v25, v25;
	v44 =	vmul.f32 v37, v37  }
0x4f: {  	v47 =	vld [tilespmem:s11+$0xFFFFFBC0];
	v12 =	vadd.f32 v23, v12;
	v46 =	vmul.f32 v28, v28;
	v54 =	vmul.f32 v45, v45  }
0x50: {  	v39 =	vmax.f32 v55, v63;
	v14 =	vmax.f32 v58, v33;
	v4 =	vadd.f32 v13, v4  }
0x51: {  	v48 =	vmax.f32 v24, v28;
	v3 =	vadd.f32 v15, v3;
	v2 =	vadd.f32 v16, v2  }
0x52: {  	v51 =	vmax.f32 v26, v42;
	v1 =	vadd.f32 v17, v1;
	v5 =	vadd.f32 v63, v5  }
0x53: {  	v18 =	vmax.f32 v35, v43;
	v6 =	vadd.f32 v33, v6;
	v7 =	vadd.f32 v25, v7  }
0x54: {  	v55 =	vmul.f32 v47, v47;
	v8 =	vadd.f32 v37, v8;
	v9 =	vadd.f32 v28, v9  }
0x55: {  	v57 =	vmax.f32 v38, v45;
	v58 =	vld [tilespmem:s11+$0xFFFFFBE0];
	v11 =	vadd.f32 v42, v11;
	v10 =	vadd.f32 v43, v10  }
0x56: {  	v16 =	vmax.f32 v62, v37;
	v12 =	vadd.f32 v45, v12;
	v62 =	vld [tilespmem:s11+$0xFFFFFBF0];
	v4 =	vadd.f32 v49, v4  }
0x57: {  	v13 =	vmax.f32 v59, v25;
	v3 =	vadd.f32 v50, v3;
	v2 =	vadd.f32 v19, v2  }
0x58: {  	v15 =	vmax.f32 v39, v47;
	v1 =	vadd.f32 v52, v1;
	v50 =	vld [tilespmem:s11+$0xC0];
	v5 =	vadd.f32 v47, v5  }
0x59: {  	v52 =	vmul.f32 v43, v43;
	v43 =	vld [tilespmem:s11+$0xFFFFFC20];
	v4 =	vadd.f32 v53, v4;
	v3 =	vadd.f32 v21, v3  }
0x5a: {  	v49 =	vmul.f32 v42, v42;
	v47 =	vld [tilespmem:s11+$0xFFFFFC30];
	v2 =	vadd.f32 v61, v2;
	v1 =	vadd.f32 v34, v1  }
0x5b: {  	v37 =	vld [tilespmem:s11+$0x100];
	v33 =	vmul.f32 v58, v58;
	v9 =	vadd.f32 v58, v9;
	v10 =	vadd.f32 v62, v10  }
0x5c: {  	v39 =	vld [tilespmem:s11+$0xFFFFFC10];
	v17 =	vmax.f32 v48, v58;
	v4 =	vadd.f32 v56, v4;
	v3 =	vadd.f32 v60, v3  }
0x5d: {  	v45 =	vld [tilespmem:s11+$0x120];
	v18 =	vmax.f32 v18, v62;
	v2 =	vadd.f32 v32, v2;
	v1 =	vadd.f32 v36, v1  }
0x5e: {  	v53 =	vld [tilespmem:s11+$0xFFFFFBD0];
	v36 =	vmul.f32 v62, v62;
	v59 =	vmul.f32 v50, v50;
	v6 =	vadd.f32 v50, v6  }
0x5f: {  	v34 =	vld [tilespmem:s11+$0xFFFFFC00];
	v14 =	vmax.f32 v14, v50;
	v9 =	vadd.f32 v43, v9;
	v10 =	vadd.f32 v47, v10  }
0x60: {  	v17 =	vmax.f32 v17, v43;
	v4 =	vadd.f32 v27, v4;
	v3 =	vadd.f32 v41, v3  }
0x61: {  	v18 =	vmax.f32 v18, v47;
	v2 =	vadd.f32 v46, v2;
	v1 =	vadd.f32 v52, v1  }
0x62: {  	v14 =	vmax.f32 v14, v37;
	v46 =	vmul.f32 v39, v39;
	v52 =	vmul.f32 v45, v45  }
0x63: {  	v56 =	vld [tilespmem:s11+$0xD0];
	v61 =	vmul.f32 v53, v53;
	v13 =	vmax.f32 v13, v53;
	v7 =	vadd.f32 v53, v7  }
0x64: {  	v60 =	vld [tilespmem:s11+$0xE0];
	v42 =	vmul.f32 v34, v34;
	v5 =	vadd.f32 v34, v5;
	v6 =	vadd.f32 v37, v6  }
0x65: {  	v32 =	vld [tilespmem:s11+$0xF0];
	v15 =	vmax.f32 v15, v34;
	v4 =	vadd.f32 v40, v4;
	v3 =	vadd.f32 v44, v3  }
0x66: {  	v2 =	vadd.f32 v49, v2;
	v1 =	vadd.f32 v54, v1;
	v44 =	vmul.f32 v37, v37  }
0x67: {  	v62 =	vld [tilespmem:s11+$0x160];
	v13 =	vmax.f32 v13, v39;
	v49 =	vmul.f32 v43, v43;
	v54 =	vmul.f32 v47, v47  }
0x68: {  	v50 =	vld [tilespmem:s11+$0x130];
	v63 =	vmul.f32 v56, v56;
	v16 =	vmax.f32 v16, v56;
	v8 =	vadd.f32 v56, v8  }
0x69: {  	v41 =	vld [tilespmem:s11+$0x110];
	v35 =	vmul.f32 v60, v60;
	v38 =	vmax.f32 v51, v60;
	v11 =	vadd.f32 v60, v11  }
0x6a: {  	v40 =	vmul.f32 v32, v32;
	v12 =	vadd.f32 v32, v12;
	v7 =	vadd.f32 v39, v7  }
0x6b: {  	v53 =	vld [tilespmem:s11+$0x140];
	v20 =	vmax.f32 v57, v32;
	v4 =	vadd.f32 v55, v4;
	v3 =	vadd.f32 v61, v3  }
0x6c: {  	v37 =	vld [tilespmem:s11+$0x180];
	v2 =	vadd.f32 v33, v2;
	v1 =	vadd.f32 v36, v1;
	v21 =	vmax.f32 v38, v45  }
0x6d: {  	v43 =	vld [tilespmem:s11+$0xFFFFFCA0];
	v56 =	vmul.f32 v50, v50;
	v20 =	vmax.f32 v20, v50;
	v36 =	vmul.f32 v62, v62  }
0x6e: {  	v47 =	vld [tilespmem:s11+$0xFFFFFCB0];
	v48 =	vmul.f32 v41, v41;
	v8 =	vadd.f32 v41, v8;
	v11 =	vadd.f32 v45, v11  }
0x6f: {  	v51 =	vld [tilespmem:s11+$0xFFFFFC40];
	v16 =	vmax.f32 v16, v41;
	v12 =	vadd.f32 v50, v12;
	v4 =	vadd.f32 v59, v4  }
0x70: {  	v57 =	vld [tilespmem:s11+$0x150];
	v21 =	vmax.f32 v21, v62;
	v3 =	vadd.f32 v63, v3;
	v2 =	vadd.f32 v35, v2  }
0x71: {  	v39 =	vld [tilespmem:s11+$0xFFFFFC90];
	v1 =	vadd.f32 v40, v1;
	v60 =	vmul.f32 v53, v53;
	v14 =	vmax.f32 v14, v53  }
0x72: {  	v55 =	vld [tilespmem:s11+$0xFFFFFC50];
	v6 =	vadd.f32 v53, v6;
	v11 =	vadd.f32 v62, v11;
	v14 =	vmax.f32 v14, v37  }
0x73: {  	v33 =	vld [tilespmem:s11+$0x170];
	v50 =	vmul.f32 v43, v43;
	v4 =	vadd.f32 v42, v4;
	v3 =	vadd.f32 v46, v3  }
0x74: {  	v53 =	vmul.f32 v47, v47;
	v2 =	vadd.f32 v49, v2;
	v1 =	vadd.f32 v54, v1  }
0x75: {  	v58 =	vmul.f32 v51, v51;
	v15 =	vmax.f32 v15, v51;
	v5 =	vadd.f32 v51, v5  }
0x76: {  	v45 =	vld [tilespmem:s11+$0x1A0];
	v32 =	vmul.f32 v57, v57;
	v16 =	vmax.f32 v16, v57;
	v8 =	vadd.f32 v57, v8  }
0x77: {  	v59 =	vld [tilespmem:s11+$0xFFFFFC60];
	v46 =	vmul.f32 v39, v39;
	v6 =	vadd.f32 v37, v6;
	v61 =	vmul.f32 v55, v55  }
0x78: {  	v63 =	vld [tilespmem:s11+$0xFFFFFC70];
	v13 =	vmax.f32 v13, v55;
	v7 =	vadd.f32 v55, v7;
	v12 =	vadd.f32 v33, v12  }
0x79: {  	v35 =	vld [tilespmem:s11+$0xFFFFFC80];
	v40 =	vmul.f32 v33, v33;
	v4 =	vadd.f32 v44, v4;
	v3 =	vadd.f32 v48, v3  }
0x7a: {  	v20 =	vmax.f32 v20, v33;
	v2 =	vadd.f32 v52, v2;
	v1 =	vadd.f32 v56, v1  }
0x7b: {  	v44 =	vmul.f32 v37, v37;
	v13 =	vmax.f32 v13, v39;
	v52 =	vmul.f32 v45, v45  }
0x7c: {  	v21 =	vmax.f32 v21, v45;
	v11 =	vadd.f32 v45, v11;
	v34 =	vmul.f32 v59, v59  }
0x7d: {  	v42 =	vld [tilespmem:s11+$0x190];
	v17 =	vmax.f32 v17, v59;
	v9 =	vadd.f32 v59, v9;
	v38 =	vmul.f32 v63, v63  }
0x7e: {  	v49 =	vld [tilespmem:s11+$0x1B0];
	v18 =	vmax.f32 v18, v63;
	v41 =	vmul.f32 v35, v35;
	v10 =	vadd.f32 v63, v10  }
0x7f: {  	v51 =	vld [tilespmem:s11+$0xFFFFFCC0];
	v15 =	vmax.f32 v15, v35;
	v5 =	vadd.f32 v35, v5;
	v7 =	vadd.f32 v39, v7  }
0x80: {  	v54 =	vld [tilespmem:s11+$0x1C0];
	v4 =	vadd.f32 v58, v4;
	v3 =	vadd.f32 v61, v3;
	v17 =	vmax.f32 v17, v43  }
0x81: {  	v18 =	vmax.f32 v18, v47;
	v2 =	vadd.f32 v34, v2;
	v1 =	vadd.f32 v38, v1  }
0x82: {  	v55 =	vld [tilespmem:s11+$0xFFFFFCD0];
	v48 =	vmul.f32 v42, v42;
	v16 =	vmax.f32 v16, v42;
	v8 =	vadd.f32 v42, v8  }
0x83: {  	v57 =	vld [tilespmem:s11+$0x1D0];
	v9 =	vadd.f32 v43, v9;
	v56 =	vmul.f32 v49, v49;
	v10 =	vadd.f32 v47, v10  }
0x84: {  	v58 =	vmul.f32 v51, v51;
	v20 =	vmax.f32 v20, v49;
	v12 =	vadd.f32 v49, v12  }
0x85: {  	v37 =	vld [tilespmem:s11+$0x200];
	v15 =	vmax.f32 v15, v51;
	v5 =	vadd.f32 v51, v5;
	v6 =	vadd.f32 v54, v6  }
0x86: {  	v59 =	vld [tilespmem:s11+$0xFFFFFCE0];
	v14 =	vmax.f32 v14, v54;
	v4 =	vadd.f32 v60, v4;
	v3 =	vadd.f32 v32, v3  }
0x87: {  	v63 =	vld [tilespmem:s11+$0xFFFFFCF0];
	v60 =	vmul.f32 v54, v54;
	v62 =	vmul.f32 v55, v55;
	v13 =	vmax.f32 v13, v55  }
0x88: {  	v35 =	vld [tilespmem:s11+$0xFFFFFD00];
	v32 =	vmul.f32 v57, v57;
	v7 =	vadd.f32 v55, v7;
	v2 =	vadd.f32 v36, v2  }
0x89: {  	v39 =	vld [tilespmem:s11+$0xFFFFFD10];
	v16 =	vmax.f32 v16, v57;
	v1 =	vadd.f32 v40, v1;
	v8 =	vadd.f32 v57, v8  }
0x8a: {  	v14 =	vmax.f32 v14, v37;
	v6 =	vadd.f32 v37, v6;
	v4 =	vadd.f32 v41, v4  }
0x8b: {  	v61 =	vld [tilespmem:s11+$0x1E0];
	v3 =	vadd.f32 v46, v3;
	v33 =	vmul.f32 v59, v59;
	v17 =	vmax.f32 v17, v59  }
0x8c: {  	v34 =	vld [tilespmem:s11+$0x1F0];
	v9 =	vadd.f32 v59, v9;
	v38 =	vmul.f32 v63, v63;
	v18 =	vmax.f32 v18, v63  }
0x8d: {  	v43 =	vld [tilespmem:s11+$0xFFFFFD20];
	v10 =	vadd.f32 v63, v10;
	v42 =	vmul.f32 v35, v35;
	v15 =	vmax.f32 v15, v35  }
0x8e: {  	v47 =	vld [tilespmem:s11+$0xFFFFFD30];
	v45 =	vmul.f32 v39, v39;
	v5 =	vadd.f32 v35, v5;
	v7 =	vadd.f32 v39, v7  }
0x8f: {  	v51 =	vld [tilespmem:s11+$0xFFFFFD40];
	v13 =	vmax.f32 v13, v39;
	v2 =	vadd.f32 v50, v2;
	v1 =	vadd.f32 v53, v1  }
0x90: {  	v36 =	vmul.f32 v61, v61;
	v21 =	vmax.f32 v21, v61;
	v11 =	vadd.f32 v61, v11  }
0x91: {  	v49 =	vld [tilespmem:s11+$0x230];
	v4 =	vadd.f32 v44, v4;
	v3 =	vadd.f32 v48, v3;
	v40 =	vmul.f32 v34, v34  }
0x92: {  	v55 =	vld [tilespmem:s11+$0xFFFFFD50];
	v20 =	vmax.f32 v20, v34;
	v12 =	vadd.f32 v34, v12;
	v44 =	vmul.f32 v37, v37  }
0x93: {  	v50 =	vmul.f32 v43, v43;
	v17 =	vmax.f32 v17, v43;
	v9 =	vadd.f32 v43, v9  }
0x94: {  	v41 =	vld [tilespmem:s11+$0x210];
	v54 =	vmul.f32 v47, v47;
	v18 =	vmax.f32 v18, v47;
	v57 =	vmul.f32 v51, v51  }
0x95: {  	v46 =	vld [tilespmem:s11+$0x220];
	v10 =	vadd.f32 v47, v10;
	v15 =	vmax.f32 v15, v51;
	v5 =	vadd.f32 v51, v5  }
0x96: {  	v59 =	vld [tilespmem:s11+$0xFFFFFD60];
	v2 =	vadd.f32 v52, v2;
	v1 =	vadd.f32 v56, v1;
	v56 =	vmul.f32 v49, v49  }
0x97: {  	v63 =	vld [tilespmem:s11+$0xFFFFFD70];
	v20 =	vmax.f32 v20, v49;
	v7 =	vadd.f32 v55, v7;
	v4 =	vadd.f32 v58, v4  }
0x98: {  	v35 =	vld [tilespmem:s11+$0xFFFFFD80];
	v13 =	vmax.f32 v13, v55;
	v3 =	vadd.f32 v62, v3;
	v12 =	vadd.f32 v49, v12  }
0x99: {  	v39 =	vld [tilespmem:s11+$0xFFFFFD90];
	v62 =	vmul.f32 v55, v55;
	v2 =	vadd.f32 v33, v2;
	v1 =	vadd.f32 v38, v1  }
0x9a: {  	v48 =	vmul.f32 v41, v41;
	v16 =	vmax.f32 v16, v41;
	v8 =	vadd.f32 v41, v8  }
0x9b: {  	v53 =	vld [tilespmem:s11+$0x240];
	v52 =	vmul.f32 v46, v46;
	v21 =	vmax.f32 v21, v46;
	v11 =	vadd.f32 v46, v11  }
0x9c: {  	v61 =	vld [tilespmem:s11+$0x260];
	v34 =	vmul.f32 v59, v59;
	v17 =	vmax.f32 v17, v59;
	v37 =	vmul.f32 v63, v63  }
0x9d: {  	v43 =	vld [tilespmem:s11+$0xFFFFFDA0];
	v9 =	vadd.f32 v59, v9;
	v18 =	vmax.f32 v18, v63;
	v10 =	vadd.f32 v63, v10  }
0x9e: {  	v47 =	vld [tilespmem:s11+$0xFFFFFDB0];
	v15 =	vmax.f32 v15, v35;
	v5 =	vadd.f32 v35, v5;
	v46 =	vmul.f32 v39, v39  }
0x9f: {  	v51 =	vld [tilespmem:s11+$0xFFFFFDC0];
	v13 =	vmax.f32 v13, v39;
	v7 =	vadd.f32 v39, v7;
	v4 =	vadd.f32 v60, v4  }
0xa0: {  	v3 =	vadd.f32 v32, v3;
	v60 =	vmul.f32 v53, v53;
	v14 =	vmax.f32 v14, v53  }
0xa1: {  	v6 =	vadd.f32 v53, v6;
	v21 =	vmax.f32 v21, v61;
	v2 =	vadd.f32 v36, v2  }
0xa2: {  	v58 =	vld [tilespmem:s11+$0x250];
	v1 =	vadd.f32 v40, v1;
	v36 =	vmul.f32 v61, v61;
	v11 =	vadd.f32 v61, v11  }
0xa3: {  	v55 =	vld [tilespmem:s11+$0xFFFFFDD0];
	v49 =	vmul.f32 v43, v43;
	v17 =	vmax.f32 v17, v43;
	v9 =	vadd.f32 v43, v9  }
0xa4: {  	v33 =	vld [tilespmem:s11+$0x270];
	v18 =	vmax.f32 v18, v47;
	v10 =	vadd.f32 v47, v10;
	v5 =	vadd.f32 v51, v5  }
0xa5: {  	v38 =	vld [tilespmem:s11+$0x280];
	v15 =	vmax.f32 v15, v51;
	v4 =	vadd.f32 v42, v4;
	v3 =	vadd.f32 v45, v3  }
0xa6: {  	v41 =	vld [tilespmem:s11+$0x290];
	v42 =	vmul.f32 v35, v35;
	v2 =	vadd.f32 v50, v2;
	v1 =	vadd.f32 v54, v1  }
0xa7: {  	v59 =	vld [tilespmem:s11+$0xFFFFFDE0];
	v32 =	vmul.f32 v58, v58;
	v16 =	vmax.f32 v16, v58;
	v54 =	vmul.f32 v47, v47  }
0xa8: {  	v63 =	vld [tilespmem:s11+$0xFFFFFDF0];
	v8 =	vadd.f32 v58, v8;
	v58 =	vmul.f32 v51, v51;
	v61 =	vmul.f32 v55, v55  }
0xa9: {  	v13 =	vmax.f32 v13, v55;
	v7 =	vadd.f32 v55, v7;
	v4 =	vadd.f32 v44, v4  }
0xaa: {  	v39 =	vld [tilespmem:s11+$0xFFFFFE10];
	v3 =	vadd.f32 v48, v3;
	v40 =	vmul.f32 v33, v33;
	v20 =	vmax.f32 v20, v33  }
0xab: {  	v53 =	vld [tilespmem:s11+$0x2C0];
	v12 =	vadd.f32 v33, v12;
	v44 =	vmul.f32 v38, v38;
	v14 =	vmax.f32 v14, v38  }
0xac: {  	v43 =	vld [tilespmem:s11+$0xFFFFFE20];
	v6 =	vadd.f32 v38, v6;
	v48 =	vmul.f32 v41, v41;
	v16 =	vmax.f32 v16, v41  }
0xad: {  	v17 =	vmax.f32 v17, v59;
	v9 =	vadd.f32 v59, v9;
	v10 =	vadd.f32 v63, v10  }
0xae: {  	v45 =	vld [tilespmem:s11+$0x2A0];
	v38 =	vmul.f32 v63, v63;
	v2 =	vadd.f32 v52, v2;
	v1 =	vadd.f32 v56, v1  }
0xaf: {  	v35 =	vld [tilespmem:s11+$0xFFFFFE00];
	v18 =	vmax.f32 v18, v63;
	v8 =	vadd.f32 v41, v8;
	v7 =	vadd.f32 v39, v7  }
0xb0: {  	v13 =	vmax.f32 v13, v39;
	v4 =	vadd.f32 v57, v4;
	v3 =	vadd.f32 v62, v3  }
0xb1: {  	v50 =	vld [tilespmem:s11+$0x2B0];
	v14 =	vmax.f32 v14, v53;
	v6 =	vadd.f32 v53, v6;
	v9 =	vadd.f32 v43, v9  }
0xb2: {  	v47 =	vld [tilespmem:s11+$0xFFFFFE30];
	v17 =	vmax.f32 v17, v43;
	v2 =	vadd.f32 v34, v2;
	v1 =	vadd.f32 v37, v1  }
0xb3: {  	v51 =	vld [tilespmem:s11+$0xFFFFFE40];
	v52 =	vmul.f32 v45, v45;
	v21 =	vmax.f32 v21, v45;
	v11 =	vadd.f32 v45, v11  }
0xb4: {  	v55 =	vld [tilespmem:s11+$0xFFFFFE50];
	v34 =	vmul.f32 v59, v59;
	v41 =	vmul.f32 v35, v35;
	v5 =	vadd.f32 v35, v5  }
0xb5: {  	v33 =	vld [tilespmem:s11+$0x2F0];
	v15 =	vmax.f32 v15, v35;
	v4 =	vadd.f32 v60, v4;
	v3 =	vadd.f32 v32, v3  }
0xb6: {  	v56 =	vmul.f32 v50, v50;
	v20 =	vmax.f32 v20, v50;
	v60 =	vmul.f32 v53, v53  }
0xb7: {  	v63 =	vld [tilespmem:s11+$0xFFFFFE70];
	v12 =	vadd.f32 v50, v12;
	v50 =	vmul.f32 v43, v43;
	v53 =	vmul.f32 v47, v47  }
0xb8: {  	v18 =	vmax.f32 v18, v47;
	v10 =	vadd.f32 v47, v10;
	v15 =	vmax.f32 v15, v51  }
0xb9: {  	v57 =	vld [tilespmem:s11+$0x2D0];
	v13 =	vmax.f32 v13, v55;
	v7 =	vadd.f32 v55, v7;
	v2 =	vadd.f32 v36, v2  }
0xba: {  	v62 =	vld [tilespmem:s11+$0x2E0];
	v1 =	vadd.f32 v40, v1;
	v40 =	vmul.f32 v33, v33;
	v5 =	vadd.f32 v51, v5  }
0xbb: {  	v37 =	vld [tilespmem:s11+$0x300];
	v20 =	vmax.f32 v20, v33;
	v4 =	vadd.f32 v42, v4;
	v3 =	vadd.f32 v46, v3  }
0xbc: {  	v45 =	vld [tilespmem:s11+$0x320];
	v18 =	vmax.f32 v18, v63;
	v12 =	vadd.f32 v33, v12;
	v10 =	vadd.f32 v63, v10  }
0xbd: {  	v59 =	vld [tilespmem:s11+$0xFFFFFE60];
	v46 =	vmul.f32 v39, v39;
	v2 =	vadd.f32 v49, v2;
	v1 =	vadd.f32 v54, v1  }
0xbe: {  	v32 =	vmul.f32 v57, v57;
	v16 =	vmax.f32 v16, v57;
	v8 =	vadd.f32 v57, v8  }
0xbf: {  	v36 =	vmul.f32 v62, v62;
	v21 =	vmax.f32 v21, v62;
	v11 =	vadd.f32 v62, v11  }
0xc0: {  	v35 =	vld [tilespmem:s11+$0x380];
	v62 =	vmul.f32 v55, v55;
	v4 =	vadd.f32 v44, v4;
	v3 =	vadd.f32 v48, v3  }
0xc1: {  	v42 =	vld [tilespmem:s11+$0x310];
	v44 =	vmul.f32 v37, v37;
	v14 =	vmax.f32 v14, v37;
	v6 =	vadd.f32 v37, v6  }
0xc2: {  	v33 =	vld [tilespmem:s11+$0xFFFFFE80];
	v21 =	vmax.f32 v21, v45;
	v31 =	vmul.f32 v59, v59;
	v9 =	vadd.f32 v59, v9  }
0xc3: {  	v47 =	vld [tilespmem:s11+$0x3B0];
	v17 =	vmax.f32 v17, v59;
	v2 =	vadd.f32 v52, v2;
	v1 =	vadd.f32 v56, v1  }
0xc4: {  	v49 =	vld [tilespmem:s11+$0x330];
	v52 =	vmul.f32 v45, v45;
	v11 =	vadd.f32 v45, v11;
	v4 =	vadd.f32 v58, v4  }
0xc5: {  	v54 =	vld [tilespmem:s11+$0x340];
	v3 =	vadd.f32 v61, v3;
	v58 =	vmul.f32 v51, v51;
	v2 =	vadd.f32 v34, v2  }
0xc6: {  	v57 =	vld [tilespmem:s11+$0x350];
	v1 =	vadd.f32 v38, v1;
	v48 =	vmul.f32 v42, v42;
	v16 =	vmax.f32 v16, v42  }
0xc7: {  	v8 =	vadd.f32 v42, v8;
	v15 =	vmax.f32 v15, v33;
	v5 =	vadd.f32 v33, v5  }
0xc8: {  	v37 =	vld [tilespmem:s11+$0xFFFFFE90];
	v42 =	vmul.f32 v35, v35;
	v4 =	vadd.f32 v60, v4;
	v3 =	vadd.f32 v32, v3  }
0xc9: {  	v56 =	vmul.f32 v49, v49;
	v20 =	vmax.f32 v20, v49;
	v12 =	vadd.f32 v49, v12  }
0xca: {  	v39 =	vld [tilespmem:s11+$0x390];
	v60 =	vmul.f32 v54, v54;
	v14 =	vmax.f32 v14, v54;
	v6 =	vadd.f32 v54, v6  }
0xcb: {  	v45 =	vld [tilespmem:s11+$0xFFFFFEB0];
	v30 =	vmul.f32 v57, v57;
	v16 =	vmax.f32 v16, v57;
	v54 =	vmul.f32 v47, v47  }
0xcc: {  	v2 =	vadd.f32 v36, v2;
	v1 =	vadd.f32 v40, v1;
	v36 =	vmul.f32 v63, v63  }
0xcd: {  	v61 =	vld [tilespmem:s11+$0x360];
	v8 =	vadd.f32 v57, v8;
	v40 =	vmul.f32 v33, v33;
	v43 =	vmul.f32 v37, v37  }
0xce: {  	v14 =	vmax.f32 v14, v35;
	v13 =	vmax.f32 v13, v37;
	v7 =	vadd.f32 v37, v7  }
0xcf: {  	v51 =	vld [tilespmem:s11+$0x3C0];
	v16 =	vmax.f32 v16, v39;
	v4 =	vadd.f32 v41, v4;
	v3 =	vadd.f32 v46, v3  }
0xd0: {  	v32 =	vld [tilespmem:s11+$0x370];
	v6 =	vadd.f32 v35, v6;
	v46 =	vmul.f32 v39, v39;
	v10 =	vadd.f32 v45, v10  }
0xd1: {  	v49 =	vld [tilespmem:s11+$0xFFFFFEC0];
	v18 =	vmax.f32 v18, v45;
	v2 =	vadd.f32 v50, v2;
	v1 =	vadd.f32 v53, v1  }
0xd2: {  	v34 =	vmul.f32 v61, v61;
	v11 =	vadd.f32 v61, v11;
	v8 =	vadd.f32 v39, v8  }
0xd3: {  	v57 =	vld [tilespmem:s11+$0xFFFFFEE0];
	v21 =	vmax.f32 v21, v61;
	v4 =	vadd.f32 v44, v4;
	v3 =	vadd.f32 v48, v3  }
0xd4: {  	v33 =	vld [tilespmem:s11+$0xFFFFFF00];
	v14 =	vmax.f32 v14, v51;
	v6 =	vadd.f32 v51, v6;
	v2 =	vadd.f32 v52, v2  }
0xd5: {  	v41 =	vld [tilespmem:s11+$0xFFFFFEA0];
	v1 =	vadd.f32 v56, v1;
	v38 =	vmul.f32 v32, v32;
	v20 =	vmax.f32 v20, v32  }
0xd6: {  	v63 =	vld [tilespmem:s11+$0x3F0];
	v12 =	vadd.f32 v32, v12;
	v52 =	vmul.f32 v45, v45;
	v55 =	vmul.f32 v49, v49  }
0xd7: {  	v29 =	vld [tilespmem:s11+$0xFFFFFF40];
	v15 =	vmax.f32 v15, v49;
	v5 =	vadd.f32 v49, v5;
	v4 =	vadd.f32 v58, v4  }
0xd8: {  	v53 =	vld [tilespmem:s11+$0xFFFFFED0];
	v3 =	vadd.f32 v62, v3;
	v20 =	vmax.f32 v20, v47;
	v58 =	vmul.f32 v51, v51  }
0xd9: {  	v61 =	vld [tilespmem:s11+$0xFFFFFEF0];
	v32 =	vmul.f32 v57, v57;
	v15 =	vmax.f32 v15, v33;
	v2 =	vadd.f32 v31, v2  }
0xda: {  	v39 =	vld [tilespmem:s11+$0x410];
	v1 =	vadd.f32 v36, v1;
	v48 =	vmul.f32 v41, v41;
	v17 =	vmax.f32 v17, v41  }
0xdb: {  	v44 =	vld [tilespmem:s11+$0x3A0];
	v9 =	vadd.f32 v41, v9;
	v12 =	vadd.f32 v47, v12;
	v20 =	vmax.f32 v20, v63  }
0xdc: {  	v59 =	vld [tilespmem:s11+$0x3E0];
	v5 =	vadd.f32 v33, v5;
	v15 =	vmax.f32 v15, v29;
	v4 =	vadd.f32 v60, v4  }
0xdd: {  	v3 =	vadd.f32 v30, v3;
	v60 =	vmul.f32 v53, v53;
	v13 =	vmax.f32 v13, v53  }
0xde: {  	v37 =	vld [tilespmem:s11+$0xFFFFFF10];
	v7 =	vadd.f32 v53, v7;
	v17 =	vmax.f32 v17, v57;
	v35 =	vmul.f32 v61, v61  }
0xdf: {  	v18 =	vmax.f32 v18, v61;
	v10 =	vadd.f32 v61, v10;
	v47 =	vmul.f32 v39, v39  }
0xe0: {  	v56 =	vld [tilespmem:s11+$0x3D0];
	v2 =	vadd.f32 v34, v2;
	v1 =	vadd.f32 v38, v1;
	v50 =	vmul.f32 v44, v44  }
0xe1: {  	v21 =	vmax.f32 v21, v44;
	v11 =	vadd.f32 v44, v11;
	v34 =	vmul.f32 v59, v59  }
0xe2: {  	v45 =	vld [tilespmem:s11+$0xFFFFFF30];
	v9 =	vadd.f32 v57, v9;
	v38 =	vmul.f32 v63, v63;
	v12 =	vadd.f32 v63, v12  }
0xe3: {  	v49 =	vld [tilespmem:s11+$0x440];
	v44 =	vmul.f32 v37, v37;
	v13 =	vmax.f32 v13, v37;
	v5 =	vadd.f32 v29, v5  }
0xe4: {  	v51 =	vld [tilespmem:s11+$0xFFFFFF50];
	v57 =	vmul.f32 v29, v29;
	v4 =	vadd.f32 v40, v4;
	v3 =	vadd.f32 v43, v3  }
0xe5: {  	v36 =	vld [tilespmem:s11+$0x400];
	v62 =	vmul.f32 v56, v56;
	v16 =	vmax.f32 v16, v56;
	v8 =	vadd.f32 v56, v8  }
0xe6: {  	v41 =	vld [tilespmem:s11+$0xFFFFFF20];
	v21 =	vmax.f32 v21, v59;
	v40 =	vmul.f32 v33, v33;
	v7 =	vadd.f32 v37, v7  }
0xe7: {  	v18 =	vmax.f32 v18, v45;
	v10 =	vadd.f32 v45, v10;
	v2 =	vadd.f32 v48, v2  }
0xe8: {  	v31 =	vld [tilespmem:s11+$0xFFFFFF80];
	v1 =	vadd.f32 v52, v1;
	v11 =	vadd.f32 v59, v11;
	v16 =	vmax.f32 v16, v39  }
0xe9: {  	v53 =	vld [tilespmem:s11+$0x450];
	v52 =	vmul.f32 v45, v45;
	v59 =	vmul.f32 v49, v49;
	v13 =	vmax.f32 v13, v51  }
0xea: {  	v30 =	vld [tilespmem:s11+$0xFFFFFF70];
	v4 =	vadd.f32 v42, v4;
	v3 =	vadd.f32 v46, v3;
	v42 =	vmul.f32 v36, v36  }
0xeb: {  	v61 =	vld [tilespmem:s11+$0x480];
	v14 =	vmax.f32 v14, v36;
	v6 =	vadd.f32 v36, v6;
	v48 =	vmul.f32 v41, v41  }
0xec: {  	v8 =	vadd.f32 v39, v8;
	v17 =	vmax.f32 v17, v41;
	v9 =	vadd.f32 v41, v9  }
0xed: {  	v63 =	vld [tilespmem:s11+$0xFFFFFF90];
	v7 =	vadd.f32 v51, v7;
	v15 =	vmax.f32 v15, v31;
	v5 =	vadd.f32 v31, v5  }
0xee: {  	v43 =	vld [tilespmem:s11+$0x420];
	v2 =	vadd.f32 v50, v2;
	v1 =	vadd.f32 v54, v1;
	v14 =	vmax.f32 v14, v49  }
0xef: {  	v16 =	vmax.f32 v16, v53;
	v18 =	vmax.f32 v18, v30;
	v10 =	vadd.f32 v30, v10  }
0xf0: {  	v33 =	vld [tilespmem:s11+$0xFFFFFFC0];
	v45 =	vmul.f32 v61, v61;
	v4 =	vadd.f32 v55, v4;
	v3 =	vadd.f32 v60, v3  }
0xf1: {  	v56 =	vld [tilespmem:s11+$0x460];
	v60 =	vmul.f32 v51, v51;
	v6 =	vadd.f32 v49, v6;
	v8 =	vadd.f32 v53, v8  }
0xf2: {  	v37 =	vld [tilespmem:s11+$0xFFFFFFA0];
	v14 =	vmax.f32 v14, v61;
	v13 =	vmax.f32 v13, v63;
	v7 =	vadd.f32 v63, v7  }
0xf3: {  	v46 =	vld [tilespmem:s11+$0x430];
	v2 =	vadd.f32 v32, v2;
	v1 =	vadd.f32 v35, v1;
	v50 =	vmul.f32 v43, v43  }
0xf4: {  	v36 =	vld [tilespmem:s11+$0x490];
	v21 =	vmax.f32 v21, v43;
	v11 =	vadd.f32 v43, v11;
	v43 =	vmul.f32 v31, v31  }
0xf5: {  	v39 =	vld [tilespmem:s11+$0x4A0];
	v15 =	vmax.f32 v15, v33;
	v5 =	vadd.f32 v33, v5;
	v4 =	vadd.f32 v58, v4  }
0xf6: {  	v54 =	vld [tilespmem:s11+$0xFFFFFF60];
	v3 =	vadd.f32 v62, v3;
	v62 =	vmul.f32 v53, v53;
	v6 =	vadd.f32 v61, v6  }
0xf7: {  	v41 =	vld [tilespmem:s11+$0x4B0];
	v21 =	vmax.f32 v21, v56;
	v2 =	vadd.f32 v34, v2;
	v1 =	vadd.f32 v38, v1  }
0xf8: {  	v49 =	vld [tilespmem:s11+$0xFFFFFFE0];
	v55 =	vmul.f32 v46, v46;
	v20 =	vmax.f32 v20, v46;
	v12 =	vadd.f32 v46, v12  }
0xf9: {  	v51 =	vld [tilespmem:s11+$0x4E0];
	v38 =	vmul.f32 v56, v56;
	v11 =	vadd.f32 v56, v11;
	v16 =	vmax.f32 v16, v36  }
0xfa: {  	v32 =	vld [tilespmem:s11+$0xFFFFFFB0];
	v8 =	vadd.f32 v36, v8;
	v56 =	vmax.f32 v21, v39;
	v4 =	vadd.f32 v40, v4  }
0xfb: {  	v58 =	vld [tilespmem:s11+$0x470];
	v3 =	vadd.f32 v44, v3;
	v35 =	vmul.f32 v54, v54;
	v17 =	vmax.f32 v17, v54  }
0xfc: {  	v53 =	vld [tilespmem:s11+$0x4F0];
	v9 =	vadd.f32 v54, v9;
	v40 =	vmul.f32 v30, v30;
	v2 =	vadd.f32 v48, v2  }
0xfd: {  	v46 =	vld [tilespmem:s11+$0xFFFFFFD0];
	v1 =	vadd.f32 v52, v1;
	v52 =	vmul.f32 v37, v37;
	v11 =	vadd.f32 v39, v11  }
0xfe: {  	v34 =	vld [tilespmem:s11+$0xFFFFFFF0];
	v54 =	vmax.f32 v17, v37;
	v4 =	vadd.f32 v42, v4;
	v3 =	vadd.f32 v47, v3  }
0xff: {  	s12 =	sshra.s32 s8, $0x2;
	v44 =	vld [tilespmem:s11+$0x4C0];
	v47 =	vmul.f32 v63, v63;
	v9 =	vadd.f32 v37, v9;
	v10 =	vadd.f32 v32, v10  }
0x100: {  	v48 =	vld [tilespmem:s11+$0x4D0];
	[tilespmem:s12+$0x14D00] =	vst v5;
	v5 =	vmul.f32 v32, v32;
	v2 =	vadd.f32 v50, v2;
	v1 =	vadd.f32 v55, v1  }
0x101: {  	v42 =	vmul.f32 v58, v58;
	v20 =	vmax.f32 v20, v58;
	v12 =	vadd.f32 v58, v12  }
0x102: {  	v50 =	vmul.f32 v36, v36;
	v55 =	vmul.f32 v39, v39;
	v4 =	vadd.f32 v57, v4  }
0x103: {  	v3 =	vadd.f32 v60, v3;
	v57 =	vmax.f32 v20, v41;
	v9 =	vadd.f32 v49, v9  }
0x104: {  	v58 =	vmul.f32 v46, v46;
	v2 =	vadd.f32 v35, v2;
	v1 =	vadd.f32 v40, v1  }
0x105: {  	[tilespmem:s12+$0x14500] =	vst v15;
	v14 =	vmax.f32 v14, v44;
	v6 =	vadd.f32 v44, v6;
	v12 =	vadd.f32 v41, v12  }
0x106: {  	v60 =	vmul.f32 v44, v44;
	v63 =	vmax.f32 v57, v53;
	v4 =	vadd.f32 v59, v4;
	[tilespmem:s12+$0x14540] =	vst v14  }
0x107: {  	v3 =	vadd.f32 v62, v3;
	v8 =	vadd.f32 v48, v8;
	v59 =	vmax.f32 v56, v51;
	[tilespmem:s12+$0x14D20] =	vst v9  }
0x108: {  	v2 =	vadd.f32 v38, v2;
	v1 =	vadd.f32 v42, v1;
	[tilespmem:s12+$0x14D40] =	vst v6;
	v6 =	vmax.f32 v13, v46  }
0x109: {  	v4 =	vadd.f32 v43, v4;
	v3 =	vadd.f32 v47, v3;
	[tilespmem:s12+$0x14510] =	vst v6;
	v6 =	vmax.f32 v16, v48  }
0x10a: {  	v1 =	vadd.f32 v5, v1;
	v5 =	vadd.f32 v46, v7;
	[tilespmem:s12+$0x14550] =	vst v6;
	v6 =	vmul.f32 v41, v41  }
0x10b: {  	v61 =	vmul.f32 v48, v48;
	[tilespmem:s12+$0x14570] =	vst v63;
	v2 =	vadd.f32 v52, v2;
	v4 =	vadd.f32 v45, v4  }
0x10c: {  	[tilespmem:s12+$0x14D10] =	vst v5;
	v1 =	vadd.f32 v6, v1;
	v5 =	vmul.f32 v33, v33;
	v6 =	vmax.f32 v54, v49  }
0x10d: {  	v3 =	vadd.f32 v50, v3;
	v2 =	vadd.f32 v55, v2;
	[tilespmem:s12+$0x14520] =	vst v6;
	v6 =	vmul.f32 v49, v49  }
0x10e: {  	p0 =	sne.s32 s8, $0x1E00;
	[tilespmem:s12+$0x14560] =	vst v59;
	v7 =	vmax.f32 v18, v32;
	v4 =	vadd.f32 v5, v4;
	v5 =	vadd.f32 v51, v11  }
.Ltmp0:
0x10f: {  	[tilespmem:s12+$0x14D50] =	vst v8;
	v2 =	vadd.f32 v6, v2;
	v6 =	vmax.f32 v7, v34;
	v7 =	vmul.f32 v34, v34;
	(pc) =	sbr.rel @p0 .LBB2_3-.Ltmp0, $4  }
0x110: {  	v62 =	vadd.f32 v34, v10;
	v3 =	vadd.f32 v58, v3;
	[tilespmem:s12+$0x14D60] =	vst v5;
	v5 =	vmul.f32 v51, v51  }
0x111: {  	[tilespmem:s12+$0x14530] =	vst v6;
	v6 =	vadd.f32 v53, v12;
	v1 =	vadd.f32 v7, v1;
	v7 =	vmul.f32 v53, v53  }
0x112: {  	[tilespmem:s12+$0x14D30] =	vst v62;
	v3 =	vadd.f32 v61, v3;
	v4 =	vadd.f32 v60, v4  }
0x113: {  	s8 =	sadd.s32 $0x200, s8;
	s11 =	sadd.s32 $0xA00, s11;
	v2 =	vadd.f32 v5, v2;
	[tilespmem:s12+$0x14D70] =	vst v6;
	v1 =	vadd.f32 v7, v1  }
0x114: {  	v5 =	vld [tilespmem:$0x15500]  }
0x115: {  	v6 =	vld [tilespmem:$0x15510]  }
0x116: {  	v7 =	vld [tilespmem:$0x15520]  }
0x117: {  	v8 =	vld [tilespmem:$0x15530];
	_ =	sdelay $0x1  }
0x118: {  	v4 =	vadd.f32 v5, v4  }
0x119: {  	v3 =	vadd.f32 v6, v3  }
0x11a: {  	v2 =	vadd.f32 v7, v2;
	[tilespmem:$0x15500] =	vst v4  }
0x11b: {  	s8 =	sshll.u32 s21, $0x9;
	v1 =	vadd.f32 v8, v1;
	[tilespmem:$0x15510] =	vst v3  }
0x11c: {  	s8 =	sadd.s32 s9, s8;
	[tilespmem:$0x15520] =	vst v2  }
0x11d: {  	s11 =	sadd.s32 s5, s8;
	[tilespmem:$0x15530] =	vst v1  }
0x11e: {  	[hbm4b:s11+s3] =	stream.linear.scatter [tilespmem:s16], [sflag:$0x3], $0x800, $0x38;
	[tilespmem:$0x15540] =	vst v63  }
0x11f: {  	_ =	swait.ge [sflag:s13], $0x800  }
0x120: {  	[sflag:s13] =	ssyncset.done $0x0  }
0x121: {  	s8 =	sadd.s32 s6, s8;
	[sflag:s13] =	ssyncadd.s32 $0xFFFFF800  }
0x122: {  	[hbm4b:s8+s3] =	stream.linear.scatter [tilespmem:s17], [sflag:$0x3], $0x800, $0x38;
	[tilespmem:$0x15540] =	vst v63  }
0x123: {  	_ =	swait.ge [sflag:s13], $0x800  }
0x124: {  	p0 =	seq.s32 s21, $0x7;
	[sflag:s13] =	ssyncset.done $0x0  }
0x125: {  	s8 =	sadd.s32 @!p0 s19, s10;
	[sflag:s13] =	ssyncadd.s32 $0xFFFFF800  }
0x126: {  	s8 =	smul.u32 @!p0 $0x50, s8;
	_ =	swait.ge [sflag:s18], $0xA000  }
0x127: {  	[sflag:s18] =	ssyncset.done $0x0  }
0x128: {  	s11 =	simm.s32 @!p0 $0x0;
	s8 =	sadd.s32 @!p0 s4, s8;
	[sflag:s18] =	ssyncadd.s32 $0xFFFF6000  }
0x129: {  	[tilespmem:s11], [sflag:$0x3] =	stream.linear.gather @!p0 [hbm4b:s8+s11], $0x280, $0x38;
	[tilespmem:$0x15540] =	vst v63  }
0x12a: {  	s8 =	simm.s32 @!p0 $0x3  }
0x12b: {  	_ =	swait.ge @!p0 [sflag:s8], $0x280  }
0x12c: {  	[sflag:s8] =	ssyncset.done @!p0 $0x0  }
0x12d: {  	s12 =	simm.s32 @!p0 $0x500;
	[sflag:s8] =	ssyncadd.s32 @!p0 $0xFFFFFD80;
	s8 =	simm.s32 @!p0 $0x80  }
0x12e: {  	[tilespmem:s12], [sflag:$0x1] =	stream.indirect.gather @!p0 [hbm4b:s1+s8], $0x40, s11, s8, $0xb8;
	[tilespmem:$0x15540] =	vst v63  }
0x12f: {  	s11 =	simm.s32 @!p0 $0x2500  }
0x130: {  	[tilespmem:s11], [sflag:$0x1] =	stream.indirect.gather @!p0 [hbm4b:s1+s8], $0x40, s8, s8, $0xb8;
	[tilespmem:$0x15540] =	vst v63  }
0x131: {  	s12 =	simm.s32 @!p0 $0x4500;
	s11 =	simm.s32 @!p0 $0x100  }
0x132: {  	[tilespmem:s12], [sflag:$0x1] =	stream.indirect.gather @!p0 [hbm4b:s1+s8], $0x40, s11, s8, $0xb8;
	[tilespmem:$0x15540] =	vst v63  }
0x133: {  	s11 =	simm.s32 @!p0 $0x180;
	s12 =	simm.s32 @!p0 $0x6500  }
0x134: {  	[tilespmem:s12], [sflag:$0x1] =	stream.indirect.gather @!p0 [hbm4b:s1+s8], $0x40, s11, s8, $0xb8;
	[tilespmem:$0x15540] =	vst v63  }
0x135: {  	s11 =	simm.s32 @!p0 $0x200;
	s12 =	simm.s32 @!p0 $0x8500  }
0x136: {  	v1 =	vimm.f32 $0.0e+00;
	[tilespmem:s12], [sflag:$0x1] =	stream.indirect.gather @!p0 [hbm4b:s1+s8], $0x40, s11, s8, $0xb8;
	[tilespmem:$0x15540] =	vst v63  }
0x137: {  	v2 =	vimm.f32 $0.0e+00;
	v3 =	vimm.f32 $0.0e+00;
	v4 =	vimm.f32 $0.0e+00;
	s19 =	simm.s32 $0x14540;
	s8 =	simm.s32 $0x0;
	s11 =	simm.s32 $0x14D40  }
.LBB2_5:
0x138: {  	s12 =	sshra.s32 s8, $0x2  }
0x139: {  	v5 =	vld [tilespmem:s12+$0xA500]  }
0x13a: {  	v6 =	vld [tilespmem:s12+$0xAA00]  }
0x13b: {  	v7 =	vld [tilespmem:s12+$0xA510]  }
0x13c: {  	v8 =	vld [tilespmem:s12+$0xAA10]  }
0x13d: {  	v9 =	vld [tilespmem:s12+$0xA520]  }
0x13e: {  	v10 =	vld [tilespmem:s12+$0xA530]  }
0x13f: {  	v11 =	vld [tilespmem:s12+$0xAA20]  }
0x140: {  	v12 =	vld [tilespmem:s12+$0xAA30]  }
0x141: {  	v14 =	vld [tilespmem:s12+$0xA540]  }
0x142: {  	v18 =	vld [tilespmem:s12+$0xAA40]  }
0x143: {  	v43 =	vld [tilespmem:s12+$0xA550]  }
0x144: {  	v20 =	vld [tilespmem:s12+$0xAA50]  }
0x145: {  	v46 =	vld [tilespmem:s12+$0xA560]  }
0x146: {  	v49 =	vld [tilespmem:s12+$0xAA60];
	v13 =	vmul.f32 v5, v5;
	v15 =	vmul.f32 v7, v7  }
0x147: {  	v22 =	vld [tilespmem:s12+$0xA570];
	v16 =	vmul.f32 v9, v9;
	v41 =	vmul.f32 v6, v6  }
0x148: {  	v23 =	vld [tilespmem:s12+$0xAA70];
	v17 =	vmul.f32 v10, v10;
	v42 =	vmul.f32 v8, v8  }
0x149: {  	v55 =	vld [tilespmem:s12+$0xA580];
	v19 =	vmul.f32 v11, v11;
	v44 =	vmul.f32 v12, v12  }
0x14a: {  	v57 =	vld [tilespmem:s12+$0xAA80];
	v45 =	vmul.f32 v14, v14;
	v47 =	vmax.f32 v5, v14;
	v48 =	vmul.f32 v18, v18  }
0x14b: {  	v25 =	vld [tilespmem:s12+$0xA590];
	v5 =	vadd.f32 v14, v5;
	v50 =	vmax.f32 v6, v18;
	v21 =	vmul.f32 v43, v43  }
0x14c: {  	v61 =	vld [tilespmem:s12+$0xAA90];
	v6 =	vadd.f32 v18, v6;
	v51 =	vmax.f32 v7, v43;
	v52 =	vmul.f32 v20, v20  }
0x14d: {  	v28 =	vld [tilespmem:s12+$0xA5A0];
	v53 =	vmul.f32 v46, v46;
	v7 =	vadd.f32 v43, v7;
	v54 =	vmax.f32 v8, v20  }
0x14e: {  	v37 =	vld [tilespmem:s12+$0xAAB0];
	v8 =	vadd.f32 v20, v8;
	v56 =	vmul.f32 v49, v49;
	v24 =	vmax.f32 v9, v46  }
0x14f: {  	v9 =	vadd.f32 v46, v9;
	v58 =	vmul.f32 v22, v22;
	v26 =	vmax.f32 v11, v49  }
0x150: {  	v11 =	vadd.f32 v49, v11;
	v59 =	vmax.f32 v10, v22;
	v60 =	vmul.f32 v23, v23  }
0x151: {  	v34 =	vld [tilespmem:s12+$0xAAA0];
	v10 =	vadd.f32 v22, v10;
	v27 =	vmul.f32 v55, v55;
	v32 =	vmul.f32 v57, v57  }
0x152: {  	v35 =	vld [tilespmem:s12+$0xA5B0];
	v62 =	vmax.f32 v12, v23;
	v33 =	vmul.f32 v25, v25;
	v36 =	vmul.f32 v61, v61  }
0x153: {  	v39 =	vld [tilespmem:s12+$0xA5C0];
	v12 =	vadd.f32 v23, v12;
	v38 =	vmul.f32 v28, v28;
	v46 =	vmul.f32 v37, v37  }
0x154: {  	v63 =	vmax.f32 v47, v55;
	v14 =	vmax.f32 v50, v57;
	v4 =	vadd.f32 v13, v4  }
0x155: {  	v40 =	vmax.f32 v24, v28;
	v3 =	vadd.f32 v15, v3;
	v2 =	vadd.f32 v16, v2  }
0x156: {  	v43 =	vmax.f32 v26, v34;
	v1 =	vadd.f32 v17, v1;
	v5 =	vadd.f32 v55, v5  }
0x157: {  	v18 =	vmax.f32 v59, v35;
	v6 =	vadd.f32 v57, v6;
	v7 =	vadd.f32 v25, v7  }
0x158: {  	v47 =	vmul.f32 v39, v39;
	v8 =	vadd.f32 v61, v8;
	v9 =	vadd.f32 v28, v9  }
0x159: {  	v49 =	vmax.f32 v62, v37;
	v50 =	vld [tilespmem:s12+$0xA5E0];
	v11 =	vadd.f32 v34, v11;
	v10 =	vadd.f32 v35, v10  }
0x15a: {  	v16 =	vmax.f32 v54, v61;
	v12 =	vadd.f32 v37, v12;
	v54 =	vld [tilespmem:s12+$0xA5F0];
	v4 =	vadd.f32 v41, v4  }
0x15b: {  	v13 =	vmax.f32 v51, v25;
	v3 =	vadd.f32 v42, v3;
	v2 =	vadd.f32 v19, v2  }
0x15c: {  	v15 =	vmax.f32 v63, v39;
	v1 =	vadd.f32 v44, v1;
	v42 =	vld [tilespmem:s12+$0xAAC0];
	v5 =	vadd.f32 v39, v5  }
0x15d: {  	v44 =	vmul.f32 v35, v35;
	v35 =	vld [tilespmem:s12+$0xA620];
	v4 =	vadd.f32 v45, v4;
	v3 =	vadd.f32 v21, v3  }
0x15e: {  	v41 =	vmul.f32 v34, v34;
	v39 =	vld [tilespmem:s12+$0xA630];
	v2 =	vadd.f32 v53, v2;
	v1 =	vadd.f32 v58, v1  }
0x15f: {  	v61 =	vld [tilespmem:s12+$0xAB00];
	v57 =	vmul.f32 v50, v50;
	v9 =	vadd.f32 v50, v9;
	v10 =	vadd.f32 v54, v10  }
0x160: {  	v63 =	vld [tilespmem:s12+$0xA610];
	v17 =	vmax.f32 v40, v50;
	v4 =	vadd.f32 v48, v4;
	v3 =	vadd.f32 v52, v3  }
0x161: {  	v37 =	vld [tilespmem:s12+$0xAB20];
	v18 =	vmax.f32 v18, v54;
	v2 =	vadd.f32 v56, v2;
	v1 =	vadd.f32 v60, v1  }
0x162: {  	v45 =	vld [tilespmem:s12+$0xA5D0];
	v60 =	vmul.f32 v54, v54;
	v51 =	vmul.f32 v42, v42;
	v6 =	vadd.f32 v42, v6  }
0x163: {  	v58 =	vld [tilespmem:s12+$0xA600];
	v14 =	vmax.f32 v14, v42;
	v9 =	vadd.f32 v35, v9;
	v10 =	vadd.f32 v39, v10  }
0x164: {  	v17 =	vmax.f32 v17, v35;
	v4 =	vadd.f32 v27, v4;
	v3 =	vadd.f32 v33, v3  }
0x165: {  	v18 =	vmax.f32 v18, v39;
	v2 =	vadd.f32 v38, v2;
	v1 =	vadd.f32 v44, v1  }
0x166: {  	v14 =	vmax.f32 v14, v61;
	v38 =	vmul.f32 v63, v63;
	v44 =	vmul.f32 v37, v37  }
0x167: {  	v48 =	vld [tilespmem:s12+$0xAAD0];
	v53 =	vmul.f32 v45, v45;
	v13 =	vmax.f32 v13, v45;
	v7 =	vadd.f32 v45, v7  }
0x168: {  	v52 =	vld [tilespmem:s12+$0xAAE0];
	v34 =	vmul.f32 v58, v58;
	v5 =	vadd.f32 v58, v5;
	v6 =	vadd.f32 v61, v6  }
0x169: {  	v56 =	vld [tilespmem:s12+$0xAAF0];
	v15 =	vmax.f32 v15, v58;
	v4 =	vadd.f32 v32, v4;
	v3 =	vadd.f32 v36, v3  }
0x16a: {  	v2 =	vadd.f32 v41, v2;
	v1 =	vadd.f32 v46, v1;
	v36 =	vmul.f32 v61, v61  }
0x16b: {  	v54 =	vld [tilespmem:s12+$0xAB60];
	v13 =	vmax.f32 v13, v63;
	v41 =	vmul.f32 v35, v35;
	v46 =	vmul.f32 v39, v39  }
0x16c: {  	v42 =	vld [tilespmem:s12+$0xAB30];
	v55 =	vmul.f32 v48, v48;
	v16 =	vmax.f32 v16, v48;
	v8 =	vadd.f32 v48, v8  }
0x16d: {  	v33 =	vld [tilespmem:s12+$0xAB10];
	v59 =	vmul.f32 v52, v52;
	v62 =	vmax.f32 v43, v52;
	v11 =	vadd.f32 v52, v11  }
0x16e: {  	v32 =	vmul.f32 v56, v56;
	v12 =	vadd.f32 v56, v12;
	v7 =	vadd.f32 v63, v7  }
0x16f: {  	v45 =	vld [tilespmem:s12+$0xAB40];
	v20 =	vmax.f32 v49, v56;
	v4 =	vadd.f32 v47, v4;
	v3 =	vadd.f32 v53, v3  }
0x170: {  	v61 =	vld [tilespmem:s12+$0xAB80];
	v2 =	vadd.f32 v57, v2;
	v1 =	vadd.f32 v60, v1;
	v21 =	vmax.f32 v62, v37  }
0x171: {  	v35 =	vld [tilespmem:s12+$0xA6A0];
	v48 =	vmul.f32 v42, v42;
	v20 =	vmax.f32 v20, v42;
	v60 =	vmul.f32 v54, v54  }
0x172: {  	v39 =	vld [tilespmem:s12+$0xA6B0];
	v40 =	vmul.f32 v33, v33;
	v8 =	vadd.f32 v33, v8;
	v11 =	vadd.f32 v37, v11  }
0x173: {  	v43 =	vld [tilespmem:s12+$0xA640];
	v16 =	vmax.f32 v16, v33;
	v12 =	vadd.f32 v42, v12;
	v4 =	vadd.f32 v51, v4  }
0x174: {  	v49 =	vld [tilespmem:s12+$0xAB50];
	v21 =	vmax.f32 v21, v54;
	v3 =	vadd.f32 v55, v3;
	v2 =	vadd.f32 v59, v2  }
0x175: {  	v63 =	vld [tilespmem:s12+$0xA690];
	v1 =	vadd.f32 v32, v1;
	v52 =	vmul.f32 v45, v45;
	v14 =	vmax.f32 v14, v45  }
0x176: {  	v47 =	vld [tilespmem:s12+$0xA650];
	v6 =	vadd.f32 v45, v6;
	v11 =	vadd.f32 v54, v11;
	v14 =	vmax.f32 v14, v61  }
0x177: {  	v57 =	vld [tilespmem:s12+$0xAB70];
	v42 =	vmul.f32 v35, v35;
	v4 =	vadd.f32 v34, v4;
	v3 =	vadd.f32 v38, v3  }
0x178: {  	v45 =	vmul.f32 v39, v39;
	v2 =	vadd.f32 v41, v2;
	v1 =	vadd.f32 v46, v1  }
0x179: {  	v50 =	vmul.f32 v43, v43;
	v15 =	vmax.f32 v15, v43;
	v5 =	vadd.f32 v43, v5  }
0x17a: {  	v37 =	vld [tilespmem:s12+$0xABA0];
	v56 =	vmul.f32 v49, v49;
	v16 =	vmax.f32 v16, v49;
	v8 =	vadd.f32 v49, v8  }
0x17b: {  	v51 =	vld [tilespmem:s12+$0xA660];
	v38 =	vmul.f32 v63, v63;
	v6 =	vadd.f32 v61, v6;
	v53 =	vmul.f32 v47, v47  }
0x17c: {  	v55 =	vld [tilespmem:s12+$0xA670];
	v13 =	vmax.f32 v13, v47;
	v7 =	vadd.f32 v47, v7;
	v12 =	vadd.f32 v57, v12  }
0x17d: {  	v59 =	vld [tilespmem:s12+$0xA680];
	v32 =	vmul.f32 v57, v57;
	v4 =	vadd.f32 v36, v4;
	v3 =	vadd.f32 v40, v3  }
0x17e: {  	v20 =	vmax.f32 v20, v57;
	v2 =	vadd.f32 v44, v2;
	v1 =	vadd.f32 v48, v1  }
0x17f: {  	v36 =	vmul.f32 v61, v61;
	v13 =	vmax.f32 v13, v63;
	v44 =	vmul.f32 v37, v37  }
0x180: {  	v21 =	vmax.f32 v21, v37;
	v11 =	vadd.f32 v37, v11;
	v58 =	vmul.f32 v51, v51  }
0x181: {  	v34 =	vld [tilespmem:s12+$0xAB90];
	v17 =	vmax.f32 v17, v51;
	v9 =	vadd.f32 v51, v9;
	v62 =	vmul.f32 v55, v55  }
0x182: {  	v41 =	vld [tilespmem:s12+$0xABB0];
	v18 =	vmax.f32 v18, v55;
	v33 =	vmul.f32 v59, v59;
	v10 =	vadd.f32 v55, v10  }
0x183: {  	v43 =	vld [tilespmem:s12+$0xA6C0];
	v15 =	vmax.f32 v15, v59;
	v5 =	vadd.f32 v59, v5;
	v7 =	vadd.f32 v63, v7  }
0x184: {  	v46 =	vld [tilespmem:s12+$0xABC0];
	v4 =	vadd.f32 v50, v4;
	v3 =	vadd.f32 v53, v3;
	v17 =	vmax.f32 v17, v35  }
0x185: {  	v18 =	vmax.f32 v18, v39;
	v2 =	vadd.f32 v58, v2;
	v1 =	vadd.f32 v62, v1  }
0x186: {  	v47 =	vld [tilespmem:s12+$0xA6D0];
	v40 =	vmul.f32 v34, v34;
	v16 =	vmax.f32 v16, v34;
	v8 =	vadd.f32 v34, v8  }
0x187: {  	v49 =	vld [tilespmem:s12+$0xABD0];
	v9 =	vadd.f32 v35, v9;
	v48 =	vmul.f32 v41, v41;
	v10 =	vadd.f32 v39, v10  }
0x188: {  	v50 =	vmul.f32 v43, v43;
	v20 =	vmax.f32 v20, v41;
	v12 =	vadd.f32 v41, v12  }
0x189: {  	v61 =	vld [tilespmem:s12+$0xAC00];
	v15 =	vmax.f32 v15, v43;
	v5 =	vadd.f32 v43, v5;
	v6 =	vadd.f32 v46, v6  }
0x18a: {  	v51 =	vld [tilespmem:s12+$0xA6E0];
	v14 =	vmax.f32 v14, v46;
	v4 =	vadd.f32 v52, v4;
	v3 =	vadd.f32 v56, v3  }
0x18b: {  	v55 =	vld [tilespmem:s12+$0xA6F0];
	v52 =	vmul.f32 v46, v46;
	v54 =	vmul.f32 v47, v47;
	v13 =	vmax.f32 v13, v47  }
0x18c: {  	v59 =	vld [tilespmem:s12+$0xA700];
	v56 =	vmul.f32 v49, v49;
	v7 =	vadd.f32 v47, v7;
	v2 =	vadd.f32 v60, v2  }
0x18d: {  	v63 =	vld [tilespmem:s12+$0xA710];
	v16 =	vmax.f32 v16, v49;
	v1 =	vadd.f32 v32, v1;
	v8 =	vadd.f32 v49, v8  }
0x18e: {  	v14 =	vmax.f32 v14, v61;
	v6 =	vadd.f32 v61, v6;
	v4 =	vadd.f32 v33, v4  }
0x18f: {  	v53 =	vld [tilespmem:s12+$0xABE0];
	v3 =	vadd.f32 v38, v3;
	v57 =	vmul.f32 v51, v51;
	v17 =	vmax.f32 v17, v51  }
0x190: {  	v58 =	vld [tilespmem:s12+$0xABF0];
	v9 =	vadd.f32 v51, v9;
	v62 =	vmul.f32 v55, v55;
	v18 =	vmax.f32 v18, v55  }
0x191: {  	v35 =	vld [tilespmem:s12+$0xA720];
	v10 =	vadd.f32 v55, v10;
	v34 =	vmul.f32 v59, v59;
	v15 =	vmax.f32 v15, v59  }
0x192: {  	v39 =	vld [tilespmem:s12+$0xA730];
	v37 =	vmul.f32 v63, v63;
	v5 =	vadd.f32 v59, v5;
	v7 =	vadd.f32 v63, v7  }
0x193: {  	v43 =	vld [tilespmem:s12+$0xA740];
	v13 =	vmax.f32 v13, v63;
	v2 =	vadd.f32 v42, v2;
	v1 =	vadd.f32 v45, v1  }
0x194: {  	v60 =	vmul.f32 v53, v53;
	v21 =	vmax.f32 v21, v53;
	v11 =	vadd.f32 v53, v11  }
0x195: {  	v41 =	vld [tilespmem:s12+$0xAC30];
	v4 =	vadd.f32 v36, v4;
	v3 =	vadd.f32 v40, v3;
	v32 =	vmul.f32 v58, v58  }
0x196: {  	v47 =	vld [tilespmem:s12+$0xA750];
	v20 =	vmax.f32 v20, v58;
	v12 =	vadd.f32 v58, v12;
	v36 =	vmul.f32 v61, v61  }
0x197: {  	v42 =	vmul.f32 v35, v35;
	v17 =	vmax.f32 v17, v35;
	v9 =	vadd.f32 v35, v9  }
0x198: {  	v33 =	vld [tilespmem:s12+$0xAC10];
	v46 =	vmul.f32 v39, v39;
	v18 =	vmax.f32 v18, v39;
	v49 =	vmul.f32 v43, v43  }
0x199: {  	v38 =	vld [tilespmem:s12+$0xAC20];
	v10 =	vadd.f32 v39, v10;
	v15 =	vmax.f32 v15, v43;
	v5 =	vadd.f32 v43, v5  }
0x19a: {  	v51 =	vld [tilespmem:s12+$0xA760];
	v2 =	vadd.f32 v44, v2;
	v1 =	vadd.f32 v48, v1;
	v48 =	vmul.f32 v41, v41  }
0x19b: {  	v55 =	vld [tilespmem:s12+$0xA770];
	v20 =	vmax.f32 v20, v41;
	v7 =	vadd.f32 v47, v7;
	v4 =	vadd.f32 v50, v4  }
0x19c: {  	v59 =	vld [tilespmem:s12+$0xA780];
	v13 =	vmax.f32 v13, v47;
	v3 =	vadd.f32 v54, v3;
	v12 =	vadd.f32 v41, v12  }
0x19d: {  	v63 =	vld [tilespmem:s12+$0xA790];
	v54 =	vmul.f32 v47, v47;
	v2 =	vadd.f32 v57, v2;
	v1 =	vadd.f32 v62, v1  }
0x19e: {  	v40 =	vmul.f32 v33, v33;
	v16 =	vmax.f32 v16, v33;
	v8 =	vadd.f32 v33, v8  }
0x19f: {  	v45 =	vld [tilespmem:s12+$0xAC40];
	v44 =	vmul.f32 v38, v38;
	v21 =	vmax.f32 v21, v38;
	v11 =	vadd.f32 v38, v11  }
0x1a0: {  	v53 =	vld [tilespmem:s12+$0xAC60];
	v58 =	vmul.f32 v51, v51;
	v17 =	vmax.f32 v17, v51;
	v61 =	vmul.f32 v55, v55  }
0x1a1: {  	v35 =	vld [tilespmem:s12+$0xA7A0];
	v9 =	vadd.f32 v51, v9;
	v18 =	vmax.f32 v18, v55;
	v10 =	vadd.f32 v55, v10  }
0x1a2: {  	v39 =	vld [tilespmem:s12+$0xA7B0];
	v15 =	vmax.f32 v15, v59;
	v5 =	vadd.f32 v59, v5;
	v38 =	vmul.f32 v63, v63  }
0x1a3: {  	v43 =	vld [tilespmem:s12+$0xA7C0];
	v13 =	vmax.f32 v13, v63;
	v7 =	vadd.f32 v63, v7;
	v4 =	vadd.f32 v52, v4  }
0x1a4: {  	v3 =	vadd.f32 v56, v3;
	v52 =	vmul.f32 v45, v45;
	v14 =	vmax.f32 v14, v45  }
0x1a5: {  	v6 =	vadd.f32 v45, v6;
	v21 =	vmax.f32 v21, v53;
	v2 =	vadd.f32 v60, v2  }
0x1a6: {  	v50 =	vld [tilespmem:s12+$0xAC50];
	v1 =	vadd.f32 v32, v1;
	v60 =	vmul.f32 v53, v53;
	v11 =	vadd.f32 v53, v11  }
0x1a7: {  	v47 =	vld [tilespmem:s12+$0xA7D0];
	v41 =	vmul.f32 v35, v35;
	v17 =	vmax.f32 v17, v35;
	v9 =	vadd.f32 v35, v9  }
0x1a8: {  	v57 =	vld [tilespmem:s12+$0xAC70];
	v18 =	vmax.f32 v18, v39;
	v10 =	vadd.f32 v39, v10;
	v5 =	vadd.f32 v43, v5  }
0x1a9: {  	v62 =	vld [tilespmem:s12+$0xAC80];
	v15 =	vmax.f32 v15, v43;
	v4 =	vadd.f32 v34, v4;
	v3 =	vadd.f32 v37, v3  }
0x1aa: {  	v33 =	vld [tilespmem:s12+$0xAC90];
	v34 =	vmul.f32 v59, v59;
	v2 =	vadd.f32 v42, v2;
	v1 =	vadd.f32 v46, v1  }
0x1ab: {  	v51 =	vld [tilespmem:s12+$0xA7E0];
	v56 =	vmul.f32 v50, v50;
	v16 =	vmax.f32 v16, v50;
	v46 =	vmul.f32 v39, v39  }
0x1ac: {  	v55 =	vld [tilespmem:s12+$0xA7F0];
	v8 =	vadd.f32 v50, v8;
	v50 =	vmul.f32 v43, v43;
	v53 =	vmul.f32 v47, v47  }
0x1ad: {  	v13 =	vmax.f32 v13, v47;
	v7 =	vadd.f32 v47, v7;
	v4 =	vadd.f32 v36, v4  }
0x1ae: {  	v63 =	vld [tilespmem:s12+$0xA810];
	v3 =	vadd.f32 v40, v3;
	v32 =	vmul.f32 v57, v57;
	v20 =	vmax.f32 v20, v57  }
0x1af: {  	v12 =	vadd.f32 v57, v12;
	v36 =	vmul.f32 v62, v62;
	v14 =	vmax.f32 v14, v62  }
0x1b0: {  	v45 =	vld [tilespmem:s12+$0xACC0];
	v6 =	vadd.f32 v62, v6;
	v40 =	vmul.f32 v33, v33;
	v16 =	vmax.f32 v16, v33  }
0x1b1: {  	v37 =	vld [tilespmem:s12+$0xACA0];
	v17 =	vmax.f32 v17, v51;
	v9 =	vadd.f32 v51, v9;
	v10 =	vadd.f32 v55, v10  }
0x1b2: {  	v59 =	vld [tilespmem:s12+$0xA800];
	v62 =	vmul.f32 v55, v55;
	v2 =	vadd.f32 v44, v2;
	v1 =	vadd.f32 v48, v1  }
0x1b3: {  	v18 =	vmax.f32 v18, v55;
	v8 =	vadd.f32 v33, v8;
	v7 =	vadd.f32 v63, v7  }
0x1b4: {  	v42 =	vld [tilespmem:s12+$0xACB0];
	v13 =	vmax.f32 v13, v63;
	v4 =	vadd.f32 v49, v4;
	v3 =	vadd.f32 v54, v3  }
0x1b5: {  	v35 =	vld [tilespmem:s12+$0xAD20];
	v14 =	vmax.f32 v14, v45;
	v6 =	vadd.f32 v45, v6;
	v2 =	vadd.f32 v58, v2  }
0x1b6: {  	v57 =	vld [tilespmem:s12+$0xACF0];
	v1 =	vadd.f32 v61, v1;
	v44 =	vmul.f32 v37, v37;
	v21 =	vmax.f32 v21, v37  }
0x1b7: {  	v11 =	vadd.f32 v37, v11;
	v58 =	vmul.f32 v51, v51;
	v31 =	vmul.f32 v59, v59  }
0x1b8: {  	v33 =	vld [tilespmem:s12+$0xA820];
	v15 =	vmax.f32 v15, v59;
	v5 =	vadd.f32 v59, v5;
	v4 =	vadd.f32 v52, v4  }
0x1b9: {  	v39 =	vld [tilespmem:s12+$0xAD30];
	v3 =	vadd.f32 v56, v3;
	v48 =	vmul.f32 v42, v42;
	v20 =	vmax.f32 v20, v42  }
0x1ba: {  	v49 =	vld [tilespmem:s12+$0xACD0];
	v12 =	vadd.f32 v42, v12;
	v52 =	vmul.f32 v45, v45;
	v42 =	vmul.f32 v35, v35  }
0x1bb: {  	v54 =	vld [tilespmem:s12+$0xACE0];
	v2 =	vadd.f32 v60, v2;
	v1 =	vadd.f32 v32, v1;
	v30 =	vmul.f32 v57, v57  }
0x1bc: {  	v47 =	vld [tilespmem:s12+$0xAD50];
	v20 =	vmax.f32 v20, v57;
	v4 =	vadd.f32 v34, v4;
	v3 =	vadd.f32 v38, v3  }
0x1bd: {  	v61 =	vld [tilespmem:s12+$0xAD00];
	v12 =	vadd.f32 v57, v12;
	v17 =	vmax.f32 v17, v33;
	v9 =	vadd.f32 v33, v9  }
0x1be: {  	v20 =	vmax.f32 v20, v39;
	v2 =	vadd.f32 v41, v2;
	v1 =	vadd.f32 v46, v1  }
0x1bf: {  	v37 =	vld [tilespmem:s12+$0xA830];
	v56 =	vmul.f32 v49, v49;
	v16 =	vmax.f32 v16, v49;
	v8 =	vadd.f32 v49, v8  }
0x1c0: {  	v60 =	vmul.f32 v54, v54;
	v21 =	vmax.f32 v21, v54;
	v11 =	vadd.f32 v54, v11  }
0x1c1: {  	v45 =	vld [tilespmem:s12+$0xA850];
	v46 =	vmul.f32 v39, v39;
	v54 =	vmul.f32 v47, v47;
	v4 =	vadd.f32 v36, v4  }
0x1c2: {  	v51 =	vld [tilespmem:s12+$0xAD60];
	v3 =	vadd.f32 v40, v3;
	v34 =	vmul.f32 v61, v61;
	v36 =	vmul.f32 v63, v63  }
0x1c3: {  	v32 =	vld [tilespmem:s12+$0xAD10];
	v14 =	vmax.f32 v14, v61;
	v6 =	vadd.f32 v61, v6;
	v40 =	vmul.f32 v33, v33  }
0x1c4: {  	v43 =	vmul.f32 v37, v37;
	v21 =	vmax.f32 v21, v35;
	v10 =	vadd.f32 v37, v10  }
0x1c5: {  	v18 =	vmax.f32 v18, v37;
	v12 =	vadd.f32 v39, v12;
	v2 =	vadd.f32 v44, v2  }
0x1c6: {  	v57 =	vld [tilespmem:s12+$0xA880];
	v1 =	vadd.f32 v48, v1;
	v11 =	vadd.f32 v35, v11;
	v13 =	vmax.f32 v13, v45  }
0x1c7: {  	v41 =	vld [tilespmem:s12+$0xA840];
	v7 =	vadd.f32 v45, v7;
	v21 =	vmax.f32 v21, v51;
	v4 =	vadd.f32 v50, v4  }
0x1c8: {  	v49 =	vld [tilespmem:s12+$0xA860];
	v3 =	vadd.f32 v53, v3;
	v38 =	vmul.f32 v32, v32;
	v8 =	vadd.f32 v32, v8  }
0x1c9: {  	v16 =	vmax.f32 v16, v32;
	v2 =	vadd.f32 v58, v2;
	v1 =	vadd.f32 v62, v1  }
0x1ca: {  	v61 =	vld [tilespmem:s12+$0xA890];
	v16 =	vmax.f32 v16, v47;
	v58 =	vmul.f32 v51, v51;
	v11 =	vadd.f32 v51, v11  }
0x1cb: {  	v63 =	vld [tilespmem:s12+$0xAD90];
	v32 =	vmul.f32 v57, v57;
	v4 =	vadd.f32 v52, v4;
	v3 =	vadd.f32 v56, v3  }
0x1cc: {  	v33 =	vld [tilespmem:s12+$0xA8A0];
	v48 =	vmul.f32 v41, v41;
	v15 =	vmax.f32 v15, v41;
	v5 =	vadd.f32 v41, v5  }
0x1cd: {  	v44 =	vld [tilespmem:s12+$0xAD40];
	v52 =	vmul.f32 v45, v45;
	v55 =	vmul.f32 v49, v49;
	v8 =	vadd.f32 v47, v8  }
0x1ce: {  	v17 =	vmax.f32 v17, v49;
	v9 =	vadd.f32 v49, v9;
	v2 =	vadd.f32 v60, v2  }
0x1cf: {  	v37 =	vld [tilespmem:s12+$0xA8B0];
	v1 =	vadd.f32 v30, v1;
	v15 =	vmax.f32 v15, v57;
	v35 =	vmul.f32 v61, v61  }
0x1d0: {  	v53 =	vld [tilespmem:s12+$0xA870];
	v13 =	vmax.f32 v13, v61;
	v7 =	vadd.f32 v61, v7;
	v16 =	vmax.f32 v16, v63  }
0x1d1: {  	v59 =	vld [tilespmem:s12+$0xAD80];
	v17 =	vmax.f32 v17, v33;
	v4 =	vadd.f32 v31, v4;
	v3 =	vadd.f32 v36, v3  }
0x1d2: {  	v50 =	vmul.f32 v44, v44;
	v6 =	vadd.f32 v44, v6;
	v5 =	vadd.f32 v57, v5  }
0x1d3: {  	v39 =	vld [tilespmem:s12+$0xADB0];
	v14 =	vmax.f32 v14, v44;
	v8 =	vadd.f32 v63, v8;
	v9 =	vadd.f32 v33, v9  }
0x1d4: {  	v56 =	vld [tilespmem:s12+$0xAD70];
	v44 =	vmul.f32 v37, v37;
	v2 =	vadd.f32 v40, v2;
	v1 =	vadd.f32 v43, v1  }
0x1d5: {  	v41 =	vld [tilespmem:s12+$0xA8C0];
	v60 =	vmul.f32 v53, v53;
	v18 =	vmax.f32 v18, v53;
	v10 =	vadd.f32 v53, v10  }
0x1d6: {  	v45 =	vld [tilespmem:s12+$0xA8D0];
	v14 =	vmax.f32 v14, v59;
	v40 =	vmul.f32 v33, v33;
	v4 =	vadd.f32 v34, v4  }
0x1d7: {  	v49 =	vld [tilespmem:s12+$0xA8E0];
	v3 =	vadd.f32 v38, v3;
	v34 =	vmul.f32 v59, v59;
	v6 =	vadd.f32 v59, v6  }
0x1d8: {  	v38 =	vmul.f32 v63, v63;
	v18 =	vmax.f32 v18, v37;
	v2 =	vadd.f32 v42, v2  }
0x1d9: {  	v1 =	vadd.f32 v46, v1;
	v62 =	vmul.f32 v56, v56;
	v20 =	vmax.f32 v20, v56  }
0x1da: {  	v61 =	vld [tilespmem:s12+$0xA910];
	v12 =	vadd.f32 v56, v12;
	v46 =	vmul.f32 v39, v39;
	v47 =	vmul.f32 v41, v41  }
0x1db: {  	v36 =	vld [tilespmem:s12+$0xADA0];
	v10 =	vadd.f32 v37, v10;
	v15 =	vmax.f32 v15, v41;
	v5 =	vadd.f32 v41, v5  }
0x1dc: {  	v57 =	vld [tilespmem:s12+$0xA900];
	v13 =	vmax.f32 v13, v45;
	v7 =	vadd.f32 v45, v7;
	v56 =	vmul.f32 v49, v49  }
0x1dd: {  	v51 =	vld [tilespmem:s12+$0xADE0];
	v17 =	vmax.f32 v17, v49;
	v9 =	vadd.f32 v49, v9;
	v4 =	vadd.f32 v48, v4  }
0x1de: {  	v43 =	vld [tilespmem:s12+$0xADC0];
	v3 =	vadd.f32 v52, v3;
	v20 =	vmax.f32 v20, v39;
	v52 =	vmul.f32 v45, v45  }
0x1df: {  	v53 =	vld [tilespmem:s12+$0xA8F0];
	v13 =	vmax.f32 v13, v61;
	v2 =	vadd.f32 v55, v2;
	v1 =	vadd.f32 v60, v1  }
0x1e0: {  	v42 =	vmul.f32 v36, v36;
	v21 =	vmax.f32 v21, v36;
	v11 =	vadd.f32 v36, v11  }
0x1e1: {  	v12 =	vadd.f32 v39, v12;
	v33 =	vmul.f32 v57, v57;
	v5 =	vadd.f32 v57, v5  }
0x1e2: {  	v37 =	vld [tilespmem:s12+$0xA930];
	v15 =	vmax.f32 v15, v57;
	v7 =	vadd.f32 v61, v7;
	v4 =	vadd.f32 v50, v4  }
0x1e3: {  	v29 =	vld [tilespmem:s12+$0xAE30];
	v3 =	vadd.f32 v54, v3;
	v50 =	vmul.f32 v43, v43;
	v14 =	vmax.f32 v14, v43  }
0x1e4: {  	v48 =	vld [tilespmem:s12+$0xADD0];
	v6 =	vadd.f32 v43, v6;
	v59 =	vmul.f32 v53, v53;
	v21 =	vmax.f32 v21, v51  }
0x1e5: {  	v63 =	vld [tilespmem:s12+$0xAE10];
	v18 =	vmax.f32 v18, v53;
	v10 =	vadd.f32 v53, v10;
	v2 =	vadd.f32 v58, v2  }
0x1e6: {  	v49 =	vld [tilespmem:s12+$0xA970];
	v1 =	vadd.f32 v62, v1;
	v58 =	vmul.f32 v51, v51;
	v11 =	vadd.f32 v51, v11  }
0x1e7: {  	v55 =	vld [tilespmem:s12+$0xADF0];
	v4 =	vadd.f32 v32, v4;
	v3 =	vadd.f32 v35, v3;
	v45 =	vmul.f32 v37, v37  }
0x1e8: {  	v60 =	vld [tilespmem:s12+$0xAE00];
	v18 =	vmax.f32 v18, v37;
	v10 =	vadd.f32 v37, v10;
	v2 =	vadd.f32 v40, v2  }
0x1e9: {  	v39 =	vld [tilespmem:s12+$0xA940];
	v1 =	vadd.f32 v44, v1;
	v54 =	vmul.f32 v48, v48;
	v16 =	vmax.f32 v16, v48  }
0x1ea: {  	v8 =	vadd.f32 v48, v8;
	v40 =	vmul.f32 v63, v63;
	v48 =	vmul.f32 v29, v29  }
0x1eb: {  	v18 =	vmax.f32 v18, v49;
	v4 =	vadd.f32 v34, v4;
	v3 =	vadd.f32 v38, v3  }
0x1ec: {  	v30 =	vld [tilespmem:s12+$0xAE40];
	v62 =	vmul.f32 v55, v55;
	v20 =	vmax.f32 v20, v55;
	v12 =	vadd.f32 v55, v12  }
0x1ed: {  	v31 =	vld [tilespmem:s12+$0xAE70];
	v36 =	vmul.f32 v60, v60;
	v14 =	vmax.f32 v14, v60;
	v38 =	vmul.f32 v61, v61  }
0x1ee: {  	v51 =	vld [tilespmem:s12+$0xA980];
	v6 =	vadd.f32 v60, v6;
	v16 =	vmax.f32 v16, v63;
	v5 =	vadd.f32 v39, v5  }
0x1ef: {  	v15 =	vmax.f32 v15, v39;
	v10 =	vadd.f32 v49, v10;
	v2 =	vadd.f32 v42, v2  }
0x1f0: {  	v35 =	vld [tilespmem:s12+$0xAE20];
	v1 =	vadd.f32 v46, v1;
	v8 =	vadd.f32 v63, v8;
	v20 =	vmax.f32 v20, v29  }
0x1f1: {  	v32 =	vld [tilespmem:s12+$0xAE80];
	v14 =	vmax.f32 v14, v30;
	v4 =	vadd.f32 v47, v4;
	v3 =	vadd.f32 v52, v3  }
0x1f2: {  	v44 =	vld [tilespmem:s12+$0xAE50];
	v12 =	vadd.f32 v29, v12;
	v52 =	vmul.f32 v30, v30;
	v6 =	vadd.f32 v30, v6  }
0x1f3: {  	v37 =	vmul.f32 v51, v51;
	v20 =	vmax.f32 v20, v31;
	v5 =	vadd.f32 v51, v5  }
0x1f4: {  	v15 =	vmax.f32 v15, v51;
	v2 =	vadd.f32 v56, v2;
	v1 =	vadd.f32 v59, v1  }
0x1f5: {  	v34 =	vld [tilespmem:s12+$0xA920];
	v43 =	vmul.f32 v35, v35;
	v21 =	vmax.f32 v21, v35;
	v11 =	vadd.f32 v35, v11  }
0x1f6: {  	v61 =	vld [tilespmem:s12+$0xA9B0];
	v14 =	vmax.f32 v14, v32;
	v4 =	vadd.f32 v50, v4;
	v3 =	vadd.f32 v54, v3  }
0x1f7: {  	v42 =	vld [tilespmem:s12+$0xA950];
	v50 =	vmul.f32 v39, v39;
	v55 =	vmul.f32 v44, v44;
	v8 =	vadd.f32 v44, v8  }
0x1f8: {  	v46 =	vld [tilespmem:s12+$0xA960];
	v16 =	vmax.f32 v16, v44;
	v12 =	vadd.f32 v31, v12;
	v6 =	vadd.f32 v32, v6  }
0x1f9: {  	v63 =	vld [tilespmem:s12+$0xA9C0];
	v39 =	vmul.f32 v32, v32;
	v2 =	vadd.f32 v58, v2;
	v1 =	vadd.f32 v62, v1  }
0x1fa: {  	v47 =	vld [tilespmem:s12+$0xAE60];
	v41 =	vmul.f32 v34, v34;
	v17 =	vmax.f32 v17, v34;
	v9 =	vadd.f32 v34, v9  }
0x1fb: {  	v62 =	vmul.f32 v49, v49;
	v10 =	vadd.f32 v61, v10;
	v4 =	vadd.f32 v33, v4  }
0x1fc: {  	v56 =	vld [tilespmem:s12+$0xAE90];
	v3 =	vadd.f32 v38, v3;
	v53 =	vmul.f32 v42, v42;
	v13 =	vmax.f32 v13, v42  }
0x1fd: {  	v59 =	vld [tilespmem:s12+$0xAEA0];
	v7 =	vadd.f32 v42, v7;
	v57 =	vmul.f32 v46, v46;
	v17 =	vmax.f32 v17, v46  }
0x1fe: {  	v54 =	vld [tilespmem:s12+$0xA990];
	v15 =	vmax.f32 v15, v63;
	v5 =	vadd.f32 v63, v5;
	v2 =	vadd.f32 v41, v2  }
0x1ff: {  	v58 =	vld [tilespmem:s12+$0xA9A0];
	v1 =	vadd.f32 v45, v1;
	v60 =	vmul.f32 v47, v47;
	v9 =	vadd.f32 v46, v9  }
0x200: {  	v34 =	vld [tilespmem:s12+$0xAEC0];
	v21 =	vmax.f32 v21, v47;
	v11 =	vadd.f32 v47, v11;
	v4 =	vadd.f32 v36, v4  }
0x201: {  	v44 =	vld [tilespmem:s12+$0xA9F0];
	v3 =	vadd.f32 v40, v3;
	v36 =	vmul.f32 v31, v31;
	v8 =	vadd.f32 v56, v8  }
0x202: {  	v33 =	vld [tilespmem:s12+$0xAEB0];
	v45 =	vmul.f32 v56, v56;
	v16 =	vmax.f32 v16, v56;
	v2 =	vadd.f32 v43, v2  }
0x203: {  	v38 =	vld [tilespmem:s12+$0xA9D0];
	v1 =	vadd.f32 v48, v1;
	v42 =	vmul.f32 v54, v54;
	v7 =	vadd.f32 v54, v7  }
0x204: {  	v41 =	vld [tilespmem:s12+$0xA9E0];
	v13 =	vmax.f32 v13, v54;
	v4 =	vadd.f32 v50, v4;
	v3 =	vadd.f32 v53, v3  }
0x205: {  	v46 =	vld [tilespmem:s12+$0xAEF0];
	v47 =	vmul.f32 v58, v58;
	v14 =	vmax.f32 v14, v34;
	v6 =	vadd.f32 v34, v6  }
0x206: {  	v40 =	vld [tilespmem:s12+$0xAED0];
	v48 =	vmax.f32 v17, v58;
	v9 =	vadd.f32 v58, v9;
	v50 =	vmul.f32 v61, v61  }
0x207: {  	v43 =	vld [tilespmem:s12+$0xAEE0];
	[tilespmem:s19+$0xFFFFFFC0] =	vst v15;
	v53 =	vmax.f32 v18, v61;
	v2 =	vadd.f32 v57, v2;
	v1 =	vadd.f32 v62, v1  }
0x208: {  	[tilespmem:s19+$0x0] =	vst v14;
	v49 =	vmax.f32 v13, v38;
	v7 =	vadd.f32 v38, v7;
	v57 =	vadd.f32 v33, v12  }
0x209: {  	v58 =	vmul.f32 v38, v38;
	v4 =	vadd.f32 v52, v4;
	[tilespmem:s11+$0xFFFFFFC0] =	vst v5;
	v2 =	vadd.f32 v60, v2  }
0x20a: {  	v3 =	vadd.f32 v55, v3;
	v5 =	vadd.f32 v59, v11;
	[tilespmem:s11+$0x0] =	vst v6;
	v6 =	vmul.f32 v59, v59  }
0x20b: {  	v52 =	vmax.f32 v21, v59;
	v54 =	vmax.f32 v48, v41;
	v2 =	vadd.f32 v47, v2  }
0x20c: {  	v55 =	vmul.f32 v63, v63;
	v9 =	vadd.f32 v41, v9;
	[tilespmem:s19+$0xFFFFFFD0] =	vst v49;
	v51 =	vmax.f32 v16, v40  }
0x20d: {  	v59 =	vmul.f32 v41, v41;
	[tilespmem:s19+$0x10] =	vst v51;
	v2 =	vadd.f32 v6, v2;
	v6 =	vadd.f32 v40, v8  }
0x20e: {  	v63 =	vmul.f32 v46, v46;
	v1 =	vadd.f32 v36, v1;
	v60 =	vmul.f32 v44, v44;
	[tilespmem:s11+$0xFFFFFFD0] =	vst v7  }
0x20f: {  	v61 =	vmul.f32 v40, v40;
	v4 =	vadd.f32 v37, v4;
	v3 =	vadd.f32 v42, v3;
	[tilespmem:s11+$0x10] =	vst v6  }
0x210: {  	v56 =	vmax.f32 v52, v43;
	v5 =	vadd.f32 v43, v5;
	v1 =	vadd.f32 v50, v1;
	[tilespmem:s19+$0xFFFFFFE0] =	vst v54  }
0x211: {  	v7 =	vmax.f32 v20, v33;
	v4 =	vadd.f32 v39, v4;
	v6 =	vmul.f32 v33, v33;
	[tilespmem:s19+$0x20] =	vst v56  }
0x212: {  	p0 =	sne.s32 s8, $0x25800;
	v62 =	vadd.f32 v46, v57;
	v3 =	vadd.f32 v45, v3;
	v7 =	vmax.f32 v7, v46;
	[tilespmem:s11+$0xFFFFFFE0] =	vst v9  }
.Ltmp1:
0x213: {  	v8 =	vmax.f32 v53, v44;
	v4 =	vadd.f32 v55, v4;
	v1 =	vadd.f32 v6, v1;
	[tilespmem:s11+$0x20] =	vst v5;
	(pc) =	sbr.rel @p0 .LBB2_5-.Ltmp1, $4  }
0x214: {  	v3 =	vadd.f32 v58, v3;
	v6 =	vmul.f32 v34, v34;
	v5 =	vadd.f32 v44, v10;
	[tilespmem:s19+$0xFFFFFFF0] =	vst v8  }
0x215: {  	v2 =	vadd.f32 v59, v2;
	[tilespmem:s19+$0x30] =	vst v7;
	v7 =	vmul.f32 v43, v43;
	v1 =	vadd.f32 v60, v1  }
0x216: {  	v3 =	vadd.f32 v61, v3;
	[tilespmem:s11+$0xFFFFFFF0] =	vst v5;
	v4 =	vadd.f32 v6, v4  }
0x217: {  	s8 =	sadd.s32 $0x2800, s8;
	s19 =	sadd.s32 $0x80, s19;
	[tilespmem:s11+$0x30] =	vst v62;
	s11 =	sadd.s32 $0x80, s11;
	v2 =	vadd.f32 v7, v2;
	v1 =	vadd.f32 v63, v1  }
0x218: {  	v5 =	vld [tilespmem:$0x15500]  }
0x219: {  	v6 =	vld [tilespmem:$0x15510]  }
0x21a: {  	v7 =	vld [tilespmem:$0x15520]  }
0x21b: {  	v8 =	vld [tilespmem:$0x15530];
	_ =	sdelay $0x1  }
0x21c: {  	v4 =	vadd.f32 v5, v4  }
0x21d: {  	v3 =	vadd.f32 v6, v3  }
0x21e: {  	v2 =	vadd.f32 v7, v2;
	[tilespmem:$0x15500] =	vst v4  }
0x21f: {  	s8 =	sshll.u32 s22, $0x8;
	v1 =	vadd.f32 v8, v1;
	[tilespmem:$0x15510] =	vst v3  }
0x220: {  	s8 =	sadd.s32 s9, s8;
	[tilespmem:$0x15520] =	vst v2  }
0x221: {  	s11 =	sadd.s32 s5, s8;
	[tilespmem:$0x15530] =	vst v1  }
0x222: {  	[hbm4b:s11+s3] =	stream.linear.scatter [tilespmem:s16], [sflag:$0x3], $0x800, $0x38;
	[tilespmem:$0x15540] =	vst v63  }
0x223: {  	s21 =	sadd.s32 $0x1, s21;
	_ =	swait.ge [sflag:s13], $0x800  }
0x224: {  	p0 =	sne.s32 s21, $0x8;
	[sflag:s13] =	ssyncset.done $0x0  }
.Ltmp2:
0x225: {  	s8 =	sadd.s32 s6, s8;
	[sflag:s13] =	ssyncadd.s32 $0xFFFFF800;
	(pc) =	sbr.rel @p0 .LBB2_2-.Ltmp2, $4  }
0x226: {  	[hbm4b:s8+s3] =	stream.linear.scatter [tilespmem:s17], [sflag:$0x3], $0x800, $0x38;
	[tilespmem:$0x15540] =	vst v63  }
0x227: {  	_ =	swait.ge [sflag:s13], $0x800  }
0x228: {  	[sflag:s13] =	ssyncset.done $0x0  }
0x229: {  	[sflag:s13] =	ssyncadd.s32 $0xFFFFF800  }
0x22a: {  	s8 =	rddreg [dreg:$0x4];
	s11 =	simm.s32 $0x15500  }
0x22b: {  	[hbm4b:s8+s3] =	stream.linear.scatter [tilespmem:s11], [sflag:$0x3], $0x40, $0x38;
	[tilespmem:$0x15540] =	vst v63  }
0x22c: {  	_ =	swait.ge [sflag:s13], $0x40  }
0x22d: {  	s20 =	sadd.s32 $0x1, s20;
	s22 =	rddreg [dreg:$0x5]  }
0x22e: {  	p0 =	sne.s32 s20, s22  }
.Ltmp3:
0x22f: {  	_ = 	snop;
	(pc) =	sbr.rel @p0 .LBB2_1-.Ltmp3, $3  }
0x230: {  	_ =	sdelay $0x1  }
0x231: {  	[sflag:s13] =	ssyncset.done $0x0  }
0x232: {  	[sflag:s13] =	ssyncadd.s32 $0xFFFFFFC0  }
0x233: {  	_ =	sfence.sel $0x180000  }
0x234: {  	[bflag:$0x0] =	sbarrier.arrive $0xFFFF  }
0x235: {  	_ =	strace $0x90000047  }
0x236: {  	s0 =	stileid.u32;
	[bflag:$0x2] =	sbarrier.arrive $0xFFFF  }
0x237: {  	p0 =	sne.s32 s0, $0x0;
	s0 =	rddreg [dreg:$0x2]  }
0x238: {  	s0 =	sadd.s32 @!p0 $0x100000, s0  }
0x239: {  	[sflag:s0] =	ssyncadd.tile.s32 @!p0 $0x1;
	_ =	shalt  }
.Lfunc_end2:
_tile_overlayer_lowered:
.L_overlay_start_2:
0x23a: {  	(tag) =	ssettag $0x2  }
0x23b: {  	s0 =	rddreg [dreg:$0x0];
	s2 =	stileid.u32  }
0x23c: {  	s1 =	rddreg [dreg:$0x1];
	p0 =	sne.s32 s2, $0x0  }
0x23d: {  	s3 =	rddreg [dreg:$0x2];
	[bflag:$0x3] =	sbarrier.arrive $0xFFFF;
	s2 =	simm.s32 @!p0 $0x1C03  }
0x23e: {  	[timem:s3], [sflag:s2] =	dma.local @!p0 [hbm:s0], s1  }
0x23f: {  	s0 =	simm.s32 @!p0 $0x3  }
0x240: {  	_ =	swait.ge @!p0 [sflag:s0], s1  }
0x241: {  	s1 =	ssub.s32 @!p0 $0x0, s1;
	[sflag:s0] =	ssyncset.done @!p0 $0x0  }
0x242: {  	[sflag:s0] =	ssyncadd.s32 @!p0 s1  }
0x243: {  	[bflag:$0x3] =	sbarrier.arrive $0xFFFF  }
0x244: {  	_ =	shalt  }

</sc_bundles>
